<compile_context>
chip_gen: v7x
topology: tpu7x:2x2x1
jax: 0.10.2.dev20260603
libtpu: 0.0.44.dev20260713+nightly
codegen_flags: <defaults>
</compile_context>

<pallas_src>
import functools

import jax
import jax.numpy as jnp
from jax import lax
from jax.experimental import pallas as pl
from jax.experimental.pallas import tpu as pltpu
from jax.experimental.pallas import tpu_sc as plsc

_B = 1024
_L = 200
_H = 64
_NW = 32
_SEQ_PER_W = _B // _NW
_OFFS = (0, 96)
_LH = _L * _H


def _rsqrt_newton(v):
    i = lax.bitcast_convert_type(v, jnp.int32)
    i = jnp.int32(0x5F3759DF) - lax.shift_right_logical(i, 1)
    y = lax.bitcast_convert_type(i, jnp.float32)
    vh = 0.5 * v
    for _ in range(2):
        y = y * (1.5 - vh * y * y)
    return y


def _sc_body(ids_hbm, tt_hbm, word_hbm, pos_hbm, type_hbm, gamma_hbm,
             beta_hbm, out_hbm, idx0, idx1, tt0, tt1, rows0, rows1, ob0, ob1,
             comb_v, tv_v, g_v, b_v, ssem0, ssem1, gsem0, gsem1, wsem0,
             wsem1):
    wid = lax.axis_index("s") * 2 + lax.axis_index("c")
    seq0 = wid * _SEQ_PER_W

    pltpu.sync_copy(pos_hbm.at[pl.ds(0, _L)], comb_v.at[pl.ds(0, _L)])
    pltpu.sync_copy(pos_hbm.at[pl.ds(0, _L)], comb_v.at[pl.ds(_L, _L)])
    pltpu.sync_copy(type_hbm, tv_v)
    pltpu.sync_copy(gamma_hbm, g_v)
    pltpu.sync_copy(beta_hbm, b_v)

    sl = [pl.ds(16 * j, 16) for j in range(4)]
    t0 = [tv_v[0, sl[j]] for j in range(4)]
    t1 = [tv_v[1, sl[j]] for j in range(4)]
    gam = [g_v[sl[j]] for j in range(4)]
    bet = [b_v[sl[j]] for j in range(4)]

    @pl.loop(0, _L)
    def _build(r):
        for j in range(4):
            comb_v[r, sl[j]] = comb_v[r, sl[j]] + t0[j]
            comb_v[_L + r, sl[j]] = comb_v[_L + r, sl[j]] + t1[j]

    bufs = ((idx0, tt0, rows0, ob0, ssem0, gsem0, wsem0),
            (idx1, tt1, rows1, ob1, ssem1, gsem1, wsem1))

    def idx_copies(c, b):
        idx, _, _, _, ssem, _, _ = bufs[b]
        s = seq0 + c
        return [pltpu.make_async_copy(ids_hbm.at[s, pl.ds(off, 104)],
                                      idx.at[k], ssem)
                for k, off in enumerate(_OFFS)]

    def tt_copy(c, b):
        _, tt, _, _, ssem, _, _ = bufs[b]
        return pltpu.make_async_copy(tt_hbm.at[seq0 + c, pl.ds(0, _L)],
                                     tt.at[pl.ds(0, _L)], ssem)

    def stage_copies(c, b):
        return idx_copies(c, b) + [tt_copy(c, b)]

    def gather_copies(b):
        idx, _, rows, _, _, gsem, _ = bufs[b]
        return [pltpu.make_async_copy(word_hbm.at[idx.at[k]],
                                      rows.at[pl.ds(off, 104)], gsem)
                for k, off in enumerate(_OFFS)]

    def stage(c, b):
        for cp in stage_copies(c, b):
            cp.start()

    def fire(c, b):
        for cp in stage_copies(c, b):
            cp.wait()
        for cp in gather_copies(b):
            cp.start()

    def wb_copy(c, b):
        ob, wsem = bufs[b][3], bufs[b][6]
        return pltpu.make_async_copy(
            ob, out_hbm.at[pl.ds((seq0 + c) * _LH, _LH)], wsem)

    def process(c, b):
        _, tt, rows, ob, _, _, _ = bufs[b]
        for cp in gather_copies(b):
            cp.wait()

        @pl.when(c + 2 < _SEQ_PER_W)
        def _():
            for cp in idx_copies(c + 2, b):
                cp.start()

        @pl.when(c >= 2)
        def _():
            wb_copy(c - 2, b).wait()

        @pl.loop(0, _L // 8)
        def _group(g):
            rbase = g * 8
            ttv = tt[pl.ds(rbase, 16)]
            for p in range(2):
                xs, stats = [], []
                for i in range(4):
                    r = rbase + 4 * p + i
                    cb = ttv[4 * p + i] * _L + r
                    x = [rows[r, sl[j]] + comb_v[cb, sl[j]]
                         for j in range(4)]
                    s = (x[0] + x[1]) + (x[2] + x[3])
                    sq = ((x[0] * x[0] + x[1] * x[1])
                          + (x[2] * x[2] + x[3] * x[3]))
                    xs.append(x)
                    stats.append((jnp.sum(s), jnp.sum(sq)))
                for i in range(4):
                    r = rbase + 4 * p + i
                    tot, tsq = stats[i]
                    x = xs[i]
                    mean = tot * jnp.float32(1.0 / _H)
                    var = tsq * jnp.float32(1.0 / _H) - mean * mean
                    vv = jnp.full((16,), var + jnp.float32(1e-5), jnp.float32)
                    scale = _rsqrt_newton(vv)
                    mv = jnp.full((16,), mean, jnp.float32)
                    for j in range(4):
                        ob[pl.ds(r * _H + 16 * j, 16)] = (
                            (x[j] - mv) * scale * gam[j] + bet[j])

        wb_copy(c, b).start()

        @pl.when(c + 2 < _SEQ_PER_W)
        def _():
            tt_copy(c + 2, b).start()

    stage(0, 0)
    fire(0, 0)
    stage(1, 1)
    fire(1, 1)

    @pl.loop(0, _SEQ_PER_W // 2)
    def _main(i):
        c0 = i * 2
        process(c0, 0)

        @pl.when(c0 + 2 < _SEQ_PER_W)
        def _():
            fire(c0 + 2, 0)

        process(c0 + 1, 1)

        @pl.when(c0 + 3 < _SEQ_PER_W)
        def _():
            fire(c0 + 3, 1)

    wb_copy(_SEQ_PER_W - 2, 0).wait()
    wb_copy(_SEQ_PER_W - 1, 1).wait()


def kernel(input_ids, token_type_ids, word_emb, pos_emb, type_emb, gamma,
           beta):
    ids = input_ids.astype(jnp.int32)
    wordp = jnp.pad(word_emb, ((0, 0), (0, _H)))

    mesh = plsc.VectorSubcoreMesh(core_axis_name="c", subcore_axis_name="s")
    run = functools.partial(
        pl.kernel,
        mesh=mesh,
        compiler_params=pltpu.CompilerParams(
            needs_layout_passes=False, use_tc_tiling_on_sc=False),
        out_type=jax.ShapeDtypeStruct((_B * _L * _H,), jnp.float32),
        scratch_types=[
            pltpu.VMEM((2, 104), jnp.int32),
            pltpu.VMEM((2, 104), jnp.int32),
            pltpu.VMEM((208,), jnp.int32),
            pltpu.VMEM((208,), jnp.int32),
            pltpu.VMEM((_L, 2 * _H), jnp.float32),
            pltpu.VMEM((_L, 2 * _H), jnp.float32),
            pltpu.VMEM((_LH,), jnp.float32),
            pltpu.VMEM((_LH,), jnp.float32),
            pltpu.VMEM((2 * _L, _H), jnp.float32),
            pltpu.VMEM((2, _H), jnp.float32),
            pltpu.VMEM((_H,), jnp.float32),
            pltpu.VMEM((_H,), jnp.float32),
            pltpu.SemaphoreType.DMA,
            pltpu.SemaphoreType.DMA,
            pltpu.SemaphoreType.DMA,
            pltpu.SemaphoreType.DMA,
            pltpu.SemaphoreType.DMA,
            pltpu.SemaphoreType.DMA,
        ],
    )(_sc_body)
    out = run(ids, token_type_ids.astype(jnp.int32), wordp, pos_emb,
              type_emb, gamma, beta)
    return out.reshape(_B, _L, _H)

# --- scband reference (transcript-rebuilt; emitter-appended) ---
"""Pipeline reference for scband-bert-embeddings-1855425872075 (READ-ONLY COPY).

The authoritative reference and input builder live on the scoring server;
editing this copy changes nothing except your own understanding.
"""

import jax, jax.numpy as jnp
import numpy as np

VOCAB = 1000000
MAXPOS = 512
H = 64
B = 1024
L = 200


def setup_inputs(seed: int = 0) -> dict:
    key = jax.random.key(seed)
    ks = jax.random.split(key, 6)
    return {
        "input_ids": jax.random.randint(ks[0], (B, L), 0, VOCAB, dtype=jnp.int64) if jax.config.jax_enable_x64 else jax.random.randint(ks[0], (B, L), 0, VOCAB, dtype=jnp.int32),
        "token_type_ids": jax.random.randint(ks[1], (B, L), 0, 2, dtype=jnp.int32),
        "word_emb": (jax.random.normal(ks[2], (VOCAB, H), dtype=jnp.float32) * 0.02),
        "pos_emb": (jax.random.normal(ks[3], (MAXPOS, H), dtype=jnp.float32) * 0.02),
        "type_emb": (jax.random.normal(ks[4], (2, H), dtype=jnp.float32) * 0.02),
        "gamma": jnp.ones((H,), dtype=jnp.float32),
        "beta": jnp.zeros((H,), dtype=jnp.float32),
    }


def reference(input_ids, token_type_ids, word_emb, pos_emb, type_emb, gamma, beta):
    seq_len = input_ids.shape[1]
    # word embedding lookup (gather)
    inputs_embeds = jnp.take(word_emb, input_ids, axis=0)
    # token type embedding lookup
    token_type_embeddings = jnp.take(type_emb, token_type_ids, axis=0)
    embeddings = inputs_embeds + token_type_embeddings
    # absolute position embeddings: position_ids = arange(seq_len), past_key_values_length=0
    position_embeddings = pos_emb[:seq_len][None, :, :]
    embeddings = embeddings + position_embeddings
    # LayerNorm (eps=1e-5, elementwise affine)
    mean = jnp.mean(embeddings, axis=-1, keepdims=True)
    var = jnp.var(embeddings, axis=-1, keepdims=True)
    normed = (embeddings - mean) / jnp.sqrt(var + 1e-5)
    out = normed * gamma + beta
    # dropout p=0 -> identity
    return out

if __name__ == "__main__":
    import jax
    _d = setup_inputs()
    print(jax.jit(kernel)(*tuple(_d.values())))

</pallas_src>

<mosaic_0001>
#map = affine_map<(d0, d1) -> (0, 0)>
#map1 = affine_map<(d0, d1) -> (0)>
module attributes {stable_mosaic.version = 14 : i64} {
  func.func @_sc_body(%arg0: i32, %arg1: i32, %arg2: memref<1024x200xi32, #tpu.memory_space<hbm>>, %arg3: memref<1024x200xi32, #tpu.memory_space<hbm>>, %arg4: memref<1000000x128xf32, #tpu.memory_space<hbm>>, %arg5: memref<512x64xf32, #tpu.memory_space<hbm>>, %arg6: memref<2x64xf32, #tpu.memory_space<hbm>>, %arg7: memref<64xf32, #tpu.memory_space<hbm>>, %arg8: memref<64xf32, #tpu.memory_space<hbm>>, %arg9: memref<13107200xf32, #tpu.memory_space<hbm>>, %arg10: memref<2x104xi32, #tpu.memory_space<vmem>>, %arg11: memref<2x104xi32, #tpu.memory_space<vmem>>, %arg12: memref<208xi32, #tpu.memory_space<vmem>>, %arg13: memref<208xi32, #tpu.memory_space<vmem>>, %arg14: memref<200x128xf32, #tpu.memory_space<vmem>>, %arg15: memref<200x128xf32, #tpu.memory_space<vmem>>, %arg16: memref<12800xf32, #tpu.memory_space<vmem>>, %arg17: memref<12800xf32, #tpu.memory_space<vmem>>, %arg18: memref<400x64xf32, #tpu.memory_space<vmem>>, %arg19: memref<2x64xf32, #tpu.memory_space<vmem>>, %arg20: memref<64xf32, #tpu.memory_space<vmem>>, %arg21: memref<64xf32, #tpu.memory_space<vmem>>, %arg22: memref<!tpu.dma_semaphore, #tpu.memory_space<semaphore_mem>>, %arg23: memref<!tpu.dma_semaphore, #tpu.memory_space<semaphore_mem>>, %arg24: memref<!tpu.dma_semaphore, #tpu.memory_space<semaphore_mem>>, %arg25: memref<!tpu.dma_semaphore, #tpu.memory_space<semaphore_mem>>, %arg26: memref<!tpu.dma_semaphore, #tpu.memory_space<semaphore_mem>>, %arg27: memref<!tpu.dma_semaphore, #tpu.memory_space<semaphore_mem>>) attributes {dimension_semantics = [#tpu.dimension_semantics<core_parallel>, #tpu.dimension_semantics<subcore_parallel>], iteration_bounds = array<i64: 2, 16>, scalar_prefetch = 0 : i64, scratch_operands = 18 : i64, tpu.core_type = #tpu.core_type<sc_vector_subcore>, window_params = [{transform_indices = #map}, {transform_indices = #map}, {transform_indices = #map}, {transform_indices = #map}, {transform_indices = #map}, {transform_indices = #map1}, {transform_indices = #map1}, {transform_indices = #map1}]} {
    %mul3A = arith.constant 2 : i32
    %mul3A_0 = arith.muli %arg1, %mul3A : i32
    %add3A = arith.addi %mul3A_0, %arg0 : i32
    %mul3A_1 = arith.constant 32 : i32
    %mul3A_2 = arith.muli %add3A, %mul3A_1 : i32
    "tpu.region"() ({
      %run_scoped3A = tpu.sem_alloc : memref<!tpu.dma_semaphore, #tpu.memory_space<semaphore_mem>>
      %dma_start3A_269 = arith.constant 0 : i32
      %dma_start3A_270 = arith.constant 0 : i32
      %dma_start3A_271 = tpu.memref_slice %arg18[%dma_start3A_269, %dma_start3A_270] : memref<400x64xf32, #tpu.memory_space<vmem>> -> memref<200x64xf32, #tpu.memory_space<vmem>>
      %dma_start3A_272 = arith.constant 0 : i32
      %dma_start3A_273 = arith.constant 0 : i32
      %dma_start3A_274 = tpu.memref_slice %arg5[%dma_start3A_272, %dma_start3A_273] : memref<512x64xf32, #tpu.memory_space<hbm>> -> memref<200x64xf32, #tpu.memory_space<hbm>>
      %dma_start3A_275 = arith.constant 0 : i32
      %dma_start3A_276 = arith.constant 0 : i32
      %dma_start3A_277 = tpu.memref_slice %arg18[%dma_start3A_275, %dma_start3A_276] : memref<400x64xf32, #tpu.memory_space<vmem>> -> memref<200x64xf32, #tpu.memory_space<vmem>>
      %dma_start3A_278 = arith.constant 0 : i32
      %dma_start3A_279 = arith.constant 0 : i32
      %dma_start3A_280 = tpu.memref_slice %arg5[%dma_start3A_278, %dma_start3A_279] : memref<512x64xf32, #tpu.memory_space<hbm>> -> memref<200x64xf32, #tpu.memory_space<hbm>>
      tpu.enqueue_dma source(%dma_start3A_280 : memref<200x64xf32, #tpu.memory_space<hbm>>) target(%dma_start3A_277 : memref<200x64xf32, #tpu.memory_space<vmem>>) target_semaphore(%run_scoped3A : memref<!tpu.dma_semaphore, #tpu.memory_space<semaphore_mem>>)
      %dma_wait3A_281 = arith.constant 0 : i32
      %dma_wait3A_282 = arith.constant 0 : i32
      %dma_wait3A_283 = tpu.memref_slice %arg18[%dma_wait3A_281, %dma_wait3A_282] : memref<400x64xf32, #tpu.memory_space<vmem>> -> memref<200x64xf32, #tpu.memory_space<vmem>>
      %dma_wait3A_284 = arith.constant 0 : i32
      %dma_wait3A_285 = arith.constant 0 : i32
      %dma_wait3A_286 = tpu.memref_slice %arg5[%dma_wait3A_284, %dma_wait3A_285] : memref<512x64xf32, #tpu.memory_space<hbm>> -> memref<200x64xf32, #tpu.memory_space<hbm>>
      %dma_wait3A_287 = arith.constant 0 : i32
      %dma_wait3A_288 = arith.constant 0 : i32
      %dma_wait3A_289 = tpu.memref_slice %arg18[%dma_wait3A_287, %dma_wait3A_288] : memref<400x64xf32, #tpu.memory_space<vmem>> -> memref<200x64xf32, #tpu.memory_space<vmem>>
      %dma_wait3A_290 = arith.constant 0 : i32
      %dma_wait3A_291 = arith.constant 0 : i32
      %dma_wait3A_292 = tpu.memref_slice %arg5[%dma_wait3A_290, %dma_wait3A_291] : memref<512x64xf32, #tpu.memory_space<hbm>> -> memref<200x64xf32, #tpu.memory_space<hbm>>
      tpu.wait_dma2 semaphore(%run_scoped3A : memref<!tpu.dma_semaphore, #tpu.memory_space<semaphore_mem>>) src(%dma_wait3A_292 : memref<200x64xf32, #tpu.memory_space<hbm>>) dst(%dma_wait3A_289 : memref<200x64xf32, #tpu.memory_space<vmem>>)
      tpu.yield
    }) : () -> ()
    "tpu.region"() ({
      %run_scoped3A = tpu.sem_alloc : memref<!tpu.dma_semaphore, #tpu.memory_space<semaphore_mem>>
      %dma_start3A_269 = arith.constant 200 : i32
      %dma_start3A_270 = arith.constant 0 : i32
      %dma_start3A_271 = tpu.memref_slice %arg18[%dma_start3A_269, %dma_start3A_270] : memref<400x64xf32, #tpu.memory_space<vmem>> -> memref<200x64xf32, #tpu.memory_space<vmem>>
      %dma_start3A_272 = arith.constant 0 : i32
      %dma_start3A_273 = arith.constant 0 : i32
      %dma_start3A_274 = tpu.memref_slice %arg5[%dma_start3A_272, %dma_start3A_273] : memref<512x64xf32, #tpu.memory_space<hbm>> -> memref<200x64xf32, #tpu.memory_space<hbm>>
      %dma_start3A_275 = arith.constant 200 : i32
      %dma_start3A_276 = arith.constant 0 : i32
      %dma_start3A_277 = tpu.memref_slice %arg18[%dma_start3A_275, %dma_start3A_276] : memref<400x64xf32, #tpu.memory_space<vmem>> -> memref<200x64xf32, #tpu.memory_space<vmem>>
      %dma_start3A_278 = arith.constant 0 : i32
      %dma_start3A_279 = arith.constant 0 : i32
      %dma_start3A_280 = tpu.memref_slice %arg5[%dma_start3A_278, %dma_start3A_279] : memref<512x64xf32, #tpu.memory_space<hbm>> -> memref<200x64xf32, #tpu.memory_space<hbm>>
      tpu.enqueue_dma source(%dma_start3A_280 : memref<200x64xf32, #tpu.memory_space<hbm>>) target(%dma_start3A_277 : memref<200x64xf32, #tpu.memory_space<vmem>>) target_semaphore(%run_scoped3A : memref<!tpu.dma_semaphore, #tpu.memory_space<semaphore_mem>>)
      %dma_wait3A_281 = arith.constant 200 : i32
      %dma_wait3A_282 = arith.constant 0 : i32
      %dma_wait3A_283 = tpu.memref_slice %arg18[%dma_wait3A_281, %dma_wait3A_282] : memref<400x64xf32, #tpu.memory_space<vmem>> -> memref<200x64xf32, #tpu.memory_space<vmem>>
      %dma_wait3A_284 = arith.constant 0 : i32
      %dma_wait3A_285 = arith.constant 0 : i32
      %dma_wait3A_286 = tpu.memref_slice %arg5[%dma_wait3A_284, %dma_wait3A_285] : memref<512x64xf32, #tpu.memory_space<hbm>> -> memref<200x64xf32, #tpu.memory_space<hbm>>
      %dma_wait3A_287 = arith.constant 200 : i32
      %dma_wait3A_288 = arith.constant 0 : i32
      %dma_wait3A_289 = tpu.memref_slice %arg18[%dma_wait3A_287, %dma_wait3A_288] : memref<400x64xf32, #tpu.memory_space<vmem>> -> memref<200x64xf32, #tpu.memory_space<vmem>>
      %dma_wait3A_290 = arith.constant 0 : i32
      %dma_wait3A_291 = arith.constant 0 : i32
      %dma_wait3A_292 = tpu.memref_slice %arg5[%dma_wait3A_290, %dma_wait3A_291] : memref<512x64xf32, #tpu.memory_space<hbm>> -> memref<200x64xf32, #tpu.memory_space<hbm>>
      tpu.wait_dma2 semaphore(%run_scoped3A : memref<!tpu.dma_semaphore, #tpu.memory_space<semaphore_mem>>) src(%dma_wait3A_292 : memref<200x64xf32, #tpu.memory_space<hbm>>) dst(%dma_wait3A_289 : memref<200x64xf32, #tpu.memory_space<vmem>>)
      tpu.yield
    }) : () -> ()
    "tpu.region"() ({
      %run_scoped3A = tpu.sem_alloc : memref<!tpu.dma_semaphore, #tpu.memory_space<semaphore_mem>>
      tpu.enqueue_dma source(%arg6 : memref<2x64xf32, #tpu.memory_space<hbm>>) target(%arg19 : memref<2x64xf32, #tpu.memory_space<vmem>>) target_semaphore(%run_scoped3A : memref<!tpu.dma_semaphore, #tpu.memory_space<semaphore_mem>>)
      tpu.wait_dma2 semaphore(%run_scoped3A : memref<!tpu.dma_semaphore, #tpu.memory_space<semaphore_mem>>) src(%arg6 : memref<2x64xf32, #tpu.memory_space<hbm>>) dst(%arg19 : memref<2x64xf32, #tpu.memory_space<vmem>>)
      tpu.yield
    }) : () -> ()
    "tpu.region"() ({
      %run_scoped3A = tpu.sem_alloc : memref<!tpu.dma_semaphore, #tpu.memory_space<semaphore_mem>>
      tpu.enqueue_dma source(%arg7 : memref<64xf32, #tpu.memory_space<hbm>>) target(%arg20 : memref<64xf32, #tpu.memory_space<vmem>>) target_semaphore(%run_scoped3A : memref<!tpu.dma_semaphore, #tpu.memory_space<semaphore_mem>>)
      tpu.wait_dma2 semaphore(%run_scoped3A : memref<!tpu.dma_semaphore, #tpu.memory_space<semaphore_mem>>) src(%arg7 : memref<64xf32, #tpu.memory_space<hbm>>) dst(%arg20 : memref<64xf32, #tpu.memory_space<vmem>>)
      tpu.yield
    }) : () -> ()
    "tpu.region"() ({
      %run_scoped3A = tpu.sem_alloc : memref<!tpu.dma_semaphore, #tpu.memory_space<semaphore_mem>>
      tpu.enqueue_dma source(%arg8 : memref<64xf32, #tpu.memory_space<hbm>>) target(%arg21 : memref<64xf32, #tpu.memory_space<vmem>>) target_semaphore(%run_scoped3A : memref<!tpu.dma_semaphore, #tpu.memory_space<semaphore_mem>>)
      tpu.wait_dma2 semaphore(%run_scoped3A : memref<!tpu.dma_semaphore, #tpu.memory_space<semaphore_mem>>) src(%arg8 : memref<64xf32, #tpu.memory_space<hbm>>) dst(%arg21 : memref<64xf32, #tpu.memory_space<vmem>>)
      tpu.yield
    }) : () -> ()
    %get3A = arith.constant 0 : i32
    %get3A_3 = arith.index_cast %get3A : i32 to index
    %get3A_4 = arith.constant 0 : index
    %get3A_5 = tpu.vector_load %arg19[%get3A_3, %get3A_4] {strides = array<i32>} : memref<2x64xf32, #tpu.memory_space<vmem>>, vector<16xf32>,
    %get3A_6 = arith.constant 0 : i32
    %get3A_7 = arith.index_cast %get3A_6 : i32 to index
    %get3A_8 = arith.constant 16 : index
    %get3A_9 = tpu.vector_load %arg19[%get3A_7, %get3A_8] {strides = array<i32>} : memref<2x64xf32, #tpu.memory_space<vmem>>, vector<16xf32>,
    %get3A_10 = arith.constant 0 : i32
    %get3A_11 = arith.index_cast %get3A_10 : i32 to index
    %get3A_12 = arith.constant 32 : index
    %get3A_13 = tpu.vector_load %arg19[%get3A_11, %get3A_12] {strides = array<i32>} : memref<2x64xf32, #tpu.memory_space<vmem>>, vector<16xf32>,
    %get3A_14 = arith.constant 0 : i32
    %get3A_15 = arith.index_cast %get3A_14 : i32 to index
    %get3A_16 = arith.constant 48 : index
    %get3A_17 = tpu.vector_load %arg19[%get3A_15, %get3A_16] {strides = array<i32>} : memref<2x64xf32, #tpu.memory_space<vmem>>, vector<16xf32>,
    %get3A_18 = arith.constant 1 : i32
    %get3A_19 = arith.index_cast %get3A_18 : i32 to index
    %get3A_20 = arith.constant 0 : index
    %get3A_21 = tpu.vector_load %arg19[%get3A_19, %get3A_20] {strides = array<i32>} : memref<2x64xf32, #tpu.memory_space<vmem>>, vector<16xf32>,
    %get3A_22 = arith.constant 1 : i32
    %get3A_23 = arith.index_cast %get3A_22 : i32 to index
    %get3A_24 = arith.constant 16 : index
    %get3A_25 = tpu.vector_load %arg19[%get3A_23, %get3A_24] {strides = array<i32>} : memref<2x64xf32, #tpu.memory_space<vmem>>, vector<16xf32>,
    %get3A_26 = arith.constant 1 : i32
    %get3A_27 = arith.index_cast %get3A_26 : i32 to index
    %get3A_28 = arith.constant 32 : index
    %get3A_29 = tpu.vector_load %arg19[%get3A_27, %get3A_28] {strides = array<i32>} : memref<2x64xf32, #tpu.memory_space<vmem>>, vector<16xf32>,
    %get3A_30 = arith.constant 1 : i32
    %get3A_31 = arith.index_cast %get3A_30 : i32 to index
    %get3A_32 = arith.constant 48 : index
    %get3A_33 = tpu.vector_load %arg19[%get3A_31, %get3A_32] {strides = array<i32>} : memref<2x64xf32, #tpu.memory_space<vmem>>, vector<16xf32>,
    %get3A_34 = arith.constant 0 : index
    %get3A_35 = tpu.vector_load %arg20[%get3A_34] {strides = array<i32>} : memref<64xf32, #tpu.memory_space<vmem>>, vector<16xf32>,
    %get3A_36 = arith.constant 16 : index
    %get3A_37 = tpu.vector_load %arg20[%get3A_36] {strides = array<i32>} : memref<64xf32, #tpu.memory_space<vmem>>, vector<16xf32>,
    %get3A_38 = arith.constant 32 : index
    %get3A_39 = tpu.vector_load %arg20[%get3A_38] {strides = array<i32>} : memref<64xf32, #tpu.memory_space<vmem>>, vector<16xf32>,
    %get3A_40 = arith.constant 48 : index
    %get3A_41 = tpu.vector_load %arg20[%get3A_40] {strides = array<i32>} : memref<64xf32, #tpu.memory_space<vmem>>, vector<16xf32>,
    %get3A_42 = arith.constant 0 : index
    %get3A_43 = tpu.vector_load %arg21[%get3A_42] {strides = array<i32>} : memref<64xf32, #tpu.memory_space<vmem>>, vector<16xf32>,
    %get3A_44 = arith.constant 16 : index
    %get3A_45 = tpu.vector_load %arg21[%get3A_44] {strides = array<i32>} : memref<64xf32, #tpu.memory_space<vmem>>, vector<16xf32>,
    %get3A_46 = arith.constant 32 : index
    %get3A_47 = tpu.vector_load %arg21[%get3A_46] {strides = array<i32>} : memref<64xf32, #tpu.memory_space<vmem>>, vector<16xf32>,
    %get3A_48 = arith.constant 48 : index
    %get3A_49 = tpu.vector_load %arg21[%get3A_48] {strides = array<i32>} : memref<64xf32, #tpu.memory_space<vmem>>, vector<16xf32>,
    %scan3A = arith.constant 0 : i32
    %scan3A_50 = arith.constant 200 : i32
    %scan3A_51 = arith.addi %scan3A, %scan3A_50 : i32
    %scan3A_52 = arith.constant 1 : i32
    scf.for %scan3A_269 = %scan3A to %scan3A_51 step %scan3A_52  : i32 {
      %mul3A_270 = arith.constant 1 : i32
      %mul3A_271 = arith.muli %scan3A_269, %mul3A_270 : i32
      %add3A_272 = arith.constant 0 : i32
      %add3A_273 = arith.addi %add3A_272, %mul3A_271 : i32
      %get3A_274 = arith.index_cast %add3A_273 : i32 to index
      %get3A_275 = arith.constant 0 : index
      %get3A_276 = tpu.vector_load %arg18[%get3A_274, %get3A_275] {strides = array<i32>} : memref<400x64xf32, #tpu.memory_space<vmem>>, vector<16xf32>,
      %add3A_277 = arith.addf %get3A_276, %get3A_5 : vector<16xf32>
      %swap3A = arith.index_cast %add3A_273 : i32 to index
      %swap3A_278 = arith.constant 0 : index
      %swap3A_279 = tpu.vector_load %arg18[%swap3A, %swap3A_278] {strides = array<i32>} : memref<400x64xf32, #tpu.memory_space<vmem>>, vector<16xf32>,
      tpu.vector_store %arg18[%swap3A, %swap3A_278], %add3A_277 {strides = array<i32>} : memref<400x64xf32, #tpu.memory_space<vmem>>, vector<16xf32>,
      %add3A_280 = arith.constant 200 : i32
      %add3A_281 = arith.addi %add3A_280, %add3A_273 : i32
      %get3A_282 = arith.index_cast %add3A_281 : i32 to index
      %get3A_283 = arith.constant 0 : index
      %get3A_284 = tpu.vector_load %arg18[%get3A_282, %get3A_283] {strides = array<i32>} : memref<400x64xf32, #tpu.memory_space<vmem>>, vector<16xf32>,
      %add3A_285 = arith.addf %get3A_284, %get3A_21 : vector<16xf32>
      %add3A_286 = arith.constant 200 : i32
      %add3A_287 = arith.addi %add3A_286, %add3A_273 : i32
      %swap3A_288 = arith.index_cast %add3A_287 : i32 to index
      %swap3A_289 = arith.constant 0 : index
      %swap3A_290 = tpu.vector_load %arg18[%swap3A_288, %swap3A_289] {strides = array<i32>} : memref<400x64xf32, #tpu.memory_space<vmem>>, vector<16xf32>,
      tpu.vector_store %arg18[%swap3A_288, %swap3A_289], %add3A_285 {strides = array<i32>} : memref<400x64xf32, #tpu.memory_space<vmem>>, vector<16xf32>,
      %get3A_291 = arith.index_cast %add3A_273 : i32 to index
      %get3A_292 = arith.constant 16 : index
      %get3A_293 = tpu.vector_load %arg18[%get3A_291, %get3A_292] {strides = array<i32>} : memref<400x64xf32, #tpu.memory_space<vmem>>, vector<16xf32>,
      %add3A_294 = arith.addf %get3A_293, %get3A_9 : vector<16xf32>
      %swap3A_295 = arith.index_cast %add3A_273 : i32 to index
      %swap3A_296 = arith.constant 16 : index
      %swap3A_297 = tpu.vector_load %arg18[%swap3A_295, %swap3A_296] {strides = array<i32>} : memref<400x64xf32, #tpu.memory_space<vmem>>, vector<16xf32>,
      tpu.vector_store %arg18[%swap3A_295, %swap3A_296], %add3A_294 {strides = array<i32>} : memref<400x64xf32, #tpu.memory_space<vmem>>, vector<16xf32>,
      %add3A_298 = arith.constant 200 : i32
      %add3A_299 = arith.addi %add3A_298, %add3A_273 : i32
      %get3A_300 = arith.index_cast %add3A_299 : i32 to index
      %get3A_301 = arith.constant 16 : index
      %get3A_302 = tpu.vector_load %arg18[%get3A_300, %get3A_301] {strides = array<i32>} : memref<400x64xf32, #tpu.memory_space<vmem>>, vector<16xf32>,
      %add3A_303 = arith.addf %get3A_302, %get3A_25 : vector<16xf32>
      %add3A_304 = arith.constant 200 : i32
      %add3A_305 = arith.addi %add3A_304, %add3A_273 : i32
      %swap3A_306 = arith.index_cast %add3A_305 : i32 to index
      %swap3A_307 = arith.constant 16 : index
      %swap3A_308 = tpu.vector_load %arg18[%swap3A_306, %swap3A_307] {strides = array<i32>} : memref<400x64xf32, #tpu.memory_space<vmem>>, vector<16xf32>,
      tpu.vector_store %arg18[%swap3A_306, %swap3A_307], %add3A_303 {strides = array<i32>} : memref<400x64xf32, #tpu.memory_space<vmem>>, vector<16xf32>,
      %get3A_309 = arith.index_cast %add3A_273 : i32 to index
      %get3A_310 = arith.constant 32 : index
      %get3A_311 = tpu.vector_load %arg18[%get3A_309, %get3A_310] {strides = array<i32>} : memref<400x64xf32, #tpu.memory_space<vmem>>, vector<16xf32>,
      %add3A_312 = arith.addf %get3A_311, %get3A_13 : vector<16xf32>
      %swap3A_313 = arith.index_cast %add3A_273 : i32 to index
      %swap3A_314 = arith.constant 32 : index
      %swap3A_315 = tpu.vector_load %arg18[%swap3A_313, %swap3A_314] {strides = array<i32>} : memref<400x64xf32, #tpu.memory_space<vmem>>, vector<16xf32>,
      tpu.vector_store %arg18[%swap3A_313, %swap3A_314], %add3A_312 {strides = array<i32>} : memref<400x64xf32, #tpu.memory_space<vmem>>, vector<16xf32>,
      %add3A_316 = arith.constant 200 : i32
      %add3A_317 = arith.addi %add3A_316, %add3A_273 : i32
      %get3A_318 = arith.index_cast %add3A_317 : i32 to index
      %get3A_319 = arith.constant 32 : index
      %get3A_320 = tpu.vector_load %arg18[%get3A_318, %get3A_319] {strides = array<i32>} : memref<400x64xf32, #tpu.memory_space<vmem>>, vector<16xf32>,
      %add3A_321 = arith.addf %get3A_320, %get3A_29 : vector<16xf32>
      %add3A_322 = arith.constant 200 : i32
      %add3A_323 = arith.addi %add3A_322, %add3A_273 : i32
      %swap3A_324 = arith.index_cast %add3A_323 : i32 to index
      %swap3A_325 = arith.constant 32 : index
      %swap3A_326 = tpu.vector_load %arg18[%swap3A_324, %swap3A_325] {strides = array<i32>} : memref<400x64xf32, #tpu.memory_space<vmem>>, vector<16xf32>,
      tpu.vector_store %arg18[%swap3A_324, %swap3A_325], %add3A_321 {strides = array<i32>} : memref<400x64xf32, #tpu.memory_space<vmem>>, vector<16xf32>,
      %get3A_327 = arith.index_cast %add3A_273 : i32 to index
      %get3A_328 = arith.constant 48 : index
      %get3A_329 = tpu.vector_load %arg18[%get3A_327, %get3A_328] {strides = array<i32>} : memref<400x64xf32, #tpu.memory_space<vmem>>, vector<16xf32>,
      %add3A_330 = arith.addf %get3A_329, %get3A_17 : vector<16xf32>
      %swap3A_331 = arith.index_cast %add3A_273 : i32 to index
      %swap3A_332 = arith.constant 48 : index
      %swap3A_333 = tpu.vector_load %arg18[%swap3A_331, %swap3A_332] {strides = array<i32>} : memref<400x64xf32, #tpu.memory_space<vmem>>, vector<16xf32>,
      tpu.vector_store %arg18[%swap3A_331, %swap3A_332], %add3A_330 {strides = array<i32>} : memref<400x64xf32, #tpu.memory_space<vmem>>, vector<16xf32>,
      %add3A_334 = arith.constant 200 : i32
      %add3A_335 = arith.addi %add3A_334, %add3A_273 : i32
      %get3A_336 = arith.index_cast %add3A_335 : i32 to index
      %get3A_337 = arith.constant 48 : index
      %get3A_338 = tpu.vector_load %arg18[%get3A_336, %get3A_337] {strides = array<i32>} : memref<400x64xf32, #tpu.memory_space<vmem>>, vector<16xf32>,
      %add3A_339 = arith.addf %get3A_338, %get3A_33 : vector<16xf32>
      %add3A_340 = arith.constant 200 : i32
      %add3A_341 = arith.addi %add3A_340, %add3A_273 : i32
      %swap3A_342 = arith.index_cast %add3A_341 : i32 to index
      %swap3A_343 = arith.constant 48 : index
      %swap3A_344 = tpu.vector_load %arg18[%swap3A_342, %swap3A_343] {strides = array<i32>} : memref<400x64xf32, #tpu.memory_space<vmem>>, vector<16xf32>,
      tpu.vector_store %arg18[%swap3A_342, %swap3A_343], %add3A_339 {strides = array<i32>} : memref<400x64xf32, #tpu.memory_space<vmem>>, vector<16xf32>,
    }
    %scan3A_53 = arith.constant 200 : i32
    %add3A_54 = arith.constant 0 : i32
    %add3A_55 = arith.addi %mul3A_2, %add3A_54 : i32
    %add3A_56 = arith.constant 0 : i32
    %add3A_57 = arith.addi %mul3A_2, %add3A_56 : i32
    %dma_start3A = arith.constant 0 : i32
    %dma_start3A_58 = arith.constant 0 : i32
    %dma_start3A_59 = tpu.memref_slice %arg10[%dma_start3A, %dma_start3A_58] : memref<2x104xi32, #tpu.memory_space<vmem>> -> memref<1x104xi32, #tpu.memory_space<vmem>>
    %dma_start3A_60 = tpu.memref_squeeze %dma_start3A_59 : memref<1x104xi32, #tpu.memory_space<vmem>> -> memref<104xi32, #tpu.memory_space<vmem>>
    %dma_start3A_61 = arith.constant 0 : i32
    %dma_start3A_62 = tpu.memref_slice %arg2[%add3A_55, %dma_start3A_61] : memref<1024x200xi32, #tpu.memory_space<hbm>> -> memref<1x104xi32, #tpu.memory_space<hbm>>
    %dma_start3A_63 = tpu.memref_squeeze %dma_start3A_62 : memref<1x104xi32, #tpu.memory_space<hbm>> -> memref<104xi32, #tpu.memory_space<hbm>>
    %dma_start3A_64 = arith.constant 0 : i32
    %dma_start3A_65 = tpu.memref_slice %arg10[%dma_start3A, %dma_start3A_64] : memref<2x104xi32, #tpu.memory_space<vmem>> -> memref<1x104xi32, #tpu.memory_space<vmem>>
    %dma_start3A_66 = tpu.memref_squeeze %dma_start3A_65 : memref<1x104xi32, #tpu.memory_space<vmem>> -> memref<104xi32, #tpu.memory_space<vmem>>
    %dma_start3A_67 = arith.constant 0 : i32
    %dma_start3A_68 = tpu.memref_slice %arg2[%add3A_55, %dma_start3A_67] : memref<1024x200xi32, #tpu.memory_space<hbm>> -> memref<1x104xi32, #tpu.memory_space<hbm>>
    %dma_start3A_69 = tpu.memref_squeeze %dma_start3A_68 : memref<1x104xi32, #tpu.memory_space<hbm>> -> memref<104xi32, #tpu.memory_space<hbm>>
    tpu.enqueue_dma source(%dma_start3A_69 : memref<104xi32, #tpu.memory_space<hbm>>) target(%dma_start3A_66 : memref<104xi32, #tpu.memory_space<vmem>>) target_semaphore(%arg22 : memref<!tpu.dma_semaphore, #tpu.memory_space<semaphore_mem>>)
    %dma_start3A_70 = arith.constant 1 : i32
    %dma_start3A_71 = arith.constant 0 : i32
    %dma_start3A_72 = tpu.memref_slice %arg10[%dma_start3A_70, %dma_start3A_71] : memref<2x104xi32, #tpu.memory_space<vmem>> -> memref<1x104xi32, #tpu.memory_space<vmem>>
    %dma_start3A_73 = tpu.memref_squeeze %dma_start3A_72 : memref<1x104xi32, #tpu.memory_space<vmem>> -> memref<104xi32, #tpu.memory_space<vmem>>
    %dma_start3A_74 = arith.constant 96 : i32
    %dma_start3A_75 = tpu.memref_slice %arg2[%add3A_55, %dma_start3A_74] : memref<1024x200xi32, #tpu.memory_space<hbm>> -> memref<1x104xi32, #tpu.memory_space<hbm>>
    %dma_start3A_76 = tpu.memref_squeeze %dma_start3A_75 : memref<1x104xi32, #tpu.memory_space<hbm>> -> memref<104xi32, #tpu.memory_space<hbm>>
    %dma_start3A_77 = arith.constant 0 : i32
    %dma_start3A_78 = tpu.memref_slice %arg10[%dma_start3A_70, %dma_start3A_77] : memref<2x104xi32, #tpu.memory_space<vmem>> -> memref<1x104xi32, #tpu.memory_space<vmem>>
    %dma_start3A_79 = tpu.memref_squeeze %dma_start3A_78 : memref<1x104xi32, #tpu.memory_space<vmem>> -> memref<104xi32, #tpu.memory_space<vmem>>
    %dma_start3A_80 = arith.constant 96 : i32
    %dma_start3A_81 = tpu.memref_slice %arg2[%add3A_55, %dma_start3A_80] : memref<1024x200xi32, #tpu.memory_space<hbm>> -> memref<1x104xi32, #tpu.memory_space<hbm>>
    %dma_start3A_82 = tpu.memref_squeeze %dma_start3A_81 : memref<1x104xi32, #tpu.memory_space<hbm>> -> memref<104xi32, #tpu.memory_space<hbm>>
    tpu.enqueue_dma source(%dma_start3A_82 : memref<104xi32, #tpu.memory_space<hbm>>) target(%dma_start3A_79 : memref<104xi32, #tpu.memory_space<vmem>>) target_semaphore(%arg22 : memref<!tpu.dma_semaphore, #tpu.memory_space<semaphore_mem>>)
    %dma_start3A_83 = arith.constant 0 : i32
    %dma_start3A_84 = tpu.memref_slice %arg12[%dma_start3A_83] : memref<208xi32, #tpu.memory_space<vmem>> -> memref<200xi32, #tpu.memory_space<vmem>>
    %dma_start3A_85 = arith.constant 0 : i32
    %dma_start3A_86 = tpu.memref_slice %arg3[%add3A_57, %dma_start3A_85] : memref<1024x200xi32, #tpu.memory_space<hbm>> -> memref<1x200xi32, #tpu.memory_space<hbm>>
    %dma_start3A_87 = tpu.memref_squeeze %dma_start3A_86 : memref<1x200xi32, #tpu.memory_space<hbm>> -> memref<200xi32, #tpu.memory_space<hbm>>
    %dma_start3A_88 = arith.constant 0 : i32
    %dma_start3A_89 = tpu.memref_slice %arg12[%dma_start3A_88] : memref<208xi32, #tpu.memory_space<vmem>> -> memref<200xi32, #tpu.memory_space<vmem>>
    %dma_start3A_90 = arith.constant 0 : i32
    %dma_start3A_91 = tpu.memref_slice %arg3[%add3A_57, %dma_start3A_90] : memref<1024x200xi32, #tpu.memory_space<hbm>> -> memref<1x200xi32, #tpu.memory_space<hbm>>
    %dma_start3A_92 = tpu.memref_squeeze %dma_start3A_91 : memref<1x200xi32, #tpu.memory_space<hbm>> -> memref<200xi32, #tpu.memory_space<hbm>>
    tpu.enqueue_dma source(%dma_start3A_92 : memref<200xi32, #tpu.memory_space<hbm>>) target(%dma_start3A_89 : memref<200xi32, #tpu.memory_space<vmem>>) target_semaphore(%arg22 : memref<!tpu.dma_semaphore, #tpu.memory_space<semaphore_mem>>)
    %add3A_93 = arith.constant 0 : i32
    %add3A_94 = arith.addi %mul3A_2, %add3A_93 : i32
    %add3A_95 = arith.constant 0 : i32
    %add3A_96 = arith.addi %mul3A_2, %add3A_95 : i32
    %dma_wait3A = arith.constant 0 : i32
    %dma_wait3A_97 = arith.constant 0 : i32
    %dma_wait3A_98 = tpu.memref_slice %arg10[%dma_wait3A, %dma_wait3A_97] : memref<2x104xi32, #tpu.memory_space<vmem>> -> memref<1x104xi32, #tpu.memory_space<vmem>>
    %dma_wait3A_99 = tpu.memref_squeeze %dma_wait3A_98 : memref<1x104xi32, #tpu.memory_space<vmem>> -> memref<104xi32, #tpu.memory_space<vmem>>
    %dma_wait3A_100 = arith.constant 0 : i32
    %dma_wait3A_101 = tpu.memref_slice %arg2[%add3A_94, %dma_wait3A_100] : memref<1024x200xi32, #tpu.memory_space<hbm>> -> memref<1x104xi32, #tpu.memory_space<hbm>>
    %dma_wait3A_102 = tpu.memref_squeeze %dma_wait3A_101 : memref<1x104xi32, #tpu.memory_space<hbm>> -> memref<104xi32, #tpu.memory_space<hbm>>
    %dma_wait3A_103 = arith.constant 0 : i32
    %dma_wait3A_104 = tpu.memref_slice %arg10[%dma_wait3A, %dma_wait3A_103] : memref<2x104xi32, #tpu.memory_space<vmem>> -> memref<1x104xi32, #tpu.memory_space<vmem>>
    %dma_wait3A_105 = tpu.memref_squeeze %dma_wait3A_104 : memref<1x104xi32, #tpu.memory_space<vmem>> -> memref<104xi32, #tpu.memory_space<vmem>>
    %dma_wait3A_106 = arith.constant 0 : i32
    %dma_wait3A_107 = tpu.memref_slice %arg2[%add3A_94, %dma_wait3A_106] : memref<1024x200xi32, #tpu.memory_space<hbm>> -> memref<1x104xi32, #tpu.memory_space<hbm>>
    %dma_wait3A_108 = tpu.memref_squeeze %dma_wait3A_107 : memref<1x104xi32, #tpu.memory_space<hbm>> -> memref<104xi32, #tpu.memory_space<hbm>>
    tpu.wait_dma2 semaphore(%arg22 : memref<!tpu.dma_semaphore, #tpu.memory_space<semaphore_mem>>) src(%dma_wait3A_108 : memref<104xi32, #tpu.memory_space<hbm>>) dst(%dma_wait3A_105 : memref<104xi32, #tpu.memory_space<vmem>>)
    %dma_wait3A_109 = arith.constant 1 : i32
    %dma_wait3A_110 = arith.constant 0 : i32
    %dma_wait3A_111 = tpu.memref_slice %arg10[%dma_wait3A_109, %dma_wait3A_110] : memref<2x104xi32, #tpu.memory_space<vmem>> -> memref<1x104xi32, #tpu.memory_space<vmem>>
    %dma_wait3A_112 = tpu.memref_squeeze %dma_wait3A_111 : memref<1x104xi32, #tpu.memory_space<vmem>> -> memref<104xi32, #tpu.memory_space<vmem>>
    %dma_wait3A_113 = arith.constant 96 : i32
    %dma_wait3A_114 = tpu.memref_slice %arg2[%add3A_94, %dma_wait3A_113] : memref<1024x200xi32, #tpu.memory_space<hbm>> -> memref<1x104xi32, #tpu.memory_space<hbm>>
    %dma_wait3A_115 = tpu.memref_squeeze %dma_wait3A_114 : memref<1x104xi32, #tpu.memory_space<hbm>> -> memref<104xi32, #tpu.memory_space<hbm>>
    %dma_wait3A_116 = arith.constant 0 : i32
    %dma_wait3A_117 = tpu.memref_slice %arg10[%dma_wait3A_109, %dma_wait3A_116] : memref<2x104xi32, #tpu.memory_space<vmem>> -> memref<1x104xi32, #tpu.memory_space<vmem>>
    %dma_wait3A_118 = tpu.memref_squeeze %dma_wait3A_117 : memref<1x104xi32, #tpu.memory_space<vmem>> -> memref<104xi32, #tpu.memory_space<vmem>>
    %dma_wait3A_119 = arith.constant 96 : i32
    %dma_wait3A_120 = tpu.memref_slice %arg2[%add3A_94, %dma_wait3A_119] : memref<1024x200xi32, #tpu.memory_space<hbm>> -> memref<1x104xi32, #tpu.memory_space<hbm>>
    %dma_wait3A_121 = tpu.memref_squeeze %dma_wait3A_120 : memref<1x104xi32, #tpu.memory_space<hbm>> -> memref<104xi32, #tpu.memory_space<hbm>>
    tpu.wait_dma2 semaphore(%arg22 : memref<!tpu.dma_semaphore, #tpu.memory_space<semaphore_mem>>) src(%dma_wait3A_121 : memref<104xi32, #tpu.memory_space<hbm>>) dst(%dma_wait3A_118 : memref<104xi32, #tpu.memory_space<vmem>>)
    %dma_wait3A_122 = arith.constant 0 : i32
    %dma_wait3A_123 = tpu.memref_slice %arg12[%dma_wait3A_122] : memref<208xi32, #tpu.memory_space<vmem>> -> memref<200xi32, #tpu.memory_space<vmem>>
    %dma_wait3A_124 = arith.constant 0 : i32
    %dma_wait3A_125 = tpu.memref_slice %arg3[%add3A_96, %dma_wait3A_124] : memref<1024x200xi32, #tpu.memory_space<hbm>> -> memref<1x200xi32, #tpu.memory_space<hbm>>
    %dma_wait3A_126 = tpu.memref_squeeze %dma_wait3A_125 : memref<1x200xi32, #tpu.memory_space<hbm>> -> memref<200xi32, #tpu.memory_space<hbm>>
    %dma_wait3A_127 = arith.constant 0 : i32
    %dma_wait3A_128 = tpu.memref_slice %arg12[%dma_wait3A_127] : memref<208xi32, #tpu.memory_space<vmem>> -> memref<200xi32, #tpu.memory_space<vmem>>
    %dma_wait3A_129 = arith.constant 0 : i32
    %dma_wait3A_130 = tpu.memref_slice %arg3[%add3A_96, %dma_wait3A_129] : memref<1024x200xi32, #tpu.memory_space<hbm>> -> memref<1x200xi32, #tpu.memory_space<hbm>>
    %dma_wait3A_131 = tpu.memref_squeeze %dma_wait3A_130 : memref<1x200xi32, #tpu.memory_space<hbm>> -> memref<200xi32, #tpu.memory_space<hbm>>
    tpu.wait_dma2 semaphore(%arg22 : memref<!tpu.dma_semaphore, #tpu.memory_space<semaphore_mem>>) src(%dma_wait3A_131 : memref<200xi32, #tpu.memory_space<hbm>>) dst(%dma_wait3A_128 : memref<200xi32, #tpu.memory_space<vmem>>)
    %dma_start3A_132 = arith.constant 0 : i32
    %dma_start3A_133 = arith.constant 0 : i32
    %dma_start3A_134 = arith.constant 0 : i32
    %dma_start3A_135 = tpu.memref_slice %arg14[%dma_start3A_133, %dma_start3A_134] : memref<200x128xf32, #tpu.memory_space<vmem>> -> memref<104x128xf32, #tpu.memory_space<vmem>>
    %dma_start3A_136 = arith.constant 0 : i32
    %dma_start3A_137 = tpu.memref_slice %arg10[%dma_start3A_132, %dma_start3A_136] : memref<2x104xi32, #tpu.memory_space<vmem>> -> memref<1x104xi32, #tpu.memory_space<vmem>>
    %dma_start3A_138 = tpu.memref_squeeze %dma_start3A_137 : memref<1x104xi32, #tpu.memory_space<vmem>> -> memref<104xi32, #tpu.memory_space<vmem>>
    %dma_start3A_139 = arith.constant 0 : i32
    %dma_start3A_140 = arith.constant 0 : i32
    %dma_start3A_141 = tpu.memref_slice %arg4[%dma_start3A_139, %dma_start3A_140] : memref<1000000x128xf32, #tpu.memory_space<hbm>> -> memref<1000000x128xf32, #tpu.memory_space<hbm>>
    tpu.enqueue_indirect_dma source(%dma_start3A_141 : memref<1000000x128xf32, #tpu.memory_space<hbm>>) target(%dma_start3A_135 : memref<104x128xf32, #tpu.memory_space<vmem>>) offsets(%dma_start3A_138 : memref<104xi32, #tpu.memory_space<vmem>>) semaphore(%arg24 : memref<!tpu.dma_semaphore, #tpu.memory_space<semaphore_mem>>)
    %dma_start3A_142 = arith.constant 1 : i32
    %dma_start3A_143 = arith.constant 96 : i32
    %dma_start3A_144 = arith.constant 0 : i32
    %dma_start3A_145 = tpu.memref_slice %arg14[%dma_start3A_143, %dma_start3A_144] : memref<200x128xf32, #tpu.memory_space<vmem>> -> memref<104x128xf32, #tpu.memory_space<vmem>>
    %dma_start3A_146 = arith.constant 0 : i32
    %dma_start3A_147 = tpu.memref_slice %arg10[%dma_start3A_142, %dma_start3A_146] : memref<2x104xi32, #tpu.memory_space<vmem>> -> memref<1x104xi32, #tpu.memory_space<vmem>>
    %dma_start3A_148 = tpu.memref_squeeze %dma_start3A_147 : memref<1x104xi32, #tpu.memory_space<vmem>> -> memref<104xi32, #tpu.memory_space<vmem>>
    %dma_start3A_149 = arith.constant 0 : i32
    %dma_start3A_150 = arith.constant 0 : i32
    %dma_start3A_151 = tpu.memref_slice %arg4[%dma_start3A_149, %dma_start3A_150] : memref<1000000x128xf32, #tpu.memory_space<hbm>> -> memref<1000000x128xf32, #tpu.memory_space<hbm>>
    tpu.enqueue_indirect_dma source(%dma_start3A_151 : memref<1000000x128xf32, #tpu.memory_space<hbm>>) target(%dma_start3A_145 : memref<104x128xf32, #tpu.memory_space<vmem>>) offsets(%dma_start3A_148 : memref<104xi32, #tpu.memory_space<vmem>>) semaphore(%arg24 : memref<!tpu.dma_semaphore, #tpu.memory_space<semaphore_mem>>)
    %add3A_152 = arith.constant 1 : i32
    %add3A_153 = arith.addi %mul3A_2, %add3A_152 : i32
    %add3A_154 = arith.constant 1 : i32
    %add3A_155 = arith.addi %mul3A_2, %add3A_154 : i32
    %dma_start3A_156 = arith.constant 0 : i32
    %dma_start3A_157 = arith.constant 0 : i32
    %dma_start3A_158 = tpu.memref_slice %arg11[%dma_start3A_156, %dma_start3A_157] : memref<2x104xi32, #tpu.memory_space<vmem>> -> memref<1x104xi32, #tpu.memory_space<vmem>>
    %dma_start3A_159 = tpu.memref_squeeze %dma_start3A_158 : memref<1x104xi32, #tpu.memory_space<vmem>> -> memref<104xi32, #tpu.memory_space<vmem>>
    %dma_start3A_160 = arith.constant 0 : i32
    %dma_start3A_161 = tpu.memref_slice %arg2[%add3A_153, %dma_start3A_160] : memref<1024x200xi32, #tpu.memory_space<hbm>> -> memref<1x104xi32, #tpu.memory_space<hbm>>
    %dma_start3A_162 = tpu.memref_squeeze %dma_start3A_161 : memref<1x104xi32, #tpu.memory_space<hbm>> -> memref<104xi32, #tpu.memory_space<hbm>>
    %dma_start3A_163 = arith.constant 0 : i32
    %dma_start3A_164 = tpu.memref_slice %arg11[%dma_start3A_156, %dma_start3A_163] : memref<2x104xi32, #tpu.memory_space<vmem>> -> memref<1x104xi32, #tpu.memory_space<vmem>>
    %dma_start3A_165 = tpu.memref_squeeze %dma_start3A_164 : memref<1x104xi32, #tpu.memory_space<vmem>> -> memref<104xi32, #tpu.memory_space<vmem>>
    %dma_start3A_166 = arith.constant 0 : i32
    %dma_start3A_167 = tpu.memref_slice %arg2[%add3A_153, %dma_start3A_166] : memref<1024x200xi32, #tpu.memory_space<hbm>> -> memref<1x104xi32, #tpu.memory_space<hbm>>
    %dma_start3A_168 = tpu.memref_squeeze %dma_start3A_167 : memref<1x104xi32, #tpu.memory_space<hbm>> -> memref<104xi32, #tpu.memory_space<hbm>>
    tpu.enqueue_dma source(%dma_start3A_168 : memref<104xi32, #tpu.memory_space<hbm>>) target(%dma_start3A_165 : memref<104xi32, #tpu.memory_space<vmem>>) target_semaphore(%arg23 : memref<!tpu.dma_semaphore, #tpu.memory_space<semaphore_mem>>)
    %dma_start3A_169 = arith.constant 1 : i32
    %dma_start3A_170 = arith.constant 0 : i32
    %dma_start3A_171 = tpu.memref_slice %arg11[%dma_start3A_169, %dma_start3A_170] : memref<2x104xi32, #tpu.memory_space<vmem>> -> memref<1x104xi32, #tpu.memory_space<vmem>>
    %dma_start3A_172 = tpu.memref_squeeze %dma_start3A_171 : memref<1x104xi32, #tpu.memory_space<vmem>> -> memref<104xi32, #tpu.memory_space<vmem>>
    %dma_start3A_173 = arith.constant 96 : i32
    %dma_start3A_174 = tpu.memref_slice %arg2[%add3A_153, %dma_start3A_173] : memref<1024x200xi32, #tpu.memory_space<hbm>> -> memref<1x104xi32, #tpu.memory_space<hbm>>
    %dma_start3A_175 = tpu.memref_squeeze %dma_start3A_174 : memref<1x104xi32, #tpu.memory_space<hbm>> -> memref<104xi32, #tpu.memory_space<hbm>>
    %dma_start3A_176 = arith.constant 0 : i32
    %dma_start3A_177 = tpu.memref_slice %arg11[%dma_start3A_169, %dma_start3A_176] : memref<2x104xi32, #tpu.memory_space<vmem>> -> memref<1x104xi32, #tpu.memory_space<vmem>>
    %dma_start3A_178 = tpu.memref_squeeze %dma_start3A_177 : memref<1x104xi32, #tpu.memory_space<vmem>> -> memref<104xi32, #tpu.memory_space<vmem>>
    %dma_start3A_179 = arith.constant 96 : i32
    %dma_start3A_180 = tpu.memref_slice %arg2[%add3A_153, %dma_start3A_179] : memref<1024x200xi32, #tpu.memory_space<hbm>> -> memref<1x104xi32, #tpu.memory_space<hbm>>
    %dma_start3A_181 = tpu.memref_squeeze %dma_start3A_180 : memref<1x104xi32, #tpu.memory_space<hbm>> -> memref<104xi32, #tpu.memory_space<hbm>>
    tpu.enqueue_dma source(%dma_start3A_181 : memref<104xi32, #tpu.memory_space<hbm>>) target(%dma_start3A_178 : memref<104xi32, #tpu.memory_space<vmem>>) target_semaphore(%arg23 : memref<!tpu.dma_semaphore, #tpu.memory_space<semaphore_mem>>)
    %dma_start3A_182 = arith.constant 0 : i32
    %dma_start3A_183 = tpu.memref_slice %arg13[%dma_start3A_182] : memref<208xi32, #tpu.memory_space<vmem>> -> memref<200xi32, #tpu.memory_space<vmem>>
    %dma_start3A_184 = arith.constant 0 : i32
    %dma_start3A_185 = tpu.memref_slice %arg3[%add3A_155, %dma_start3A_184] : memref<1024x200xi32, #tpu.memory_space<hbm>> -> memref<1x200xi32, #tpu.memory_space<hbm>>
    %dma_start3A_186 = tpu.memref_squeeze %dma_start3A_185 : memref<1x200xi32, #tpu.memory_space<hbm>> -> memref<200xi32, #tpu.memory_space<hbm>>
    %dma_start3A_187 = arith.constant 0 : i32
    %dma_start3A_188 = tpu.memref_slice %arg13[%dma_start3A_187] : memref<208xi32, #tpu.memory_space<vmem>> -> memref<200xi32, #tpu.memory_space<vmem>>
    %dma_start3A_189 = arith.constant 0 : i32
    %dma_start3A_190 = tpu.memref_slice %arg3[%add3A_155, %dma_start3A_189] : memref<1024x200xi32, #tpu.memory_space<hbm>> -> memref<1x200xi32, #tpu.memory_space<hbm>>
    %dma_start3A_191 = tpu.memref_squeeze %dma_start3A_190 : memref<1x200xi32, #tpu.memory_space<hbm>> -> memref<200xi32, #tpu.memory_space<hbm>>
    tpu.enqueue_dma source(%dma_start3A_191 : memref<200xi32, #tpu.memory_space<hbm>>) target(%dma_start3A_188 : memref<200xi32, #tpu.memory_space<vmem>>) target_semaphore(%arg23 : memref<!tpu.dma_semaphore, #tpu.memory_space<semaphore_mem>>)
    %add3A_192 = arith.constant 1 : i32
    %add3A_193 = arith.addi %mul3A_2, %add3A_192 : i32
    %add3A_194 = arith.constant 1 : i32
    %add3A_195 = arith.addi %mul3A_2, %add3A_194 : i32
    %dma_wait3A_196 = arith.constant 0 : i32
    %dma_wait3A_197 = arith.constant 0 : i32
    %dma_wait3A_198 = tpu.memref_slice %arg11[%dma_wait3A_196, %dma_wait3A_197] : memref<2x104xi32, #tpu.memory_space<vmem>> -> memref<1x104xi32, #tpu.memory_space<vmem>>
    %dma_wait3A_199 = tpu.memref_squeeze %dma_wait3A_198 : memref<1x104xi32, #tpu.memory_space<vmem>> -> memref<104xi32, #tpu.memory_space<vmem>>
    %dma_wait3A_200 = arith.constant 0 : i32
    %dma_wait3A_201 = tpu.memref_slice %arg2[%add3A_193, %dma_wait3A_200] : memref<1024x200xi32, #tpu.memory_space<hbm>> -> memref<1x104xi32, #tpu.memory_space<hbm>>
    %dma_wait3A_202 = tpu.memref_squeeze %dma_wait3A_201 : memref<1x104xi32, #tpu.memory_space<hbm>> -> memref<104xi32, #tpu.memory_space<hbm>>
    %dma_wait3A_203 = arith.constant 0 : i32
    %dma_wait3A_204 = tpu.memref_slice %arg11[%dma_wait3A_196, %dma_wait3A_203] : memref<2x104xi32, #tpu.memory_space<vmem>> -> memref<1x104xi32, #tpu.memory_space<vmem>>
    %dma_wait3A_205 = tpu.memref_squeeze %dma_wait3A_204 : memref<1x104xi32, #tpu.memory_space<vmem>> -> memref<104xi32, #tpu.memory_space<vmem>>
    %dma_wait3A_206 = arith.constant 0 : i32
    %dma_wait3A_207 = tpu.memref_slice %arg2[%add3A_193, %dma_wait3A_206] : memref<1024x200xi32, #tpu.memory_space<hbm>> -> memref<1x104xi32, #tpu.memory_space<hbm>>
    %dma_wait3A_208 = tpu.memref_squeeze %dma_wait3A_207 : memref<1x104xi32, #tpu.memory_space<hbm>> -> memref<104xi32, #tpu.memory_space<hbm>>
    tpu.wait_dma2 semaphore(%arg23 : memref<!tpu.dma_semaphore, #tpu.memory_space<semaphore_mem>>) src(%dma_wait3A_208 : memref<104xi32, #tpu.memory_space<hbm>>) dst(%dma_wait3A_205 : memref<104xi32, #tpu.memory_space<vmem>>)
    %dma_wait3A_209 = arith.constant 1 : i32
    %dma_wait3A_210 = arith.constant 0 : i32
    %dma_wait3A_211 = tpu.memref_slice %arg11[%dma_wait3A_209, %dma_wait3A_210] : memref<2x104xi32, #tpu.memory_space<vmem>> -> memref<1x104xi32, #tpu.memory_space<vmem>>
    %dma_wait3A_212 = tpu.memref_squeeze %dma_wait3A_211 : memref<1x104xi32, #tpu.memory_space<vmem>> -> memref<104xi32, #tpu.memory_space<vmem>>
    %dma_wait3A_213 = arith.constant 96 : i32
    %dma_wait3A_214 = tpu.memref_slice %arg2[%add3A_193, %dma_wait3A_213] : memref<1024x200xi32, #tpu.memory_space<hbm>> -> memref<1x104xi32, #tpu.memory_space<hbm>>
    %dma_wait3A_215 = tpu.memref_squeeze %dma_wait3A_214 : memref<1x104xi32, #tpu.memory_space<hbm>> -> memref<104xi32, #tpu.memory_space<hbm>>
    %dma_wait3A_216 = arith.constant 0 : i32
    %dma_wait3A_217 = tpu.memref_slice %arg11[%dma_wait3A_209, %dma_wait3A_216] : memref<2x104xi32, #tpu.memory_space<vmem>> -> memref<1x104xi32, #tpu.memory_space<vmem>>
    %dma_wait3A_218 = tpu.memref_squeeze %dma_wait3A_217 : memref<1x104xi32, #tpu.memory_space<vmem>> -> memref<104xi32, #tpu.memory_space<vmem>>
    %dma_wait3A_219 = arith.constant 96 : i32
    %dma_wait3A_220 = tpu.memref_slice %arg2[%add3A_193, %dma_wait3A_219] : memref<1024x200xi32, #tpu.memory_space<hbm>> -> memref<1x104xi32, #tpu.memory_space<hbm>>
    %dma_wait3A_221 = tpu.memref_squeeze %dma_wait3A_220 : memref<1x104xi32, #tpu.memory_space<hbm>> -> memref<104xi32, #tpu.memory_space<hbm>>
    tpu.wait_dma2 semaphore(%arg23 : memref<!tpu.dma_semaphore, #tpu.memory_space<semaphore_mem>>) src(%dma_wait3A_221 : memref<104xi32, #tpu.memory_space<hbm>>) dst(%dma_wait3A_218 : memref<104xi32, #tpu.memory_space<vmem>>)
    %dma_wait3A_222 = arith.constant 0 : i32
    %dma_wait3A_223 = tpu.memref_slice %arg13[%dma_wait3A_222] : memref<208xi32, #tpu.memory_space<vmem>> -> memref<200xi32, #tpu.memory_space<vmem>>
    %dma_wait3A_224 = arith.constant 0 : i32
    %dma_wait3A_225 = tpu.memref_slice %arg3[%add3A_195, %dma_wait3A_224] : memref<1024x200xi32, #tpu.memory_space<hbm>> -> memref<1x200xi32, #tpu.memory_space<hbm>>
    %dma_wait3A_226 = tpu.memref_squeeze %dma_wait3A_225 : memref<1x200xi32, #tpu.memory_space<hbm>> -> memref<200xi32, #tpu.memory_space<hbm>>
    %dma_wait3A_227 = arith.constant 0 : i32
    %dma_wait3A_228 = tpu.memref_slice %arg13[%dma_wait3A_227] : memref<208xi32, #tpu.memory_space<vmem>> -> memref<200xi32, #tpu.memory_space<vmem>>
    %dma_wait3A_229 = arith.constant 0 : i32
    %dma_wait3A_230 = tpu.memref_slice %arg3[%add3A_195, %dma_wait3A_229] : memref<1024x200xi32, #tpu.memory_space<hbm>> -> memref<1x200xi32, #tpu.memory_space<hbm>>
    %dma_wait3A_231 = tpu.memref_squeeze %dma_wait3A_230 : memref<1x200xi32, #tpu.memory_space<hbm>> -> memref<200xi32, #tpu.memory_space<hbm>>
    tpu.wait_dma2 semaphore(%arg23 : memref<!tpu.dma_semaphore, #tpu.memory_space<semaphore_mem>>) src(%dma_wait3A_231 : memref<200xi32, #tpu.memory_space<hbm>>) dst(%dma_wait3A_228 : memref<200xi32, #tpu.memory_space<vmem>>)
    %dma_start3A_232 = arith.constant 0 : i32
    %dma_start3A_233 = arith.constant 0 : i32
    %dma_start3A_234 = arith.constant 0 : i32
    %dma_start3A_235 = tpu.memref_slice %arg15[%dma_start3A_233, %dma_start3A_234] : memref<200x128xf32, #tpu.memory_space<vmem>> -> memref<104x128xf32, #tpu.memory_space<vmem>>
    %dma_start3A_236 = arith.constant 0 : i32
    %dma_start3A_237 = tpu.memref_slice %arg11[%dma_start3A_232, %dma_start3A_236] : memref<2x104xi32, #tpu.memory_space<vmem>> -> memref<1x104xi32, #tpu.memory_space<vmem>>
    %dma_start3A_238 = tpu.memref_squeeze %dma_start3A_237 : memref<1x104xi32, #tpu.memory_space<vmem>> -> memref<104xi32, #tpu.memory_space<vmem>>
    %dma_start3A_239 = arith.constant 0 : i32
    %dma_start3A_240 = arith.constant 0 : i32
    %dma_start3A_241 = tpu.memref_slice %arg4[%dma_start3A_239, %dma_start3A_240] : memref<1000000x128xf32, #tpu.memory_space<hbm>> -> memref<1000000x128xf32, #tpu.memory_space<hbm>>
    tpu.enqueue_indirect_dma source(%dma_start3A_241 : memref<1000000x128xf32, #tpu.memory_space<hbm>>) target(%dma_start3A_235 : memref<104x128xf32, #tpu.memory_space<vmem>>) offsets(%dma_start3A_238 : memref<104xi32, #tpu.memory_space<vmem>>) semaphore(%arg25 : memref<!tpu.dma_semaphore, #tpu.memory_space<semaphore_mem>>)
    %dma_start3A_242 = arith.constant 1 : i32
    %dma_start3A_243 = arith.constant 96 : i32
    %dma_start3A_244 = arith.constant 0 : i32
    %dma_start3A_245 = tpu.memref_slice %arg15[%dma_start3A_243, %dma_start3A_244] : memref<200x128xf32, #tpu.memory_space<vmem>> -> memref<104x128xf32, #tpu.memory_space<vmem>>
    %dma_start3A_246 = arith.constant 0 : i32
    %dma_start3A_247 = tpu.memref_slice %arg11[%dma_start3A_242, %dma_start3A_246] : memref<2x104xi32, #tpu.memory_space<vmem>> -> memref<1x104xi32, #tpu.memory_space<vmem>>
    %dma_start3A_248 = tpu.memref_squeeze %dma_start3A_247 : memref<1x104xi32, #tpu.memory_space<vmem>> -> memref<104xi32, #tpu.memory_space<vmem>>
    %dma_start3A_249 = arith.constant 0 : i32
    %dma_start3A_250 = arith.constant 0 : i32
    %dma_start3A_251 = tpu.memref_slice %arg4[%dma_start3A_249, %dma_start3A_250] : memref<1000000x128xf32, #tpu.memory_space<hbm>> -> memref<1000000x128xf32, #tpu.memory_space<hbm>>
    tpu.enqueue_indirect_dma source(%dma_start3A_251 : memref<1000000x128xf32, #tpu.memory_space<hbm>>) target(%dma_start3A_245 : memref<104x128xf32, #tpu.memory_space<vmem>>) offsets(%dma_start3A_248 : memref<104xi32, #tpu.memory_space<vmem>>) semaphore(%arg25 : memref<!tpu.dma_semaphore, #tpu.memory_space<semaphore_mem>>)
    %scan3A_252 = arith.constant 0 : i32
    %scan3A_253 = arith.constant 16 : i32
    %scan3A_254 = arith.addi %scan3A_252, %scan3A_253 : i32
    %scan3A_255 = arith.constant 1 : i32
    scf.for %scan3A_269 = %scan3A_252 to %scan3A_254 step %scan3A_255  : i32 {
      %mul3A_270 = arith.constant 1 : i32
      %mul3A_271 = arith.muli %scan3A_269, %mul3A_270 : i32
      %add3A_272 = arith.constant 0 : i32
      %add3A_273 = arith.addi %add3A_272, %mul3A_271 : i32
      %mul3A_274 = arith.constant 2 : i32
      %mul3A_275 = arith.muli %add3A_273, %mul3A_274 : i32
      %dma_wait3A_276 = arith.constant 0 : i32
      %dma_wait3A_277 = arith.constant 0 : i32
      %dma_wait3A_278 = arith.constant 0 : i32
      %dma_wait3A_279 = tpu.memref_slice %arg14[%dma_wait3A_277, %dma_wait3A_278] : memref<200x128xf32, #tpu.memory_space<vmem>> -> memref<104x128xf32, #tpu.memory_space<vmem>>
      %dma_wait3A_280 = arith.constant 0 : i32
      %dma_wait3A_281 = tpu.memref_slice %arg10[%dma_wait3A_276, %dma_wait3A_280] : memref<2x104xi32, #tpu.memory_space<vmem>> -> memref<1x104xi32, #tpu.memory_space<vmem>>
      %dma_wait3A_282 = tpu.memref_squeeze %dma_wait3A_281 : memref<1x104xi32, #tpu.memory_space<vmem>> -> memref<104xi32, #tpu.memory_space<vmem>>
      %dma_wait3A_283 = arith.constant 0 : i32
      %dma_wait3A_284 = arith.constant 0 : i32
      %dma_wait3A_285 = tpu.memref_slice %arg4[%dma_wait3A_283, %dma_wait3A_284] : memref<1000000x128xf32, #tpu.memory_space<hbm>> -> memref<1000000x128xf32, #tpu.memory_space<hbm>>
      tpu.wait_indirect_dma semaphore(%arg24 : memref<!tpu.dma_semaphore, #tpu.memory_space<semaphore_mem>>) src(%dma_wait3A_285 : memref<1000000x128xf32, #tpu.memory_space<hbm>>) dst(%dma_wait3A_279 : memref<104x128xf32, #tpu.memory_space<vmem>>)
      %dma_wait3A_286 = arith.constant 1 : i32
      %dma_wait3A_287 = arith.constant 96 : i32
      %dma_wait3A_288 = arith.constant 0 : i32
      %dma_wait3A_289 = tpu.memref_slice %arg14[%dma_wait3A_287, %dma_wait3A_288] : memref<200x128xf32, #tpu.memory_space<vmem>> -> memref<104x128xf32, #tpu.memory_space<vmem>>
      %dma_wait3A_290 = arith.constant 0 : i32
      %dma_wait3A_291 = tpu.memref_slice %arg10[%dma_wait3A_286, %dma_wait3A_290] : memref<2x104xi32, #tpu.memory_space<vmem>> -> memref<1x104xi32, #tpu.memory_space<vmem>>
      %dma_wait3A_292 = tpu.memref_squeeze %dma_wait3A_291 : memref<1x104xi32, #tpu.memory_space<vmem>> -> memref<104xi32, #tpu.memory_space<vmem>>
      %dma_wait3A_293 = arith.constant 0 : i32
      %dma_wait3A_294 = arith.constant 0 : i32
      %dma_wait3A_295 = tpu.memref_slice %arg4[%dma_wait3A_293, %dma_wait3A_294] : memref<1000000x128xf32, #tpu.memory_space<hbm>> -> memref<1000000x128xf32, #tpu.memory_space<hbm>>
      tpu.wait_indirect_dma semaphore(%arg24 : memref<!tpu.dma_semaphore, #tpu.memory_space<semaphore_mem>>) src(%dma_wait3A_295 : memref<1000000x128xf32, #tpu.memory_space<hbm>>) dst(%dma_wait3A_289 : memref<104x128xf32, #tpu.memory_space<vmem>>)
      %add3A_296 = arith.constant 2 : i32
      %add3A_297 = arith.addi %mul3A_275, %add3A_296 : i32
      %lt3A = arith.constant 32 : i32
      %lt3A_298 = arith.cmpi slt, %add3A_297, %lt3A : i32
      %convert_element_type3A = arith.extui %lt3A_298 : i1 to i32
      %cond3A = arith.constant 0 : i32
      %cond3A_299 = arith.cmpi ne, %convert_element_type3A, %cond3A : i32
      scf.if %cond3A_299 {
        %add3A_386 = arith.constant 2 : i32
        %add3A_387 = arith.addi %mul3A_275, %add3A_386 : i32
        %add3A_388 = arith.addi %mul3A_2, %add3A_387 : i32
        %dma_start3A_389 = arith.constant 0 : i32
        %dma_start3A_390 = arith.constant 0 : i32
        %dma_start3A_391 = tpu.memref_slice %arg10[%dma_start3A_389, %dma_start3A_390] : memref<2x104xi32, #tpu.memory_space<vmem>> -> memref<1x104xi32, #tpu.memory_space<vmem>>
        %dma_start3A_392 = tpu.memref_squeeze %dma_start3A_391 : memref<1x104xi32, #tpu.memory_space<vmem>> -> memref<104xi32, #tpu.memory_space<vmem>>
        %dma_start3A_393 = arith.constant 0 : i32
        %dma_start3A_394 = tpu.memref_slice %arg2[%add3A_388, %dma_start3A_393] : memref<1024x200xi32, #tpu.memory_space<hbm>> -> memref<1x104xi32, #tpu.memory_space<hbm>>
        %dma_start3A_395 = tpu.memref_squeeze %dma_start3A_394 : memref<1x104xi32, #tpu.memory_space<hbm>> -> memref<104xi32, #tpu.memory_space<hbm>>
        %dma_start3A_396 = arith.constant 0 : i32
        %dma_start3A_397 = tpu.memref_slice %arg10[%dma_start3A_389, %dma_start3A_396] : memref<2x104xi32, #tpu.memory_space<vmem>> -> memref<1x104xi32, #tpu.memory_space<vmem>>
        %dma_start3A_398 = tpu.memref_squeeze %dma_start3A_397 : memref<1x104xi32, #tpu.memory_space<vmem>> -> memref<104xi32, #tpu.memory_space<vmem>>
        %dma_start3A_399 = arith.constant 0 : i32
        %dma_start3A_400 = tpu.memref_slice %arg2[%add3A_388, %dma_start3A_399] : memref<1024x200xi32, #tpu.memory_space<hbm>> -> memref<1x104xi32, #tpu.memory_space<hbm>>
        %dma_start3A_401 = tpu.memref_squeeze %dma_start3A_400 : memref<1x104xi32, #tpu.memory_space<hbm>> -> memref<104xi32, #tpu.memory_space<hbm>>
        tpu.enqueue_dma source(%dma_start3A_401 : memref<104xi32, #tpu.memory_space<hbm>>) target(%dma_start3A_398 : memref<104xi32, #tpu.memory_space<vmem>>) target_semaphore(%arg22 : memref<!tpu.dma_semaphore, #tpu.memory_space<semaphore_mem>>)
        %dma_start3A_402 = arith.constant 1 : i32
        %dma_start3A_403 = arith.constant 0 : i32
        %dma_start3A_404 = tpu.memref_slice %arg10[%dma_start3A_402, %dma_start3A_403] : memref<2x104xi32, #tpu.memory_space<vmem>> -> memref<1x104xi32, #tpu.memory_space<vmem>>
        %dma_start3A_405 = tpu.memref_squeeze %dma_start3A_404 : memref<1x104xi32, #tpu.memory_space<vmem>> -> memref<104xi32, #tpu.memory_space<vmem>>
        %dma_start3A_406 = arith.constant 96 : i32
        %dma_start3A_407 = tpu.memref_slice %arg2[%add3A_388, %dma_start3A_406] : memref<1024x200xi32, #tpu.memory_space<hbm>> -> memref<1x104xi32, #tpu.memory_space<hbm>>
        %dma_start3A_408 = tpu.memref_squeeze %dma_start3A_407 : memref<1x104xi32, #tpu.memory_space<hbm>> -> memref<104xi32, #tpu.memory_space<hbm>>
        %dma_start3A_409 = arith.constant 0 : i32
        %dma_start3A_410 = tpu.memref_slice %arg10[%dma_start3A_402, %dma_start3A_409] : memref<2x104xi32, #tpu.memory_space<vmem>> -> memref<1x104xi32, #tpu.memory_space<vmem>>
        %dma_start3A_411 = tpu.memref_squeeze %dma_start3A_410 : memref<1x104xi32, #tpu.memory_space<vmem>> -> memref<104xi32, #tpu.memory_space<vmem>>
        %dma_start3A_412 = arith.constant 96 : i32
        %dma_start3A_413 = tpu.memref_slice %arg2[%add3A_388, %dma_start3A_412] : memref<1024x200xi32, #tpu.memory_space<hbm>> -> memref<1x104xi32, #tpu.memory_space<hbm>>
        %dma_start3A_414 = tpu.memref_squeeze %dma_start3A_413 : memref<1x104xi32, #tpu.memory_space<hbm>> -> memref<104xi32, #tpu.memory_space<hbm>>
        tpu.enqueue_dma source(%dma_start3A_414 : memref<104xi32, #tpu.memory_space<hbm>>) target(%dma_start3A_411 : memref<104xi32, #tpu.memory_space<vmem>>) target_semaphore(%arg22 : memref<!tpu.dma_semaphore, #tpu.memory_space<semaphore_mem>>)
      } else {
      }
      %ge3A = arith.constant 2 : i32
      %ge3A_300 = arith.cmpi sge, %mul3A_275, %ge3A : i32
      %convert_element_type3A_301 = arith.extui %ge3A_300 : i1 to i32
      %cond3A_302 = arith.constant 0 : i32
      %cond3A_303 = arith.cmpi ne, %convert_element_type3A_301, %cond3A_302 : i32
      scf.if %cond3A_303 {
        %sub3A = arith.constant 2 : i32
        %sub3A_386 = arith.subi %mul3A_275, %sub3A : i32
        %add3A_387 = arith.addi %mul3A_2, %sub3A_386 : i32
        %mul3A_388 = arith.constant 12800 : i32
        %mul3A_389 = arith.muli %add3A_387, %mul3A_388 : i32
        %dma_wait3A_390 = tpu.memref_slice %arg9[%mul3A_389] : memref<13107200xf32, #tpu.memory_space<hbm>> -> memref<12800xf32, #tpu.memory_space<hbm>>
        %dma_wait3A_391 = tpu.memref_slice %arg9[%mul3A_389] : memref<13107200xf32, #tpu.memory_space<hbm>> -> memref<12800xf32, #tpu.memory_space<hbm>>
        tpu.wait_dma2 semaphore(%arg26 : memref<!tpu.dma_semaphore, #tpu.memory_space<semaphore_mem>>) src(%arg16 : memref<12800xf32, #tpu.memory_space<vmem>>) dst(%dma_wait3A_391 : memref<12800xf32, #tpu.memory_space<hbm>>)
      } else {
      }
      %scan3A_304 = arith.constant 0 : i32
      %scan3A_305 = arith.constant 25 : i32
      %scan3A_306 = arith.addi %scan3A_304, %scan3A_305 : i32
      %scan3A_307 = arith.constant 1 : i32
      scf.for %scan3A_386 = %scan3A_304 to %scan3A_306 step %scan3A_307  : i32 {
        %mul3A_387 = arith.constant 1 : i32
        %mul3A_388 = arith.muli %scan3A_386, %mul3A_387 : i32
        %add3A_389 = arith.constant 0 : i32
        %add3A_390 = arith.addi %add3A_389, %mul3A_388 : i32
        %mul3A_391 = arith.constant 8 : i32
        %mul3A_392 = arith.muli %add3A_390, %mul3A_391 : i32
        %get3A_393 = arith.index_cast %mul3A_392 : i32 to index
        %get3A_394 = tpu.vector_load %arg12[%get3A_393] {strides = array<i32>} : memref<208xi32, #tpu.memory_space<vmem>>, vector<16xi32>,
        %add3A_395 = arith.constant 0 : i32
        %add3A_396 = arith.addi %mul3A_392, %add3A_395 : i32
        %add3A_397 = arith.constant 0 : i32
        %add3A_398 = arith.addi %add3A_396, %add3A_397 : i32
        %slice3A = vector.extract_strided_slice %get3A_394 {offsets = [0], sizes = [1], strides = [1]} : vector<16xi32> to vector<1xi32>
        %squeeze3A = vector.extract %slice3A[0] : i32 from vector<1xi32>
        %mul3A_399 = arith.constant 200 : i32
        %mul3A_400 = arith.muli %squeeze3A, %mul3A_399 : i32
        %add3A_401 = arith.addi %mul3A_400, %add3A_398 : i32
        %get3A_402 = arith.index_cast %add3A_398 : i32 to index
        %get3A_403 = arith.constant 0 : index
        %get3A_404 = tpu.vector_load %arg14[%get3A_402, %get3A_403] {strides = array<i32>} : memref<200x128xf32, #tpu.memory_space<vmem>>, vector<16xf32>,
        %get3A_405 = arith.index_cast %add3A_401 : i32 to index
        %get3A_406 = arith.constant 0 : index
        %get3A_407 = tpu.vector_load %arg18[%get3A_405, %get3A_406] {strides = array<i32>} : memref<400x64xf32, #tpu.memory_space<vmem>>, vector<16xf32>,
        %add3A_408 = arith.addf %get3A_404, %get3A_407 : vector<16xf32>
        %get3A_409 = arith.index_cast %add3A_398 : i32 to index
        %get3A_410 = arith.constant 16 : index
        %get3A_411 = tpu.vector_load %arg14[%get3A_409, %get3A_410] {strides = array<i32>} : memref<200x128xf32, #tpu.memory_space<vmem>>, vector<16xf32>,
        %get3A_412 = arith.index_cast %add3A_401 : i32 to index
        %get3A_413 = arith.constant 16 : index
        %get3A_414 = tpu.vector_load %arg18[%get3A_412, %get3A_413] {strides = array<i32>} : memref<400x64xf32, #tpu.memory_space<vmem>>, vector<16xf32>,
        %add3A_415 = arith.addf %get3A_411, %get3A_414 : vector<16xf32>
        %get3A_416 = arith.index_cast %add3A_398 : i32 to index
        %get3A_417 = arith.constant 32 : index
        %get3A_418 = tpu.vector_load %arg14[%get3A_416, %get3A_417] {strides = array<i32>} : memref<200x128xf32, #tpu.memory_space<vmem>>, vector<16xf32>,
        %get3A_419 = arith.index_cast %add3A_401 : i32 to index
        %get3A_420 = arith.constant 32 : index
        %get3A_421 = tpu.vector_load %arg18[%get3A_419, %get3A_420] {strides = array<i32>} : memref<400x64xf32, #tpu.memory_space<vmem>>, vector<16xf32>,
        %add3A_422 = arith.addf %get3A_418, %get3A_421 : vector<16xf32>
        %get3A_423 = arith.index_cast %add3A_398 : i32 to index
        %get3A_424 = arith.constant 48 : index
        %get3A_425 = tpu.vector_load %arg14[%get3A_423, %get3A_424] {strides = array<i32>} : memref<200x128xf32, #tpu.memory_space<vmem>>, vector<16xf32>,
        %get3A_426 = arith.index_cast %add3A_401 : i32 to index
        %get3A_427 = arith.constant 48 : index
        %get3A_428 = tpu.vector_load %arg18[%get3A_426, %get3A_427] {strides = array<i32>} : memref<400x64xf32, #tpu.memory_space<vmem>>, vector<16xf32>,
        %add3A_429 = arith.addf %get3A_425, %get3A_428 : vector<16xf32>
        %add3A_430 = arith.addf %add3A_408, %add3A_415 : vector<16xf32>
        %add3A_431 = arith.addf %add3A_422, %add3A_429 : vector<16xf32>
        %add3A_432 = arith.addf %add3A_430, %add3A_431 : vector<16xf32>
        %mul3A_433 = arith.mulf %add3A_408, %add3A_408 : vector<16xf32>
        %mul3A_434 = arith.mulf %add3A_415, %add3A_415 : vector<16xf32>
        %add3A_435 = arith.addf %mul3A_433, %mul3A_434 : vector<16xf32>
        %mul3A_436 = arith.mulf %add3A_422, %add3A_422 : vector<16xf32>
        %mul3A_437 = arith.mulf %add3A_429, %add3A_429 : vector<16xf32>
        %add3A_438 = arith.addf %mul3A_436, %mul3A_437 : vector<16xf32>
        %add3A_439 = arith.addf %add3A_435, %add3A_438 : vector<16xf32>
        %reduce_sum3A = arith.constant true
        %reduce_sum3A_440 = vector.broadcast %reduce_sum3A : i1 to vector<16xi1>
        %reduce_sum3A_441 = tpu.scan <sum>, %add3A_432 masked %reduce_sum3A_440 : vector<16xf32>, vector<16xi1> -> vector<16xf32>
        %reduce_sum3A_442 = vector.extract %reduce_sum3A_441[15] : f32 from vector<16xf32>
        %reduce_sum3A_443 = arith.constant true
        %reduce_sum3A_444 = vector.broadcast %reduce_sum3A_443 : i1 to vector<16xi1>
        %reduce_sum3A_445 = tpu.scan <sum>, %add3A_439 masked %reduce_sum3A_444 : vector<16xf32>, vector<16xi1> -> vector<16xf32>
        %reduce_sum3A_446 = vector.extract %reduce_sum3A_445[15] : f32 from vector<16xf32>
        %add3A_447 = arith.constant 0 : i32
        %add3A_448 = arith.addi %mul3A_392, %add3A_447 : i32
        %add3A_449 = arith.constant 1 : i32
        %add3A_450 = arith.addi %add3A_448, %add3A_449 : i32
        %slice3A_451 = vector.extract_strided_slice %get3A_394 {offsets = [1], sizes = [1], strides = [1]} : vector<16xi32> to vector<1xi32>
        %squeeze3A_452 = vector.extract %slice3A_451[0] : i32 from vector<1xi32>
        %mul3A_453 = arith.constant 200 : i32
        %mul3A_454 = arith.muli %squeeze3A_452, %mul3A_453 : i32
        %add3A_455 = arith.addi %mul3A_454, %add3A_450 : i32
        %get3A_456 = arith.index_cast %add3A_450 : i32 to index
        %get3A_457 = arith.constant 0 : index
        %get3A_458 = tpu.vector_load %arg14[%get3A_456, %get3A_457] {strides = array<i32>} : memref<200x128xf32, #tpu.memory_space<vmem>>, vector<16xf32>,
        %get3A_459 = arith.index_cast %add3A_455 : i32 to index
        %get3A_460 = arith.constant 0 : index
        %get3A_461 = tpu.vector_load %arg18[%get3A_459, %get3A_460] {strides = array<i32>} : memref<400x64xf32, #tpu.memory_space<vmem>>, vector<16xf32>,
        %add3A_462 = arith.addf %get3A_458, %get3A_461 : vector<16xf32>
        %get3A_463 = arith.index_cast %add3A_450 : i32 to index
        %get3A_464 = arith.constant 16 : index
        %get3A_465 = tpu.vector_load %arg14[%get3A_463, %get3A_464] {strides = array<i32>} : memref<200x128xf32, #tpu.memory_space<vmem>>, vector<16xf32>,
        %get3A_466 = arith.index_cast %add3A_455 : i32 to index
        %get3A_467 = arith.constant 16 : index
        %get3A_468 = tpu.vector_load %arg18[%get3A_466, %get3A_467] {strides = array<i32>} : memref<400x64xf32, #tpu.memory_space<vmem>>, vector<16xf32>,
        %add3A_469 = arith.addf %get3A_465, %get3A_468 : vector<16xf32>
        %get3A_470 = arith.index_cast %add3A_450 : i32 to index
        %get3A_471 = arith.constant 32 : index
        %get3A_472 = tpu.vector_load %arg14[%get3A_470, %get3A_471] {strides = array<i32>} : memref<200x128xf32, #tpu.memory_space<vmem>>, vector<16xf32>,
        %get3A_473 = arith.index_cast %add3A_455 : i32 to index
        %get3A_474 = arith.constant 32 : index
        %get3A_475 = tpu.vector_load %arg18[%get3A_473, %get3A_474] {strides = array<i32>} : memref<400x64xf32, #tpu.memory_space<vmem>>, vector<16xf32>,
        %add3A_476 = arith.addf %get3A_472, %get3A_475 : vector<16xf32>
        %get3A_477 = arith.index_cast %add3A_450 : i32 to index
        %get3A_478 = arith.constant 48 : index
        %get3A_479 = tpu.vector_load %arg14[%get3A_477, %get3A_478] {strides = array<i32>} : memref<200x128xf32, #tpu.memory_space<vmem>>, vector<16xf32>,
        %get3A_480 = arith.index_cast %add3A_455 : i32 to index
        %get3A_481 = arith.constant 48 : index
        %get3A_482 = tpu.vector_load %arg18[%get3A_480, %get3A_481] {strides = array<i32>} : memref<400x64xf32, #tpu.memory_space<vmem>>, vector<16xf32>,
        %add3A_483 = arith.addf %get3A_479, %get3A_482 : vector<16xf32>
        %add3A_484 = arith.addf %add3A_462, %add3A_469 : vector<16xf32>
        %add3A_485 = arith.addf %add3A_476, %add3A_483 : vector<16xf32>
        %add3A_486 = arith.addf %add3A_484, %add3A_485 : vector<16xf32>
        %mul3A_487 = arith.mulf %add3A_462, %add3A_462 : vector<16xf32>
        %mul3A_488 = arith.mulf %add3A_469, %add3A_469 : vector<16xf32>
        %add3A_489 = arith.addf %mul3A_487, %mul3A_488 : vector<16xf32>
        %mul3A_490 = arith.mulf %add3A_476, %add3A_476 : vector<16xf32>
        %mul3A_491 = arith.mulf %add3A_483, %add3A_483 : vector<16xf32>
        %add3A_492 = arith.addf %mul3A_490, %mul3A_491 : vector<16xf32>
        %add3A_493 = arith.addf %add3A_489, %add3A_492 : vector<16xf32>
        %reduce_sum3A_494 = arith.constant true
        %reduce_sum3A_495 = vector.broadcast %reduce_sum3A_494 : i1 to vector<16xi1>
        %reduce_sum3A_496 = tpu.scan <sum>, %add3A_486 masked %reduce_sum3A_495 : vector<16xf32>, vector<16xi1> -> vector<16xf32>
        %reduce_sum3A_497 = vector.extract %reduce_sum3A_496[15] : f32 from vector<16xf32>
        %reduce_sum3A_498 = arith.constant true
        %reduce_sum3A_499 = vector.broadcast %reduce_sum3A_498 : i1 to vector<16xi1>
        %reduce_sum3A_500 = tpu.scan <sum>, %add3A_493 masked %reduce_sum3A_499 : vector<16xf32>, vector<16xi1> -> vector<16xf32>
        %reduce_sum3A_501 = vector.extract %reduce_sum3A_500[15] : f32 from vector<16xf32>
        %add3A_502 = arith.constant 0 : i32
        %add3A_503 = arith.addi %mul3A_392, %add3A_502 : i32
        %add3A_504 = arith.constant 2 : i32
        %add3A_505 = arith.addi %add3A_503, %add3A_504 : i32
        %slice3A_506 = vector.extract_strided_slice %get3A_394 {offsets = [2], sizes = [1], strides = [1]} : vector<16xi32> to vector<1xi32>
        %squeeze3A_507 = vector.extract %slice3A_506[0] : i32 from vector<1xi32>
        %mul3A_508 = arith.constant 200 : i32
        %mul3A_509 = arith.muli %squeeze3A_507, %mul3A_508 : i32
        %add3A_510 = arith.addi %mul3A_509, %add3A_505 : i32
        %get3A_511 = arith.index_cast %add3A_505 : i32 to index
        %get3A_512 = arith.constant 0 : index
        %get3A_513 = tpu.vector_load %arg14[%get3A_511, %get3A_512] {strides = array<i32>} : memref<200x128xf32, #tpu.memory_space<vmem>>, vector<16xf32>,
        %get3A_514 = arith.index_cast %add3A_510 : i32 to index
        %get3A_515 = arith.constant 0 : index
        %get3A_516 = tpu.vector_load %arg18[%get3A_514, %get3A_515] {strides = array<i32>} : memref<400x64xf32, #tpu.memory_space<vmem>>, vector<16xf32>,
        %add3A_517 = arith.addf %get3A_513, %get3A_516 : vector<16xf32>
        %get3A_518 = arith.index_cast %add3A_505 : i32 to index
        %get3A_519 = arith.constant 16 : index
        %get3A_520 = tpu.vector_load %arg14[%get3A_518, %get3A_519] {strides = array<i32>} : memref<200x128xf32, #tpu.memory_space<vmem>>, vector<16xf32>,
        %get3A_521 = arith.index_cast %add3A_510 : i32 to index
        %get3A_522 = arith.constant 16 : index
        %get3A_523 = tpu.vector_load %arg18[%get3A_521, %get3A_522] {strides = array<i32>} : memref<400x64xf32, #tpu.memory_space<vmem>>, vector<16xf32>,
        %add3A_524 = arith.addf %get3A_520, %get3A_523 : vector<16xf32>
        %get3A_525 = arith.index_cast %add3A_505 : i32 to index
        %get3A_526 = arith.constant 32 : index
        %get3A_527 = tpu.vector_load %arg14[%get3A_525, %get3A_526] {strides = array<i32>} : memref<200x128xf32, #tpu.memory_space<vmem>>, vector<16xf32>,
        %get3A_528 = arith.index_cast %add3A_510 : i32 to index
        %get3A_529 = arith.constant 32 : index
        %get3A_530 = tpu.vector_load %arg18[%get3A_528, %get3A_529] {strides = array<i32>} : memref<400x64xf32, #tpu.memory_space<vmem>>, vector<16xf32>,
        %add3A_531 = arith.addf %get3A_527, %get3A_530 : vector<16xf32>
        %get3A_532 = arith.index_cast %add3A_505 : i32 to index
        %get3A_533 = arith.constant 48 : index
        %get3A_534 = tpu.vector_load %arg14[%get3A_532, %get3A_533] {strides = array<i32>} : memref<200x128xf32, #tpu.memory_space<vmem>>, vector<16xf32>,
        %get3A_535 = arith.index_cast %add3A_510 : i32 to index
        %get3A_536 = arith.constant 48 : index
        %get3A_537 = tpu.vector_load %arg18[%get3A_535, %get3A_536] {strides = array<i32>} : memref<400x64xf32, #tpu.memory_space<vmem>>, vector<16xf32>,
        %add3A_538 = arith.addf %get3A_534, %get3A_537 : vector<16xf32>
        %add3A_539 = arith.addf %add3A_517, %add3A_524 : vector<16xf32>
        %add3A_540 = arith.addf %add3A_531, %add3A_538 : vector<16xf32>
        %add3A_541 = arith.addf %add3A_539, %add3A_540 : vector<16xf32>
        %mul3A_542 = arith.mulf %add3A_517, %add3A_517 : vector<16xf32>
        %mul3A_543 = arith.mulf %add3A_524, %add3A_524 : vector<16xf32>
        %add3A_544 = arith.addf %mul3A_542, %mul3A_543 : vector<16xf32>
        %mul3A_545 = arith.mulf %add3A_531, %add3A_531 : vector<16xf32>
        %mul3A_546 = arith.mulf %add3A_538, %add3A_538 : vector<16xf32>
        %add3A_547 = arith.addf %mul3A_545, %mul3A_546 : vector<16xf32>
        %add3A_548 = arith.addf %add3A_544, %add3A_547 : vector<16xf32>
        %reduce_sum3A_549 = arith.constant true
        %reduce_sum3A_550 = vector.broadcast %reduce_sum3A_549 : i1 to vector<16xi1>
        %reduce_sum3A_551 = tpu.scan <sum>, %add3A_541 masked %reduce_sum3A_550 : vector<16xf32>, vector<16xi1> -> vector<16xf32>
        %reduce_sum3A_552 = vector.extract %reduce_sum3A_551[15] : f32 from vector<16xf32>
        %reduce_sum3A_553 = arith.constant true
        %reduce_sum3A_554 = vector.broadcast %reduce_sum3A_553 : i1 to vector<16xi1>
        %reduce_sum3A_555 = tpu.scan <sum>, %add3A_548 masked %reduce_sum3A_554 : vector<16xf32>, vector<16xi1> -> vector<16xf32>
        %reduce_sum3A_556 = vector.extract %reduce_sum3A_555[15] : f32 from vector<16xf32>
        %add3A_557 = arith.constant 0 : i32
        %add3A_558 = arith.addi %mul3A_392, %add3A_557 : i32
        %add3A_559 = arith.constant 3 : i32
        %add3A_560 = arith.addi %add3A_558, %add3A_559 : i32
        %slice3A_561 = vector.extract_strided_slice %get3A_394 {offsets = [3], sizes = [1], strides = [1]} : vector<16xi32> to vector<1xi32>
        %squeeze3A_562 = vector.extract %slice3A_561[0] : i32 from vector<1xi32>
        %mul3A_563 = arith.constant 200 : i32
        %mul3A_564 = arith.muli %squeeze3A_562, %mul3A_563 : i32
        %add3A_565 = arith.addi %mul3A_564, %add3A_560 : i32
        %get3A_566 = arith.index_cast %add3A_560 : i32 to index
        %get3A_567 = arith.constant 0 : index
        %get3A_568 = tpu.vector_load %arg14[%get3A_566, %get3A_567] {strides = array<i32>} : memref<200x128xf32, #tpu.memory_space<vmem>>, vector<16xf32>,
        %get3A_569 = arith.index_cast %add3A_565 : i32 to index
        %get3A_570 = arith.constant 0 : index
        %get3A_571 = tpu.vector_load %arg18[%get3A_569, %get3A_570] {strides = array<i32>} : memref<400x64xf32, #tpu.memory_space<vmem>>, vector<16xf32>,
        %add3A_572 = arith.addf %get3A_568, %get3A_571 : vector<16xf32>
        %get3A_573 = arith.index_cast %add3A_560 : i32 to index
        %get3A_574 = arith.constant 16 : index
        %get3A_575 = tpu.vector_load %arg14[%get3A_573, %get3A_574] {strides = array<i32>} : memref<200x128xf32, #tpu.memory_space<vmem>>, vector<16xf32>,
        %get3A_576 = arith.index_cast %add3A_565 : i32 to index
        %get3A_577 = arith.constant 16 : index
        %get3A_578 = tpu.vector_load %arg18[%get3A_576, %get3A_577] {strides = array<i32>} : memref<400x64xf32, #tpu.memory_space<vmem>>, vector<16xf32>,
        %add3A_579 = arith.addf %get3A_575, %get3A_578 : vector<16xf32>
        %get3A_580 = arith.index_cast %add3A_560 : i32 to index
        %get3A_581 = arith.constant 32 : index
        %get3A_582 = tpu.vector_load %arg14[%get3A_580, %get3A_581] {strides = array<i32>} : memref<200x128xf32, #tpu.memory_space<vmem>>, vector<16xf32>,
        %get3A_583 = arith.index_cast %add3A_565 : i32 to index
        %get3A_584 = arith.constant 32 : index
        %get3A_585 = tpu.vector_load %arg18[%get3A_583, %get3A_584] {strides = array<i32>} : memref<400x64xf32, #tpu.memory_space<vmem>>, vector<16xf32>,
        %add3A_586 = arith.addf %get3A_582, %get3A_585 : vector<16xf32>
        %get3A_587 = arith.index_cast %add3A_560 : i32 to index
        %get3A_588 = arith.constant 48 : index
        %get3A_589 = tpu.vector_load %arg14[%get3A_587, %get3A_588] {strides = array<i32>} : memref<200x128xf32, #tpu.memory_space<vmem>>, vector<16xf32>,
        %get3A_590 = arith.index_cast %add3A_565 : i32 to index
        %get3A_591 = arith.constant 48 : index
        %get3A_592 = tpu.vector_load %arg18[%get3A_590, %get3A_591] {strides = array<i32>} : memref<400x64xf32, #tpu.memory_space<vmem>>, vector<16xf32>,
        %add3A_593 = arith.addf %get3A_589, %get3A_592 : vector<16xf32>
        %add3A_594 = arith.addf %add3A_572, %add3A_579 : vector<16xf32>
        %add3A_595 = arith.addf %add3A_586, %add3A_593 : vector<16xf32>
        %add3A_596 = arith.addf %add3A_594, %add3A_595 : vector<16xf32>
        %mul3A_597 = arith.mulf %add3A_572, %add3A_572 : vector<16xf32>
        %mul3A_598 = arith.mulf %add3A_579, %add3A_579 : vector<16xf32>
        %add3A_599 = arith.addf %mul3A_597, %mul3A_598 : vector<16xf32>
        %mul3A_600 = arith.mulf %add3A_586, %add3A_586 : vector<16xf32>
        %mul3A_601 = arith.mulf %add3A_593, %add3A_593 : vector<16xf32>
        %add3A_602 = arith.addf %mul3A_600, %mul3A_601 : vector<16xf32>
        %add3A_603 = arith.addf %add3A_599, %add3A_602 : vector<16xf32>
        %reduce_sum3A_604 = arith.constant true
        %reduce_sum3A_605 = vector.broadcast %reduce_sum3A_604 : i1 to vector<16xi1>
        %reduce_sum3A_606 = tpu.scan <sum>, %add3A_596 masked %reduce_sum3A_605 : vector<16xf32>, vector<16xi1> -> vector<16xf32>
        %reduce_sum3A_607 = vector.extract %reduce_sum3A_606[15] : f32 from vector<16xf32>
        %reduce_sum3A_608 = arith.constant true
        %reduce_sum3A_609 = vector.broadcast %reduce_sum3A_608 : i1 to vector<16xi1>
        %reduce_sum3A_610 = tpu.scan <sum>, %add3A_603 masked %reduce_sum3A_609 : vector<16xf32>, vector<16xi1> -> vector<16xf32>
        %reduce_sum3A_611 = vector.extract %reduce_sum3A_610[15] : f32 from vector<16xf32>
        %add3A_612 = arith.constant 0 : i32
        %add3A_613 = arith.addi %mul3A_392, %add3A_612 : i32
        %add3A_614 = arith.constant 0 : i32
        %add3A_615 = arith.addi %add3A_613, %add3A_614 : i32
        %mul3A_616 = arith.constant 1.562500e-02 : f32
        %mul3A_617 = arith.mulf %reduce_sum3A_442, %mul3A_616 : f32
        %mul3A_618 = arith.constant 1.562500e-02 : f32
        %mul3A_619 = arith.mulf %reduce_sum3A_446, %mul3A_618 : f32
        %mul3A_620 = arith.mulf %mul3A_617, %mul3A_617 : f32
        %sub3A = arith.subf %mul3A_619, %mul3A_620 : f32
        %add3A_621 = arith.constant 9.99999974E-6 : f32
        %add3A_622 = arith.addf %sub3A, %add3A_621 : f32
        %broadcast_in_dim3A = vector.broadcast %add3A_622 : f32 to vector<16xf32>
        %bitcast_convert_type3A = tpu.bitcast %broadcast_in_dim3A : vector<16xf32> -> vector<16xi32>
        %shift_right_logical3A = arith.constant 1 : i32
        %shift_right_logical3A_623 = vector.broadcast %shift_right_logical3A : i32 to vector<16xi32>
        %shift_right_logical3A_624 = arith.shrui %bitcast_convert_type3A, %shift_right_logical3A_623 : vector<16xi32>
        %sub3A_625 = arith.constant 1597463007 : i32
        %sub3A_626 = vector.broadcast %sub3A_625 : i32 to vector<16xi32>
        %sub3A_627 = arith.subi %sub3A_626, %shift_right_logical3A_624 : vector<16xi32>
        %bitcast_convert_type3A_628 = tpu.bitcast %sub3A_627 : vector<16xi32> -> vector<16xf32>
        %mul3A_629 = arith.constant 5.000000e-01 : f32
        %mul3A_630 = vector.broadcast %mul3A_629 : f32 to vector<16xf32>
        %mul3A_631 = arith.mulf %mul3A_630, %broadcast_in_dim3A : vector<16xf32>
        %mul3A_632 = arith.mulf %mul3A_631, %bitcast_convert_type3A_628 : vector<16xf32>
        %mul3A_633 = arith.mulf %mul3A_632, %bitcast_convert_type3A_628 : vector<16xf32>
        %sub3A_634 = arith.constant 1.500000e+00 : f32
        %sub3A_635 = vector.broadcast %sub3A_634 : f32 to vector<16xf32>
        %sub3A_636 = arith.subf %sub3A_635, %mul3A_633 : vector<16xf32>
        %mul3A_637 = arith.mulf %bitcast_convert_type3A_628, %sub3A_636 : vector<16xf32>
        %mul3A_638 = arith.mulf %mul3A_631, %mul3A_637 : vector<16xf32>
        %mul3A_639 = arith.mulf %mul3A_638, %mul3A_637 : vector<16xf32>
        %sub3A_640 = arith.constant 1.500000e+00 : f32
        %sub3A_641 = vector.broadcast %sub3A_640 : f32 to vector<16xf32>
        %sub3A_642 = arith.subf %sub3A_641, %mul3A_639 : vector<16xf32>
        %mul3A_643 = arith.mulf %mul3A_637, %sub3A_642 : vector<16xf32>
        %broadcast_in_dim3A_644 = vector.broadcast %mul3A_617 : f32 to vector<16xf32>
        %sub3A_645 = arith.subf %add3A_408, %broadcast_in_dim3A_644 : vector<16xf32>
        %mul3A_646 = arith.mulf %sub3A_645, %mul3A_643 : vector<16xf32>
        %mul3A_647 = arith.mulf %mul3A_646, %get3A_35 : vector<16xf32>
        %add3A_648 = arith.addf %mul3A_647, %get3A_43 : vector<16xf32>
        %mul3A_649 = arith.constant 64 : i32
        %mul3A_650 = arith.muli %add3A_615, %mul3A_649 : i32
        %add3A_651 = arith.constant 0 : i32
        %add3A_652 = arith.addi %mul3A_650, %add3A_651 : i32
        %swap3A = arith.index_cast %add3A_652 : i32 to index
        %swap3A_653 = tpu.vector_load %arg16[%swap3A] {strides = array<i32>} : memref<12800xf32, #tpu.memory_space<vmem>>, vector<16xf32>,
        tpu.vector_store %arg16[%swap3A], %add3A_648 {strides = array<i32>} : memref<12800xf32, #tpu.memory_space<vmem>>, vector<16xf32>,
        %sub3A_654 = arith.subf %add3A_415, %broadcast_in_dim3A_644 : vector<16xf32>
        %mul3A_655 = arith.mulf %sub3A_654, %mul3A_643 : vector<16xf32>
        %mul3A_656 = arith.mulf %mul3A_655, %get3A_37 : vector<16xf32>
        %add3A_657 = arith.addf %mul3A_656, %get3A_45 : vector<16xf32>
        %mul3A_658 = arith.constant 64 : i32
        %mul3A_659 = arith.muli %add3A_615, %mul3A_658 : i32
        %add3A_660 = arith.constant 16 : i32
        %add3A_661 = arith.addi %mul3A_659, %add3A_660 : i32
        %swap3A_662 = arith.index_cast %add3A_661 : i32 to index
        %swap3A_663 = tpu.vector_load %arg16[%swap3A_662] {strides = array<i32>} : memref<12800xf32, #tpu.memory_space<vmem>>, vector<16xf32>,
        tpu.vector_store %arg16[%swap3A_662], %add3A_657 {strides = array<i32>} : memref<12800xf32, #tpu.memory_space<vmem>>, vector<16xf32>,
        %sub3A_664 = arith.subf %add3A_422, %broadcast_in_dim3A_644 : vector<16xf32>
        %mul3A_665 = arith.mulf %sub3A_664, %mul3A_643 : vector<16xf32>
        %mul3A_666 = arith.mulf %mul3A_665, %get3A_39 : vector<16xf32>
        %add3A_667 = arith.addf %mul3A_666, %get3A_47 : vector<16xf32>
        %mul3A_668 = arith.constant 64 : i32
        %mul3A_669 = arith.muli %add3A_615, %mul3A_668 : i32
        %add3A_670 = arith.constant 32 : i32
        %add3A_671 = arith.addi %mul3A_669, %add3A_670 : i32
        %swap3A_672 = arith.index_cast %add3A_671 : i32 to index
        %swap3A_673 = tpu.vector_load %arg16[%swap3A_672] {strides = array<i32>} : memref<12800xf32, #tpu.memory_space<vmem>>, vector<16xf32>,
        tpu.vector_store %arg16[%swap3A_672], %add3A_667 {strides = array<i32>} : memref<12800xf32, #tpu.memory_space<vmem>>, vector<16xf32>,
        %sub3A_674 = arith.subf %add3A_429, %broadcast_in_dim3A_644 : vector<16xf32>
        %mul3A_675 = arith.mulf %sub3A_674, %mul3A_643 : vector<16xf32>
        %mul3A_676 = arith.mulf %mul3A_675, %get3A_41 : vector<16xf32>
        %add3A_677 = arith.addf %mul3A_676, %get3A_49 : vector<16xf32>
        %mul3A_678 = arith.constant 64 : i32
        %mul3A_679 = arith.muli %add3A_615, %mul3A_678 : i32
        %add3A_680 = arith.constant 48 : i32
        %add3A_681 = arith.addi %mul3A_679, %add3A_680 : i32
        %swap3A_682 = arith.index_cast %add3A_681 : i32 to index
        %swap3A_683 = tpu.vector_load %arg16[%swap3A_682] {strides = array<i32>} : memref<12800xf32, #tpu.memory_space<vmem>>, vector<16xf32>,
        tpu.vector_store %arg16[%swap3A_682], %add3A_677 {strides = array<i32>} : memref<12800xf32, #tpu.memory_space<vmem>>, vector<16xf32>,
        %add3A_684 = arith.constant 0 : i32
        %add3A_685 = arith.addi %mul3A_392, %add3A_684 : i32
        %add3A_686 = arith.constant 1 : i32
        %add3A_687 = arith.addi %add3A_685, %add3A_686 : i32
        %mul3A_688 = arith.constant 1.562500e-02 : f32
        %mul3A_689 = arith.mulf %reduce_sum3A_497, %mul3A_688 : f32
        %mul3A_690 = arith.constant 1.562500e-02 : f32
        %mul3A_691 = arith.mulf %reduce_sum3A_501, %mul3A_690 : f32
        %mul3A_692 = arith.mulf %mul3A_689, %mul3A_689 : f32
        %sub3A_693 = arith.subf %mul3A_691, %mul3A_692 : f32
        %add3A_694 = arith.constant 9.99999974E-6 : f32
        %add3A_695 = arith.addf %sub3A_693, %add3A_694 : f32
        %broadcast_in_dim3A_696 = vector.broadcast %add3A_695 : f32 to vector<16xf32>
        %bitcast_convert_type3A_697 = tpu.bitcast %broadcast_in_dim3A_696 : vector<16xf32> -> vector<16xi32>
        %shift_right_logical3A_698 = arith.constant 1 : i32
        %shift_right_logical3A_699 = vector.broadcast %shift_right_logical3A_698 : i32 to vector<16xi32>
        %shift_right_logical3A_700 = arith.shrui %bitcast_convert_type3A_697, %shift_right_logical3A_699 : vector<16xi32>
        %sub3A_701 = arith.constant 1597463007 : i32
        %sub3A_702 = vector.broadcast %sub3A_701 : i32 to vector<16xi32>
        %sub3A_703 = arith.subi %sub3A_702, %shift_right_logical3A_700 : vector<16xi32>
        %bitcast_convert_type3A_704 = tpu.bitcast %sub3A_703 : vector<16xi32> -> vector<16xf32>
        %mul3A_705 = arith.constant 5.000000e-01 : f32
        %mul3A_706 = vector.broadcast %mul3A_705 : f32 to vector<16xf32>
        %mul3A_707 = arith.mulf %mul3A_706, %broadcast_in_dim3A_696 : vector<16xf32>
        %mul3A_708 = arith.mulf %mul3A_707, %bitcast_convert_type3A_704 : vector<16xf32>
        %mul3A_709 = arith.mulf %mul3A_708, %bitcast_convert_type3A_704 : vector<16xf32>
        %sub3A_710 = arith.constant 1.500000e+00 : f32
        %sub3A_711 = vector.broadcast %sub3A_710 : f32 to vector<16xf32>
        %sub3A_712 = arith.subf %sub3A_711, %mul3A_709 : vector<16xf32>
        %mul3A_713 = arith.mulf %bitcast_convert_type3A_704, %sub3A_712 : vector<16xf32>
        %mul3A_714 = arith.mulf %mul3A_707, %mul3A_713 : vector<16xf32>
        %mul3A_715 = arith.mulf %mul3A_714, %mul3A_713 : vector<16xf32>
        %sub3A_716 = arith.constant 1.500000e+00 : f32
        %sub3A_717 = vector.broadcast %sub3A_716 : f32 to vector<16xf32>
        %sub3A_718 = arith.subf %sub3A_717, %mul3A_715 : vector<16xf32>
        %mul3A_719 = arith.mulf %mul3A_713, %sub3A_718 : vector<16xf32>
        %broadcast_in_dim3A_720 = vector.broadcast %mul3A_689 : f32 to vector<16xf32>
        %sub3A_721 = arith.subf %add3A_462, %broadcast_in_dim3A_720 : vector<16xf32>
        %mul3A_722 = arith.mulf %sub3A_721, %mul3A_719 : vector<16xf32>
        %mul3A_723 = arith.mulf %mul3A_722, %get3A_35 : vector<16xf32>
        %add3A_724 = arith.addf %mul3A_723, %get3A_43 : vector<16xf32>
        %mul3A_725 = arith.constant 64 : i32
        %mul3A_726 = arith.muli %add3A_687, %mul3A_725 : i32
        %add3A_727 = arith.constant 0 : i32
        %add3A_728 = arith.addi %mul3A_726, %add3A_727 : i32
        %swap3A_729 = arith.index_cast %add3A_728 : i32 to index
        %swap3A_730 = tpu.vector_load %arg16[%swap3A_729] {strides = array<i32>} : memref<12800xf32, #tpu.memory_space<vmem>>, vector<16xf32>,
        tpu.vector_store %arg16[%swap3A_729], %add3A_724 {strides = array<i32>} : memref<12800xf32, #tpu.memory_space<vmem>>, vector<16xf32>,
        %sub3A_731 = arith.subf %add3A_469, %broadcast_in_dim3A_720 : vector<16xf32>
        %mul3A_732 = arith.mulf %sub3A_731, %mul3A_719 : vector<16xf32>
        %mul3A_733 = arith.mulf %mul3A_732, %get3A_37 : vector<16xf32>
        %add3A_734 = arith.addf %mul3A_733, %get3A_45 : vector<16xf32>
        %mul3A_735 = arith.constant 64 : i32
        %mul3A_736 = arith.muli %add3A_687, %mul3A_735 : i32
        %add3A_737 = arith.constant 16 : i32
        %add3A_738 = arith.addi %mul3A_736, %add3A_737 : i32
        %swap3A_739 = arith.index_cast %add3A_738 : i32 to index
        %swap3A_740 = tpu.vector_load %arg16[%swap3A_739] {strides = array<i32>} : memref<12800xf32, #tpu.memory_space<vmem>>, vector<16xf32>,
        tpu.vector_store %arg16[%swap3A_739], %add3A_734 {strides = array<i32>} : memref<12800xf32, #tpu.memory_space<vmem>>, vector<16xf32>,
        %sub3A_741 = arith.subf %add3A_476, %broadcast_in_dim3A_720 : vector<16xf32>
        %mul3A_742 = arith.mulf %sub3A_741, %mul3A_719 : vector<16xf32>
        %mul3A_743 = arith.mulf %mul3A_742, %get3A_39 : vector<16xf32>
        %add3A_744 = arith.addf %mul3A_743, %get3A_47 : vector<16xf32>
        %mul3A_745 = arith.constant 64 : i32
        %mul3A_746 = arith.muli %add3A_687, %mul3A_745 : i32
        %add3A_747 = arith.constant 32 : i32
        %add3A_748 = arith.addi %mul3A_746, %add3A_747 : i32
        %swap3A_749 = arith.index_cast %add3A_748 : i32 to index
        %swap3A_750 = tpu.vector_load %arg16[%swap3A_749] {strides = array<i32>} : memref<12800xf32, #tpu.memory_space<vmem>>, vector<16xf32>,
        tpu.vector_store %arg16[%swap3A_749], %add3A_744 {strides = array<i32>} : memref<12800xf32, #tpu.memory_space<vmem>>, vector<16xf32>,
        %sub3A_751 = arith.subf %add3A_483, %broadcast_in_dim3A_720 : vector<16xf32>
        %mul3A_752 = arith.mulf %sub3A_751, %mul3A_719 : vector<16xf32>
        %mul3A_753 = arith.mulf %mul3A_752, %get3A_41 : vector<16xf32>
        %add3A_754 = arith.addf %mul3A_753, %get3A_49 : vector<16xf32>
        %mul3A_755 = arith.constant 64 : i32
        %mul3A_756 = arith.muli %add3A_687, %mul3A_755 : i32
        %add3A_757 = arith.constant 48 : i32
        %add3A_758 = arith.addi %mul3A_756, %add3A_757 : i32
        %swap3A_759 = arith.index_cast %add3A_758 : i32 to index
        %swap3A_760 = tpu.vector_load %arg16[%swap3A_759] {strides = array<i32>} : memref<12800xf32, #tpu.memory_space<vmem>>, vector<16xf32>,
        tpu.vector_store %arg16[%swap3A_759], %add3A_754 {strides = array<i32>} : memref<12800xf32, #tpu.memory_space<vmem>>, vector<16xf32>,
        %add3A_761 = arith.constant 0 : i32
        %add3A_762 = arith.addi %mul3A_392, %add3A_761 : i32
        %add3A_763 = arith.constant 2 : i32
        %add3A_764 = arith.addi %add3A_762, %add3A_763 : i32
        %mul3A_765 = arith.constant 1.562500e-02 : f32
        %mul3A_766 = arith.mulf %reduce_sum3A_552, %mul3A_765 : f32
        %mul3A_767 = arith.constant 1.562500e-02 : f32
        %mul3A_768 = arith.mulf %reduce_sum3A_556, %mul3A_767 : f32
        %mul3A_769 = arith.mulf %mul3A_766, %mul3A_766 : f32
        %sub3A_770 = arith.subf %mul3A_768, %mul3A_769 : f32
        %add3A_771 = arith.constant 9.99999974E-6 : f32
        %add3A_772 = arith.addf %sub3A_770, %add3A_771 : f32
        %broadcast_in_dim3A_773 = vector.broadcast %add3A_772 : f32 to vector<16xf32>
        %bitcast_convert_type3A_774 = tpu.bitcast %broadcast_in_dim3A_773 : vector<16xf32> -> vector<16xi32>
        %shift_right_logical3A_775 = arith.constant 1 : i32
        %shift_right_logical3A_776 = vector.broadcast %shift_right_logical3A_775 : i32 to vector<16xi32>
        %shift_right_logical3A_777 = arith.shrui %bitcast_convert_type3A_774, %shift_right_logical3A_776 : vector<16xi32>
        %sub3A_778 = arith.constant 1597463007 : i32
        %sub3A_779 = vector.broadcast %sub3A_778 : i32 to vector<16xi32>
        %sub3A_780 = arith.subi %sub3A_779, %shift_right_logical3A_777 : vector<16xi32>
        %bitcast_convert_type3A_781 = tpu.bitcast %sub3A_780 : vector<16xi32> -> vector<16xf32>
        %mul3A_782 = arith.constant 5.000000e-01 : f32
        %mul3A_783 = vector.broadcast %mul3A_782 : f32 to vector<16xf32>
        %mul3A_784 = arith.mulf %mul3A_783, %broadcast_in_dim3A_773 : vector<16xf32>
        %mul3A_785 = arith.mulf %mul3A_784, %bitcast_convert_type3A_781 : vector<16xf32>
        %mul3A_786 = arith.mulf %mul3A_785, %bitcast_convert_type3A_781 : vector<16xf32>
        %sub3A_787 = arith.constant 1.500000e+00 : f32
        %sub3A_788 = vector.broadcast %sub3A_787 : f32 to vector<16xf32>
        %sub3A_789 = arith.subf %sub3A_788, %mul3A_786 : vector<16xf32>
        %mul3A_790 = arith.mulf %bitcast_convert_type3A_781, %sub3A_789 : vector<16xf32>
        %mul3A_791 = arith.mulf %mul3A_784, %mul3A_790 : vector<16xf32>
        %mul3A_792 = arith.mulf %mul3A_791, %mul3A_790 : vector<16xf32>
        %sub3A_793 = arith.constant 1.500000e+00 : f32
        %sub3A_794 = vector.broadcast %sub3A_793 : f32 to vector<16xf32>
        %sub3A_795 = arith.subf %sub3A_794, %mul3A_792 : vector<16xf32>
        %mul3A_796 = arith.mulf %mul3A_790, %sub3A_795 : vector<16xf32>
        %broadcast_in_dim3A_797 = vector.broadcast %mul3A_766 : f32 to vector<16xf32>
        %sub3A_798 = arith.subf %add3A_517, %broadcast_in_dim3A_797 : vector<16xf32>
        %mul3A_799 = arith.mulf %sub3A_798, %mul3A_796 : vector<16xf32>
        %mul3A_800 = arith.mulf %mul3A_799, %get3A_35 : vector<16xf32>
        %add3A_801 = arith.addf %mul3A_800, %get3A_43 : vector<16xf32>
        %mul3A_802 = arith.constant 64 : i32
        %mul3A_803 = arith.muli %add3A_764, %mul3A_802 : i32
        %add3A_804 = arith.constant 0 : i32
        %add3A_805 = arith.addi %mul3A_803, %add3A_804 : i32
        %swap3A_806 = arith.index_cast %add3A_805 : i32 to index
        %swap3A_807 = tpu.vector_load %arg16[%swap3A_806] {strides = array<i32>} : memref<12800xf32, #tpu.memory_space<vmem>>, vector<16xf32>,
        tpu.vector_store %arg16[%swap3A_806], %add3A_801 {strides = array<i32>} : memref<12800xf32, #tpu.memory_space<vmem>>, vector<16xf32>,
        %sub3A_808 = arith.subf %add3A_524, %broadcast_in_dim3A_797 : vector<16xf32>
        %mul3A_809 = arith.mulf %sub3A_808, %mul3A_796 : vector<16xf32>
        %mul3A_810 = arith.mulf %mul3A_809, %get3A_37 : vector<16xf32>
        %add3A_811 = arith.addf %mul3A_810, %get3A_45 : vector<16xf32>
        %mul3A_812 = arith.constant 64 : i32
        %mul3A_813 = arith.muli %add3A_764, %mul3A_812 : i32
        %add3A_814 = arith.constant 16 : i32
        %add3A_815 = arith.addi %mul3A_813, %add3A_814 : i32
        %swap3A_816 = arith.index_cast %add3A_815 : i32 to index
        %swap3A_817 = tpu.vector_load %arg16[%swap3A_816] {strides = array<i32>} : memref<12800xf32, #tpu.memory_space<vmem>>, vector<16xf32>,
        tpu.vector_store %arg16[%swap3A_816], %add3A_811 {strides = array<i32>} : memref<12800xf32, #tpu.memory_space<vmem>>, vector<16xf32>,
        %sub3A_818 = arith.subf %add3A_531, %broadcast_in_dim3A_797 : vector<16xf32>
        %mul3A_819 = arith.mulf %sub3A_818, %mul3A_796 : vector<16xf32>
        %mul3A_820 = arith.mulf %mul3A_819, %get3A_39 : vector<16xf32>
        %add3A_821 = arith.addf %mul3A_820, %get3A_47 : vector<16xf32>
        %mul3A_822 = arith.constant 64 : i32
        %mul3A_823 = arith.muli %add3A_764, %mul3A_822 : i32
        %add3A_824 = arith.constant 32 : i32
        %add3A_825 = arith.addi %mul3A_823, %add3A_824 : i32
        %swap3A_826 = arith.index_cast %add3A_825 : i32 to index
        %swap3A_827 = tpu.vector_load %arg16[%swap3A_826] {strides = array<i32>} : memref<12800xf32, #tpu.memory_space<vmem>>, vector<16xf32>,
        tpu.vector_store %arg16[%swap3A_826], %add3A_821 {strides = array<i32>} : memref<12800xf32, #tpu.memory_space<vmem>>, vector<16xf32>,
        %sub3A_828 = arith.subf %add3A_538, %broadcast_in_dim3A_797 : vector<16xf32>
        %mul3A_829 = arith.mulf %sub3A_828, %mul3A_796 : vector<16xf32>
        %mul3A_830 = arith.mulf %mul3A_829, %get3A_41 : vector<16xf32>
        %add3A_831 = arith.addf %mul3A_830, %get3A_49 : vector<16xf32>
        %mul3A_832 = arith.constant 64 : i32
        %mul3A_833 = arith.muli %add3A_764, %mul3A_832 : i32
        %add3A_834 = arith.constant 48 : i32
        %add3A_835 = arith.addi %mul3A_833, %add3A_834 : i32
        %swap3A_836 = arith.index_cast %add3A_835 : i32 to index
        %swap3A_837 = tpu.vector_load %arg16[%swap3A_836] {strides = array<i32>} : memref<12800xf32, #tpu.memory_space<vmem>>, vector<16xf32>,
        tpu.vector_store %arg16[%swap3A_836], %add3A_831 {strides = array<i32>} : memref<12800xf32, #tpu.memory_space<vmem>>, vector<16xf32>,
        %add3A_838 = arith.constant 0 : i32
        %add3A_839 = arith.addi %mul3A_392, %add3A_838 : i32
        %add3A_840 = arith.constant 3 : i32
        %add3A_841 = arith.addi %add3A_839, %add3A_840 : i32
        %mul3A_842 = arith.constant 1.562500e-02 : f32
        %mul3A_843 = arith.mulf %reduce_sum3A_607, %mul3A_842 : f32
        %mul3A_844 = arith.constant 1.562500e-02 : f32
        %mul3A_845 = arith.mulf %reduce_sum3A_611, %mul3A_844 : f32
        %mul3A_846 = arith.mulf %mul3A_843, %mul3A_843 : f32
        %sub3A_847 = arith.subf %mul3A_845, %mul3A_846 : f32
        %add3A_848 = arith.constant 9.99999974E-6 : f32
        %add3A_849 = arith.addf %sub3A_847, %add3A_848 : f32
        %broadcast_in_dim3A_850 = vector.broadcast %add3A_849 : f32 to vector<16xf32>
        %bitcast_convert_type3A_851 = tpu.bitcast %broadcast_in_dim3A_850 : vector<16xf32> -> vector<16xi32>
        %shift_right_logical3A_852 = arith.constant 1 : i32
        %shift_right_logical3A_853 = vector.broadcast %shift_right_logical3A_852 : i32 to vector<16xi32>
        %shift_right_logical3A_854 = arith.shrui %bitcast_convert_type3A_851, %shift_right_logical3A_853 : vector<16xi32>
        %sub3A_855 = arith.constant 1597463007 : i32
        %sub3A_856 = vector.broadcast %sub3A_855 : i32 to vector<16xi32>
        %sub3A_857 = arith.subi %sub3A_856, %shift_right_logical3A_854 : vector<16xi32>
        %bitcast_convert_type3A_858 = tpu.bitcast %sub3A_857 : vector<16xi32> -> vector<16xf32>
        %mul3A_859 = arith.constant 5.000000e-01 : f32
        %mul3A_860 = vector.broadcast %mul3A_859 : f32 to vector<16xf32>
        %mul3A_861 = arith.mulf %mul3A_860, %broadcast_in_dim3A_850 : vector<16xf32>
        %mul3A_862 = arith.mulf %mul3A_861, %bitcast_convert_type3A_858 : vector<16xf32>
        %mul3A_863 = arith.mulf %mul3A_862, %bitcast_convert_type3A_858 : vector<16xf32>
        %sub3A_864 = arith.constant 1.500000e+00 : f32
        %sub3A_865 = vector.broadcast %sub3A_864 : f32 to vector<16xf32>
        %sub3A_866 = arith.subf %sub3A_865, %mul3A_863 : vector<16xf32>
        %mul3A_867 = arith.mulf %bitcast_convert_type3A_858, %sub3A_866 : vector<16xf32>
        %mul3A_868 = arith.mulf %mul3A_861, %mul3A_867 : vector<16xf32>
        %mul3A_869 = arith.mulf %mul3A_868, %mul3A_867 : vector<16xf32>
        %sub3A_870 = arith.constant 1.500000e+00 : f32
        %sub3A_871 = vector.broadcast %sub3A_870 : f32 to vector<16xf32>
        %sub3A_872 = arith.subf %sub3A_871, %mul3A_869 : vector<16xf32>
        %mul3A_873 = arith.mulf %mul3A_867, %sub3A_872 : vector<16xf32>
        %broadcast_in_dim3A_874 = vector.broadcast %mul3A_843 : f32 to vector<16xf32>
        %sub3A_875 = arith.subf %add3A_572, %broadcast_in_dim3A_874 : vector<16xf32>
        %mul3A_876 = arith.mulf %sub3A_875, %mul3A_873 : vector<16xf32>
        %mul3A_877 = arith.mulf %mul3A_876, %get3A_35 : vector<16xf32>
        %add3A_878 = arith.addf %mul3A_877, %get3A_43 : vector<16xf32>
        %mul3A_879 = arith.constant 64 : i32
        %mul3A_880 = arith.muli %add3A_841, %mul3A_879 : i32
        %add3A_881 = arith.constant 0 : i32
        %add3A_882 = arith.addi %mul3A_880, %add3A_881 : i32
        %swap3A_883 = arith.index_cast %add3A_882 : i32 to index
        %swap3A_884 = tpu.vector_load %arg16[%swap3A_883] {strides = array<i32>} : memref<12800xf32, #tpu.memory_space<vmem>>, vector<16xf32>,
        tpu.vector_store %arg16[%swap3A_883], %add3A_878 {strides = array<i32>} : memref<12800xf32, #tpu.memory_space<vmem>>, vector<16xf32>,
        %sub3A_885 = arith.subf %add3A_579, %broadcast_in_dim3A_874 : vector<16xf32>
        %mul3A_886 = arith.mulf %sub3A_885, %mul3A_873 : vector<16xf32>
        %mul3A_887 = arith.mulf %mul3A_886, %get3A_37 : vector<16xf32>
        %add3A_888 = arith.addf %mul3A_887, %get3A_45 : vector<16xf32>
        %mul3A_889 = arith.constant 64 : i32
        %mul3A_890 = arith.muli %add3A_841, %mul3A_889 : i32
        %add3A_891 = arith.constant 16 : i32
        %add3A_892 = arith.addi %mul3A_890, %add3A_891 : i32
        %swap3A_893 = arith.index_cast %add3A_892 : i32 to index
        %swap3A_894 = tpu.vector_load %arg16[%swap3A_893] {strides = array<i32>} : memref<12800xf32, #tpu.memory_space<vmem>>, vector<16xf32>,
        tpu.vector_store %arg16[%swap3A_893], %add3A_888 {strides = array<i32>} : memref<12800xf32, #tpu.memory_space<vmem>>, vector<16xf32>,
        %sub3A_895 = arith.subf %add3A_586, %broadcast_in_dim3A_874 : vector<16xf32>
        %mul3A_896 = arith.mulf %sub3A_895, %mul3A_873 : vector<16xf32>
        %mul3A_897 = arith.mulf %mul3A_896, %get3A_39 : vector<16xf32>
        %add3A_898 = arith.addf %mul3A_897, %get3A_47 : vector<16xf32>
        %mul3A_899 = arith.constant 64 : i32
        %mul3A_900 = arith.muli %add3A_841, %mul3A_899 : i32
        %add3A_901 = arith.constant 32 : i32
        %add3A_902 = arith.addi %mul3A_900, %add3A_901 : i32
        %swap3A_903 = arith.index_cast %add3A_902 : i32 to index
        %swap3A_904 = tpu.vector_load %arg16[%swap3A_903] {strides = array<i32>} : memref<12800xf32, #tpu.memory_space<vmem>>, vector<16xf32>,
        tpu.vector_store %arg16[%swap3A_903], %add3A_898 {strides = array<i32>} : memref<12800xf32, #tpu.memory_space<vmem>>, vector<16xf32>,
        %sub3A_905 = arith.subf %add3A_593, %broadcast_in_dim3A_874 : vector<16xf32>
        %mul3A_906 = arith.mulf %sub3A_905, %mul3A_873 : vector<16xf32>
        %mul3A_907 = arith.mulf %mul3A_906, %get3A_41 : vector<16xf32>
        %add3A_908 = arith.addf %mul3A_907, %get3A_49 : vector<16xf32>
        %mul3A_909 = arith.constant 64 : i32
        %mul3A_910 = arith.muli %add3A_841, %mul3A_909 : i32
        %add3A_911 = arith.constant 48 : i32
        %add3A_912 = arith.addi %mul3A_910, %add3A_911 : i32
        %swap3A_913 = arith.index_cast %add3A_912 : i32 to index
        %swap3A_914 = tpu.vector_load %arg16[%swap3A_913] {strides = array<i32>} : memref<12800xf32, #tpu.memory_space<vmem>>, vector<16xf32>,
        tpu.vector_store %arg16[%swap3A_913], %add3A_908 {strides = array<i32>} : memref<12800xf32, #tpu.memory_space<vmem>>, vector<16xf32>,
        %add3A_915 = arith.constant 4 : i32
        %add3A_916 = arith.addi %mul3A_392, %add3A_915 : i32
        %add3A_917 = arith.constant 0 : i32
        %add3A_918 = arith.addi %add3A_916, %add3A_917 : i32
        %slice3A_919 = vector.extract_strided_slice %get3A_394 {offsets = [4], sizes = [1], strides = [1]} : vector<16xi32> to vector<1xi32>
        %squeeze3A_920 = vector.extract %slice3A_919[0] : i32 from vector<1xi32>
        %mul3A_921 = arith.constant 200 : i32
        %mul3A_922 = arith.muli %squeeze3A_920, %mul3A_921 : i32
        %add3A_923 = arith.addi %mul3A_922, %add3A_918 : i32
        %get3A_924 = arith.index_cast %add3A_918 : i32 to index
        %get3A_925 = arith.constant 0 : index
        %get3A_926 = tpu.vector_load %arg14[%get3A_924, %get3A_925] {strides = array<i32>} : memref<200x128xf32, #tpu.memory_space<vmem>>, vector<16xf32>,
        %get3A_927 = arith.index_cast %add3A_923 : i32 to index
        %get3A_928 = arith.constant 0 : index
        %get3A_929 = tpu.vector_load %arg18[%get3A_927, %get3A_928] {strides = array<i32>} : memref<400x64xf32, #tpu.memory_space<vmem>>, vector<16xf32>,
        %add3A_930 = arith.addf %get3A_926, %get3A_929 : vector<16xf32>
        %get3A_931 = arith.index_cast %add3A_918 : i32 to index
        %get3A_932 = arith.constant 16 : index
        %get3A_933 = tpu.vector_load %arg14[%get3A_931, %get3A_932] {strides = array<i32>} : memref<200x128xf32, #tpu.memory_space<vmem>>, vector<16xf32>,
        %get3A_934 = arith.index_cast %add3A_923 : i32 to index
        %get3A_935 = arith.constant 16 : index
        %get3A_936 = tpu.vector_load %arg18[%get3A_934, %get3A_935] {strides = array<i32>} : memref<400x64xf32, #tpu.memory_space<vmem>>, vector<16xf32>,
        %add3A_937 = arith.addf %get3A_933, %get3A_936 : vector<16xf32>
        %get3A_938 = arith.index_cast %add3A_918 : i32 to index
        %get3A_939 = arith.constant 32 : index
        %get3A_940 = tpu.vector_load %arg14[%get3A_938, %get3A_939] {strides = array<i32>} : memref<200x128xf32, #tpu.memory_space<vmem>>, vector<16xf32>,
        %get3A_941 = arith.index_cast %add3A_923 : i32 to index
        %get3A_942 = arith.constant 32 : index
        %get3A_943 = tpu.vector_load %arg18[%get3A_941, %get3A_942] {strides = array<i32>} : memref<400x64xf32, #tpu.memory_space<vmem>>, vector<16xf32>,
        %add3A_944 = arith.addf %get3A_940, %get3A_943 : vector<16xf32>
        %get3A_945 = arith.index_cast %add3A_918 : i32 to index
        %get3A_946 = arith.constant 48 : index
        %get3A_947 = tpu.vector_load %arg14[%get3A_945, %get3A_946] {strides = array<i32>} : memref<200x128xf32, #tpu.memory_space<vmem>>, vector<16xf32>,
        %get3A_948 = arith.index_cast %add3A_923 : i32 to index
        %get3A_949 = arith.constant 48 : index
        %get3A_950 = tpu.vector_load %arg18[%get3A_948, %get3A_949] {strides = array<i32>} : memref<400x64xf32, #tpu.memory_space<vmem>>, vector<16xf32>,
        %add3A_951 = arith.addf %get3A_947, %get3A_950 : vector<16xf32>
        %add3A_952 = arith.addf %add3A_930, %add3A_937 : vector<16xf32>
        %add3A_953 = arith.addf %add3A_944, %add3A_951 : vector<16xf32>
        %add3A_954 = arith.addf %add3A_952, %add3A_953 : vector<16xf32>
        %mul3A_955 = arith.mulf %add3A_930, %add3A_930 : vector<16xf32>
        %mul3A_956 = arith.mulf %add3A_937, %add3A_937 : vector<16xf32>
        %add3A_957 = arith.addf %mul3A_955, %mul3A_956 : vector<16xf32>
        %mul3A_958 = arith.mulf %add3A_944, %add3A_944 : vector<16xf32>
        %mul3A_959 = arith.mulf %add3A_951, %add3A_951 : vector<16xf32>
        %add3A_960 = arith.addf %mul3A_958, %mul3A_959 : vector<16xf32>
        %add3A_961 = arith.addf %add3A_957, %add3A_960 : vector<16xf32>
        %reduce_sum3A_962 = arith.constant true
        %reduce_sum3A_963 = vector.broadcast %reduce_sum3A_962 : i1 to vector<16xi1>
        %reduce_sum3A_964 = tpu.scan <sum>, %add3A_954 masked %reduce_sum3A_963 : vector<16xf32>, vector<16xi1> -> vector<16xf32>
        %reduce_sum3A_965 = vector.extract %reduce_sum3A_964[15] : f32 from vector<16xf32>
        %reduce_sum3A_966 = arith.constant true
        %reduce_sum3A_967 = vector.broadcast %reduce_sum3A_966 : i1 to vector<16xi1>
        %reduce_sum3A_968 = tpu.scan <sum>, %add3A_961 masked %reduce_sum3A_967 : vector<16xf32>, vector<16xi1> -> vector<16xf32>
        %reduce_sum3A_969 = vector.extract %reduce_sum3A_968[15] : f32 from vector<16xf32>
        %add3A_970 = arith.constant 4 : i32
        %add3A_971 = arith.addi %mul3A_392, %add3A_970 : i32
        %add3A_972 = arith.constant 1 : i32
        %add3A_973 = arith.addi %add3A_971, %add3A_972 : i32
        %slice3A_974 = vector.extract_strided_slice %get3A_394 {offsets = [5], sizes = [1], strides = [1]} : vector<16xi32> to vector<1xi32>
        %squeeze3A_975 = vector.extract %slice3A_974[0] : i32 from vector<1xi32>
        %mul3A_976 = arith.constant 200 : i32
        %mul3A_977 = arith.muli %squeeze3A_975, %mul3A_976 : i32
        %add3A_978 = arith.addi %mul3A_977, %add3A_973 : i32
        %get3A_979 = arith.index_cast %add3A_973 : i32 to index
        %get3A_980 = arith.constant 0 : index
        %get3A_981 = tpu.vector_load %arg14[%get3A_979, %get3A_980] {strides = array<i32>} : memref<200x128xf32, #tpu.memory_space<vmem>>, vector<16xf32>,
        %get3A_982 = arith.index_cast %add3A_978 : i32 to index
        %get3A_983 = arith.constant 0 : index
        %get3A_984 = tpu.vector_load %arg18[%get3A_982, %get3A_983] {strides = array<i32>} : memref<400x64xf32, #tpu.memory_space<vmem>>, vector<16xf32>,
        %add3A_985 = arith.addf %get3A_981, %get3A_984 : vector<16xf32>
        %get3A_986 = arith.index_cast %add3A_973 : i32 to index
        %get3A_987 = arith.constant 16 : index
        %get3A_988 = tpu.vector_load %arg14[%get3A_986, %get3A_987] {strides = array<i32>} : memref<200x128xf32, #tpu.memory_space<vmem>>, vector<16xf32>,
        %get3A_989 = arith.index_cast %add3A_978 : i32 to index
        %get3A_990 = arith.constant 16 : index
        %get3A_991 = tpu.vector_load %arg18[%get3A_989, %get3A_990] {strides = array<i32>} : memref<400x64xf32, #tpu.memory_space<vmem>>, vector<16xf32>,
        %add3A_992 = arith.addf %get3A_988, %get3A_991 : vector<16xf32>
        %get3A_993 = arith.index_cast %add3A_973 : i32 to index
        %get3A_994 = arith.constant 32 : index
        %get3A_995 = tpu.vector_load %arg14[%get3A_993, %get3A_994] {strides = array<i32>} : memref<200x128xf32, #tpu.memory_space<vmem>>, vector<16xf32>,
        %get3A_996 = arith.index_cast %add3A_978 : i32 to index
        %get3A_997 = arith.constant 32 : index
        %get3A_998 = tpu.vector_load %arg18[%get3A_996, %get3A_997] {strides = array<i32>} : memref<400x64xf32, #tpu.memory_space<vmem>>, vector<16xf32>,
        %add3A_999 = arith.addf %get3A_995, %get3A_998 : vector<16xf32>
        %get3A_1000 = arith.index_cast %add3A_973 : i32 to index
        %get3A_1001 = arith.constant 48 : index
        %get3A_1002 = tpu.vector_load %arg14[%get3A_1000, %get3A_1001] {strides = array<i32>} : memref<200x128xf32, #tpu.memory_space<vmem>>, vector<16xf32>,
        %get3A_1003 = arith.index_cast %add3A_978 : i32 to index
        %get3A_1004 = arith.constant 48 : index
        %get3A_1005 = tpu.vector_load %arg18[%get3A_1003, %get3A_1004] {strides = array<i32>} : memref<400x64xf32, #tpu.memory_space<vmem>>, vector<16xf32>,
        %add3A_1006 = arith.addf %get3A_1002, %get3A_1005 : vector<16xf32>
        %add3A_1007 = arith.addf %add3A_985, %add3A_992 : vector<16xf32>
        %add3A_1008 = arith.addf %add3A_999, %add3A_1006 : vector<16xf32>
        %add3A_1009 = arith.addf %add3A_1007, %add3A_1008 : vector<16xf32>
        %mul3A_1010 = arith.mulf %add3A_985, %add3A_985 : vector<16xf32>
        %mul3A_1011 = arith.mulf %add3A_992, %add3A_992 : vector<16xf32>
        %add3A_1012 = arith.addf %mul3A_1010, %mul3A_1011 : vector<16xf32>
        %mul3A_1013 = arith.mulf %add3A_999, %add3A_999 : vector<16xf32>
        %mul3A_1014 = arith.mulf %add3A_1006, %add3A_1006 : vector<16xf32>
        %add3A_1015 = arith.addf %mul3A_1013, %mul3A_1014 : vector<16xf32>
        %add3A_1016 = arith.addf %add3A_1012, %add3A_1015 : vector<16xf32>
        %reduce_sum3A_1017 = arith.constant true
        %reduce_sum3A_1018 = vector.broadcast %reduce_sum3A_1017 : i1 to vector<16xi1>
        %reduce_sum3A_1019 = tpu.scan <sum>, %add3A_1009 masked %reduce_sum3A_1018 : vector<16xf32>, vector<16xi1> -> vector<16xf32>
        %reduce_sum3A_1020 = vector.extract %reduce_sum3A_1019[15] : f32 from vector<16xf32>
        %reduce_sum3A_1021 = arith.constant true
        %reduce_sum3A_1022 = vector.broadcast %reduce_sum3A_1021 : i1 to vector<16xi1>
        %reduce_sum3A_1023 = tpu.scan <sum>, %add3A_1016 masked %reduce_sum3A_1022 : vector<16xf32>, vector<16xi1> -> vector<16xf32>
        %reduce_sum3A_1024 = vector.extract %reduce_sum3A_1023[15] : f32 from vector<16xf32>
        %add3A_1025 = arith.constant 4 : i32
        %add3A_1026 = arith.addi %mul3A_392, %add3A_1025 : i32
        %add3A_1027 = arith.constant 2 : i32
        %add3A_1028 = arith.addi %add3A_1026, %add3A_1027 : i32
        %slice3A_1029 = vector.extract_strided_slice %get3A_394 {offsets = [6], sizes = [1], strides = [1]} : vector<16xi32> to vector<1xi32>
        %squeeze3A_1030 = vector.extract %slice3A_1029[0] : i32 from vector<1xi32>
        %mul3A_1031 = arith.constant 200 : i32
        %mul3A_1032 = arith.muli %squeeze3A_1030, %mul3A_1031 : i32
        %add3A_1033 = arith.addi %mul3A_1032, %add3A_1028 : i32
        %get3A_1034 = arith.index_cast %add3A_1028 : i32 to index
        %get3A_1035 = arith.constant 0 : index
        %get3A_1036 = tpu.vector_load %arg14[%get3A_1034, %get3A_1035] {strides = array<i32>} : memref<200x128xf32, #tpu.memory_space<vmem>>, vector<16xf32>,
        %get3A_1037 = arith.index_cast %add3A_1033 : i32 to index
        %get3A_1038 = arith.constant 0 : index
        %get3A_1039 = tpu.vector_load %arg18[%get3A_1037, %get3A_1038] {strides = array<i32>} : memref<400x64xf32, #tpu.memory_space<vmem>>, vector<16xf32>,
        %add3A_1040 = arith.addf %get3A_1036, %get3A_1039 : vector<16xf32>
        %get3A_1041 = arith.index_cast %add3A_1028 : i32 to index
        %get3A_1042 = arith.constant 16 : index
        %get3A_1043 = tpu.vector_load %arg14[%get3A_1041, %get3A_1042] {strides = array<i32>} : memref<200x128xf32, #tpu.memory_space<vmem>>, vector<16xf32>,
        %get3A_1044 = arith.index_cast %add3A_1033 : i32 to index
        %get3A_1045 = arith.constant 16 : index
        %get3A_1046 = tpu.vector_load %arg18[%get3A_1044, %get3A_1045] {strides = array<i32>} : memref<400x64xf32, #tpu.memory_space<vmem>>, vector<16xf32>,
        %add3A_1047 = arith.addf %get3A_1043, %get3A_1046 : vector<16xf32>
        %get3A_1048 = arith.index_cast %add3A_1028 : i32 to index
        %get3A_1049 = arith.constant 32 : index
        %get3A_1050 = tpu.vector_load %arg14[%get3A_1048, %get3A_1049] {strides = array<i32>} : memref<200x128xf32, #tpu.memory_space<vmem>>, vector<16xf32>,
        %get3A_1051 = arith.index_cast %add3A_1033 : i32 to index
        %get3A_1052 = arith.constant 32 : index
        %get3A_1053 = tpu.vector_load %arg18[%get3A_1051, %get3A_1052] {strides = array<i32>} : memref<400x64xf32, #tpu.memory_space<vmem>>, vector<16xf32>,
        %add3A_1054 = arith.addf %get3A_1050, %get3A_1053 : vector<16xf32>
        %get3A_1055 = arith.index_cast %add3A_1028 : i32 to index
        %get3A_1056 = arith.constant 48 : index
        %get3A_1057 = tpu.vector_load %arg14[%get3A_1055, %get3A_1056] {strides = array<i32>} : memref<200x128xf32, #tpu.memory_space<vmem>>, vector<16xf32>,
        %get3A_1058 = arith.index_cast %add3A_1033 : i32 to index
        %get3A_1059 = arith.constant 48 : index
        %get3A_1060 = tpu.vector_load %arg18[%get3A_1058, %get3A_1059] {strides = array<i32>} : memref<400x64xf32, #tpu.memory_space<vmem>>, vector<16xf32>,
        %add3A_1061 = arith.addf %get3A_1057, %get3A_1060 : vector<16xf32>
        %add3A_1062 = arith.addf %add3A_1040, %add3A_1047 : vector<16xf32>
        %add3A_1063 = arith.addf %add3A_1054, %add3A_1061 : vector<16xf32>
        %add3A_1064 = arith.addf %add3A_1062, %add3A_1063 : vector<16xf32>
        %mul3A_1065 = arith.mulf %add3A_1040, %add3A_1040 : vector<16xf32>
        %mul3A_1066 = arith.mulf %add3A_1047, %add3A_1047 : vector<16xf32>
        %add3A_1067 = arith.addf %mul3A_1065, %mul3A_1066 : vector<16xf32>
        %mul3A_1068 = arith.mulf %add3A_1054, %add3A_1054 : vector<16xf32>
        %mul3A_1069 = arith.mulf %add3A_1061, %add3A_1061 : vector<16xf32>
        %add3A_1070 = arith.addf %mul3A_1068, %mul3A_1069 : vector<16xf32>
        %add3A_1071 = arith.addf %add3A_1067, %add3A_1070 : vector<16xf32>
        %reduce_sum3A_1072 = arith.constant true
        %reduce_sum3A_1073 = vector.broadcast %reduce_sum3A_1072 : i1 to vector<16xi1>
        %reduce_sum3A_1074 = tpu.scan <sum>, %add3A_1064 masked %reduce_sum3A_1073 : vector<16xf32>, vector<16xi1> -> vector<16xf32>
        %reduce_sum3A_1075 = vector.extract %reduce_sum3A_1074[15] : f32 from vector<16xf32>
        %reduce_sum3A_1076 = arith.constant true
        %reduce_sum3A_1077 = vector.broadcast %reduce_sum3A_1076 : i1 to vector<16xi1>
        %reduce_sum3A_1078 = tpu.scan <sum>, %add3A_1071 masked %reduce_sum3A_1077 : vector<16xf32>, vector<16xi1> -> vector<16xf32>
        %reduce_sum3A_1079 = vector.extract %reduce_sum3A_1078[15] : f32 from vector<16xf32>
        %add3A_1080 = arith.constant 4 : i32
        %add3A_1081 = arith.addi %mul3A_392, %add3A_1080 : i32
        %add3A_1082 = arith.constant 3 : i32
        %add3A_1083 = arith.addi %add3A_1081, %add3A_1082 : i32
        %slice3A_1084 = vector.extract_strided_slice %get3A_394 {offsets = [7], sizes = [1], strides = [1]} : vector<16xi32> to vector<1xi32>
        %squeeze3A_1085 = vector.extract %slice3A_1084[0] : i32 from vector<1xi32>
        %mul3A_1086 = arith.constant 200 : i32
        %mul3A_1087 = arith.muli %squeeze3A_1085, %mul3A_1086 : i32
        %add3A_1088 = arith.addi %mul3A_1087, %add3A_1083 : i32
        %get3A_1089 = arith.index_cast %add3A_1083 : i32 to index
        %get3A_1090 = arith.constant 0 : index
        %get3A_1091 = tpu.vector_load %arg14[%get3A_1089, %get3A_1090] {strides = array<i32>} : memref<200x128xf32, #tpu.memory_space<vmem>>, vector<16xf32>,
        %get3A_1092 = arith.index_cast %add3A_1088 : i32 to index
        %get3A_1093 = arith.constant 0 : index
        %get3A_1094 = tpu.vector_load %arg18[%get3A_1092, %get3A_1093] {strides = array<i32>} : memref<400x64xf32, #tpu.memory_space<vmem>>, vector<16xf32>,
        %add3A_1095 = arith.addf %get3A_1091, %get3A_1094 : vector<16xf32>
        %get3A_1096 = arith.index_cast %add3A_1083 : i32 to index
        %get3A_1097 = arith.constant 16 : index
        %get3A_1098 = tpu.vector_load %arg14[%get3A_1096, %get3A_1097] {strides = array<i32>} : memref<200x128xf32, #tpu.memory_space<vmem>>, vector<16xf32>,
        %get3A_1099 = arith.index_cast %add3A_1088 : i32 to index
        %get3A_1100 = arith.constant 16 : index
        %get3A_1101 = tpu.vector_load %arg18[%get3A_1099, %get3A_1100] {strides = array<i32>} : memref<400x64xf32, #tpu.memory_space<vmem>>, vector<16xf32>,
        %add3A_1102 = arith.addf %get3A_1098, %get3A_1101 : vector<16xf32>
        %get3A_1103 = arith.index_cast %add3A_1083 : i32 to index
        %get3A_1104 = arith.constant 32 : index
        %get3A_1105 = tpu.vector_load %arg14[%get3A_1103, %get3A_1104] {strides = array<i32>} : memref<200x128xf32, #tpu.memory_space<vmem>>, vector<16xf32>,
        %get3A_1106 = arith.index_cast %add3A_1088 : i32 to index
        %get3A_1107 = arith.constant 32 : index
        %get3A_1108 = tpu.vector_load %arg18[%get3A_1106, %get3A_1107] {strides = array<i32>} : memref<400x64xf32, #tpu.memory_space<vmem>>, vector<16xf32>,
        %add3A_1109 = arith.addf %get3A_1105, %get3A_1108 : vector<16xf32>
        %get3A_1110 = arith.index_cast %add3A_1083 : i32 to index
        %get3A_1111 = arith.constant 48 : index
        %get3A_1112 = tpu.vector_load %arg14[%get3A_1110, %get3A_1111] {strides = array<i32>} : memref<200x128xf32, #tpu.memory_space<vmem>>, vector<16xf32>,
        %get3A_1113 = arith.index_cast %add3A_1088 : i32 to index
        %get3A_1114 = arith.constant 48 : index
        %get3A_1115 = tpu.vector_load %arg18[%get3A_1113, %get3A_1114] {strides = array<i32>} : memref<400x64xf32, #tpu.memory_space<vmem>>, vector<16xf32>,
        %add3A_1116 = arith.addf %get3A_1112, %get3A_1115 : vector<16xf32>
        %add3A_1117 = arith.addf %add3A_1095, %add3A_1102 : vector<16xf32>
        %add3A_1118 = arith.addf %add3A_1109, %add3A_1116 : vector<16xf32>
        %add3A_1119 = arith.addf %add3A_1117, %add3A_1118 : vector<16xf32>
        %mul3A_1120 = arith.mulf %add3A_1095, %add3A_1095 : vector<16xf32>
        %mul3A_1121 = arith.mulf %add3A_1102, %add3A_1102 : vector<16xf32>
        %add3A_1122 = arith.addf %mul3A_1120, %mul3A_1121 : vector<16xf32>
        %mul3A_1123 = arith.mulf %add3A_1109, %add3A_1109 : vector<16xf32>
        %mul3A_1124 = arith.mulf %add3A_1116, %add3A_1116 : vector<16xf32>
        %add3A_1125 = arith.addf %mul3A_1123, %mul3A_1124 : vector<16xf32>
        %add3A_1126 = arith.addf %add3A_1122, %add3A_1125 : vector<16xf32>
        %reduce_sum3A_1127 = arith.constant true
        %reduce_sum3A_1128 = vector.broadcast %reduce_sum3A_1127 : i1 to vector<16xi1>
        %reduce_sum3A_1129 = tpu.scan <sum>, %add3A_1119 masked %reduce_sum3A_1128 : vector<16xf32>, vector<16xi1> -> vector<16xf32>
        %reduce_sum3A_1130 = vector.extract %reduce_sum3A_1129[15] : f32 from vector<16xf32>
        %reduce_sum3A_1131 = arith.constant true
        %reduce_sum3A_1132 = vector.broadcast %reduce_sum3A_1131 : i1 to vector<16xi1>
        %reduce_sum3A_1133 = tpu.scan <sum>, %add3A_1126 masked %reduce_sum3A_1132 : vector<16xf32>, vector<16xi1> -> vector<16xf32>
        %reduce_sum3A_1134 = vector.extract %reduce_sum3A_1133[15] : f32 from vector<16xf32>
        %add3A_1135 = arith.constant 4 : i32
        %add3A_1136 = arith.addi %mul3A_392, %add3A_1135 : i32
        %add3A_1137 = arith.constant 0 : i32
        %add3A_1138 = arith.addi %add3A_1136, %add3A_1137 : i32
        %mul3A_1139 = arith.constant 1.562500e-02 : f32
        %mul3A_1140 = arith.mulf %reduce_sum3A_965, %mul3A_1139 : f32
        %mul3A_1141 = arith.constant 1.562500e-02 : f32
        %mul3A_1142 = arith.mulf %reduce_sum3A_969, %mul3A_1141 : f32
        %mul3A_1143 = arith.mulf %mul3A_1140, %mul3A_1140 : f32
        %sub3A_1144 = arith.subf %mul3A_1142, %mul3A_1143 : f32
        %add3A_1145 = arith.constant 9.99999974E-6 : f32
        %add3A_1146 = arith.addf %sub3A_1144, %add3A_1145 : f32
        %broadcast_in_dim3A_1147 = vector.broadcast %add3A_1146 : f32 to vector<16xf32>
        %bitcast_convert_type3A_1148 = tpu.bitcast %broadcast_in_dim3A_1147 : vector<16xf32> -> vector<16xi32>
        %shift_right_logical3A_1149 = arith.constant 1 : i32
        %shift_right_logical3A_1150 = vector.broadcast %shift_right_logical3A_1149 : i32 to vector<16xi32>
        %shift_right_logical3A_1151 = arith.shrui %bitcast_convert_type3A_1148, %shift_right_logical3A_1150 : vector<16xi32>
        %sub3A_1152 = arith.constant 1597463007 : i32
        %sub3A_1153 = vector.broadcast %sub3A_1152 : i32 to vector<16xi32>
        %sub3A_1154 = arith.subi %sub3A_1153, %shift_right_logical3A_1151 : vector<16xi32>
        %bitcast_convert_type3A_1155 = tpu.bitcast %sub3A_1154 : vector<16xi32> -> vector<16xf32>
        %mul3A_1156 = arith.constant 5.000000e-01 : f32
        %mul3A_1157 = vector.broadcast %mul3A_1156 : f32 to vector<16xf32>
        %mul3A_1158 = arith.mulf %mul3A_1157, %broadcast_in_dim3A_1147 : vector<16xf32>
        %mul3A_1159 = arith.mulf %mul3A_1158, %bitcast_convert_type3A_1155 : vector<16xf32>
        %mul3A_1160 = arith.mulf %mul3A_1159, %bitcast_convert_type3A_1155 : vector<16xf32>
        %sub3A_1161 = arith.constant 1.500000e+00 : f32
        %sub3A_1162 = vector.broadcast %sub3A_1161 : f32 to vector<16xf32>
        %sub3A_1163 = arith.subf %sub3A_1162, %mul3A_1160 : vector<16xf32>
        %mul3A_1164 = arith.mulf %bitcast_convert_type3A_1155, %sub3A_1163 : vector<16xf32>
        %mul3A_1165 = arith.mulf %mul3A_1158, %mul3A_1164 : vector<16xf32>
        %mul3A_1166 = arith.mulf %mul3A_1165, %mul3A_1164 : vector<16xf32>
        %sub3A_1167 = arith.constant 1.500000e+00 : f32
        %sub3A_1168 = vector.broadcast %sub3A_1167 : f32 to vector<16xf32>
        %sub3A_1169 = arith.subf %sub3A_1168, %mul3A_1166 : vector<16xf32>
        %mul3A_1170 = arith.mulf %mul3A_1164, %sub3A_1169 : vector<16xf32>
        %broadcast_in_dim3A_1171 = vector.broadcast %mul3A_1140 : f32 to vector<16xf32>
        %sub3A_1172 = arith.subf %add3A_930, %broadcast_in_dim3A_1171 : vector<16xf32>
        %mul3A_1173 = arith.mulf %sub3A_1172, %mul3A_1170 : vector<16xf32>
        %mul3A_1174 = arith.mulf %mul3A_1173, %get3A_35 : vector<16xf32>
        %add3A_1175 = arith.addf %mul3A_1174, %get3A_43 : vector<16xf32>
        %mul3A_1176 = arith.constant 64 : i32
        %mul3A_1177 = arith.muli %add3A_1138, %mul3A_1176 : i32
        %add3A_1178 = arith.constant 0 : i32
        %add3A_1179 = arith.addi %mul3A_1177, %add3A_1178 : i32
        %swap3A_1180 = arith.index_cast %add3A_1179 : i32 to index
        %swap3A_1181 = tpu.vector_load %arg16[%swap3A_1180] {strides = array<i32>} : memref<12800xf32, #tpu.memory_space<vmem>>, vector<16xf32>,
        tpu.vector_store %arg16[%swap3A_1180], %add3A_1175 {strides = array<i32>} : memref<12800xf32, #tpu.memory_space<vmem>>, vector<16xf32>,
        %sub3A_1182 = arith.subf %add3A_937, %broadcast_in_dim3A_1171 : vector<16xf32>
        %mul3A_1183 = arith.mulf %sub3A_1182, %mul3A_1170 : vector<16xf32>
        %mul3A_1184 = arith.mulf %mul3A_1183, %get3A_37 : vector<16xf32>
        %add3A_1185 = arith.addf %mul3A_1184, %get3A_45 : vector<16xf32>
        %mul3A_1186 = arith.constant 64 : i32
        %mul3A_1187 = arith.muli %add3A_1138, %mul3A_1186 : i32
        %add3A_1188 = arith.constant 16 : i32
        %add3A_1189 = arith.addi %mul3A_1187, %add3A_1188 : i32
        %swap3A_1190 = arith.index_cast %add3A_1189 : i32 to index
        %swap3A_1191 = tpu.vector_load %arg16[%swap3A_1190] {strides = array<i32>} : memref<12800xf32, #tpu.memory_space<vmem>>, vector<16xf32>,
        tpu.vector_store %arg16[%swap3A_1190], %add3A_1185 {strides = array<i32>} : memref<12800xf32, #tpu.memory_space<vmem>>, vector<16xf32>,
        %sub3A_1192 = arith.subf %add3A_944, %broadcast_in_dim3A_1171 : vector<16xf32>
        %mul3A_1193 = arith.mulf %sub3A_1192, %mul3A_1170 : vector<16xf32>
        %mul3A_1194 = arith.mulf %mul3A_1193, %get3A_39 : vector<16xf32>
        %add3A_1195 = arith.addf %mul3A_1194, %get3A_47 : vector<16xf32>
        %mul3A_1196 = arith.constant 64 : i32
        %mul3A_1197 = arith.muli %add3A_1138, %mul3A_1196 : i32
        %add3A_1198 = arith.constant 32 : i32
        %add3A_1199 = arith.addi %mul3A_1197, %add3A_1198 : i32
        %swap3A_1200 = arith.index_cast %add3A_1199 : i32 to index
        %swap3A_1201 = tpu.vector_load %arg16[%swap3A_1200] {strides = array<i32>} : memref<12800xf32, #tpu.memory_space<vmem>>, vector<16xf32>,
        tpu.vector_store %arg16[%swap3A_1200], %add3A_1195 {strides = array<i32>} : memref<12800xf32, #tpu.memory_space<vmem>>, vector<16xf32>,
        %sub3A_1202 = arith.subf %add3A_951, %broadcast_in_dim3A_1171 : vector<16xf32>
        %mul3A_1203 = arith.mulf %sub3A_1202, %mul3A_1170 : vector<16xf32>
        %mul3A_1204 = arith.mulf %mul3A_1203, %get3A_41 : vector<16xf32>
        %add3A_1205 = arith.addf %mul3A_1204, %get3A_49 : vector<16xf32>
        %mul3A_1206 = arith.constant 64 : i32
        %mul3A_1207 = arith.muli %add3A_1138, %mul3A_1206 : i32
        %add3A_1208 = arith.constant 48 : i32
        %add3A_1209 = arith.addi %mul3A_1207, %add3A_1208 : i32
        %swap3A_1210 = arith.index_cast %add3A_1209 : i32 to index
        %swap3A_1211 = tpu.vector_load %arg16[%swap3A_1210] {strides = array<i32>} : memref<12800xf32, #tpu.memory_space<vmem>>, vector<16xf32>,
        tpu.vector_store %arg16[%swap3A_1210], %add3A_1205 {strides = array<i32>} : memref<12800xf32, #tpu.memory_space<vmem>>, vector<16xf32>,
        %add3A_1212 = arith.constant 4 : i32
        %add3A_1213 = arith.addi %mul3A_392, %add3A_1212 : i32
        %add3A_1214 = arith.constant 1 : i32
        %add3A_1215 = arith.addi %add3A_1213, %add3A_1214 : i32
        %mul3A_1216 = arith.constant 1.562500e-02 : f32
        %mul3A_1217 = arith.mulf %reduce_sum3A_1020, %mul3A_1216 : f32
        %mul3A_1218 = arith.constant 1.562500e-02 : f32
        %mul3A_1219 = arith.mulf %reduce_sum3A_1024, %mul3A_1218 : f32
        %mul3A_1220 = arith.mulf %mul3A_1217, %mul3A_1217 : f32
        %sub3A_1221 = arith.subf %mul3A_1219, %mul3A_1220 : f32
        %add3A_1222 = arith.constant 9.99999974E-6 : f32
        %add3A_1223 = arith.addf %sub3A_1221, %add3A_1222 : f32
        %broadcast_in_dim3A_1224 = vector.broadcast %add3A_1223 : f32 to vector<16xf32>
        %bitcast_convert_type3A_1225 = tpu.bitcast %broadcast_in_dim3A_1224 : vector<16xf32> -> vector<16xi32>
        %shift_right_logical3A_1226 = arith.constant 1 : i32
        %shift_right_logical3A_1227 = vector.broadcast %shift_right_logical3A_1226 : i32 to vector<16xi32>
        %shift_right_logical3A_1228 = arith.shrui %bitcast_convert_type3A_1225, %shift_right_logical3A_1227 : vector<16xi32>
        %sub3A_1229 = arith.constant 1597463007 : i32
        %sub3A_1230 = vector.broadcast %sub3A_1229 : i32 to vector<16xi32>
        %sub3A_1231 = arith.subi %sub3A_1230, %shift_right_logical3A_1228 : vector<16xi32>
        %bitcast_convert_type3A_1232 = tpu.bitcast %sub3A_1231 : vector<16xi32> -> vector<16xf32>
        %mul3A_1233 = arith.constant 5.000000e-01 : f32
        %mul3A_1234 = vector.broadcast %mul3A_1233 : f32 to vector<16xf32>
        %mul3A_1235 = arith.mulf %mul3A_1234, %broadcast_in_dim3A_1224 : vector<16xf32>
        %mul3A_1236 = arith.mulf %mul3A_1235, %bitcast_convert_type3A_1232 : vector<16xf32>
        %mul3A_1237 = arith.mulf %mul3A_1236, %bitcast_convert_type3A_1232 : vector<16xf32>
        %sub3A_1238 = arith.constant 1.500000e+00 : f32
        %sub3A_1239 = vector.broadcast %sub3A_1238 : f32 to vector<16xf32>
        %sub3A_1240 = arith.subf %sub3A_1239, %mul3A_1237 : vector<16xf32>
        %mul3A_1241 = arith.mulf %bitcast_convert_type3A_1232, %sub3A_1240 : vector<16xf32>
        %mul3A_1242 = arith.mulf %mul3A_1235, %mul3A_1241 : vector<16xf32>
        %mul3A_1243 = arith.mulf %mul3A_1242, %mul3A_1241 : vector<16xf32>
        %sub3A_1244 = arith.constant 1.500000e+00 : f32
        %sub3A_1245 = vector.broadcast %sub3A_1244 : f32 to vector<16xf32>
        %sub3A_1246 = arith.subf %sub3A_1245, %mul3A_1243 : vector<16xf32>
        %mul3A_1247 = arith.mulf %mul3A_1241, %sub3A_1246 : vector<16xf32>
        %broadcast_in_dim3A_1248 = vector.broadcast %mul3A_1217 : f32 to vector<16xf32>
        %sub3A_1249 = arith.subf %add3A_985, %broadcast_in_dim3A_1248 : vector<16xf32>
        %mul3A_1250 = arith.mulf %sub3A_1249, %mul3A_1247 : vector<16xf32>
        %mul3A_1251 = arith.mulf %mul3A_1250, %get3A_35 : vector<16xf32>
        %add3A_1252 = arith.addf %mul3A_1251, %get3A_43 : vector<16xf32>
        %mul3A_1253 = arith.constant 64 : i32
        %mul3A_1254 = arith.muli %add3A_1215, %mul3A_1253 : i32
        %add3A_1255 = arith.constant 0 : i32
        %add3A_1256 = arith.addi %mul3A_1254, %add3A_1255 : i32
        %swap3A_1257 = arith.index_cast %add3A_1256 : i32 to index
        %swap3A_1258 = tpu.vector_load %arg16[%swap3A_1257] {strides = array<i32>} : memref<12800xf32, #tpu.memory_space<vmem>>, vector<16xf32>,
        tpu.vector_store %arg16[%swap3A_1257], %add3A_1252 {strides = array<i32>} : memref<12800xf32, #tpu.memory_space<vmem>>, vector<16xf32>,
        %sub3A_1259 = arith.subf %add3A_992, %broadcast_in_dim3A_1248 : vector<16xf32>
        %mul3A_1260 = arith.mulf %sub3A_1259, %mul3A_1247 : vector<16xf32>
        %mul3A_1261 = arith.mulf %mul3A_1260, %get3A_37 : vector<16xf32>
        %add3A_1262 = arith.addf %mul3A_1261, %get3A_45 : vector<16xf32>
        %mul3A_1263 = arith.constant 64 : i32
        %mul3A_1264 = arith.muli %add3A_1215, %mul3A_1263 : i32
        %add3A_1265 = arith.constant 16 : i32
        %add3A_1266 = arith.addi %mul3A_1264, %add3A_1265 : i32
        %swap3A_1267 = arith.index_cast %add3A_1266 : i32 to index
        %swap3A_1268 = tpu.vector_load %arg16[%swap3A_1267] {strides = array<i32>} : memref<12800xf32, #tpu.memory_space<vmem>>, vector<16xf32>,
        tpu.vector_store %arg16[%swap3A_1267], %add3A_1262 {strides = array<i32>} : memref<12800xf32, #tpu.memory_space<vmem>>, vector<16xf32>,
        %sub3A_1269 = arith.subf %add3A_999, %broadcast_in_dim3A_1248 : vector<16xf32>
        %mul3A_1270 = arith.mulf %sub3A_1269, %mul3A_1247 : vector<16xf32>
        %mul3A_1271 = arith.mulf %mul3A_1270, %get3A_39 : vector<16xf32>
        %add3A_1272 = arith.addf %mul3A_1271, %get3A_47 : vector<16xf32>
        %mul3A_1273 = arith.constant 64 : i32
        %mul3A_1274 = arith.muli %add3A_1215, %mul3A_1273 : i32
        %add3A_1275 = arith.constant 32 : i32
        %add3A_1276 = arith.addi %mul3A_1274, %add3A_1275 : i32
        %swap3A_1277 = arith.index_cast %add3A_1276 : i32 to index
        %swap3A_1278 = tpu.vector_load %arg16[%swap3A_1277] {strides = array<i32>} : memref<12800xf32, #tpu.memory_space<vmem>>, vector<16xf32>,
        tpu.vector_store %arg16[%swap3A_1277], %add3A_1272 {strides = array<i32>} : memref<12800xf32, #tpu.memory_space<vmem>>, vector<16xf32>,
        %sub3A_1279 = arith.subf %add3A_1006, %broadcast_in_dim3A_1248 : vector<16xf32>
        %mul3A_1280 = arith.mulf %sub3A_1279, %mul3A_1247 : vector<16xf32>
        %mul3A_1281 = arith.mulf %mul3A_1280, %get3A_41 : vector<16xf32>
        %add3A_1282 = arith.addf %mul3A_1281, %get3A_49 : vector<16xf32>
        %mul3A_1283 = arith.constant 64 : i32
        %mul3A_1284 = arith.muli %add3A_1215, %mul3A_1283 : i32
        %add3A_1285 = arith.constant 48 : i32
        %add3A_1286 = arith.addi %mul3A_1284, %add3A_1285 : i32
        %swap3A_1287 = arith.index_cast %add3A_1286 : i32 to index
        %swap3A_1288 = tpu.vector_load %arg16[%swap3A_1287] {strides = array<i32>} : memref<12800xf32, #tpu.memory_space<vmem>>, vector<16xf32>,
        tpu.vector_store %arg16[%swap3A_1287], %add3A_1282 {strides = array<i32>} : memref<12800xf32, #tpu.memory_space<vmem>>, vector<16xf32>,
        %add3A_1289 = arith.constant 4 : i32
        %add3A_1290 = arith.addi %mul3A_392, %add3A_1289 : i32
        %add3A_1291 = arith.constant 2 : i32
        %add3A_1292 = arith.addi %add3A_1290, %add3A_1291 : i32
        %mul3A_1293 = arith.constant 1.562500e-02 : f32
        %mul3A_1294 = arith.mulf %reduce_sum3A_1075, %mul3A_1293 : f32
        %mul3A_1295 = arith.constant 1.562500e-02 : f32
        %mul3A_1296 = arith.mulf %reduce_sum3A_1079, %mul3A_1295 : f32
        %mul3A_1297 = arith.mulf %mul3A_1294, %mul3A_1294 : f32
        %sub3A_1298 = arith.subf %mul3A_1296, %mul3A_1297 : f32
        %add3A_1299 = arith.constant 9.99999974E-6 : f32
        %add3A_1300 = arith.addf %sub3A_1298, %add3A_1299 : f32
        %broadcast_in_dim3A_1301 = vector.broadcast %add3A_1300 : f32 to vector<16xf32>
        %bitcast_convert_type3A_1302 = tpu.bitcast %broadcast_in_dim3A_1301 : vector<16xf32> -> vector<16xi32>
        %shift_right_logical3A_1303 = arith.constant 1 : i32
        %shift_right_logical3A_1304 = vector.broadcast %shift_right_logical3A_1303 : i32 to vector<16xi32>
        %shift_right_logical3A_1305 = arith.shrui %bitcast_convert_type3A_1302, %shift_right_logical3A_1304 : vector<16xi32>
        %sub3A_1306 = arith.constant 1597463007 : i32
        %sub3A_1307 = vector.broadcast %sub3A_1306 : i32 to vector<16xi32>
        %sub3A_1308 = arith.subi %sub3A_1307, %shift_right_logical3A_1305 : vector<16xi32>
        %bitcast_convert_type3A_1309 = tpu.bitcast %sub3A_1308 : vector<16xi32> -> vector<16xf32>
        %mul3A_1310 = arith.constant 5.000000e-01 : f32
        %mul3A_1311 = vector.broadcast %mul3A_1310 : f32 to vector<16xf32>
        %mul3A_1312 = arith.mulf %mul3A_1311, %broadcast_in_dim3A_1301 : vector<16xf32>
        %mul3A_1313 = arith.mulf %mul3A_1312, %bitcast_convert_type3A_1309 : vector<16xf32>
        %mul3A_1314 = arith.mulf %mul3A_1313, %bitcast_convert_type3A_1309 : vector<16xf32>
        %sub3A_1315 = arith.constant 1.500000e+00 : f32
        %sub3A_1316 = vector.broadcast %sub3A_1315 : f32 to vector<16xf32>
        %sub3A_1317 = arith.subf %sub3A_1316, %mul3A_1314 : vector<16xf32>
        %mul3A_1318 = arith.mulf %bitcast_convert_type3A_1309, %sub3A_1317 : vector<16xf32>
        %mul3A_1319 = arith.mulf %mul3A_1312, %mul3A_1318 : vector<16xf32>
        %mul3A_1320 = arith.mulf %mul3A_1319, %mul3A_1318 : vector<16xf32>
        %sub3A_1321 = arith.constant 1.500000e+00 : f32
        %sub3A_1322 = vector.broadcast %sub3A_1321 : f32 to vector<16xf32>
        %sub3A_1323 = arith.subf %sub3A_1322, %mul3A_1320 : vector<16xf32>
        %mul3A_1324 = arith.mulf %mul3A_1318, %sub3A_1323 : vector<16xf32>
        %broadcast_in_dim3A_1325 = vector.broadcast %mul3A_1294 : f32 to vector<16xf32>
        %sub3A_1326 = arith.subf %add3A_1040, %broadcast_in_dim3A_1325 : vector<16xf32>
        %mul3A_1327 = arith.mulf %sub3A_1326, %mul3A_1324 : vector<16xf32>
        %mul3A_1328 = arith.mulf %mul3A_1327, %get3A_35 : vector<16xf32>
        %add3A_1329 = arith.addf %mul3A_1328, %get3A_43 : vector<16xf32>
        %mul3A_1330 = arith.constant 64 : i32
        %mul3A_1331 = arith.muli %add3A_1292, %mul3A_1330 : i32
        %add3A_1332 = arith.constant 0 : i32
        %add3A_1333 = arith.addi %mul3A_1331, %add3A_1332 : i32
        %swap3A_1334 = arith.index_cast %add3A_1333 : i32 to index
        %swap3A_1335 = tpu.vector_load %arg16[%swap3A_1334] {strides = array<i32>} : memref<12800xf32, #tpu.memory_space<vmem>>, vector<16xf32>,
        tpu.vector_store %arg16[%swap3A_1334], %add3A_1329 {strides = array<i32>} : memref<12800xf32, #tpu.memory_space<vmem>>, vector<16xf32>,
        %sub3A_1336 = arith.subf %add3A_1047, %broadcast_in_dim3A_1325 : vector<16xf32>
        %mul3A_1337 = arith.mulf %sub3A_1336, %mul3A_1324 : vector<16xf32>
        %mul3A_1338 = arith.mulf %mul3A_1337, %get3A_37 : vector<16xf32>
        %add3A_1339 = arith.addf %mul3A_1338, %get3A_45 : vector<16xf32>
        %mul3A_1340 = arith.constant 64 : i32
        %mul3A_1341 = arith.muli %add3A_1292, %mul3A_1340 : i32
        %add3A_1342 = arith.constant 16 : i32
        %add3A_1343 = arith.addi %mul3A_1341, %add3A_1342 : i32
        %swap3A_1344 = arith.index_cast %add3A_1343 : i32 to index
        %swap3A_1345 = tpu.vector_load %arg16[%swap3A_1344] {strides = array<i32>} : memref<12800xf32, #tpu.memory_space<vmem>>, vector<16xf32>,
        tpu.vector_store %arg16[%swap3A_1344], %add3A_1339 {strides = array<i32>} : memref<12800xf32, #tpu.memory_space<vmem>>, vector<16xf32>,
        %sub3A_1346 = arith.subf %add3A_1054, %broadcast_in_dim3A_1325 : vector<16xf32>
        %mul3A_1347 = arith.mulf %sub3A_1346, %mul3A_1324 : vector<16xf32>
        %mul3A_1348 = arith.mulf %mul3A_1347, %get3A_39 : vector<16xf32>
        %add3A_1349 = arith.addf %mul3A_1348, %get3A_47 : vector<16xf32>
        %mul3A_1350 = arith.constant 64 : i32
        %mul3A_1351 = arith.muli %add3A_1292, %mul3A_1350 : i32
        %add3A_1352 = arith.constant 32 : i32
        %add3A_1353 = arith.addi %mul3A_1351, %add3A_1352 : i32
        %swap3A_1354 = arith.index_cast %add3A_1353 : i32 to index
        %swap3A_1355 = tpu.vector_load %arg16[%swap3A_1354] {strides = array<i32>} : memref<12800xf32, #tpu.memory_space<vmem>>, vector<16xf32>,
        tpu.vector_store %arg16[%swap3A_1354], %add3A_1349 {strides = array<i32>} : memref<12800xf32, #tpu.memory_space<vmem>>, vector<16xf32>,
        %sub3A_1356 = arith.subf %add3A_1061, %broadcast_in_dim3A_1325 : vector<16xf32>
        %mul3A_1357 = arith.mulf %sub3A_1356, %mul3A_1324 : vector<16xf32>
        %mul3A_1358 = arith.mulf %mul3A_1357, %get3A_41 : vector<16xf32>
        %add3A_1359 = arith.addf %mul3A_1358, %get3A_49 : vector<16xf32>
        %mul3A_1360 = arith.constant 64 : i32
        %mul3A_1361 = arith.muli %add3A_1292, %mul3A_1360 : i32
        %add3A_1362 = arith.constant 48 : i32
        %add3A_1363 = arith.addi %mul3A_1361, %add3A_1362 : i32
        %swap3A_1364 = arith.index_cast %add3A_1363 : i32 to index
        %swap3A_1365 = tpu.vector_load %arg16[%swap3A_1364] {strides = array<i32>} : memref<12800xf32, #tpu.memory_space<vmem>>, vector<16xf32>,
        tpu.vector_store %arg16[%swap3A_1364], %add3A_1359 {strides = array<i32>} : memref<12800xf32, #tpu.memory_space<vmem>>, vector<16xf32>,
        %add3A_1366 = arith.constant 4 : i32
        %add3A_1367 = arith.addi %mul3A_392, %add3A_1366 : i32
        %add3A_1368 = arith.constant 3 : i32
        %add3A_1369 = arith.addi %add3A_1367, %add3A_1368 : i32
        %mul3A_1370 = arith.constant 1.562500e-02 : f32
        %mul3A_1371 = arith.mulf %reduce_sum3A_1130, %mul3A_1370 : f32
        %mul3A_1372 = arith.constant 1.562500e-02 : f32
        %mul3A_1373 = arith.mulf %reduce_sum3A_1134, %mul3A_1372 : f32
        %mul3A_1374 = arith.mulf %mul3A_1371, %mul3A_1371 : f32
        %sub3A_1375 = arith.subf %mul3A_1373, %mul3A_1374 : f32
        %add3A_1376 = arith.constant 9.99999974E-6 : f32
        %add3A_1377 = arith.addf %sub3A_1375, %add3A_1376 : f32
        %broadcast_in_dim3A_1378 = vector.broadcast %add3A_1377 : f32 to vector<16xf32>
        %bitcast_convert_type3A_1379 = tpu.bitcast %broadcast_in_dim3A_1378 : vector<16xf32> -> vector<16xi32>
        %shift_right_logical3A_1380 = arith.constant 1 : i32
        %shift_right_logical3A_1381 = vector.broadcast %shift_right_logical3A_1380 : i32 to vector<16xi32>
        %shift_right_logical3A_1382 = arith.shrui %bitcast_convert_type3A_1379, %shift_right_logical3A_1381 : vector<16xi32>
        %sub3A_1383 = arith.constant 1597463007 : i32
        %sub3A_1384 = vector.broadcast %sub3A_1383 : i32 to vector<16xi32>
        %sub3A_1385 = arith.subi %sub3A_1384, %shift_right_logical3A_1382 : vector<16xi32>
        %bitcast_convert_type3A_1386 = tpu.bitcast %sub3A_1385 : vector<16xi32> -> vector<16xf32>
        %mul3A_1387 = arith.constant 5.000000e-01 : f32
        %mul3A_1388 = vector.broadcast %mul3A_1387 : f32 to vector<16xf32>
        %mul3A_1389 = arith.mulf %mul3A_1388, %broadcast_in_dim3A_1378 : vector<16xf32>
        %mul3A_1390 = arith.mulf %mul3A_1389, %bitcast_convert_type3A_1386 : vector<16xf32>
        %mul3A_1391 = arith.mulf %mul3A_1390, %bitcast_convert_type3A_1386 : vector<16xf32>
        %sub3A_1392 = arith.constant 1.500000e+00 : f32
        %sub3A_1393 = vector.broadcast %sub3A_1392 : f32 to vector<16xf32>
        %sub3A_1394 = arith.subf %sub3A_1393, %mul3A_1391 : vector<16xf32>
        %mul3A_1395 = arith.mulf %bitcast_convert_type3A_1386, %sub3A_1394 : vector<16xf32>
        %mul3A_1396 = arith.mulf %mul3A_1389, %mul3A_1395 : vector<16xf32>
        %mul3A_1397 = arith.mulf %mul3A_1396, %mul3A_1395 : vector<16xf32>
        %sub3A_1398 = arith.constant 1.500000e+00 : f32
        %sub3A_1399 = vector.broadcast %sub3A_1398 : f32 to vector<16xf32>
        %sub3A_1400 = arith.subf %sub3A_1399, %mul3A_1397 : vector<16xf32>
        %mul3A_1401 = arith.mulf %mul3A_1395, %sub3A_1400 : vector<16xf32>
        %broadcast_in_dim3A_1402 = vector.broadcast %mul3A_1371 : f32 to vector<16xf32>
        %sub3A_1403 = arith.subf %add3A_1095, %broadcast_in_dim3A_1402 : vector<16xf32>
        %mul3A_1404 = arith.mulf %sub3A_1403, %mul3A_1401 : vector<16xf32>
        %mul3A_1405 = arith.mulf %mul3A_1404, %get3A_35 : vector<16xf32>
        %add3A_1406 = arith.addf %mul3A_1405, %get3A_43 : vector<16xf32>
        %mul3A_1407 = arith.constant 64 : i32
        %mul3A_1408 = arith.muli %add3A_1369, %mul3A_1407 : i32
        %add3A_1409 = arith.constant 0 : i32
        %add3A_1410 = arith.addi %mul3A_1408, %add3A_1409 : i32
        %swap3A_1411 = arith.index_cast %add3A_1410 : i32 to index
        %swap3A_1412 = tpu.vector_load %arg16[%swap3A_1411] {strides = array<i32>} : memref<12800xf32, #tpu.memory_space<vmem>>, vector<16xf32>,
        tpu.vector_store %arg16[%swap3A_1411], %add3A_1406 {strides = array<i32>} : memref<12800xf32, #tpu.memory_space<vmem>>, vector<16xf32>,
        %sub3A_1413 = arith.subf %add3A_1102, %broadcast_in_dim3A_1402 : vector<16xf32>
        %mul3A_1414 = arith.mulf %sub3A_1413, %mul3A_1401 : vector<16xf32>
        %mul3A_1415 = arith.mulf %mul3A_1414, %get3A_37 : vector<16xf32>
        %add3A_1416 = arith.addf %mul3A_1415, %get3A_45 : vector<16xf32>
        %mul3A_1417 = arith.constant 64 : i32
        %mul3A_1418 = arith.muli %add3A_1369, %mul3A_1417 : i32
        %add3A_1419 = arith.constant 16 : i32
        %add3A_1420 = arith.addi %mul3A_1418, %add3A_1419 : i32
        %swap3A_1421 = arith.index_cast %add3A_1420 : i32 to index
        %swap3A_1422 = tpu.vector_load %arg16[%swap3A_1421] {strides = array<i32>} : memref<12800xf32, #tpu.memory_space<vmem>>, vector<16xf32>,
        tpu.vector_store %arg16[%swap3A_1421], %add3A_1416 {strides = array<i32>} : memref<12800xf32, #tpu.memory_space<vmem>>, vector<16xf32>,
        %sub3A_1423 = arith.subf %add3A_1109, %broadcast_in_dim3A_1402 : vector<16xf32>
        %mul3A_1424 = arith.mulf %sub3A_1423, %mul3A_1401 : vector<16xf32>
        %mul3A_1425 = arith.mulf %mul3A_1424, %get3A_39 : vector<16xf32>
        %add3A_1426 = arith.addf %mul3A_1425, %get3A_47 : vector<16xf32>
        %mul3A_1427 = arith.constant 64 : i32
        %mul3A_1428 = arith.muli %add3A_1369, %mul3A_1427 : i32
        %add3A_1429 = arith.constant 32 : i32
        %add3A_1430 = arith.addi %mul3A_1428, %add3A_1429 : i32
        %swap3A_1431 = arith.index_cast %add3A_1430 : i32 to index
        %swap3A_1432 = tpu.vector_load %arg16[%swap3A_1431] {strides = array<i32>} : memref<12800xf32, #tpu.memory_space<vmem>>, vector<16xf32>,
        tpu.vector_store %arg16[%swap3A_1431], %add3A_1426 {strides = array<i32>} : memref<12800xf32, #tpu.memory_space<vmem>>, vector<16xf32>,
        %sub3A_1433 = arith.subf %add3A_1116, %broadcast_in_dim3A_1402 : vector<16xf32>
        %mul3A_1434 = arith.mulf %sub3A_1433, %mul3A_1401 : vector<16xf32>
        %mul3A_1435 = arith.mulf %mul3A_1434, %get3A_41 : vector<16xf32>
        %add3A_1436 = arith.addf %mul3A_1435, %get3A_49 : vector<16xf32>
        %mul3A_1437 = arith.constant 64 : i32
        %mul3A_1438 = arith.muli %add3A_1369, %mul3A_1437 : i32
        %add3A_1439 = arith.constant 48 : i32
        %add3A_1440 = arith.addi %mul3A_1438, %add3A_1439 : i32
        %swap3A_1441 = arith.index_cast %add3A_1440 : i32 to index
        %swap3A_1442 = tpu.vector_load %arg16[%swap3A_1441] {strides = array<i32>} : memref<12800xf32, #tpu.memory_space<vmem>>, vector<16xf32>,
        tpu.vector_store %arg16[%swap3A_1441], %add3A_1436 {strides = array<i32>} : memref<12800xf32, #tpu.memory_space<vmem>>, vector<16xf32>,
      }
      %scan3A_308 = arith.constant 25 : i32
      %add3A_309 = arith.addi %mul3A_2, %mul3A_275 : i32
      %mul3A_310 = arith.constant 12800 : i32
      %mul3A_311 = arith.muli %add3A_309, %mul3A_310 : i32
      %dma_start3A_312 = tpu.memref_slice %arg9[%mul3A_311] : memref<13107200xf32, #tpu.memory_space<hbm>> -> memref<12800xf32, #tpu.memory_space<hbm>>
      %dma_start3A_313 = tpu.memref_slice %arg9[%mul3A_311] : memref<13107200xf32, #tpu.memory_space<hbm>> -> memref<12800xf32, #tpu.memory_space<hbm>>
      tpu.enqueue_dma source(%arg16 : memref<12800xf32, #tpu.memory_space<vmem>>) target(%dma_start3A_313 : memref<12800xf32, #tpu.memory_space<hbm>>) target_semaphore(%arg26 : memref<!tpu.dma_semaphore, #tpu.memory_space<semaphore_mem>>)
      %add3A_314 = arith.constant 2 : i32
      %add3A_315 = arith.addi %mul3A_275, %add3A_314 : i32
      %lt3A_316 = arith.constant 32 : i32
      %lt3A_317 = arith.cmpi slt, %add3A_315, %lt3A_316 : i32
      %convert_element_type3A_318 = arith.extui %lt3A_317 : i1 to i32
      %cond3A_319 = arith.constant 0 : i32
      %cond3A_320 = arith.cmpi ne, %convert_element_type3A_318, %cond3A_319 : i32
      scf.if %cond3A_320 {
        %add3A_386 = arith.constant 2 : i32
        %add3A_387 = arith.addi %mul3A_275, %add3A_386 : i32
        %add3A_388 = arith.addi %mul3A_2, %add3A_387 : i32
        %dma_start3A_389 = arith.constant 0 : i32
        %dma_start3A_390 = tpu.memref_slice %arg12[%dma_start3A_389] : memref<208xi32, #tpu.memory_space<vmem>> -> memref<200xi32, #tpu.memory_space<vmem>>
        %dma_start3A_391 = arith.constant 0 : i32
        %dma_start3A_392 = tpu.memref_slice %arg3[%add3A_388, %dma_start3A_391] : memref<1024x200xi32, #tpu.memory_space<hbm>> -> memref<1x200xi32, #tpu.memory_space<hbm>>
        %dma_start3A_393 = tpu.memref_squeeze %dma_start3A_392 : memref<1x200xi32, #tpu.memory_space<hbm>> -> memref<200xi32, #tpu.memory_space<hbm>>
        %dma_start3A_394 = arith.constant 0 : i32
        %dma_start3A_395 = tpu.memref_slice %arg12[%dma_start3A_394] : memref<208xi32, #tpu.memory_space<vmem>> -> memref<200xi32, #tpu.memory_space<vmem>>
        %dma_start3A_396 = arith.constant 0 : i32
        %dma_start3A_397 = tpu.memref_slice %arg3[%add3A_388, %dma_start3A_396] : memref<1024x200xi32, #tpu.memory_space<hbm>> -> memref<1x200xi32, #tpu.memory_space<hbm>>
        %dma_start3A_398 = tpu.memref_squeeze %dma_start3A_397 : memref<1x200xi32, #tpu.memory_space<hbm>> -> memref<200xi32, #tpu.memory_space<hbm>>
        tpu.enqueue_dma source(%dma_start3A_398 : memref<200xi32, #tpu.memory_space<hbm>>) target(%dma_start3A_395 : memref<200xi32, #tpu.memory_space<vmem>>) target_semaphore(%arg22 : memref<!tpu.dma_semaphore, #tpu.memory_space<semaphore_mem>>)
      } else {
      }
      %add3A_321 = arith.constant 2 : i32
      %add3A_322 = arith.addi %mul3A_275, %add3A_321 : i32
      %lt3A_323 = arith.constant 32 : i32
      %lt3A_324 = arith.cmpi slt, %add3A_322, %lt3A_323 : i32
      %convert_element_type3A_325 = arith.extui %lt3A_324 : i1 to i32
      %cond3A_326 = arith.constant 0 : i32
      %cond3A_327 = arith.cmpi ne, %convert_element_type3A_325, %cond3A_326 : i32
      scf.if %cond3A_327 {
        %add3A_386 = arith.constant 2 : i32
        %add3A_387 = arith.addi %mul3A_275, %add3A_386 : i32
        %add3A_388 = arith.addi %mul3A_2, %add3A_387 : i32
        %add3A_389 = arith.addi %mul3A_2, %add3A_387 : i32
        %dma_wait3A_390 = arith.constant 0 : i32
        %dma_wait3A_391 = arith.constant 0 : i32
        %dma_wait3A_392 = tpu.memref_slice %arg10[%dma_wait3A_390, %dma_wait3A_391] : memref<2x104xi32, #tpu.memory_space<vmem>> -> memref<1x104xi32, #tpu.memory_space<vmem>>
        %dma_wait3A_393 = tpu.memref_squeeze %dma_wait3A_392 : memref<1x104xi32, #tpu.memory_space<vmem>> -> memref<104xi32, #tpu.memory_space<vmem>>
        %dma_wait3A_394 = arith.constant 0 : i32
        %dma_wait3A_395 = tpu.memref_slice %arg2[%add3A_388, %dma_wait3A_394] : memref<1024x200xi32, #tpu.memory_space<hbm>> -> memref<1x104xi32, #tpu.memory_space<hbm>>
        %dma_wait3A_396 = tpu.memref_squeeze %dma_wait3A_395 : memref<1x104xi32, #tpu.memory_space<hbm>> -> memref<104xi32, #tpu.memory_space<hbm>>
        %dma_wait3A_397 = arith.constant 0 : i32
        %dma_wait3A_398 = tpu.memref_slice %arg10[%dma_wait3A_390, %dma_wait3A_397] : memref<2x104xi32, #tpu.memory_space<vmem>> -> memref<1x104xi32, #tpu.memory_space<vmem>>
        %dma_wait3A_399 = tpu.memref_squeeze %dma_wait3A_398 : memref<1x104xi32, #tpu.memory_space<vmem>> -> memref<104xi32, #tpu.memory_space<vmem>>
        %dma_wait3A_400 = arith.constant 0 : i32
        %dma_wait3A_401 = tpu.memref_slice %arg2[%add3A_388, %dma_wait3A_400] : memref<1024x200xi32, #tpu.memory_space<hbm>> -> memref<1x104xi32, #tpu.memory_space<hbm>>
        %dma_wait3A_402 = tpu.memref_squeeze %dma_wait3A_401 : memref<1x104xi32, #tpu.memory_space<hbm>> -> memref<104xi32, #tpu.memory_space<hbm>>
        tpu.wait_dma2 semaphore(%arg22 : memref<!tpu.dma_semaphore, #tpu.memory_space<semaphore_mem>>) src(%dma_wait3A_402 : memref<104xi32, #tpu.memory_space<hbm>>) dst(%dma_wait3A_399 : memref<104xi32, #tpu.memory_space<vmem>>)
        %dma_wait3A_403 = arith.constant 1 : i32
        %dma_wait3A_404 = arith.constant 0 : i32
        %dma_wait3A_405 = tpu.memref_slice %arg10[%dma_wait3A_403, %dma_wait3A_404] : memref<2x104xi32, #tpu.memory_space<vmem>> -> memref<1x104xi32, #tpu.memory_space<vmem>>
        %dma_wait3A_406 = tpu.memref_squeeze %dma_wait3A_405 : memref<1x104xi32, #tpu.memory_space<vmem>> -> memref<104xi32, #tpu.memory_space<vmem>>
        %dma_wait3A_407 = arith.constant 96 : i32
        %dma_wait3A_408 = tpu.memref_slice %arg2[%add3A_388, %dma_wait3A_407] : memref<1024x200xi32, #tpu.memory_space<hbm>> -> memref<1x104xi32, #tpu.memory_space<hbm>>
        %dma_wait3A_409 = tpu.memref_squeeze %dma_wait3A_408 : memref<1x104xi32, #tpu.memory_space<hbm>> -> memref<104xi32, #tpu.memory_space<hbm>>
        %dma_wait3A_410 = arith.constant 0 : i32
        %dma_wait3A_411 = tpu.memref_slice %arg10[%dma_wait3A_403, %dma_wait3A_410] : memref<2x104xi32, #tpu.memory_space<vmem>> -> memref<1x104xi32, #tpu.memory_space<vmem>>
        %dma_wait3A_412 = tpu.memref_squeeze %dma_wait3A_411 : memref<1x104xi32, #tpu.memory_space<vmem>> -> memref<104xi32, #tpu.memory_space<vmem>>
        %dma_wait3A_413 = arith.constant 96 : i32
        %dma_wait3A_414 = tpu.memref_slice %arg2[%add3A_388, %dma_wait3A_413] : memref<1024x200xi32, #tpu.memory_space<hbm>> -> memref<1x104xi32, #tpu.memory_space<hbm>>
        %dma_wait3A_415 = tpu.memref_squeeze %dma_wait3A_414 : memref<1x104xi32, #tpu.memory_space<hbm>> -> memref<104xi32, #tpu.memory_space<hbm>>
        tpu.wait_dma2 semaphore(%arg22 : memref<!tpu.dma_semaphore, #tpu.memory_space<semaphore_mem>>) src(%dma_wait3A_415 : memref<104xi32, #tpu.memory_space<hbm>>) dst(%dma_wait3A_412 : memref<104xi32, #tpu.memory_space<vmem>>)
        %dma_wait3A_416 = arith.constant 0 : i32
        %dma_wait3A_417 = tpu.memref_slice %arg12[%dma_wait3A_416] : memref<208xi32, #tpu.memory_space<vmem>> -> memref<200xi32, #tpu.memory_space<vmem>>
        %dma_wait3A_418 = arith.constant 0 : i32
        %dma_wait3A_419 = tpu.memref_slice %arg3[%add3A_389, %dma_wait3A_418] : memref<1024x200xi32, #tpu.memory_space<hbm>> -> memref<1x200xi32, #tpu.memory_space<hbm>>
        %dma_wait3A_420 = tpu.memref_squeeze %dma_wait3A_419 : memref<1x200xi32, #tpu.memory_space<hbm>> -> memref<200xi32, #tpu.memory_space<hbm>>
        %dma_wait3A_421 = arith.constant 0 : i32
        %dma_wait3A_422 = tpu.memref_slice %arg12[%dma_wait3A_421] : memref<208xi32, #tpu.memory_space<vmem>> -> memref<200xi32, #tpu.memory_space<vmem>>
        %dma_wait3A_423 = arith.constant 0 : i32
        %dma_wait3A_424 = tpu.memref_slice %arg3[%add3A_389, %dma_wait3A_423] : memref<1024x200xi32, #tpu.memory_space<hbm>> -> memref<1x200xi32, #tpu.memory_space<hbm>>
        %dma_wait3A_425 = tpu.memref_squeeze %dma_wait3A_424 : memref<1x200xi32, #tpu.memory_space<hbm>> -> memref<200xi32, #tpu.memory_space<hbm>>
        tpu.wait_dma2 semaphore(%arg22 : memref<!tpu.dma_semaphore, #tpu.memory_space<semaphore_mem>>) src(%dma_wait3A_425 : memref<200xi32, #tpu.memory_space<hbm>>) dst(%dma_wait3A_422 : memref<200xi32, #tpu.memory_space<vmem>>)
        %dma_start3A_426 = arith.constant 0 : i32
        %dma_start3A_427 = arith.constant 0 : i32
        %dma_start3A_428 = arith.constant 0 : i32
        %dma_start3A_429 = tpu.memref_slice %arg14[%dma_start3A_427, %dma_start3A_428] : memref<200x128xf32, #tpu.memory_space<vmem>> -> memref<104x128xf32, #tpu.memory_space<vmem>>
        %dma_start3A_430 = arith.constant 0 : i32
        %dma_start3A_431 = tpu.memref_slice %arg10[%dma_start3A_426, %dma_start3A_430] : memref<2x104xi32, #tpu.memory_space<vmem>> -> memref<1x104xi32, #tpu.memory_space<vmem>>
        %dma_start3A_432 = tpu.memref_squeeze %dma_start3A_431 : memref<1x104xi32, #tpu.memory_space<vmem>> -> memref<104xi32, #tpu.memory_space<vmem>>
        %dma_start3A_433 = arith.constant 0 : i32
        %dma_start3A_434 = arith.constant 0 : i32
        %dma_start3A_435 = tpu.memref_slice %arg4[%dma_start3A_433, %dma_start3A_434] : memref<1000000x128xf32, #tpu.memory_space<hbm>> -> memref<1000000x128xf32, #tpu.memory_space<hbm>>
        tpu.enqueue_indirect_dma source(%dma_start3A_435 : memref<1000000x128xf32, #tpu.memory_space<hbm>>) target(%dma_start3A_429 : memref<104x128xf32, #tpu.memory_space<vmem>>) offsets(%dma_start3A_432 : memref<104xi32, #tpu.memory_space<vmem>>) semaphore(%arg24 : memref<!tpu.dma_semaphore, #tpu.memory_space<semaphore_mem>>)
        %dma_start3A_436 = arith.constant 1 : i32
        %dma_start3A_437 = arith.constant 96 : i32
        %dma_start3A_438 = arith.constant 0 : i32
        %dma_start3A_439 = tpu.memref_slice %arg14[%dma_start3A_437, %dma_start3A_438] : memref<200x128xf32, #tpu.memory_space<vmem>> -> memref<104x128xf32, #tpu.memory_space<vmem>>
        %dma_start3A_440 = arith.constant 0 : i32
        %dma_start3A_441 = tpu.memref_slice %arg10[%dma_start3A_436, %dma_start3A_440] : memref<2x104xi32, #tpu.memory_space<vmem>> -> memref<1x104xi32, #tpu.memory_space<vmem>>
        %dma_start3A_442 = tpu.memref_squeeze %dma_start3A_441 : memref<1x104xi32, #tpu.memory_space<vmem>> -> memref<104xi32, #tpu.memory_space<vmem>>
        %dma_start3A_443 = arith.constant 0 : i32
        %dma_start3A_444 = arith.constant 0 : i32
        %dma_start3A_445 = tpu.memref_slice %arg4[%dma_start3A_443, %dma_start3A_444] : memref<1000000x128xf32, #tpu.memory_space<hbm>> -> memref<1000000x128xf32, #tpu.memory_space<hbm>>
        tpu.enqueue_indirect_dma source(%dma_start3A_445 : memref<1000000x128xf32, #tpu.memory_space<hbm>>) target(%dma_start3A_439 : memref<104x128xf32, #tpu.memory_space<vmem>>) offsets(%dma_start3A_442 : memref<104xi32, #tpu.memory_space<vmem>>) semaphore(%arg24 : memref<!tpu.dma_semaphore, #tpu.memory_space<semaphore_mem>>)
      } else {
      }
      %add3A_328 = arith.constant 1 : i32
      %add3A_329 = arith.addi %mul3A_275, %add3A_328 : i32
      %dma_wait3A_330 = arith.constant 0 : i32
      %dma_wait3A_331 = arith.constant 0 : i32
      %dma_wait3A_332 = arith.constant 0 : i32
      %dma_wait3A_333 = tpu.memref_slice %arg15[%dma_wait3A_331, %dma_wait3A_332] : memref<200x128xf32, #tpu.memory_space<vmem>> -> memref<104x128xf32, #tpu.memory_space<vmem>>
      %dma_wait3A_334 = arith.constant 0 : i32
      %dma_wait3A_335 = tpu.memref_slice %arg11[%dma_wait3A_330, %dma_wait3A_334] : memref<2x104xi32, #tpu.memory_space<vmem>> -> memref<1x104xi32, #tpu.memory_space<vmem>>
      %dma_wait3A_336 = tpu.memref_squeeze %dma_wait3A_335 : memref<1x104xi32, #tpu.memory_space<vmem>> -> memref<104xi32, #tpu.memory_space<vmem>>
      %dma_wait3A_337 = arith.constant 0 : i32
      %dma_wait3A_338 = arith.constant 0 : i32
      %dma_wait3A_339 = tpu.memref_slice %arg4[%dma_wait3A_337, %dma_wait3A_338] : memref<1000000x128xf32, #tpu.memory_space<hbm>> -> memref<1000000x128xf32, #tpu.memory_space<hbm>>
      tpu.wait_indirect_dma semaphore(%arg25 : memref<!tpu.dma_semaphore, #tpu.memory_space<semaphore_mem>>) src(%dma_wait3A_339 : memref<1000000x128xf32, #tpu.memory_space<hbm>>) dst(%dma_wait3A_333 : memref<104x128xf32, #tpu.memory_space<vmem>>)
      %dma_wait3A_340 = arith.constant 1 : i32
      %dma_wait3A_341 = arith.constant 96 : i32
      %dma_wait3A_342 = arith.constant 0 : i32
      %dma_wait3A_343 = tpu.memref_slice %arg15[%dma_wait3A_341, %dma_wait3A_342] : memref<200x128xf32, #tpu.memory_space<vmem>> -> memref<104x128xf32, #tpu.memory_space<vmem>>
      %dma_wait3A_344 = arith.constant 0 : i32
      %dma_wait3A_345 = tpu.memref_slice %arg11[%dma_wait3A_340, %dma_wait3A_344] : memref<2x104xi32, #tpu.memory_space<vmem>> -> memref<1x104xi32, #tpu.memory_space<vmem>>
      %dma_wait3A_346 = tpu.memref_squeeze %dma_wait3A_345 : memref<1x104xi32, #tpu.memory_space<vmem>> -> memref<104xi32, #tpu.memory_space<vmem>>
      %dma_wait3A_347 = arith.constant 0 : i32
      %dma_wait3A_348 = arith.constant 0 : i32
      %dma_wait3A_349 = tpu.memref_slice %arg4[%dma_wait3A_347, %dma_wait3A_348] : memref<1000000x128xf32, #tpu.memory_space<hbm>> -> memref<1000000x128xf32, #tpu.memory_space<hbm>>
      tpu.wait_indirect_dma semaphore(%arg25 : memref<!tpu.dma_semaphore, #tpu.memory_space<semaphore_mem>>) src(%dma_wait3A_349 : memref<1000000x128xf32, #tpu.memory_space<hbm>>) dst(%dma_wait3A_343 : memref<104x128xf32, #tpu.memory_space<vmem>>)
      %add3A_350 = arith.constant 2 : i32
      %add3A_351 = arith.addi %add3A_329, %add3A_350 : i32
      %lt3A_352 = arith.constant 32 : i32
      %lt3A_353 = arith.cmpi slt, %add3A_351, %lt3A_352 : i32
      %convert_element_type3A_354 = arith.extui %lt3A_353 : i1 to i32
      %cond3A_355 = arith.constant 0 : i32
      %cond3A_356 = arith.cmpi ne, %convert_element_type3A_354, %cond3A_355 : i32
      scf.if %cond3A_356 {
        %add3A_386 = arith.constant 2 : i32
        %add3A_387 = arith.addi %add3A_329, %add3A_386 : i32
        %add3A_388 = arith.addi %mul3A_2, %add3A_387 : i32
        %dma_start3A_389 = arith.constant 0 : i32
        %dma_start3A_390 = arith.constant 0 : i32
        %dma_start3A_391 = tpu.memref_slice %arg11[%dma_start3A_389, %dma_start3A_390] : memref<2x104xi32, #tpu.memory_space<vmem>> -> memref<1x104xi32, #tpu.memory_space<vmem>>
        %dma_start3A_392 = tpu.memref_squeeze %dma_start3A_391 : memref<1x104xi32, #tpu.memory_space<vmem>> -> memref<104xi32, #tpu.memory_space<vmem>>
        %dma_start3A_393 = arith.constant 0 : i32
        %dma_start3A_394 = tpu.memref_slice %arg2[%add3A_388, %dma_start3A_393] : memref<1024x200xi32, #tpu.memory_space<hbm>> -> memref<1x104xi32, #tpu.memory_space<hbm>>
        %dma_start3A_395 = tpu.memref_squeeze %dma_start3A_394 : memref<1x104xi32, #tpu.memory_space<hbm>> -> memref<104xi32, #tpu.memory_space<hbm>>
        %dma_start3A_396 = arith.constant 0 : i32
        %dma_start3A_397 = tpu.memref_slice %arg11[%dma_start3A_389, %dma_start3A_396] : memref<2x104xi32, #tpu.memory_space<vmem>> -> memref<1x104xi32, #tpu.memory_space<vmem>>
        %dma_start3A_398 = tpu.memref_squeeze %dma_start3A_397 : memref<1x104xi32, #tpu.memory_space<vmem>> -> memref<104xi32, #tpu.memory_space<vmem>>
        %dma_start3A_399 = arith.constant 0 : i32
        %dma_start3A_400 = tpu.memref_slice %arg2[%add3A_388, %dma_start3A_399] : memref<1024x200xi32, #tpu.memory_space<hbm>> -> memref<1x104xi32, #tpu.memory_space<hbm>>
        %dma_start3A_401 = tpu.memref_squeeze %dma_start3A_400 : memref<1x104xi32, #tpu.memory_space<hbm>> -> memref<104xi32, #tpu.memory_space<hbm>>
        tpu.enqueue_dma source(%dma_start3A_401 : memref<104xi32, #tpu.memory_space<hbm>>) target(%dma_start3A_398 : memref<104xi32, #tpu.memory_space<vmem>>) target_semaphore(%arg23 : memref<!tpu.dma_semaphore, #tpu.memory_space<semaphore_mem>>)
        %dma_start3A_402 = arith.constant 1 : i32
        %dma_start3A_403 = arith.constant 0 : i32
        %dma_start3A_404 = tpu.memref_slice %arg11[%dma_start3A_402, %dma_start3A_403] : memref<2x104xi32, #tpu.memory_space<vmem>> -> memref<1x104xi32, #tpu.memory_space<vmem>>
        %dma_start3A_405 = tpu.memref_squeeze %dma_start3A_404 : memref<1x104xi32, #tpu.memory_space<vmem>> -> memref<104xi32, #tpu.memory_space<vmem>>
        %dma_start3A_406 = arith.constant 96 : i32
        %dma_start3A_407 = tpu.memref_slice %arg2[%add3A_388, %dma_start3A_406] : memref<1024x200xi32, #tpu.memory_space<hbm>> -> memref<1x104xi32, #tpu.memory_space<hbm>>
        %dma_start3A_408 = tpu.memref_squeeze %dma_start3A_407 : memref<1x104xi32, #tpu.memory_space<hbm>> -> memref<104xi32, #tpu.memory_space<hbm>>
        %dma_start3A_409 = arith.constant 0 : i32
        %dma_start3A_410 = tpu.memref_slice %arg11[%dma_start3A_402, %dma_start3A_409] : memref<2x104xi32, #tpu.memory_space<vmem>> -> memref<1x104xi32, #tpu.memory_space<vmem>>
        %dma_start3A_411 = tpu.memref_squeeze %dma_start3A_410 : memref<1x104xi32, #tpu.memory_space<vmem>> -> memref<104xi32, #tpu.memory_space<vmem>>
        %dma_start3A_412 = arith.constant 96 : i32
        %dma_start3A_413 = tpu.memref_slice %arg2[%add3A_388, %dma_start3A_412] : memref<1024x200xi32, #tpu.memory_space<hbm>> -> memref<1x104xi32, #tpu.memory_space<hbm>>
        %dma_start3A_414 = tpu.memref_squeeze %dma_start3A_413 : memref<1x104xi32, #tpu.memory_space<hbm>> -> memref<104xi32, #tpu.memory_space<hbm>>
        tpu.enqueue_dma source(%dma_start3A_414 : memref<104xi32, #tpu.memory_space<hbm>>) target(%dma_start3A_411 : memref<104xi32, #tpu.memory_space<vmem>>) target_semaphore(%arg23 : memref<!tpu.dma_semaphore, #tpu.memory_space<semaphore_mem>>)
      } else {
      }
      %ge3A_357 = arith.constant 2 : i32
      %ge3A_358 = arith.cmpi sge, %add3A_329, %ge3A_357 : i32
      %convert_element_type3A_359 = arith.extui %ge3A_358 : i1 to i32
      %cond3A_360 = arith.constant 0 : i32
      %cond3A_361 = arith.cmpi ne, %convert_element_type3A_359, %cond3A_360 : i32
      scf.if %cond3A_361 {
        %sub3A = arith.constant 2 : i32
        %sub3A_386 = arith.subi %add3A_329, %sub3A : i32
        %add3A_387 = arith.addi %mul3A_2, %sub3A_386 : i32
        %mul3A_388 = arith.constant 12800 : i32
        %mul3A_389 = arith.muli %add3A_387, %mul3A_388 : i32
        %dma_wait3A_390 = tpu.memref_slice %arg9[%mul3A_389] : memref<13107200xf32, #tpu.memory_space<hbm>> -> memref<12800xf32, #tpu.memory_space<hbm>>
        %dma_wait3A_391 = tpu.memref_slice %arg9[%mul3A_389] : memref<13107200xf32, #tpu.memory_space<hbm>> -> memref<12800xf32, #tpu.memory_space<hbm>>
        tpu.wait_dma2 semaphore(%arg27 : memref<!tpu.dma_semaphore, #tpu.memory_space<semaphore_mem>>) src(%arg17 : memref<12800xf32, #tpu.memory_space<vmem>>) dst(%dma_wait3A_391 : memref<12800xf32, #tpu.memory_space<hbm>>)
      } else {
      }
      %scan3A_362 = arith.constant 0 : i32
      %scan3A_363 = arith.constant 25 : i32
      %scan3A_364 = arith.addi %scan3A_362, %scan3A_363 : i32
      %scan3A_365 = arith.constant 1 : i32
      scf.for %scan3A_386 = %scan3A_362 to %scan3A_364 step %scan3A_365  : i32 {
        %mul3A_387 = arith.constant 1 : i32
        %mul3A_388 = arith.muli %scan3A_386, %mul3A_387 : i32
        %add3A_389 = arith.constant 0 : i32
        %add3A_390 = arith.addi %add3A_389, %mul3A_388 : i32
        %mul3A_391 = arith.constant 8 : i32
        %mul3A_392 = arith.muli %add3A_390, %mul3A_391 : i32
        %get3A_393 = arith.index_cast %mul3A_392 : i32 to index
        %get3A_394 = tpu.vector_load %arg13[%get3A_393] {strides = array<i32>} : memref<208xi32, #tpu.memory_space<vmem>>, vector<16xi32>,
        %add3A_395 = arith.constant 0 : i32
        %add3A_396 = arith.addi %mul3A_392, %add3A_395 : i32
        %add3A_397 = arith.constant 0 : i32
        %add3A_398 = arith.addi %add3A_396, %add3A_397 : i32
        %slice3A = vector.extract_strided_slice %get3A_394 {offsets = [0], sizes = [1], strides = [1]} : vector<16xi32> to vector<1xi32>
        %squeeze3A = vector.extract %slice3A[0] : i32 from vector<1xi32>
        %mul3A_399 = arith.constant 200 : i32
        %mul3A_400 = arith.muli %squeeze3A, %mul3A_399 : i32
        %add3A_401 = arith.addi %mul3A_400, %add3A_398 : i32
        %get3A_402 = arith.index_cast %add3A_398 : i32 to index
        %get3A_403 = arith.constant 0 : index
        %get3A_404 = tpu.vector_load %arg15[%get3A_402, %get3A_403] {strides = array<i32>} : memref<200x128xf32, #tpu.memory_space<vmem>>, vector<16xf32>,
        %get3A_405 = arith.index_cast %add3A_401 : i32 to index
        %get3A_406 = arith.constant 0 : index
        %get3A_407 = tpu.vector_load %arg18[%get3A_405, %get3A_406] {strides = array<i32>} : memref<400x64xf32, #tpu.memory_space<vmem>>, vector<16xf32>,
        %add3A_408 = arith.addf %get3A_404, %get3A_407 : vector<16xf32>
        %get3A_409 = arith.index_cast %add3A_398 : i32 to index
        %get3A_410 = arith.constant 16 : index
        %get3A_411 = tpu.vector_load %arg15[%get3A_409, %get3A_410] {strides = array<i32>} : memref<200x128xf32, #tpu.memory_space<vmem>>, vector<16xf32>,
        %get3A_412 = arith.index_cast %add3A_401 : i32 to index
        %get3A_413 = arith.constant 16 : index
        %get3A_414 = tpu.vector_load %arg18[%get3A_412, %get3A_413] {strides = array<i32>} : memref<400x64xf32, #tpu.memory_space<vmem>>, vector<16xf32>,
        %add3A_415 = arith.addf %get3A_411, %get3A_414 : vector<16xf32>
        %get3A_416 = arith.index_cast %add3A_398 : i32 to index
        %get3A_417 = arith.constant 32 : index
        %get3A_418 = tpu.vector_load %arg15[%get3A_416, %get3A_417] {strides = array<i32>} : memref<200x128xf32, #tpu.memory_space<vmem>>, vector<16xf32>,
        %get3A_419 = arith.index_cast %add3A_401 : i32 to index
        %get3A_420 = arith.constant 32 : index
        %get3A_421 = tpu.vector_load %arg18[%get3A_419, %get3A_420] {strides = array<i32>} : memref<400x64xf32, #tpu.memory_space<vmem>>, vector<16xf32>,
        %add3A_422 = arith.addf %get3A_418, %get3A_421 : vector<16xf32>
        %get3A_423 = arith.index_cast %add3A_398 : i32 to index
        %get3A_424 = arith.constant 48 : index
        %get3A_425 = tpu.vector_load %arg15[%get3A_423, %get3A_424] {strides = array<i32>} : memref<200x128xf32, #tpu.memory_space<vmem>>, vector<16xf32>,
        %get3A_426 = arith.index_cast %add3A_401 : i32 to index
        %get3A_427 = arith.constant 48 : index
        %get3A_428 = tpu.vector_load %arg18[%get3A_426, %get3A_427] {strides = array<i32>} : memref<400x64xf32, #tpu.memory_space<vmem>>, vector<16xf32>,
        %add3A_429 = arith.addf %get3A_425, %get3A_428 : vector<16xf32>
        %add3A_430 = arith.addf %add3A_408, %add3A_415 : vector<16xf32>
        %add3A_431 = arith.addf %add3A_422, %add3A_429 : vector<16xf32>
        %add3A_432 = arith.addf %add3A_430, %add3A_431 : vector<16xf32>
        %mul3A_433 = arith.mulf %add3A_408, %add3A_408 : vector<16xf32>
        %mul3A_434 = arith.mulf %add3A_415, %add3A_415 : vector<16xf32>
        %add3A_435 = arith.addf %mul3A_433, %mul3A_434 : vector<16xf32>
        %mul3A_436 = arith.mulf %add3A_422, %add3A_422 : vector<16xf32>
        %mul3A_437 = arith.mulf %add3A_429, %add3A_429 : vector<16xf32>
        %add3A_438 = arith.addf %mul3A_436, %mul3A_437 : vector<16xf32>
        %add3A_439 = arith.addf %add3A_435, %add3A_438 : vector<16xf32>
        %reduce_sum3A = arith.constant true
        %reduce_sum3A_440 = vector.broadcast %reduce_sum3A : i1 to vector<16xi1>
        %reduce_sum3A_441 = tpu.scan <sum>, %add3A_432 masked %reduce_sum3A_440 : vector<16xf32>, vector<16xi1> -> vector<16xf32>
        %reduce_sum3A_442 = vector.extract %reduce_sum3A_441[15] : f32 from vector<16xf32>
        %reduce_sum3A_443 = arith.constant true
        %reduce_sum3A_444 = vector.broadcast %reduce_sum3A_443 : i1 to vector<16xi1>
        %reduce_sum3A_445 = tpu.scan <sum>, %add3A_439 masked %reduce_sum3A_444 : vector<16xf32>, vector<16xi1> -> vector<16xf32>
        %reduce_sum3A_446 = vector.extract %reduce_sum3A_445[15] : f32 from vector<16xf32>
        %add3A_447 = arith.constant 0 : i32
        %add3A_448 = arith.addi %mul3A_392, %add3A_447 : i32
        %add3A_449 = arith.constant 1 : i32
        %add3A_450 = arith.addi %add3A_448, %add3A_449 : i32
        %slice3A_451 = vector.extract_strided_slice %get3A_394 {offsets = [1], sizes = [1], strides = [1]} : vector<16xi32> to vector<1xi32>
        %squeeze3A_452 = vector.extract %slice3A_451[0] : i32 from vector<1xi32>
        %mul3A_453 = arith.constant 200 : i32
        %mul3A_454 = arith.muli %squeeze3A_452, %mul3A_453 : i32
        %add3A_455 = arith.addi %mul3A_454, %add3A_450 : i32
        %get3A_456 = arith.index_cast %add3A_450 : i32 to index
        %get3A_457 = arith.constant 0 : index
        %get3A_458 = tpu.vector_load %arg15[%get3A_456, %get3A_457] {strides = array<i32>} : memref<200x128xf32, #tpu.memory_space<vmem>>, vector<16xf32>,
        %get3A_459 = arith.index_cast %add3A_455 : i32 to index
        %get3A_460 = arith.constant 0 : index
        %get3A_461 = tpu.vector_load %arg18[%get3A_459, %get3A_460] {strides = array<i32>} : memref<400x64xf32, #tpu.memory_space<vmem>>, vector<16xf32>,
        %add3A_462 = arith.addf %get3A_458, %get3A_461 : vector<16xf32>
        %get3A_463 = arith.index_cast %add3A_450 : i32 to index
        %get3A_464 = arith.constant 16 : index
        %get3A_465 = tpu.vector_load %arg15[%get3A_463, %get3A_464] {strides = array<i32>} : memref<200x128xf32, #tpu.memory_space<vmem>>, vector<16xf32>,
        %get3A_466 = arith.index_cast %add3A_455 : i32 to index
        %get3A_467 = arith.constant 16 : index
        %get3A_468 = tpu.vector_load %arg18[%get3A_466, %get3A_467] {strides = array<i32>} : memref<400x64xf32, #tpu.memory_space<vmem>>, vector<16xf32>,
        %add3A_469 = arith.addf %get3A_465, %get3A_468 : vector<16xf32>
        %get3A_470 = arith.index_cast %add3A_450 : i32 to index
        %get3A_471 = arith.constant 32 : index
        %get3A_472 = tpu.vector_load %arg15[%get3A_470, %get3A_471] {strides = array<i32>} : memref<200x128xf32, #tpu.memory_space<vmem>>, vector<16xf32>,
        %get3A_473 = arith.index_cast %add3A_455 : i32 to index
        %get3A_474 = arith.constant 32 : index
        %get3A_475 = tpu.vector_load %arg18[%get3A_473, %get3A_474] {strides = array<i32>} : memref<400x64xf32, #tpu.memory_space<vmem>>, vector<16xf32>,
        %add3A_476 = arith.addf %get3A_472, %get3A_475 : vector<16xf32>
        %get3A_477 = arith.index_cast %add3A_450 : i32 to index
        %get3A_478 = arith.constant 48 : index
        %get3A_479 = tpu.vector_load %arg15[%get3A_477, %get3A_478] {strides = array<i32>} : memref<200x128xf32, #tpu.memory_space<vmem>>, vector<16xf32>,
        %get3A_480 = arith.index_cast %add3A_455 : i32 to index
        %get3A_481 = arith.constant 48 : index
        %get3A_482 = tpu.vector_load %arg18[%get3A_480, %get3A_481] {strides = array<i32>} : memref<400x64xf32, #tpu.memory_space<vmem>>, vector<16xf32>,
        %add3A_483 = arith.addf %get3A_479, %get3A_482 : vector<16xf32>
        %add3A_484 = arith.addf %add3A_462, %add3A_469 : vector<16xf32>
        %add3A_485 = arith.addf %add3A_476, %add3A_483 : vector<16xf32>
        %add3A_486 = arith.addf %add3A_484, %add3A_485 : vector<16xf32>
        %mul3A_487 = arith.mulf %add3A_462, %add3A_462 : vector<16xf32>
        %mul3A_488 = arith.mulf %add3A_469, %add3A_469 : vector<16xf32>
        %add3A_489 = arith.addf %mul3A_487, %mul3A_488 : vector<16xf32>
        %mul3A_490 = arith.mulf %add3A_476, %add3A_476 : vector<16xf32>
        %mul3A_491 = arith.mulf %add3A_483, %add3A_483 : vector<16xf32>
        %add3A_492 = arith.addf %mul3A_490, %mul3A_491 : vector<16xf32>
        %add3A_493 = arith.addf %add3A_489, %add3A_492 : vector<16xf32>
        %reduce_sum3A_494 = arith.constant true
        %reduce_sum3A_495 = vector.broadcast %reduce_sum3A_494 : i1 to vector<16xi1>
        %reduce_sum3A_496 = tpu.scan <sum>, %add3A_486 masked %reduce_sum3A_495 : vector<16xf32>, vector<16xi1> -> vector<16xf32>
        %reduce_sum3A_497 = vector.extract %reduce_sum3A_496[15] : f32 from vector<16xf32>
        %reduce_sum3A_498 = arith.constant true
        %reduce_sum3A_499 = vector.broadcast %reduce_sum3A_498 : i1 to vector<16xi1>
        %reduce_sum3A_500 = tpu.scan <sum>, %add3A_493 masked %reduce_sum3A_499 : vector<16xf32>, vector<16xi1> -> vector<16xf32>
        %reduce_sum3A_501 = vector.extract %reduce_sum3A_500[15] : f32 from vector<16xf32>
        %add3A_502 = arith.constant 0 : i32
        %add3A_503 = arith.addi %mul3A_392, %add3A_502 : i32
        %add3A_504 = arith.constant 2 : i32
        %add3A_505 = arith.addi %add3A_503, %add3A_504 : i32
        %slice3A_506 = vector.extract_strided_slice %get3A_394 {offsets = [2], sizes = [1], strides = [1]} : vector<16xi32> to vector<1xi32>
        %squeeze3A_507 = vector.extract %slice3A_506[0] : i32 from vector<1xi32>
        %mul3A_508 = arith.constant 200 : i32
        %mul3A_509 = arith.muli %squeeze3A_507, %mul3A_508 : i32
        %add3A_510 = arith.addi %mul3A_509, %add3A_505 : i32
        %get3A_511 = arith.index_cast %add3A_505 : i32 to index
        %get3A_512 = arith.constant 0 : index
        %get3A_513 = tpu.vector_load %arg15[%get3A_511, %get3A_512] {strides = array<i32>} : memref<200x128xf32, #tpu.memory_space<vmem>>, vector<16xf32>,
        %get3A_514 = arith.index_cast %add3A_510 : i32 to index
        %get3A_515 = arith.constant 0 : index
        %get3A_516 = tpu.vector_load %arg18[%get3A_514, %get3A_515] {strides = array<i32>} : memref<400x64xf32, #tpu.memory_space<vmem>>, vector<16xf32>,
        %add3A_517 = arith.addf %get3A_513, %get3A_516 : vector<16xf32>
        %get3A_518 = arith.index_cast %add3A_505 : i32 to index
        %get3A_519 = arith.constant 16 : index
        %get3A_520 = tpu.vector_load %arg15[%get3A_518, %get3A_519] {strides = array<i32>} : memref<200x128xf32, #tpu.memory_space<vmem>>, vector<16xf32>,
        %get3A_521 = arith.index_cast %add3A_510 : i32 to index
        %get3A_522 = arith.constant 16 : index
        %get3A_523 = tpu.vector_load %arg18[%get3A_521, %get3A_522] {strides = array<i32>} : memref<400x64xf32, #tpu.memory_space<vmem>>, vector<16xf32>,
        %add3A_524 = arith.addf %get3A_520, %get3A_523 : vector<16xf32>
        %get3A_525 = arith.index_cast %add3A_505 : i32 to index
        %get3A_526 = arith.constant 32 : index
        %get3A_527 = tpu.vector_load %arg15[%get3A_525, %get3A_526] {strides = array<i32>} : memref<200x128xf32, #tpu.memory_space<vmem>>, vector<16xf32>,
        %get3A_528 = arith.index_cast %add3A_510 : i32 to index
        %get3A_529 = arith.constant 32 : index
        %get3A_530 = tpu.vector_load %arg18[%get3A_528, %get3A_529] {strides = array<i32>} : memref<400x64xf32, #tpu.memory_space<vmem>>, vector<16xf32>,
        %add3A_531 = arith.addf %get3A_527, %get3A_530 : vector<16xf32>
        %get3A_532 = arith.index_cast %add3A_505 : i32 to index
        %get3A_533 = arith.constant 48 : index
        %get3A_534 = tpu.vector_load %arg15[%get3A_532, %get3A_533] {strides = array<i32>} : memref<200x128xf32, #tpu.memory_space<vmem>>, vector<16xf32>,
        %get3A_535 = arith.index_cast %add3A_510 : i32 to index
        %get3A_536 = arith.constant 48 : index
        %get3A_537 = tpu.vector_load %arg18[%get3A_535, %get3A_536] {strides = array<i32>} : memref<400x64xf32, #tpu.memory_space<vmem>>, vector<16xf32>,
        %add3A_538 = arith.addf %get3A_534, %get3A_537 : vector<16xf32>
        %add3A_539 = arith.addf %add3A_517, %add3A_524 : vector<16xf32>
        %add3A_540 = arith.addf %add3A_531, %add3A_538 : vector<16xf32>
        %add3A_541 = arith.addf %add3A_539, %add3A_540 : vector<16xf32>
        %mul3A_542 = arith.mulf %add3A_517, %add3A_517 : vector<16xf32>
        %mul3A_543 = arith.mulf %add3A_524, %add3A_524 : vector<16xf32>
        %add3A_544 = arith.addf %mul3A_542, %mul3A_543 : vector<16xf32>
        %mul3A_545 = arith.mulf %add3A_531, %add3A_531 : vector<16xf32>
        %mul3A_546 = arith.mulf %add3A_538, %add3A_538 : vector<16xf32>
        %add3A_547 = arith.addf %mul3A_545, %mul3A_546 : vector<16xf32>
        %add3A_548 = arith.addf %add3A_544, %add3A_547 : vector<16xf32>
        %reduce_sum3A_549 = arith.constant true
        %reduce_sum3A_550 = vector.broadcast %reduce_sum3A_549 : i1 to vector<16xi1>
        %reduce_sum3A_551 = tpu.scan <sum>, %add3A_541 masked %reduce_sum3A_550 : vector<16xf32>, vector<16xi1> -> vector<16xf32>
        %reduce_sum3A_552 = vector.extract %reduce_sum3A_551[15] : f32 from vector<16xf32>
        %reduce_sum3A_553 = arith.constant true
        %reduce_sum3A_554 = vector.broadcast %reduce_sum3A_553 : i1 to vector<16xi1>
        %reduce_sum3A_555 = tpu.scan <sum>, %add3A_548 masked %reduce_sum3A_554 : vector<16xf32>, vector<16xi1> -> vector<16xf32>
        %reduce_sum3A_556 = vector.extract %reduce_sum3A_555[15] : f32 from vector<16xf32>
        %add3A_557 = arith.constant 0 : i32
        %add3A_558 = arith.addi %mul3A_392, %add3A_557 : i32
        %add3A_559 = arith.constant 3 : i32
        %add3A_560 = arith.addi %add3A_558, %add3A_559 : i32
        %slice3A_561 = vector.extract_strided_slice %get3A_394 {offsets = [3], sizes = [1], strides = [1]} : vector<16xi32> to vector<1xi32>
        %squeeze3A_562 = vector.extract %slice3A_561[0] : i32 from vector<1xi32>
        %mul3A_563 = arith.constant 200 : i32
        %mul3A_564 = arith.muli %squeeze3A_562, %mul3A_563 : i32
        %add3A_565 = arith.addi %mul3A_564, %add3A_560 : i32
        %get3A_566 = arith.index_cast %add3A_560 : i32 to index
        %get3A_567 = arith.constant 0 : index
        %get3A_568 = tpu.vector_load %arg15[%get3A_566, %get3A_567] {strides = array<i32>} : memref<200x128xf32, #tpu.memory_space<vmem>>, vector<16xf32>,
        %get3A_569 = arith.index_cast %add3A_565 : i32 to index
        %get3A_570 = arith.constant 0 : index
        %get3A_571 = tpu.vector_load %arg18[%get3A_569, %get3A_570] {strides = array<i32>} : memref<400x64xf32, #tpu.memory_space<vmem>>, vector<16xf32>,
        %add3A_572 = arith.addf %get3A_568, %get3A_571 : vector<16xf32>
        %get3A_573 = arith.index_cast %add3A_560 : i32 to index
        %get3A_574 = arith.constant 16 : index
        %get3A_575 = tpu.vector_load %arg15[%get3A_573, %get3A_574] {strides = array<i32>} : memref<200x128xf32, #tpu.memory_space<vmem>>, vector<16xf32>,
        %get3A_576 = arith.index_cast %add3A_565 : i32 to index
        %get3A_577 = arith.constant 16 : index
        %get3A_578 = tpu.vector_load %arg18[%get3A_576, %get3A_577] {strides = array<i32>} : memref<400x64xf32, #tpu.memory_space<vmem>>, vector<16xf32>,
        %add3A_579 = arith.addf %get3A_575, %get3A_578 : vector<16xf32>
        %get3A_580 = arith.index_cast %add3A_560 : i32 to index
        %get3A_581 = arith.constant 32 : index
        %get3A_582 = tpu.vector_load %arg15[%get3A_580, %get3A_581] {strides = array<i32>} : memref<200x128xf32, #tpu.memory_space<vmem>>, vector<16xf32>,
        %get3A_583 = arith.index_cast %add3A_565 : i32 to index
        %get3A_584 = arith.constant 32 : index
        %get3A_585 = tpu.vector_load %arg18[%get3A_583, %get3A_584] {strides = array<i32>} : memref<400x64xf32, #tpu.memory_space<vmem>>, vector<16xf32>,
        %add3A_586 = arith.addf %get3A_582, %get3A_585 : vector<16xf32>
        %get3A_587 = arith.index_cast %add3A_560 : i32 to index
        %get3A_588 = arith.constant 48 : index
        %get3A_589 = tpu.vector_load %arg15[%get3A_587, %get3A_588] {strides = array<i32>} : memref<200x128xf32, #tpu.memory_space<vmem>>, vector<16xf32>,
        %get3A_590 = arith.index_cast %add3A_565 : i32 to index
        %get3A_591 = arith.constant 48 : index
        %get3A_592 = tpu.vector_load %arg18[%get3A_590, %get3A_591] {strides = array<i32>} : memref<400x64xf32, #tpu.memory_space<vmem>>, vector<16xf32>,
        %add3A_593 = arith.addf %get3A_589, %get3A_592 : vector<16xf32>
        %add3A_594 = arith.addf %add3A_572, %add3A_579 : vector<16xf32>
        %add3A_595 = arith.addf %add3A_586, %add3A_593 : vector<16xf32>
        %add3A_596 = arith.addf %add3A_594, %add3A_595 : vector<16xf32>
        %mul3A_597 = arith.mulf %add3A_572, %add3A_572 : vector<16xf32>
        %mul3A_598 = arith.mulf %add3A_579, %add3A_579 : vector<16xf32>
        %add3A_599 = arith.addf %mul3A_597, %mul3A_598 : vector<16xf32>
        %mul3A_600 = arith.mulf %add3A_586, %add3A_586 : vector<16xf32>
        %mul3A_601 = arith.mulf %add3A_593, %add3A_593 : vector<16xf32>
        %add3A_602 = arith.addf %mul3A_600, %mul3A_601 : vector<16xf32>
        %add3A_603 = arith.addf %add3A_599, %add3A_602 : vector<16xf32>
        %reduce_sum3A_604 = arith.constant true
        %reduce_sum3A_605 = vector.broadcast %reduce_sum3A_604 : i1 to vector<16xi1>
        %reduce_sum3A_606 = tpu.scan <sum>, %add3A_596 masked %reduce_sum3A_605 : vector<16xf32>, vector<16xi1> -> vector<16xf32>
        %reduce_sum3A_607 = vector.extract %reduce_sum3A_606[15] : f32 from vector<16xf32>
        %reduce_sum3A_608 = arith.constant true
        %reduce_sum3A_609 = vector.broadcast %reduce_sum3A_608 : i1 to vector<16xi1>
        %reduce_sum3A_610 = tpu.scan <sum>, %add3A_603 masked %reduce_sum3A_609 : vector<16xf32>, vector<16xi1> -> vector<16xf32>
        %reduce_sum3A_611 = vector.extract %reduce_sum3A_610[15] : f32 from vector<16xf32>
        %add3A_612 = arith.constant 0 : i32
        %add3A_613 = arith.addi %mul3A_392, %add3A_612 : i32
        %add3A_614 = arith.constant 0 : i32
        %add3A_615 = arith.addi %add3A_613, %add3A_614 : i32
        %mul3A_616 = arith.constant 1.562500e-02 : f32
        %mul3A_617 = arith.mulf %reduce_sum3A_442, %mul3A_616 : f32
        %mul3A_618 = arith.constant 1.562500e-02 : f32
        %mul3A_619 = arith.mulf %reduce_sum3A_446, %mul3A_618 : f32
        %mul3A_620 = arith.mulf %mul3A_617, %mul3A_617 : f32
        %sub3A = arith.subf %mul3A_619, %mul3A_620 : f32
        %add3A_621 = arith.constant 9.99999974E-6 : f32
        %add3A_622 = arith.addf %sub3A, %add3A_621 : f32
        %broadcast_in_dim3A = vector.broadcast %add3A_622 : f32 to vector<16xf32>
        %bitcast_convert_type3A = tpu.bitcast %broadcast_in_dim3A : vector<16xf32> -> vector<16xi32>
        %shift_right_logical3A = arith.constant 1 : i32
        %shift_right_logical3A_623 = vector.broadcast %shift_right_logical3A : i32 to vector<16xi32>
        %shift_right_logical3A_624 = arith.shrui %bitcast_convert_type3A, %shift_right_logical3A_623 : vector<16xi32>
        %sub3A_625 = arith.constant 1597463007 : i32
        %sub3A_626 = vector.broadcast %sub3A_625 : i32 to vector<16xi32>
        %sub3A_627 = arith.subi %sub3A_626, %shift_right_logical3A_624 : vector<16xi32>
        %bitcast_convert_type3A_628 = tpu.bitcast %sub3A_627 : vector<16xi32> -> vector<16xf32>
        %mul3A_629 = arith.constant 5.000000e-01 : f32
        %mul3A_630 = vector.broadcast %mul3A_629 : f32 to vector<16xf32>
        %mul3A_631 = arith.mulf %mul3A_630, %broadcast_in_dim3A : vector<16xf32>
        %mul3A_632 = arith.mulf %mul3A_631, %bitcast_convert_type3A_628 : vector<16xf32>
        %mul3A_633 = arith.mulf %mul3A_632, %bitcast_convert_type3A_628 : vector<16xf32>
        %sub3A_634 = arith.constant 1.500000e+00 : f32
        %sub3A_635 = vector.broadcast %sub3A_634 : f32 to vector<16xf32>
        %sub3A_636 = arith.subf %sub3A_635, %mul3A_633 : vector<16xf32>
        %mul3A_637 = arith.mulf %bitcast_convert_type3A_628, %sub3A_636 : vector<16xf32>
        %mul3A_638 = arith.mulf %mul3A_631, %mul3A_637 : vector<16xf32>
        %mul3A_639 = arith.mulf %mul3A_638, %mul3A_637 : vector<16xf32>
        %sub3A_640 = arith.constant 1.500000e+00 : f32
        %sub3A_641 = vector.broadcast %sub3A_640 : f32 to vector<16xf32>
        %sub3A_642 = arith.subf %sub3A_641, %mul3A_639 : vector<16xf32>
        %mul3A_643 = arith.mulf %mul3A_637, %sub3A_642 : vector<16xf32>
        %broadcast_in_dim3A_644 = vector.broadcast %mul3A_617 : f32 to vector<16xf32>
        %sub3A_645 = arith.subf %add3A_408, %broadcast_in_dim3A_644 : vector<16xf32>
        %mul3A_646 = arith.mulf %sub3A_645, %mul3A_643 : vector<16xf32>
        %mul3A_647 = arith.mulf %mul3A_646, %get3A_35 : vector<16xf32>
        %add3A_648 = arith.addf %mul3A_647, %get3A_43 : vector<16xf32>
        %mul3A_649 = arith.constant 64 : i32
        %mul3A_650 = arith.muli %add3A_615, %mul3A_649 : i32
        %add3A_651 = arith.constant 0 : i32
        %add3A_652 = arith.addi %mul3A_650, %add3A_651 : i32
        %swap3A = arith.index_cast %add3A_652 : i32 to index
        %swap3A_653 = tpu.vector_load %arg17[%swap3A] {strides = array<i32>} : memref<12800xf32, #tpu.memory_space<vmem>>, vector<16xf32>,
        tpu.vector_store %arg17[%swap3A], %add3A_648 {strides = array<i32>} : memref<12800xf32, #tpu.memory_space<vmem>>, vector<16xf32>,
        %sub3A_654 = arith.subf %add3A_415, %broadcast_in_dim3A_644 : vector<16xf32>
        %mul3A_655 = arith.mulf %sub3A_654, %mul3A_643 : vector<16xf32>
        %mul3A_656 = arith.mulf %mul3A_655, %get3A_37 : vector<16xf32>
        %add3A_657 = arith.addf %mul3A_656, %get3A_45 : vector<16xf32>
        %mul3A_658 = arith.constant 64 : i32
        %mul3A_659 = arith.muli %add3A_615, %mul3A_658 : i32
        %add3A_660 = arith.constant 16 : i32
        %add3A_661 = arith.addi %mul3A_659, %add3A_660 : i32
        %swap3A_662 = arith.index_cast %add3A_661 : i32 to index
        %swap3A_663 = tpu.vector_load %arg17[%swap3A_662] {strides = array<i32>} : memref<12800xf32, #tpu.memory_space<vmem>>, vector<16xf32>,
        tpu.vector_store %arg17[%swap3A_662], %add3A_657 {strides = array<i32>} : memref<12800xf32, #tpu.memory_space<vmem>>, vector<16xf32>,
        %sub3A_664 = arith.subf %add3A_422, %broadcast_in_dim3A_644 : vector<16xf32>
        %mul3A_665 = arith.mulf %sub3A_664, %mul3A_643 : vector<16xf32>
        %mul3A_666 = arith.mulf %mul3A_665, %get3A_39 : vector<16xf32>
        %add3A_667 = arith.addf %mul3A_666, %get3A_47 : vector<16xf32>
        %mul3A_668 = arith.constant 64 : i32
        %mul3A_669 = arith.muli %add3A_615, %mul3A_668 : i32
        %add3A_670 = arith.constant 32 : i32
        %add3A_671 = arith.addi %mul3A_669, %add3A_670 : i32
        %swap3A_672 = arith.index_cast %add3A_671 : i32 to index
        %swap3A_673 = tpu.vector_load %arg17[%swap3A_672] {strides = array<i32>} : memref<12800xf32, #tpu.memory_space<vmem>>, vector<16xf32>,
        tpu.vector_store %arg17[%swap3A_672], %add3A_667 {strides = array<i32>} : memref<12800xf32, #tpu.memory_space<vmem>>, vector<16xf32>,
        %sub3A_674 = arith.subf %add3A_429, %broadcast_in_dim3A_644 : vector<16xf32>
        %mul3A_675 = arith.mulf %sub3A_674, %mul3A_643 : vector<16xf32>
        %mul3A_676 = arith.mulf %mul3A_675, %get3A_41 : vector<16xf32>
        %add3A_677 = arith.addf %mul3A_676, %get3A_49 : vector<16xf32>
        %mul3A_678 = arith.constant 64 : i32
        %mul3A_679 = arith.muli %add3A_615, %mul3A_678 : i32
        %add3A_680 = arith.constant 48 : i32
        %add3A_681 = arith.addi %mul3A_679, %add3A_680 : i32
        %swap3A_682 = arith.index_cast %add3A_681 : i32 to index
        %swap3A_683 = tpu.vector_load %arg17[%swap3A_682] {strides = array<i32>} : memref<12800xf32, #tpu.memory_space<vmem>>, vector<16xf32>,
        tpu.vector_store %arg17[%swap3A_682], %add3A_677 {strides = array<i32>} : memref<12800xf32, #tpu.memory_space<vmem>>, vector<16xf32>,
        %add3A_684 = arith.constant 0 : i32
        %add3A_685 = arith.addi %mul3A_392, %add3A_684 : i32
        %add3A_686 = arith.constant 1 : i32
        %add3A_687 = arith.addi %add3A_685, %add3A_686 : i32
        %mul3A_688 = arith.constant 1.562500e-02 : f32
        %mul3A_689 = arith.mulf %reduce_sum3A_497, %mul3A_688 : f32
        %mul3A_690 = arith.constant 1.562500e-02 : f32
        %mul3A_691 = arith.mulf %reduce_sum3A_501, %mul3A_690 : f32
        %mul3A_692 = arith.mulf %mul3A_689, %mul3A_689 : f32
        %sub3A_693 = arith.subf %mul3A_691, %mul3A_692 : f32
        %add3A_694 = arith.constant 9.99999974E-6 : f32
        %add3A_695 = arith.addf %sub3A_693, %add3A_694 : f32
        %broadcast_in_dim3A_696 = vector.broadcast %add3A_695 : f32 to vector<16xf32>
        %bitcast_convert_type3A_697 = tpu.bitcast %broadcast_in_dim3A_696 : vector<16xf32> -> vector<16xi32>
        %shift_right_logical3A_698 = arith.constant 1 : i32
        %shift_right_logical3A_699 = vector.broadcast %shift_right_logical3A_698 : i32 to vector<16xi32>
        %shift_right_logical3A_700 = arith.shrui %bitcast_convert_type3A_697, %shift_right_logical3A_699 : vector<16xi32>
        %sub3A_701 = arith.constant 1597463007 : i32
        %sub3A_702 = vector.broadcast %sub3A_701 : i32 to vector<16xi32>
        %sub3A_703 = arith.subi %sub3A_702, %shift_right_logical3A_700 : vector<16xi32>
        %bitcast_convert_type3A_704 = tpu.bitcast %sub3A_703 : vector<16xi32> -> vector<16xf32>
        %mul3A_705 = arith.constant 5.000000e-01 : f32
        %mul3A_706 = vector.broadcast %mul3A_705 : f32 to vector<16xf32>
        %mul3A_707 = arith.mulf %mul3A_706, %broadcast_in_dim3A_696 : vector<16xf32>
        %mul3A_708 = arith.mulf %mul3A_707, %bitcast_convert_type3A_704 : vector<16xf32>
        %mul3A_709 = arith.mulf %mul3A_708, %bitcast_convert_type3A_704 : vector<16xf32>
        %sub3A_710 = arith.constant 1.500000e+00 : f32
        %sub3A_711 = vector.broadcast %sub3A_710 : f32 to vector<16xf32>
        %sub3A_712 = arith.subf %sub3A_711, %mul3A_709 : vector<16xf32>
        %mul3A_713 = arith.mulf %bitcast_convert_type3A_704, %sub3A_712 : vector<16xf32>
        %mul3A_714 = arith.mulf %mul3A_707, %mul3A_713 : vector<16xf32>
        %mul3A_715 = arith.mulf %mul3A_714, %mul3A_713 : vector<16xf32>
        %sub3A_716 = arith.constant 1.500000e+00 : f32
        %sub3A_717 = vector.broadcast %sub3A_716 : f32 to vector<16xf32>
        %sub3A_718 = arith.subf %sub3A_717, %mul3A_715 : vector<16xf32>
        %mul3A_719 = arith.mulf %mul3A_713, %sub3A_718 : vector<16xf32>
        %broadcast_in_dim3A_720 = vector.broadcast %mul3A_689 : f32 to vector<16xf32>
        %sub3A_721 = arith.subf %add3A_462, %broadcast_in_dim3A_720 : vector<16xf32>
        %mul3A_722 = arith.mulf %sub3A_721, %mul3A_719 : vector<16xf32>
        %mul3A_723 = arith.mulf %mul3A_722, %get3A_35 : vector<16xf32>
        %add3A_724 = arith.addf %mul3A_723, %get3A_43 : vector<16xf32>
        %mul3A_725 = arith.constant 64 : i32
        %mul3A_726 = arith.muli %add3A_687, %mul3A_725 : i32
        %add3A_727 = arith.constant 0 : i32
        %add3A_728 = arith.addi %mul3A_726, %add3A_727 : i32
        %swap3A_729 = arith.index_cast %add3A_728 : i32 to index
        %swap3A_730 = tpu.vector_load %arg17[%swap3A_729] {strides = array<i32>} : memref<12800xf32, #tpu.memory_space<vmem>>, vector<16xf32>,
        tpu.vector_store %arg17[%swap3A_729], %add3A_724 {strides = array<i32>} : memref<12800xf32, #tpu.memory_space<vmem>>, vector<16xf32>,
        %sub3A_731 = arith.subf %add3A_469, %broadcast_in_dim3A_720 : vector<16xf32>
        %mul3A_732 = arith.mulf %sub3A_731, %mul3A_719 : vector<16xf32>
        %mul3A_733 = arith.mulf %mul3A_732, %get3A_37 : vector<16xf32>
        %add3A_734 = arith.addf %mul3A_733, %get3A_45 : vector<16xf32>
        %mul3A_735 = arith.constant 64 : i32
        %mul3A_736 = arith.muli %add3A_687, %mul3A_735 : i32
        %add3A_737 = arith.constant 16 : i32
        %add3A_738 = arith.addi %mul3A_736, %add3A_737 : i32
        %swap3A_739 = arith.index_cast %add3A_738 : i32 to index
        %swap3A_740 = tpu.vector_load %arg17[%swap3A_739] {strides = array<i32>} : memref<12800xf32, #tpu.memory_space<vmem>>, vector<16xf32>,
        tpu.vector_store %arg17[%swap3A_739], %add3A_734 {strides = array<i32>} : memref<12800xf32, #tpu.memory_space<vmem>>, vector<16xf32>,
        %sub3A_741 = arith.subf %add3A_476, %broadcast_in_dim3A_720 : vector<16xf32>
        %mul3A_742 = arith.mulf %sub3A_741, %mul3A_719 : vector<16xf32>
        %mul3A_743 = arith.mulf %mul3A_742, %get3A_39 : vector<16xf32>
        %add3A_744 = arith.addf %mul3A_743, %get3A_47 : vector<16xf32>
        %mul3A_745 = arith.constant 64 : i32
        %mul3A_746 = arith.muli %add3A_687, %mul3A_745 : i32
        %add3A_747 = arith.constant 32 : i32
        %add3A_748 = arith.addi %mul3A_746, %add3A_747 : i32
        %swap3A_749 = arith.index_cast %add3A_748 : i32 to index
        %swap3A_750 = tpu.vector_load %arg17[%swap3A_749] {strides = array<i32>} : memref<12800xf32, #tpu.memory_space<vmem>>, vector<16xf32>,
        tpu.vector_store %arg17[%swap3A_749], %add3A_744 {strides = array<i32>} : memref<12800xf32, #tpu.memory_space<vmem>>, vector<16xf32>,
        %sub3A_751 = arith.subf %add3A_483, %broadcast_in_dim3A_720 : vector<16xf32>
        %mul3A_752 = arith.mulf %sub3A_751, %mul3A_719 : vector<16xf32>
        %mul3A_753 = arith.mulf %mul3A_752, %get3A_41 : vector<16xf32>
        %add3A_754 = arith.addf %mul3A_753, %get3A_49 : vector<16xf32>
        %mul3A_755 = arith.constant 64 : i32
        %mul3A_756 = arith.muli %add3A_687, %mul3A_755 : i32
        %add3A_757 = arith.constant 48 : i32
        %add3A_758 = arith.addi %mul3A_756, %add3A_757 : i32
        %swap3A_759 = arith.index_cast %add3A_758 : i32 to index
        %swap3A_760 = tpu.vector_load %arg17[%swap3A_759] {strides = array<i32>} : memref<12800xf32, #tpu.memory_space<vmem>>, vector<16xf32>,
        tpu.vector_store %arg17[%swap3A_759], %add3A_754 {strides = array<i32>} : memref<12800xf32, #tpu.memory_space<vmem>>, vector<16xf32>,
        %add3A_761 = arith.constant 0 : i32
        %add3A_762 = arith.addi %mul3A_392, %add3A_761 : i32
        %add3A_763 = arith.constant 2 : i32
        %add3A_764 = arith.addi %add3A_762, %add3A_763 : i32
        %mul3A_765 = arith.constant 1.562500e-02 : f32
        %mul3A_766 = arith.mulf %reduce_sum3A_552, %mul3A_765 : f32
        %mul3A_767 = arith.constant 1.562500e-02 : f32
        %mul3A_768 = arith.mulf %reduce_sum3A_556, %mul3A_767 : f32
        %mul3A_769 = arith.mulf %mul3A_766, %mul3A_766 : f32
        %sub3A_770 = arith.subf %mul3A_768, %mul3A_769 : f32
        %add3A_771 = arith.constant 9.99999974E-6 : f32
        %add3A_772 = arith.addf %sub3A_770, %add3A_771 : f32
        %broadcast_in_dim3A_773 = vector.broadcast %add3A_772 : f32 to vector<16xf32>
        %bitcast_convert_type3A_774 = tpu.bitcast %broadcast_in_dim3A_773 : vector<16xf32> -> vector<16xi32>
        %shift_right_logical3A_775 = arith.constant 1 : i32
        %shift_right_logical3A_776 = vector.broadcast %shift_right_logical3A_775 : i32 to vector<16xi32>
        %shift_right_logical3A_777 = arith.shrui %bitcast_convert_type3A_774, %shift_right_logical3A_776 : vector<16xi32>
        %sub3A_778 = arith.constant 1597463007 : i32
        %sub3A_779 = vector.broadcast %sub3A_778 : i32 to vector<16xi32>
        %sub3A_780 = arith.subi %sub3A_779, %shift_right_logical3A_777 : vector<16xi32>
        %bitcast_convert_type3A_781 = tpu.bitcast %sub3A_780 : vector<16xi32> -> vector<16xf32>
        %mul3A_782 = arith.constant 5.000000e-01 : f32
        %mul3A_783 = vector.broadcast %mul3A_782 : f32 to vector<16xf32>
        %mul3A_784 = arith.mulf %mul3A_783, %broadcast_in_dim3A_773 : vector<16xf32>
        %mul3A_785 = arith.mulf %mul3A_784, %bitcast_convert_type3A_781 : vector<16xf32>
        %mul3A_786 = arith.mulf %mul3A_785, %bitcast_convert_type3A_781 : vector<16xf32>
        %sub3A_787 = arith.constant 1.500000e+00 : f32
        %sub3A_788 = vector.broadcast %sub3A_787 : f32 to vector<16xf32>
        %sub3A_789 = arith.subf %sub3A_788, %mul3A_786 : vector<16xf32>
        %mul3A_790 = arith.mulf %bitcast_convert_type3A_781, %sub3A_789 : vector<16xf32>
        %mul3A_791 = arith.mulf %mul3A_784, %mul3A_790 : vector<16xf32>
        %mul3A_792 = arith.mulf %mul3A_791, %mul3A_790 : vector<16xf32>
        %sub3A_793 = arith.constant 1.500000e+00 : f32
        %sub3A_794 = vector.broadcast %sub3A_793 : f32 to vector<16xf32>
        %sub3A_795 = arith.subf %sub3A_794, %mul3A_792 : vector<16xf32>
        %mul3A_796 = arith.mulf %mul3A_790, %sub3A_795 : vector<16xf32>
        %broadcast_in_dim3A_797 = vector.broadcast %mul3A_766 : f32 to vector<16xf32>
        %sub3A_798 = arith.subf %add3A_517, %broadcast_in_dim3A_797 : vector<16xf32>
        %mul3A_799 = arith.mulf %sub3A_798, %mul3A_796 : vector<16xf32>
        %mul3A_800 = arith.mulf %mul3A_799, %get3A_35 : vector<16xf32>
        %add3A_801 = arith.addf %mul3A_800, %get3A_43 : vector<16xf32>
        %mul3A_802 = arith.constant 64 : i32
        %mul3A_803 = arith.muli %add3A_764, %mul3A_802 : i32
        %add3A_804 = arith.constant 0 : i32
        %add3A_805 = arith.addi %mul3A_803, %add3A_804 : i32
        %swap3A_806 = arith.index_cast %add3A_805 : i32 to index
        %swap3A_807 = tpu.vector_load %arg17[%swap3A_806] {strides = array<i32>} : memref<12800xf32, #tpu.memory_space<vmem>>, vector<16xf32>,
        tpu.vector_store %arg17[%swap3A_806], %add3A_801 {strides = array<i32>} : memref<12800xf32, #tpu.memory_space<vmem>>, vector<16xf32>,
        %sub3A_808 = arith.subf %add3A_524, %broadcast_in_dim3A_797 : vector<16xf32>
        %mul3A_809 = arith.mulf %sub3A_808, %mul3A_796 : vector<16xf32>
        %mul3A_810 = arith.mulf %mul3A_809, %get3A_37 : vector<16xf32>
        %add3A_811 = arith.addf %mul3A_810, %get3A_45 : vector<16xf32>
        %mul3A_812 = arith.constant 64 : i32
        %mul3A_813 = arith.muli %add3A_764, %mul3A_812 : i32
        %add3A_814 = arith.constant 16 : i32
        %add3A_815 = arith.addi %mul3A_813, %add3A_814 : i32
        %swap3A_816 = arith.index_cast %add3A_815 : i32 to index
        %swap3A_817 = tpu.vector_load %arg17[%swap3A_816] {strides = array<i32>} : memref<12800xf32, #tpu.memory_space<vmem>>, vector<16xf32>,
        tpu.vector_store %arg17[%swap3A_816], %add3A_811 {strides = array<i32>} : memref<12800xf32, #tpu.memory_space<vmem>>, vector<16xf32>,
        %sub3A_818 = arith.subf %add3A_531, %broadcast_in_dim3A_797 : vector<16xf32>
        %mul3A_819 = arith.mulf %sub3A_818, %mul3A_796 : vector<16xf32>
        %mul3A_820 = arith.mulf %mul3A_819, %get3A_39 : vector<16xf32>
        %add3A_821 = arith.addf %mul3A_820, %get3A_47 : vector<16xf32>
        %mul3A_822 = arith.constant 64 : i32
        %mul3A_823 = arith.muli %add3A_764, %mul3A_822 : i32
        %add3A_824 = arith.constant 32 : i32
        %add3A_825 = arith.addi %mul3A_823, %add3A_824 : i32
        %swap3A_826 = arith.index_cast %add3A_825 : i32 to index
        %swap3A_827 = tpu.vector_load %arg17[%swap3A_826] {strides = array<i32>} : memref<12800xf32, #tpu.memory_space<vmem>>, vector<16xf32>,
        tpu.vector_store %arg17[%swap3A_826], %add3A_821 {strides = array<i32>} : memref<12800xf32, #tpu.memory_space<vmem>>, vector<16xf32>,
        %sub3A_828 = arith.subf %add3A_538, %broadcast_in_dim3A_797 : vector<16xf32>
        %mul3A_829 = arith.mulf %sub3A_828, %mul3A_796 : vector<16xf32>
        %mul3A_830 = arith.mulf %mul3A_829, %get3A_41 : vector<16xf32>
        %add3A_831 = arith.addf %mul3A_830, %get3A_49 : vector<16xf32>
        %mul3A_832 = arith.constant 64 : i32
        %mul3A_833 = arith.muli %add3A_764, %mul3A_832 : i32
        %add3A_834 = arith.constant 48 : i32
        %add3A_835 = arith.addi %mul3A_833, %add3A_834 : i32
        %swap3A_836 = arith.index_cast %add3A_835 : i32 to index
        %swap3A_837 = tpu.vector_load %arg17[%swap3A_836] {strides = array<i32>} : memref<12800xf32, #tpu.memory_space<vmem>>, vector<16xf32>,
        tpu.vector_store %arg17[%swap3A_836], %add3A_831 {strides = array<i32>} : memref<12800xf32, #tpu.memory_space<vmem>>, vector<16xf32>,
        %add3A_838 = arith.constant 0 : i32
        %add3A_839 = arith.addi %mul3A_392, %add3A_838 : i32
        %add3A_840 = arith.constant 3 : i32
        %add3A_841 = arith.addi %add3A_839, %add3A_840 : i32
        %mul3A_842 = arith.constant 1.562500e-02 : f32
        %mul3A_843 = arith.mulf %reduce_sum3A_607, %mul3A_842 : f32
        %mul3A_844 = arith.constant 1.562500e-02 : f32
        %mul3A_845 = arith.mulf %reduce_sum3A_611, %mul3A_844 : f32
        %mul3A_846 = arith.mulf %mul3A_843, %mul3A_843 : f32
        %sub3A_847 = arith.subf %mul3A_845, %mul3A_846 : f32
        %add3A_848 = arith.constant 9.99999974E-6 : f32
        %add3A_849 = arith.addf %sub3A_847, %add3A_848 : f32
        %broadcast_in_dim3A_850 = vector.broadcast %add3A_849 : f32 to vector<16xf32>
        %bitcast_convert_type3A_851 = tpu.bitcast %broadcast_in_dim3A_850 : vector<16xf32> -> vector<16xi32>
        %shift_right_logical3A_852 = arith.constant 1 : i32
        %shift_right_logical3A_853 = vector.broadcast %shift_right_logical3A_852 : i32 to vector<16xi32>
        %shift_right_logical3A_854 = arith.shrui %bitcast_convert_type3A_851, %shift_right_logical3A_853 : vector<16xi32>
        %sub3A_855 = arith.constant 1597463007 : i32
        %sub3A_856 = vector.broadcast %sub3A_855 : i32 to vector<16xi32>
        %sub3A_857 = arith.subi %sub3A_856, %shift_right_logical3A_854 : vector<16xi32>
        %bitcast_convert_type3A_858 = tpu.bitcast %sub3A_857 : vector<16xi32> -> vector<16xf32>
        %mul3A_859 = arith.constant 5.000000e-01 : f32
        %mul3A_860 = vector.broadcast %mul3A_859 : f32 to vector<16xf32>
        %mul3A_861 = arith.mulf %mul3A_860, %broadcast_in_dim3A_850 : vector<16xf32>
        %mul3A_862 = arith.mulf %mul3A_861, %bitcast_convert_type3A_858 : vector<16xf32>
        %mul3A_863 = arith.mulf %mul3A_862, %bitcast_convert_type3A_858 : vector<16xf32>
        %sub3A_864 = arith.constant 1.500000e+00 : f32
        %sub3A_865 = vector.broadcast %sub3A_864 : f32 to vector<16xf32>
        %sub3A_866 = arith.subf %sub3A_865, %mul3A_863 : vector<16xf32>
        %mul3A_867 = arith.mulf %bitcast_convert_type3A_858, %sub3A_866 : vector<16xf32>
        %mul3A_868 = arith.mulf %mul3A_861, %mul3A_867 : vector<16xf32>
        %mul3A_869 = arith.mulf %mul3A_868, %mul3A_867 : vector<16xf32>
        %sub3A_870 = arith.constant 1.500000e+00 : f32
        %sub3A_871 = vector.broadcast %sub3A_870 : f32 to vector<16xf32>
        %sub3A_872 = arith.subf %sub3A_871, %mul3A_869 : vector<16xf32>
        %mul3A_873 = arith.mulf %mul3A_867, %sub3A_872 : vector<16xf32>
        %broadcast_in_dim3A_874 = vector.broadcast %mul3A_843 : f32 to vector<16xf32>
        %sub3A_875 = arith.subf %add3A_572, %broadcast_in_dim3A_874 : vector<16xf32>
        %mul3A_876 = arith.mulf %sub3A_875, %mul3A_873 : vector<16xf32>
        %mul3A_877 = arith.mulf %mul3A_876, %get3A_35 : vector<16xf32>
        %add3A_878 = arith.addf %mul3A_877, %get3A_43 : vector<16xf32>
        %mul3A_879 = arith.constant 64 : i32
        %mul3A_880 = arith.muli %add3A_841, %mul3A_879 : i32
        %add3A_881 = arith.constant 0 : i32
        %add3A_882 = arith.addi %mul3A_880, %add3A_881 : i32
        %swap3A_883 = arith.index_cast %add3A_882 : i32 to index
        %swap3A_884 = tpu.vector_load %arg17[%swap3A_883] {strides = array<i32>} : memref<12800xf32, #tpu.memory_space<vmem>>, vector<16xf32>,
        tpu.vector_store %arg17[%swap3A_883], %add3A_878 {strides = array<i32>} : memref<12800xf32, #tpu.memory_space<vmem>>, vector<16xf32>,
        %sub3A_885 = arith.subf %add3A_579, %broadcast_in_dim3A_874 : vector<16xf32>
        %mul3A_886 = arith.mulf %sub3A_885, %mul3A_873 : vector<16xf32>
        %mul3A_887 = arith.mulf %mul3A_886, %get3A_37 : vector<16xf32>
        %add3A_888 = arith.addf %mul3A_887, %get3A_45 : vector<16xf32>
        %mul3A_889 = arith.constant 64 : i32
        %mul3A_890 = arith.muli %add3A_841, %mul3A_889 : i32
        %add3A_891 = arith.constant 16 : i32
        %add3A_892 = arith.addi %mul3A_890, %add3A_891 : i32
        %swap3A_893 = arith.index_cast %add3A_892 : i32 to index
        %swap3A_894 = tpu.vector_load %arg17[%swap3A_893] {strides = array<i32>} : memref<12800xf32, #tpu.memory_space<vmem>>, vector<16xf32>,
        tpu.vector_store %arg17[%swap3A_893], %add3A_888 {strides = array<i32>} : memref<12800xf32, #tpu.memory_space<vmem>>, vector<16xf32>,
        %sub3A_895 = arith.subf %add3A_586, %broadcast_in_dim3A_874 : vector<16xf32>
        %mul3A_896 = arith.mulf %sub3A_895, %mul3A_873 : vector<16xf32>
        %mul3A_897 = arith.mulf %mul3A_896, %get3A_39 : vector<16xf32>
        %add3A_898 = arith.addf %mul3A_897, %get3A_47 : vector<16xf32>
        %mul3A_899 = arith.constant 64 : i32
        %mul3A_900 = arith.muli %add3A_841, %mul3A_899 : i32
        %add3A_901 = arith.constant 32 : i32
        %add3A_902 = arith.addi %mul3A_900, %add3A_901 : i32
        %swap3A_903 = arith.index_cast %add3A_902 : i32 to index
        %swap3A_904 = tpu.vector_load %arg17[%swap3A_903] {strides = array<i32>} : memref<12800xf32, #tpu.memory_space<vmem>>, vector<16xf32>,
        tpu.vector_store %arg17[%swap3A_903], %add3A_898 {strides = array<i32>} : memref<12800xf32, #tpu.memory_space<vmem>>, vector<16xf32>,
        %sub3A_905 = arith.subf %add3A_593, %broadcast_in_dim3A_874 : vector<16xf32>
        %mul3A_906 = arith.mulf %sub3A_905, %mul3A_873 : vector<16xf32>
        %mul3A_907 = arith.mulf %mul3A_906, %get3A_41 : vector<16xf32>
        %add3A_908 = arith.addf %mul3A_907, %get3A_49 : vector<16xf32>
        %mul3A_909 = arith.constant 64 : i32
        %mul3A_910 = arith.muli %add3A_841, %mul3A_909 : i32
        %add3A_911 = arith.constant 48 : i32
        %add3A_912 = arith.addi %mul3A_910, %add3A_911 : i32
        %swap3A_913 = arith.index_cast %add3A_912 : i32 to index
        %swap3A_914 = tpu.vector_load %arg17[%swap3A_913] {strides = array<i32>} : memref<12800xf32, #tpu.memory_space<vmem>>, vector<16xf32>,
        tpu.vector_store %arg17[%swap3A_913], %add3A_908 {strides = array<i32>} : memref<12800xf32, #tpu.memory_space<vmem>>, vector<16xf32>,
        %add3A_915 = arith.constant 4 : i32
        %add3A_916 = arith.addi %mul3A_392, %add3A_915 : i32
        %add3A_917 = arith.constant 0 : i32
        %add3A_918 = arith.addi %add3A_916, %add3A_917 : i32
        %slice3A_919 = vector.extract_strided_slice %get3A_394 {offsets = [4], sizes = [1], strides = [1]} : vector<16xi32> to vector<1xi32>
        %squeeze3A_920 = vector.extract %slice3A_919[0] : i32 from vector<1xi32>
        %mul3A_921 = arith.constant 200 : i32
        %mul3A_922 = arith.muli %squeeze3A_920, %mul3A_921 : i32
        %add3A_923 = arith.addi %mul3A_922, %add3A_918 : i32
        %get3A_924 = arith.index_cast %add3A_918 : i32 to index
        %get3A_925 = arith.constant 0 : index
        %get3A_926 = tpu.vector_load %arg15[%get3A_924, %get3A_925] {strides = array<i32>} : memref<200x128xf32, #tpu.memory_space<vmem>>, vector<16xf32>,
        %get3A_927 = arith.index_cast %add3A_923 : i32 to index
        %get3A_928 = arith.constant 0 : index
        %get3A_929 = tpu.vector_load %arg18[%get3A_927, %get3A_928] {strides = array<i32>} : memref<400x64xf32, #tpu.memory_space<vmem>>, vector<16xf32>,
        %add3A_930 = arith.addf %get3A_926, %get3A_929 : vector<16xf32>
        %get3A_931 = arith.index_cast %add3A_918 : i32 to index
        %get3A_932 = arith.constant 16 : index
        %get3A_933 = tpu.vector_load %arg15[%get3A_931, %get3A_932] {strides = array<i32>} : memref<200x128xf32, #tpu.memory_space<vmem>>, vector<16xf32>,
        %get3A_934 = arith.index_cast %add3A_923 : i32 to index
        %get3A_935 = arith.constant 16 : index
        %get3A_936 = tpu.vector_load %arg18[%get3A_934, %get3A_935] {strides = array<i32>} : memref<400x64xf32, #tpu.memory_space<vmem>>, vector<16xf32>,
        %add3A_937 = arith.addf %get3A_933, %get3A_936 : vector<16xf32>
        %get3A_938 = arith.index_cast %add3A_918 : i32 to index
        %get3A_939 = arith.constant 32 : index
        %get3A_940 = tpu.vector_load %arg15[%get3A_938, %get3A_939] {strides = array<i32>} : memref<200x128xf32, #tpu.memory_space<vmem>>, vector<16xf32>,
        %get3A_941 = arith.index_cast %add3A_923 : i32 to index
        %get3A_942 = arith.constant 32 : index
        %get3A_943 = tpu.vector_load %arg18[%get3A_941, %get3A_942] {strides = array<i32>} : memref<400x64xf32, #tpu.memory_space<vmem>>, vector<16xf32>,
        %add3A_944 = arith.addf %get3A_940, %get3A_943 : vector<16xf32>
        %get3A_945 = arith.index_cast %add3A_918 : i32 to index
        %get3A_946 = arith.constant 48 : index
        %get3A_947 = tpu.vector_load %arg15[%get3A_945, %get3A_946] {strides = array<i32>} : memref<200x128xf32, #tpu.memory_space<vmem>>, vector<16xf32>,
        %get3A_948 = arith.index_cast %add3A_923 : i32 to index
        %get3A_949 = arith.constant 48 : index
        %get3A_950 = tpu.vector_load %arg18[%get3A_948, %get3A_949] {strides = array<i32>} : memref<400x64xf32, #tpu.memory_space<vmem>>, vector<16xf32>,
        %add3A_951 = arith.addf %get3A_947, %get3A_950 : vector<16xf32>
        %add3A_952 = arith.addf %add3A_930, %add3A_937 : vector<16xf32>
        %add3A_953 = arith.addf %add3A_944, %add3A_951 : vector<16xf32>
        %add3A_954 = arith.addf %add3A_952, %add3A_953 : vector<16xf32>
        %mul3A_955 = arith.mulf %add3A_930, %add3A_930 : vector<16xf32>
        %mul3A_956 = arith.mulf %add3A_937, %add3A_937 : vector<16xf32>
        %add3A_957 = arith.addf %mul3A_955, %mul3A_956 : vector<16xf32>
        %mul3A_958 = arith.mulf %add3A_944, %add3A_944 : vector<16xf32>
        %mul3A_959 = arith.mulf %add3A_951, %add3A_951 : vector<16xf32>
        %add3A_960 = arith.addf %mul3A_958, %mul3A_959 : vector<16xf32>
        %add3A_961 = arith.addf %add3A_957, %add3A_960 : vector<16xf32>
        %reduce_sum3A_962 = arith.constant true
        %reduce_sum3A_963 = vector.broadcast %reduce_sum3A_962 : i1 to vector<16xi1>
        %reduce_sum3A_964 = tpu.scan <sum>, %add3A_954 masked %reduce_sum3A_963 : vector<16xf32>, vector<16xi1> -> vector<16xf32>
        %reduce_sum3A_965 = vector.extract %reduce_sum3A_964[15] : f32 from vector<16xf32>
        %reduce_sum3A_966 = arith.constant true
        %reduce_sum3A_967 = vector.broadcast %reduce_sum3A_966 : i1 to vector<16xi1>
        %reduce_sum3A_968 = tpu.scan <sum>, %add3A_961 masked %reduce_sum3A_967 : vector<16xf32>, vector<16xi1> -> vector<16xf32>
        %reduce_sum3A_969 = vector.extract %reduce_sum3A_968[15] : f32 from vector<16xf32>
        %add3A_970 = arith.constant 4 : i32
        %add3A_971 = arith.addi %mul3A_392, %add3A_970 : i32
        %add3A_972 = arith.constant 1 : i32
        %add3A_973 = arith.addi %add3A_971, %add3A_972 : i32
        %slice3A_974 = vector.extract_strided_slice %get3A_394 {offsets = [5], sizes = [1], strides = [1]} : vector<16xi32> to vector<1xi32>
        %squeeze3A_975 = vector.extract %slice3A_974[0] : i32 from vector<1xi32>
        %mul3A_976 = arith.constant 200 : i32
        %mul3A_977 = arith.muli %squeeze3A_975, %mul3A_976 : i32
        %add3A_978 = arith.addi %mul3A_977, %add3A_973 : i32
        %get3A_979 = arith.index_cast %add3A_973 : i32 to index
        %get3A_980 = arith.constant 0 : index
        %get3A_981 = tpu.vector_load %arg15[%get3A_979, %get3A_980] {strides = array<i32>} : memref<200x128xf32, #tpu.memory_space<vmem>>, vector<16xf32>,
        %get3A_982 = arith.index_cast %add3A_978 : i32 to index
        %get3A_983 = arith.constant 0 : index
        %get3A_984 = tpu.vector_load %arg18[%get3A_982, %get3A_983] {strides = array<i32>} : memref<400x64xf32, #tpu.memory_space<vmem>>, vector<16xf32>,
        %add3A_985 = arith.addf %get3A_981, %get3A_984 : vector<16xf32>
        %get3A_986 = arith.index_cast %add3A_973 : i32 to index
        %get3A_987 = arith.constant 16 : index
        %get3A_988 = tpu.vector_load %arg15[%get3A_986, %get3A_987] {strides = array<i32>} : memref<200x128xf32, #tpu.memory_space<vmem>>, vector<16xf32>,
        %get3A_989 = arith.index_cast %add3A_978 : i32 to index
        %get3A_990 = arith.constant 16 : index
        %get3A_991 = tpu.vector_load %arg18[%get3A_989, %get3A_990] {strides = array<i32>} : memref<400x64xf32, #tpu.memory_space<vmem>>, vector<16xf32>,
        %add3A_992 = arith.addf %get3A_988, %get3A_991 : vector<16xf32>
        %get3A_993 = arith.index_cast %add3A_973 : i32 to index
        %get3A_994 = arith.constant 32 : index
        %get3A_995 = tpu.vector_load %arg15[%get3A_993, %get3A_994] {strides = array<i32>} : memref<200x128xf32, #tpu.memory_space<vmem>>, vector<16xf32>,
        %get3A_996 = arith.index_cast %add3A_978 : i32 to index
        %get3A_997 = arith.constant 32 : index
        %get3A_998 = tpu.vector_load %arg18[%get3A_996, %get3A_997] {strides = array<i32>} : memref<400x64xf32, #tpu.memory_space<vmem>>, vector<16xf32>,
        %add3A_999 = arith.addf %get3A_995, %get3A_998 : vector<16xf32>
        %get3A_1000 = arith.index_cast %add3A_973 : i32 to index
        %get3A_1001 = arith.constant 48 : index
        %get3A_1002 = tpu.vector_load %arg15[%get3A_1000, %get3A_1001] {strides = array<i32>} : memref<200x128xf32, #tpu.memory_space<vmem>>, vector<16xf32>,
        %get3A_1003 = arith.index_cast %add3A_978 : i32 to index
        %get3A_1004 = arith.constant 48 : index
        %get3A_1005 = tpu.vector_load %arg18[%get3A_1003, %get3A_1004] {strides = array<i32>} : memref<400x64xf32, #tpu.memory_space<vmem>>, vector<16xf32>,
        %add3A_1006 = arith.addf %get3A_1002, %get3A_1005 : vector<16xf32>
        %add3A_1007 = arith.addf %add3A_985, %add3A_992 : vector<16xf32>
        %add3A_1008 = arith.addf %add3A_999, %add3A_1006 : vector<16xf32>
        %add3A_1009 = arith.addf %add3A_1007, %add3A_1008 : vector<16xf32>
        %mul3A_1010 = arith.mulf %add3A_985, %add3A_985 : vector<16xf32>
        %mul3A_1011 = arith.mulf %add3A_992, %add3A_992 : vector<16xf32>
        %add3A_1012 = arith.addf %mul3A_1010, %mul3A_1011 : vector<16xf32>
        %mul3A_1013 = arith.mulf %add3A_999, %add3A_999 : vector<16xf32>
        %mul3A_1014 = arith.mulf %add3A_1006, %add3A_1006 : vector<16xf32>
        %add3A_1015 = arith.addf %mul3A_1013, %mul3A_1014 : vector<16xf32>
        %add3A_1016 = arith.addf %add3A_1012, %add3A_1015 : vector<16xf32>
        %reduce_sum3A_1017 = arith.constant true
        %reduce_sum3A_1018 = vector.broadcast %reduce_sum3A_1017 : i1 to vector<16xi1>
        %reduce_sum3A_1019 = tpu.scan <sum>, %add3A_1009 masked %reduce_sum3A_1018 : vector<16xf32>, vector<16xi1> -> vector<16xf32>
        %reduce_sum3A_1020 = vector.extract %reduce_sum3A_1019[15] : f32 from vector<16xf32>
        %reduce_sum3A_1021 = arith.constant true
        %reduce_sum3A_1022 = vector.broadcast %reduce_sum3A_1021 : i1 to vector<16xi1>
        %reduce_sum3A_1023 = tpu.scan <sum>, %add3A_1016 masked %reduce_sum3A_1022 : vector<16xf32>, vector<16xi1> -> vector<16xf32>
        %reduce_sum3A_1024 = vector.extract %reduce_sum3A_1023[15] : f32 from vector<16xf32>
        %add3A_1025 = arith.constant 4 : i32
        %add3A_1026 = arith.addi %mul3A_392, %add3A_1025 : i32
        %add3A_1027 = arith.constant 2 : i32
        %add3A_1028 = arith.addi %add3A_1026, %add3A_1027 : i32
        %slice3A_1029 = vector.extract_strided_slice %get3A_394 {offsets = [6], sizes = [1], strides = [1]} : vector<16xi32> to vector<1xi32>
        %squeeze3A_1030 = vector.extract %slice3A_1029[0] : i32 from vector<1xi32>
        %mul3A_1031 = arith.constant 200 : i32
        %mul3A_1032 = arith.muli %squeeze3A_1030, %mul3A_1031 : i32
        %add3A_1033 = arith.addi %mul3A_1032, %add3A_1028 : i32
        %get3A_1034 = arith.index_cast %add3A_1028 : i32 to index
        %get3A_1035 = arith.constant 0 : index
        %get3A_1036 = tpu.vector_load %arg15[%get3A_1034, %get3A_1035] {strides = array<i32>} : memref<200x128xf32, #tpu.memory_space<vmem>>, vector<16xf32>,
        %get3A_1037 = arith.index_cast %add3A_1033 : i32 to index
        %get3A_1038 = arith.constant 0 : index
        %get3A_1039 = tpu.vector_load %arg18[%get3A_1037, %get3A_1038] {strides = array<i32>} : memref<400x64xf32, #tpu.memory_space<vmem>>, vector<16xf32>,
        %add3A_1040 = arith.addf %get3A_1036, %get3A_1039 : vector<16xf32>
        %get3A_1041 = arith.index_cast %add3A_1028 : i32 to index
        %get3A_1042 = arith.constant 16 : index
        %get3A_1043 = tpu.vector_load %arg15[%get3A_1041, %get3A_1042] {strides = array<i32>} : memref<200x128xf32, #tpu.memory_space<vmem>>, vector<16xf32>,
        %get3A_1044 = arith.index_cast %add3A_1033 : i32 to index
        %get3A_1045 = arith.constant 16 : index
        %get3A_1046 = tpu.vector_load %arg18[%get3A_1044, %get3A_1045] {strides = array<i32>} : memref<400x64xf32, #tpu.memory_space<vmem>>, vector<16xf32>,
        %add3A_1047 = arith.addf %get3A_1043, %get3A_1046 : vector<16xf32>
        %get3A_1048 = arith.index_cast %add3A_1028 : i32 to index
        %get3A_1049 = arith.constant 32 : index
        %get3A_1050 = tpu.vector_load %arg15[%get3A_1048, %get3A_1049] {strides = array<i32>} : memref<200x128xf32, #tpu.memory_space<vmem>>, vector<16xf32>,
        %get3A_1051 = arith.index_cast %add3A_1033 : i32 to index
        %get3A_1052 = arith.constant 32 : index
        %get3A_1053 = tpu.vector_load %arg18[%get3A_1051, %get3A_1052] {strides = array<i32>} : memref<400x64xf32, #tpu.memory_space<vmem>>, vector<16xf32>,
        %add3A_1054 = arith.addf %get3A_1050, %get3A_1053 : vector<16xf32>
        %get3A_1055 = arith.index_cast %add3A_1028 : i32 to index
        %get3A_1056 = arith.constant 48 : index
        %get3A_1057 = tpu.vector_load %arg15[%get3A_1055, %get3A_1056] {strides = array<i32>} : memref<200x128xf32, #tpu.memory_space<vmem>>, vector<16xf32>,
        %get3A_1058 = arith.index_cast %add3A_1033 : i32 to index
        %get3A_1059 = arith.constant 48 : index
        %get3A_1060 = tpu.vector_load %arg18[%get3A_1058, %get3A_1059] {strides = array<i32>} : memref<400x64xf32, #tpu.memory_space<vmem>>, vector<16xf32>,
        %add3A_1061 = arith.addf %get3A_1057, %get3A_1060 : vector<16xf32>
        %add3A_1062 = arith.addf %add3A_1040, %add3A_1047 : vector<16xf32>
        %add3A_1063 = arith.addf %add3A_1054, %add3A_1061 : vector<16xf32>
        %add3A_1064 = arith.addf %add3A_1062, %add3A_1063 : vector<16xf32>
        %mul3A_1065 = arith.mulf %add3A_1040, %add3A_1040 : vector<16xf32>
        %mul3A_1066 = arith.mulf %add3A_1047, %add3A_1047 : vector<16xf32>
        %add3A_1067 = arith.addf %mul3A_1065, %mul3A_1066 : vector<16xf32>
        %mul3A_1068 = arith.mulf %add3A_1054, %add3A_1054 : vector<16xf32>
        %mul3A_1069 = arith.mulf %add3A_1061, %add3A_1061 : vector<16xf32>
        %add3A_1070 = arith.addf %mul3A_1068, %mul3A_1069 : vector<16xf32>
        %add3A_1071 = arith.addf %add3A_1067, %add3A_1070 : vector<16xf32>
        %reduce_sum3A_1072 = arith.constant true
        %reduce_sum3A_1073 = vector.broadcast %reduce_sum3A_1072 : i1 to vector<16xi1>
        %reduce_sum3A_1074 = tpu.scan <sum>, %add3A_1064 masked %reduce_sum3A_1073 : vector<16xf32>, vector<16xi1> -> vector<16xf32>
        %reduce_sum3A_1075 = vector.extract %reduce_sum3A_1074[15] : f32 from vector<16xf32>
        %reduce_sum3A_1076 = arith.constant true
        %reduce_sum3A_1077 = vector.broadcast %reduce_sum3A_1076 : i1 to vector<16xi1>
        %reduce_sum3A_1078 = tpu.scan <sum>, %add3A_1071 masked %reduce_sum3A_1077 : vector<16xf32>, vector<16xi1> -> vector<16xf32>
        %reduce_sum3A_1079 = vector.extract %reduce_sum3A_1078[15] : f32 from vector<16xf32>
        %add3A_1080 = arith.constant 4 : i32
        %add3A_1081 = arith.addi %mul3A_392, %add3A_1080 : i32
        %add3A_1082 = arith.constant 3 : i32
        %add3A_1083 = arith.addi %add3A_1081, %add3A_1082 : i32
        %slice3A_1084 = vector.extract_strided_slice %get3A_394 {offsets = [7], sizes = [1], strides = [1]} : vector<16xi32> to vector<1xi32>
        %squeeze3A_1085 = vector.extract %slice3A_1084[0] : i32 from vector<1xi32>
        %mul3A_1086 = arith.constant 200 : i32
        %mul3A_1087 = arith.muli %squeeze3A_1085, %mul3A_1086 : i32
        %add3A_1088 = arith.addi %mul3A_1087, %add3A_1083 : i32
        %get3A_1089 = arith.index_cast %add3A_1083 : i32 to index
        %get3A_1090 = arith.constant 0 : index
        %get3A_1091 = tpu.vector_load %arg15[%get3A_1089, %get3A_1090] {strides = array<i32>} : memref<200x128xf32, #tpu.memory_space<vmem>>, vector<16xf32>,
        %get3A_1092 = arith.index_cast %add3A_1088 : i32 to index
        %get3A_1093 = arith.constant 0 : index
        %get3A_1094 = tpu.vector_load %arg18[%get3A_1092, %get3A_1093] {strides = array<i32>} : memref<400x64xf32, #tpu.memory_space<vmem>>, vector<16xf32>,
        %add3A_1095 = arith.addf %get3A_1091, %get3A_1094 : vector<16xf32>
        %get3A_1096 = arith.index_cast %add3A_1083 : i32 to index
        %get3A_1097 = arith.constant 16 : index
        %get3A_1098 = tpu.vector_load %arg15[%get3A_1096, %get3A_1097] {strides = array<i32>} : memref<200x128xf32, #tpu.memory_space<vmem>>, vector<16xf32>,
        %get3A_1099 = arith.index_cast %add3A_1088 : i32 to index
        %get3A_1100 = arith.constant 16 : index
        %get3A_1101 = tpu.vector_load %arg18[%get3A_1099, %get3A_1100] {strides = array<i32>} : memref<400x64xf32, #tpu.memory_space<vmem>>, vector<16xf32>,
        %add3A_1102 = arith.addf %get3A_1098, %get3A_1101 : vector<16xf32>
        %get3A_1103 = arith.index_cast %add3A_1083 : i32 to index
        %get3A_1104 = arith.constant 32 : index
        %get3A_1105 = tpu.vector_load %arg15[%get3A_1103, %get3A_1104] {strides = array<i32>} : memref<200x128xf32, #tpu.memory_space<vmem>>, vector<16xf32>,
        %get3A_1106 = arith.index_cast %add3A_1088 : i32 to index
        %get3A_1107 = arith.constant 32 : index
        %get3A_1108 = tpu.vector_load %arg18[%get3A_1106, %get3A_1107] {strides = array<i32>} : memref<400x64xf32, #tpu.memory_space<vmem>>, vector<16xf32>,
        %add3A_1109 = arith.addf %get3A_1105, %get3A_1108 : vector<16xf32>
        %get3A_1110 = arith.index_cast %add3A_1083 : i32 to index
        %get3A_1111 = arith.constant 48 : index
        %get3A_1112 = tpu.vector_load %arg15[%get3A_1110, %get3A_1111] {strides = array<i32>} : memref<200x128xf32, #tpu.memory_space<vmem>>, vector<16xf32>,
        %get3A_1113 = arith.index_cast %add3A_1088 : i32 to index
        %get3A_1114 = arith.constant 48 : index
        %get3A_1115 = tpu.vector_load %arg18[%get3A_1113, %get3A_1114] {strides = array<i32>} : memref<400x64xf32, #tpu.memory_space<vmem>>, vector<16xf32>,
        %add3A_1116 = arith.addf %get3A_1112, %get3A_1115 : vector<16xf32>
        %add3A_1117 = arith.addf %add3A_1095, %add3A_1102 : vector<16xf32>
        %add3A_1118 = arith.addf %add3A_1109, %add3A_1116 : vector<16xf32>
        %add3A_1119 = arith.addf %add3A_1117, %add3A_1118 : vector<16xf32>
        %mul3A_1120 = arith.mulf %add3A_1095, %add3A_1095 : vector<16xf32>
        %mul3A_1121 = arith.mulf %add3A_1102, %add3A_1102 : vector<16xf32>
        %add3A_1122 = arith.addf %mul3A_1120, %mul3A_1121 : vector<16xf32>
        %mul3A_1123 = arith.mulf %add3A_1109, %add3A_1109 : vector<16xf32>
        %mul3A_1124 = arith.mulf %add3A_1116, %add3A_1116 : vector<16xf32>
        %add3A_1125 = arith.addf %mul3A_1123, %mul3A_1124 : vector<16xf32>
        %add3A_1126 = arith.addf %add3A_1122, %add3A_1125 : vector<16xf32>
        %reduce_sum3A_1127 = arith.constant true
        %reduce_sum3A_1128 = vector.broadcast %reduce_sum3A_1127 : i1 to vector<16xi1>
        %reduce_sum3A_1129 = tpu.scan <sum>, %add3A_1119 masked %reduce_sum3A_1128 : vector<16xf32>, vector<16xi1> -> vector<16xf32>
        %reduce_sum3A_1130 = vector.extract %reduce_sum3A_1129[15] : f32 from vector<16xf32>
        %reduce_sum3A_1131 = arith.constant true
        %reduce_sum3A_1132 = vector.broadcast %reduce_sum3A_1131 : i1 to vector<16xi1>
        %reduce_sum3A_1133 = tpu.scan <sum>, %add3A_1126 masked %reduce_sum3A_1132 : vector<16xf32>, vector<16xi1> -> vector<16xf32>
        %reduce_sum3A_1134 = vector.extract %reduce_sum3A_1133[15] : f32 from vector<16xf32>
        %add3A_1135 = arith.constant 4 : i32
        %add3A_1136 = arith.addi %mul3A_392, %add3A_1135 : i32
        %add3A_1137 = arith.constant 0 : i32
        %add3A_1138 = arith.addi %add3A_1136, %add3A_1137 : i32
        %mul3A_1139 = arith.constant 1.562500e-02 : f32
        %mul3A_1140 = arith.mulf %reduce_sum3A_965, %mul3A_1139 : f32
        %mul3A_1141 = arith.constant 1.562500e-02 : f32
        %mul3A_1142 = arith.mulf %reduce_sum3A_969, %mul3A_1141 : f32
        %mul3A_1143 = arith.mulf %mul3A_1140, %mul3A_1140 : f32
        %sub3A_1144 = arith.subf %mul3A_1142, %mul3A_1143 : f32
        %add3A_1145 = arith.constant 9.99999974E-6 : f32
        %add3A_1146 = arith.addf %sub3A_1144, %add3A_1145 : f32
        %broadcast_in_dim3A_1147 = vector.broadcast %add3A_1146 : f32 to vector<16xf32>
        %bitcast_convert_type3A_1148 = tpu.bitcast %broadcast_in_dim3A_1147 : vector<16xf32> -> vector<16xi32>
        %shift_right_logical3A_1149 = arith.constant 1 : i32
        %shift_right_logical3A_1150 = vector.broadcast %shift_right_logical3A_1149 : i32 to vector<16xi32>
        %shift_right_logical3A_1151 = arith.shrui %bitcast_convert_type3A_1148, %shift_right_logical3A_1150 : vector<16xi32>
        %sub3A_1152 = arith.constant 1597463007 : i32
        %sub3A_1153 = vector.broadcast %sub3A_1152 : i32 to vector<16xi32>
        %sub3A_1154 = arith.subi %sub3A_1153, %shift_right_logical3A_1151 : vector<16xi32>
        %bitcast_convert_type3A_1155 = tpu.bitcast %sub3A_1154 : vector<16xi32> -> vector<16xf32>
        %mul3A_1156 = arith.constant 5.000000e-01 : f32
        %mul3A_1157 = vector.broadcast %mul3A_1156 : f32 to vector<16xf32>
        %mul3A_1158 = arith.mulf %mul3A_1157, %broadcast_in_dim3A_1147 : vector<16xf32>
        %mul3A_1159 = arith.mulf %mul3A_1158, %bitcast_convert_type3A_1155 : vector<16xf32>
        %mul3A_1160 = arith.mulf %mul3A_1159, %bitcast_convert_type3A_1155 : vector<16xf32>
        %sub3A_1161 = arith.constant 1.500000e+00 : f32
        %sub3A_1162 = vector.broadcast %sub3A_1161 : f32 to vector<16xf32>
        %sub3A_1163 = arith.subf %sub3A_1162, %mul3A_1160 : vector<16xf32>
        %mul3A_1164 = arith.mulf %bitcast_convert_type3A_1155, %sub3A_1163 : vector<16xf32>
        %mul3A_1165 = arith.mulf %mul3A_1158, %mul3A_1164 : vector<16xf32>
        %mul3A_1166 = arith.mulf %mul3A_1165, %mul3A_1164 : vector<16xf32>
        %sub3A_1167 = arith.constant 1.500000e+00 : f32
        %sub3A_1168 = vector.broadcast %sub3A_1167 : f32 to vector<16xf32>
        %sub3A_1169 = arith.subf %sub3A_1168, %mul3A_1166 : vector<16xf32>
        %mul3A_1170 = arith.mulf %mul3A_1164, %sub3A_1169 : vector<16xf32>
        %broadcast_in_dim3A_1171 = vector.broadcast %mul3A_1140 : f32 to vector<16xf32>
        %sub3A_1172 = arith.subf %add3A_930, %broadcast_in_dim3A_1171 : vector<16xf32>
        %mul3A_1173 = arith.mulf %sub3A_1172, %mul3A_1170 : vector<16xf32>
        %mul3A_1174 = arith.mulf %mul3A_1173, %get3A_35 : vector<16xf32>
        %add3A_1175 = arith.addf %mul3A_1174, %get3A_43 : vector<16xf32>
        %mul3A_1176 = arith.constant 64 : i32
        %mul3A_1177 = arith.muli %add3A_1138, %mul3A_1176 : i32
        %add3A_1178 = arith.constant 0 : i32
        %add3A_1179 = arith.addi %mul3A_1177, %add3A_1178 : i32
        %swap3A_1180 = arith.index_cast %add3A_1179 : i32 to index
        %swap3A_1181 = tpu.vector_load %arg17[%swap3A_1180] {strides = array<i32>} : memref<12800xf32, #tpu.memory_space<vmem>>, vector<16xf32>,
        tpu.vector_store %arg17[%swap3A_1180], %add3A_1175 {strides = array<i32>} : memref<12800xf32, #tpu.memory_space<vmem>>, vector<16xf32>,
        %sub3A_1182 = arith.subf %add3A_937, %broadcast_in_dim3A_1171 : vector<16xf32>
        %mul3A_1183 = arith.mulf %sub3A_1182, %mul3A_1170 : vector<16xf32>
        %mul3A_1184 = arith.mulf %mul3A_1183, %get3A_37 : vector<16xf32>
        %add3A_1185 = arith.addf %mul3A_1184, %get3A_45 : vector<16xf32>
        %mul3A_1186 = arith.constant 64 : i32
        %mul3A_1187 = arith.muli %add3A_1138, %mul3A_1186 : i32
        %add3A_1188 = arith.constant 16 : i32
        %add3A_1189 = arith.addi %mul3A_1187, %add3A_1188 : i32
        %swap3A_1190 = arith.index_cast %add3A_1189 : i32 to index
        %swap3A_1191 = tpu.vector_load %arg17[%swap3A_1190] {strides = array<i32>} : memref<12800xf32, #tpu.memory_space<vmem>>, vector<16xf32>,
        tpu.vector_store %arg17[%swap3A_1190], %add3A_1185 {strides = array<i32>} : memref<12800xf32, #tpu.memory_space<vmem>>, vector<16xf32>,
        %sub3A_1192 = arith.subf %add3A_944, %broadcast_in_dim3A_1171 : vector<16xf32>
        %mul3A_1193 = arith.mulf %sub3A_1192, %mul3A_1170 : vector<16xf32>
        %mul3A_1194 = arith.mulf %mul3A_1193, %get3A_39 : vector<16xf32>
        %add3A_1195 = arith.addf %mul3A_1194, %get3A_47 : vector<16xf32>
        %mul3A_1196 = arith.constant 64 : i32
        %mul3A_1197 = arith.muli %add3A_1138, %mul3A_1196 : i32
        %add3A_1198 = arith.constant 32 : i32
        %add3A_1199 = arith.addi %mul3A_1197, %add3A_1198 : i32
        %swap3A_1200 = arith.index_cast %add3A_1199 : i32 to index
        %swap3A_1201 = tpu.vector_load %arg17[%swap3A_1200] {strides = array<i32>} : memref<12800xf32, #tpu.memory_space<vmem>>, vector<16xf32>,
        tpu.vector_store %arg17[%swap3A_1200], %add3A_1195 {strides = array<i32>} : memref<12800xf32, #tpu.memory_space<vmem>>, vector<16xf32>,
        %sub3A_1202 = arith.subf %add3A_951, %broadcast_in_dim3A_1171 : vector<16xf32>
        %mul3A_1203 = arith.mulf %sub3A_1202, %mul3A_1170 : vector<16xf32>
        %mul3A_1204 = arith.mulf %mul3A_1203, %get3A_41 : vector<16xf32>
        %add3A_1205 = arith.addf %mul3A_1204, %get3A_49 : vector<16xf32>
        %mul3A_1206 = arith.constant 64 : i32
        %mul3A_1207 = arith.muli %add3A_1138, %mul3A_1206 : i32
        %add3A_1208 = arith.constant 48 : i32
        %add3A_1209 = arith.addi %mul3A_1207, %add3A_1208 : i32
        %swap3A_1210 = arith.index_cast %add3A_1209 : i32 to index
        %swap3A_1211 = tpu.vector_load %arg17[%swap3A_1210] {strides = array<i32>} : memref<12800xf32, #tpu.memory_space<vmem>>, vector<16xf32>,
        tpu.vector_store %arg17[%swap3A_1210], %add3A_1205 {strides = array<i32>} : memref<12800xf32, #tpu.memory_space<vmem>>, vector<16xf32>,
        %add3A_1212 = arith.constant 4 : i32
        %add3A_1213 = arith.addi %mul3A_392, %add3A_1212 : i32
        %add3A_1214 = arith.constant 1 : i32
        %add3A_1215 = arith.addi %add3A_1213, %add3A_1214 : i32
        %mul3A_1216 = arith.constant 1.562500e-02 : f32
        %mul3A_1217 = arith.mulf %reduce_sum3A_1020, %mul3A_1216 : f32
        %mul3A_1218 = arith.constant 1.562500e-02 : f32
        %mul3A_1219 = arith.mulf %reduce_sum3A_1024, %mul3A_1218 : f32
        %mul3A_1220 = arith.mulf %mul3A_1217, %mul3A_1217 : f32
        %sub3A_1221 = arith.subf %mul3A_1219, %mul3A_1220 : f32
        %add3A_1222 = arith.constant 9.99999974E-6 : f32
        %add3A_1223 = arith.addf %sub3A_1221, %add3A_1222 : f32
        %broadcast_in_dim3A_1224 = vector.broadcast %add3A_1223 : f32 to vector<16xf32>
        %bitcast_convert_type3A_1225 = tpu.bitcast %broadcast_in_dim3A_1224 : vector<16xf32> -> vector<16xi32>
        %shift_right_logical3A_1226 = arith.constant 1 : i32
        %shift_right_logical3A_1227 = vector.broadcast %shift_right_logical3A_1226 : i32 to vector<16xi32>
        %shift_right_logical3A_1228 = arith.shrui %bitcast_convert_type3A_1225, %shift_right_logical3A_1227 : vector<16xi32>
        %sub3A_1229 = arith.constant 1597463007 : i32
        %sub3A_1230 = vector.broadcast %sub3A_1229 : i32 to vector<16xi32>
        %sub3A_1231 = arith.subi %sub3A_1230, %shift_right_logical3A_1228 : vector<16xi32>
        %bitcast_convert_type3A_1232 = tpu.bitcast %sub3A_1231 : vector<16xi32> -> vector<16xf32>
        %mul3A_1233 = arith.constant 5.000000e-01 : f32
        %mul3A_1234 = vector.broadcast %mul3A_1233 : f32 to vector<16xf32>
        %mul3A_1235 = arith.mulf %mul3A_1234, %broadcast_in_dim3A_1224 : vector<16xf32>
        %mul3A_1236 = arith.mulf %mul3A_1235, %bitcast_convert_type3A_1232 : vector<16xf32>
        %mul3A_1237 = arith.mulf %mul3A_1236, %bitcast_convert_type3A_1232 : vector<16xf32>
        %sub3A_1238 = arith.constant 1.500000e+00 : f32
        %sub3A_1239 = vector.broadcast %sub3A_1238 : f32 to vector<16xf32>
        %sub3A_1240 = arith.subf %sub3A_1239, %mul3A_1237 : vector<16xf32>
        %mul3A_1241 = arith.mulf %bitcast_convert_type3A_1232, %sub3A_1240 : vector<16xf32>
        %mul3A_1242 = arith.mulf %mul3A_1235, %mul3A_1241 : vector<16xf32>
        %mul3A_1243 = arith.mulf %mul3A_1242, %mul3A_1241 : vector<16xf32>
        %sub3A_1244 = arith.constant 1.500000e+00 : f32
        %sub3A_1245 = vector.broadcast %sub3A_1244 : f32 to vector<16xf32>
        %sub3A_1246 = arith.subf %sub3A_1245, %mul3A_1243 : vector<16xf32>
        %mul3A_1247 = arith.mulf %mul3A_1241, %sub3A_1246 : vector<16xf32>
        %broadcast_in_dim3A_1248 = vector.broadcast %mul3A_1217 : f32 to vector<16xf32>
        %sub3A_1249 = arith.subf %add3A_985, %broadcast_in_dim3A_1248 : vector<16xf32>
        %mul3A_1250 = arith.mulf %sub3A_1249, %mul3A_1247 : vector<16xf32>
        %mul3A_1251 = arith.mulf %mul3A_1250, %get3A_35 : vector<16xf32>
        %add3A_1252 = arith.addf %mul3A_1251, %get3A_43 : vector<16xf32>
        %mul3A_1253 = arith.constant 64 : i32
        %mul3A_1254 = arith.muli %add3A_1215, %mul3A_1253 : i32
        %add3A_1255 = arith.constant 0 : i32
        %add3A_1256 = arith.addi %mul3A_1254, %add3A_1255 : i32
        %swap3A_1257 = arith.index_cast %add3A_1256 : i32 to index
        %swap3A_1258 = tpu.vector_load %arg17[%swap3A_1257] {strides = array<i32>} : memref<12800xf32, #tpu.memory_space<vmem>>, vector<16xf32>,
        tpu.vector_store %arg17[%swap3A_1257], %add3A_1252 {strides = array<i32>} : memref<12800xf32, #tpu.memory_space<vmem>>, vector<16xf32>,
        %sub3A_1259 = arith.subf %add3A_992, %broadcast_in_dim3A_1248 : vector<16xf32>
        %mul3A_1260 = arith.mulf %sub3A_1259, %mul3A_1247 : vector<16xf32>
        %mul3A_1261 = arith.mulf %mul3A_1260, %get3A_37 : vector<16xf32>
        %add3A_1262 = arith.addf %mul3A_1261, %get3A_45 : vector<16xf32>
        %mul3A_1263 = arith.constant 64 : i32
        %mul3A_1264 = arith.muli %add3A_1215, %mul3A_1263 : i32
        %add3A_1265 = arith.constant 16 : i32
        %add3A_1266 = arith.addi %mul3A_1264, %add3A_1265 : i32
        %swap3A_1267 = arith.index_cast %add3A_1266 : i32 to index
        %swap3A_1268 = tpu.vector_load %arg17[%swap3A_1267] {strides = array<i32>} : memref<12800xf32, #tpu.memory_space<vmem>>, vector<16xf32>,
        tpu.vector_store %arg17[%swap3A_1267], %add3A_1262 {strides = array<i32>} : memref<12800xf32, #tpu.memory_space<vmem>>, vector<16xf32>,
        %sub3A_1269 = arith.subf %add3A_999, %broadcast_in_dim3A_1248 : vector<16xf32>
        %mul3A_1270 = arith.mulf %sub3A_1269, %mul3A_1247 : vector<16xf32>
        %mul3A_1271 = arith.mulf %mul3A_1270, %get3A_39 : vector<16xf32>
        %add3A_1272 = arith.addf %mul3A_1271, %get3A_47 : vector<16xf32>
        %mul3A_1273 = arith.constant 64 : i32
        %mul3A_1274 = arith.muli %add3A_1215, %mul3A_1273 : i32
        %add3A_1275 = arith.constant 32 : i32
        %add3A_1276 = arith.addi %mul3A_1274, %add3A_1275 : i32
        %swap3A_1277 = arith.index_cast %add3A_1276 : i32 to index
        %swap3A_1278 = tpu.vector_load %arg17[%swap3A_1277] {strides = array<i32>} : memref<12800xf32, #tpu.memory_space<vmem>>, vector<16xf32>,
        tpu.vector_store %arg17[%swap3A_1277], %add3A_1272 {strides = array<i32>} : memref<12800xf32, #tpu.memory_space<vmem>>, vector<16xf32>,
        %sub3A_1279 = arith.subf %add3A_1006, %broadcast_in_dim3A_1248 : vector<16xf32>
        %mul3A_1280 = arith.mulf %sub3A_1279, %mul3A_1247 : vector<16xf32>
        %mul3A_1281 = arith.mulf %mul3A_1280, %get3A_41 : vector<16xf32>
        %add3A_1282 = arith.addf %mul3A_1281, %get3A_49 : vector<16xf32>
        %mul3A_1283 = arith.constant 64 : i32
        %mul3A_1284 = arith.muli %add3A_1215, %mul3A_1283 : i32
        %add3A_1285 = arith.constant 48 : i32
        %add3A_1286 = arith.addi %mul3A_1284, %add3A_1285 : i32
        %swap3A_1287 = arith.index_cast %add3A_1286 : i32 to index
        %swap3A_1288 = tpu.vector_load %arg17[%swap3A_1287] {strides = array<i32>} : memref<12800xf32, #tpu.memory_space<vmem>>, vector<16xf32>,
        tpu.vector_store %arg17[%swap3A_1287], %add3A_1282 {strides = array<i32>} : memref<12800xf32, #tpu.memory_space<vmem>>, vector<16xf32>,
        %add3A_1289 = arith.constant 4 : i32
        %add3A_1290 = arith.addi %mul3A_392, %add3A_1289 : i32
        %add3A_1291 = arith.constant 2 : i32
        %add3A_1292 = arith.addi %add3A_1290, %add3A_1291 : i32
        %mul3A_1293 = arith.constant 1.562500e-02 : f32
        %mul3A_1294 = arith.mulf %reduce_sum3A_1075, %mul3A_1293 : f32
        %mul3A_1295 = arith.constant 1.562500e-02 : f32
        %mul3A_1296 = arith.mulf %reduce_sum3A_1079, %mul3A_1295 : f32
        %mul3A_1297 = arith.mulf %mul3A_1294, %mul3A_1294 : f32
        %sub3A_1298 = arith.subf %mul3A_1296, %mul3A_1297 : f32
        %add3A_1299 = arith.constant 9.99999974E-6 : f32
        %add3A_1300 = arith.addf %sub3A_1298, %add3A_1299 : f32
        %broadcast_in_dim3A_1301 = vector.broadcast %add3A_1300 : f32 to vector<16xf32>
        %bitcast_convert_type3A_1302 = tpu.bitcast %broadcast_in_dim3A_1301 : vector<16xf32> -> vector<16xi32>
        %shift_right_logical3A_1303 = arith.constant 1 : i32
        %shift_right_logical3A_1304 = vector.broadcast %shift_right_logical3A_1303 : i32 to vector<16xi32>
        %shift_right_logical3A_1305 = arith.shrui %bitcast_convert_type3A_1302, %shift_right_logical3A_1304 : vector<16xi32>
        %sub3A_1306 = arith.constant 1597463007 : i32
        %sub3A_1307 = vector.broadcast %sub3A_1306 : i32 to vector<16xi32>
        %sub3A_1308 = arith.subi %sub3A_1307, %shift_right_logical3A_1305 : vector<16xi32>
        %bitcast_convert_type3A_1309 = tpu.bitcast %sub3A_1308 : vector<16xi32> -> vector<16xf32>
        %mul3A_1310 = arith.constant 5.000000e-01 : f32
        %mul3A_1311 = vector.broadcast %mul3A_1310 : f32 to vector<16xf32>
        %mul3A_1312 = arith.mulf %mul3A_1311, %broadcast_in_dim3A_1301 : vector<16xf32>
        %mul3A_1313 = arith.mulf %mul3A_1312, %bitcast_convert_type3A_1309 : vector<16xf32>
        %mul3A_1314 = arith.mulf %mul3A_1313, %bitcast_convert_type3A_1309 : vector<16xf32>
        %sub3A_1315 = arith.constant 1.500000e+00 : f32
        %sub3A_1316 = vector.broadcast %sub3A_1315 : f32 to vector<16xf32>
        %sub3A_1317 = arith.subf %sub3A_1316, %mul3A_1314 : vector<16xf32>
        %mul3A_1318 = arith.mulf %bitcast_convert_type3A_1309, %sub3A_1317 : vector<16xf32>
        %mul3A_1319 = arith.mulf %mul3A_1312, %mul3A_1318 : vector<16xf32>
        %mul3A_1320 = arith.mulf %mul3A_1319, %mul3A_1318 : vector<16xf32>
        %sub3A_1321 = arith.constant 1.500000e+00 : f32
        %sub3A_1322 = vector.broadcast %sub3A_1321 : f32 to vector<16xf32>
        %sub3A_1323 = arith.subf %sub3A_1322, %mul3A_1320 : vector<16xf32>
        %mul3A_1324 = arith.mulf %mul3A_1318, %sub3A_1323 : vector<16xf32>
        %broadcast_in_dim3A_1325 = vector.broadcast %mul3A_1294 : f32 to vector<16xf32>
        %sub3A_1326 = arith.subf %add3A_1040, %broadcast_in_dim3A_1325 : vector<16xf32>
        %mul3A_1327 = arith.mulf %sub3A_1326, %mul3A_1324 : vector<16xf32>
        %mul3A_1328 = arith.mulf %mul3A_1327, %get3A_35 : vector<16xf32>
        %add3A_1329 = arith.addf %mul3A_1328, %get3A_43 : vector<16xf32>
        %mul3A_1330 = arith.constant 64 : i32
        %mul3A_1331 = arith.muli %add3A_1292, %mul3A_1330 : i32
        %add3A_1332 = arith.constant 0 : i32
        %add3A_1333 = arith.addi %mul3A_1331, %add3A_1332 : i32
        %swap3A_1334 = arith.index_cast %add3A_1333 : i32 to index
        %swap3A_1335 = tpu.vector_load %arg17[%swap3A_1334] {strides = array<i32>} : memref<12800xf32, #tpu.memory_space<vmem>>, vector<16xf32>,
        tpu.vector_store %arg17[%swap3A_1334], %add3A_1329 {strides = array<i32>} : memref<12800xf32, #tpu.memory_space<vmem>>, vector<16xf32>,
        %sub3A_1336 = arith.subf %add3A_1047, %broadcast_in_dim3A_1325 : vector<16xf32>
        %mul3A_1337 = arith.mulf %sub3A_1336, %mul3A_1324 : vector<16xf32>
        %mul3A_1338 = arith.mulf %mul3A_1337, %get3A_37 : vector<16xf32>
        %add3A_1339 = arith.addf %mul3A_1338, %get3A_45 : vector<16xf32>
        %mul3A_1340 = arith.constant 64 : i32
        %mul3A_1341 = arith.muli %add3A_1292, %mul3A_1340 : i32
        %add3A_1342 = arith.constant 16 : i32
        %add3A_1343 = arith.addi %mul3A_1341, %add3A_1342 : i32
        %swap3A_1344 = arith.index_cast %add3A_1343 : i32 to index
        %swap3A_1345 = tpu.vector_load %arg17[%swap3A_1344] {strides = array<i32>} : memref<12800xf32, #tpu.memory_space<vmem>>, vector<16xf32>,
        tpu.vector_store %arg17[%swap3A_1344], %add3A_1339 {strides = array<i32>} : memref<12800xf32, #tpu.memory_space<vmem>>, vector<16xf32>,
        %sub3A_1346 = arith.subf %add3A_1054, %broadcast_in_dim3A_1325 : vector<16xf32>
        %mul3A_1347 = arith.mulf %sub3A_1346, %mul3A_1324 : vector<16xf32>
        %mul3A_1348 = arith.mulf %mul3A_1347, %get3A_39 : vector<16xf32>
        %add3A_1349 = arith.addf %mul3A_1348, %get3A_47 : vector<16xf32>
        %mul3A_1350 = arith.constant 64 : i32
        %mul3A_1351 = arith.muli %add3A_1292, %mul3A_1350 : i32
        %add3A_1352 = arith.constant 32 : i32
        %add3A_1353 = arith.addi %mul3A_1351, %add3A_1352 : i32
        %swap3A_1354 = arith.index_cast %add3A_1353 : i32 to index
        %swap3A_1355 = tpu.vector_load %arg17[%swap3A_1354] {strides = array<i32>} : memref<12800xf32, #tpu.memory_space<vmem>>, vector<16xf32>,
        tpu.vector_store %arg17[%swap3A_1354], %add3A_1349 {strides = array<i32>} : memref<12800xf32, #tpu.memory_space<vmem>>, vector<16xf32>,
        %sub3A_1356 = arith.subf %add3A_1061, %broadcast_in_dim3A_1325 : vector<16xf32>
        %mul3A_1357 = arith.mulf %sub3A_1356, %mul3A_1324 : vector<16xf32>
        %mul3A_1358 = arith.mulf %mul3A_1357, %get3A_41 : vector<16xf32>
        %add3A_1359 = arith.addf %mul3A_1358, %get3A_49 : vector<16xf32>
        %mul3A_1360 = arith.constant 64 : i32
        %mul3A_1361 = arith.muli %add3A_1292, %mul3A_1360 : i32
        %add3A_1362 = arith.constant 48 : i32
        %add3A_1363 = arith.addi %mul3A_1361, %add3A_1362 : i32
        %swap3A_1364 = arith.index_cast %add3A_1363 : i32 to index
        %swap3A_1365 = tpu.vector_load %arg17[%swap3A_1364] {strides = array<i32>} : memref<12800xf32, #tpu.memory_space<vmem>>, vector<16xf32>,
        tpu.vector_store %arg17[%swap3A_1364], %add3A_1359 {strides = array<i32>} : memref<12800xf32, #tpu.memory_space<vmem>>, vector<16xf32>,
        %add3A_1366 = arith.constant 4 : i32
        %add3A_1367 = arith.addi %mul3A_392, %add3A_1366 : i32
        %add3A_1368 = arith.constant 3 : i32
        %add3A_1369 = arith.addi %add3A_1367, %add3A_1368 : i32
        %mul3A_1370 = arith.constant 1.562500e-02 : f32
        %mul3A_1371 = arith.mulf %reduce_sum3A_1130, %mul3A_1370 : f32
        %mul3A_1372 = arith.constant 1.562500e-02 : f32
        %mul3A_1373 = arith.mulf %reduce_sum3A_1134, %mul3A_1372 : f32
        %mul3A_1374 = arith.mulf %mul3A_1371, %mul3A_1371 : f32
        %sub3A_1375 = arith.subf %mul3A_1373, %mul3A_1374 : f32
        %add3A_1376 = arith.constant 9.99999974E-6 : f32
        %add3A_1377 = arith.addf %sub3A_1375, %add3A_1376 : f32
        %broadcast_in_dim3A_1378 = vector.broadcast %add3A_1377 : f32 to vector<16xf32>
        %bitcast_convert_type3A_1379 = tpu.bitcast %broadcast_in_dim3A_1378 : vector<16xf32> -> vector<16xi32>
        %shift_right_logical3A_1380 = arith.constant 1 : i32
        %shift_right_logical3A_1381 = vector.broadcast %shift_right_logical3A_1380 : i32 to vector<16xi32>
        %shift_right_logical3A_1382 = arith.shrui %bitcast_convert_type3A_1379, %shift_right_logical3A_1381 : vector<16xi32>
        %sub3A_1383 = arith.constant 1597463007 : i32
        %sub3A_1384 = vector.broadcast %sub3A_1383 : i32 to vector<16xi32>
        %sub3A_1385 = arith.subi %sub3A_1384, %shift_right_logical3A_1382 : vector<16xi32>
        %bitcast_convert_type3A_1386 = tpu.bitcast %sub3A_1385 : vector<16xi32> -> vector<16xf32>
        %mul3A_1387 = arith.constant 5.000000e-01 : f32
        %mul3A_1388 = vector.broadcast %mul3A_1387 : f32 to vector<16xf32>
        %mul3A_1389 = arith.mulf %mul3A_1388, %broadcast_in_dim3A_1378 : vector<16xf32>
        %mul3A_1390 = arith.mulf %mul3A_1389, %bitcast_convert_type3A_1386 : vector<16xf32>
        %mul3A_1391 = arith.mulf %mul3A_1390, %bitcast_convert_type3A_1386 : vector<16xf32>
        %sub3A_1392 = arith.constant 1.500000e+00 : f32
        %sub3A_1393 = vector.broadcast %sub3A_1392 : f32 to vector<16xf32>
        %sub3A_1394 = arith.subf %sub3A_1393, %mul3A_1391 : vector<16xf32>
        %mul3A_1395 = arith.mulf %bitcast_convert_type3A_1386, %sub3A_1394 : vector<16xf32>
        %mul3A_1396 = arith.mulf %mul3A_1389, %mul3A_1395 : vector<16xf32>
        %mul3A_1397 = arith.mulf %mul3A_1396, %mul3A_1395 : vector<16xf32>
        %sub3A_1398 = arith.constant 1.500000e+00 : f32
        %sub3A_1399 = vector.broadcast %sub3A_1398 : f32 to vector<16xf32>
        %sub3A_1400 = arith.subf %sub3A_1399, %mul3A_1397 : vector<16xf32>
        %mul3A_1401 = arith.mulf %mul3A_1395, %sub3A_1400 : vector<16xf32>
        %broadcast_in_dim3A_1402 = vector.broadcast %mul3A_1371 : f32 to vector<16xf32>
        %sub3A_1403 = arith.subf %add3A_1095, %broadcast_in_dim3A_1402 : vector<16xf32>
        %mul3A_1404 = arith.mulf %sub3A_1403, %mul3A_1401 : vector<16xf32>
        %mul3A_1405 = arith.mulf %mul3A_1404, %get3A_35 : vector<16xf32>
        %add3A_1406 = arith.addf %mul3A_1405, %get3A_43 : vector<16xf32>
        %mul3A_1407 = arith.constant 64 : i32
        %mul3A_1408 = arith.muli %add3A_1369, %mul3A_1407 : i32
        %add3A_1409 = arith.constant 0 : i32
        %add3A_1410 = arith.addi %mul3A_1408, %add3A_1409 : i32
        %swap3A_1411 = arith.index_cast %add3A_1410 : i32 to index
        %swap3A_1412 = tpu.vector_load %arg17[%swap3A_1411] {strides = array<i32>} : memref<12800xf32, #tpu.memory_space<vmem>>, vector<16xf32>,
        tpu.vector_store %arg17[%swap3A_1411], %add3A_1406 {strides = array<i32>} : memref<12800xf32, #tpu.memory_space<vmem>>, vector<16xf32>,
        %sub3A_1413 = arith.subf %add3A_1102, %broadcast_in_dim3A_1402 : vector<16xf32>
        %mul3A_1414 = arith.mulf %sub3A_1413, %mul3A_1401 : vector<16xf32>
        %mul3A_1415 = arith.mulf %mul3A_1414, %get3A_37 : vector<16xf32>
        %add3A_1416 = arith.addf %mul3A_1415, %get3A_45 : vector<16xf32>
        %mul3A_1417 = arith.constant 64 : i32
        %mul3A_1418 = arith.muli %add3A_1369, %mul3A_1417 : i32
        %add3A_1419 = arith.constant 16 : i32
        %add3A_1420 = arith.addi %mul3A_1418, %add3A_1419 : i32
        %swap3A_1421 = arith.index_cast %add3A_1420 : i32 to index
        %swap3A_1422 = tpu.vector_load %arg17[%swap3A_1421] {strides = array<i32>} : memref<12800xf32, #tpu.memory_space<vmem>>, vector<16xf32>,
        tpu.vector_store %arg17[%swap3A_1421], %add3A_1416 {strides = array<i32>} : memref<12800xf32, #tpu.memory_space<vmem>>, vector<16xf32>,
        %sub3A_1423 = arith.subf %add3A_1109, %broadcast_in_dim3A_1402 : vector<16xf32>
        %mul3A_1424 = arith.mulf %sub3A_1423, %mul3A_1401 : vector<16xf32>
        %mul3A_1425 = arith.mulf %mul3A_1424, %get3A_39 : vector<16xf32>
        %add3A_1426 = arith.addf %mul3A_1425, %get3A_47 : vector<16xf32>
        %mul3A_1427 = arith.constant 64 : i32
        %mul3A_1428 = arith.muli %add3A_1369, %mul3A_1427 : i32
        %add3A_1429 = arith.constant 32 : i32
        %add3A_1430 = arith.addi %mul3A_1428, %add3A_1429 : i32
        %swap3A_1431 = arith.index_cast %add3A_1430 : i32 to index
        %swap3A_1432 = tpu.vector_load %arg17[%swap3A_1431] {strides = array<i32>} : memref<12800xf32, #tpu.memory_space<vmem>>, vector<16xf32>,
        tpu.vector_store %arg17[%swap3A_1431], %add3A_1426 {strides = array<i32>} : memref<12800xf32, #tpu.memory_space<vmem>>, vector<16xf32>,
        %sub3A_1433 = arith.subf %add3A_1116, %broadcast_in_dim3A_1402 : vector<16xf32>
        %mul3A_1434 = arith.mulf %sub3A_1433, %mul3A_1401 : vector<16xf32>
        %mul3A_1435 = arith.mulf %mul3A_1434, %get3A_41 : vector<16xf32>
        %add3A_1436 = arith.addf %mul3A_1435, %get3A_49 : vector<16xf32>
        %mul3A_1437 = arith.constant 64 : i32
        %mul3A_1438 = arith.muli %add3A_1369, %mul3A_1437 : i32
        %add3A_1439 = arith.constant 48 : i32
        %add3A_1440 = arith.addi %mul3A_1438, %add3A_1439 : i32
        %swap3A_1441 = arith.index_cast %add3A_1440 : i32 to index
        %swap3A_1442 = tpu.vector_load %arg17[%swap3A_1441] {strides = array<i32>} : memref<12800xf32, #tpu.memory_space<vmem>>, vector<16xf32>,
        tpu.vector_store %arg17[%swap3A_1441], %add3A_1436 {strides = array<i32>} : memref<12800xf32, #tpu.memory_space<vmem>>, vector<16xf32>,
      }
      %scan3A_366 = arith.constant 25 : i32
      %add3A_367 = arith.addi %mul3A_2, %add3A_329 : i32
      %mul3A_368 = arith.constant 12800 : i32
      %mul3A_369 = arith.muli %add3A_367, %mul3A_368 : i32
      %dma_start3A_370 = tpu.memref_slice %arg9[%mul3A_369] : memref<13107200xf32, #tpu.memory_space<hbm>> -> memref<12800xf32, #tpu.memory_space<hbm>>
      %dma_start3A_371 = tpu.memref_slice %arg9[%mul3A_369] : memref<13107200xf32, #tpu.memory_space<hbm>> -> memref<12800xf32, #tpu.memory_space<hbm>>
      tpu.enqueue_dma source(%arg17 : memref<12800xf32, #tpu.memory_space<vmem>>) target(%dma_start3A_371 : memref<12800xf32, #tpu.memory_space<hbm>>) target_semaphore(%arg27 : memref<!tpu.dma_semaphore, #tpu.memory_space<semaphore_mem>>)
      %add3A_372 = arith.constant 2 : i32
      %add3A_373 = arith.addi %add3A_329, %add3A_372 : i32
      %lt3A_374 = arith.constant 32 : i32
      %lt3A_375 = arith.cmpi slt, %add3A_373, %lt3A_374 : i32
      %convert_element_type3A_376 = arith.extui %lt3A_375 : i1 to i32
      %cond3A_377 = arith.constant 0 : i32
      %cond3A_378 = arith.cmpi ne, %convert_element_type3A_376, %cond3A_377 : i32
      scf.if %cond3A_378 {
        %add3A_386 = arith.constant 2 : i32
        %add3A_387 = arith.addi %add3A_329, %add3A_386 : i32
        %add3A_388 = arith.addi %mul3A_2, %add3A_387 : i32
        %dma_start3A_389 = arith.constant 0 : i32
        %dma_start3A_390 = tpu.memref_slice %arg13[%dma_start3A_389] : memref<208xi32, #tpu.memory_space<vmem>> -> memref<200xi32, #tpu.memory_space<vmem>>
        %dma_start3A_391 = arith.constant 0 : i32
        %dma_start3A_392 = tpu.memref_slice %arg3[%add3A_388, %dma_start3A_391] : memref<1024x200xi32, #tpu.memory_space<hbm>> -> memref<1x200xi32, #tpu.memory_space<hbm>>
        %dma_start3A_393 = tpu.memref_squeeze %dma_start3A_392 : memref<1x200xi32, #tpu.memory_space<hbm>> -> memref<200xi32, #tpu.memory_space<hbm>>
        %dma_start3A_394 = arith.constant 0 : i32
        %dma_start3A_395 = tpu.memref_slice %arg13[%dma_start3A_394] : memref<208xi32, #tpu.memory_space<vmem>> -> memref<200xi32, #tpu.memory_space<vmem>>
        %dma_start3A_396 = arith.constant 0 : i32
        %dma_start3A_397 = tpu.memref_slice %arg3[%add3A_388, %dma_start3A_396] : memref<1024x200xi32, #tpu.memory_space<hbm>> -> memref<1x200xi32, #tpu.memory_space<hbm>>
        %dma_start3A_398 = tpu.memref_squeeze %dma_start3A_397 : memref<1x200xi32, #tpu.memory_space<hbm>> -> memref<200xi32, #tpu.memory_space<hbm>>
        tpu.enqueue_dma source(%dma_start3A_398 : memref<200xi32, #tpu.memory_space<hbm>>) target(%dma_start3A_395 : memref<200xi32, #tpu.memory_space<vmem>>) target_semaphore(%arg23 : memref<!tpu.dma_semaphore, #tpu.memory_space<semaphore_mem>>)
      } else {
      }
      %add3A_379 = arith.constant 3 : i32
      %add3A_380 = arith.addi %mul3A_275, %add3A_379 : i32
      %lt3A_381 = arith.constant 32 : i32
      %lt3A_382 = arith.cmpi slt, %add3A_380, %lt3A_381 : i32
      %convert_element_type3A_383 = arith.extui %lt3A_382 : i1 to i32
      %cond3A_384 = arith.constant 0 : i32
      %cond3A_385 = arith.cmpi ne, %convert_element_type3A_383, %cond3A_384 : i32
      scf.if %cond3A_385 {
        %add3A_386 = arith.constant 3 : i32
        %add3A_387 = arith.addi %mul3A_275, %add3A_386 : i32
        %add3A_388 = arith.addi %mul3A_2, %add3A_387 : i32
        %add3A_389 = arith.addi %mul3A_2, %add3A_387 : i32
        %dma_wait3A_390 = arith.constant 0 : i32
        %dma_wait3A_391 = arith.constant 0 : i32
        %dma_wait3A_392 = tpu.memref_slice %arg11[%dma_wait3A_390, %dma_wait3A_391] : memref<2x104xi32, #tpu.memory_space<vmem>> -> memref<1x104xi32, #tpu.memory_space<vmem>>
        %dma_wait3A_393 = tpu.memref_squeeze %dma_wait3A_392 : memref<1x104xi32, #tpu.memory_space<vmem>> -> memref<104xi32, #tpu.memory_space<vmem>>
        %dma_wait3A_394 = arith.constant 0 : i32
        %dma_wait3A_395 = tpu.memref_slice %arg2[%add3A_388, %dma_wait3A_394] : memref<1024x200xi32, #tpu.memory_space<hbm>> -> memref<1x104xi32, #tpu.memory_space<hbm>>
        %dma_wait3A_396 = tpu.memref_squeeze %dma_wait3A_395 : memref<1x104xi32, #tpu.memory_space<hbm>> -> memref<104xi32, #tpu.memory_space<hbm>>
        %dma_wait3A_397 = arith.constant 0 : i32
        %dma_wait3A_398 = tpu.memref_slice %arg11[%dma_wait3A_390, %dma_wait3A_397] : memref<2x104xi32, #tpu.memory_space<vmem>> -> memref<1x104xi32, #tpu.memory_space<vmem>>
        %dma_wait3A_399 = tpu.memref_squeeze %dma_wait3A_398 : memref<1x104xi32, #tpu.memory_space<vmem>> -> memref<104xi32, #tpu.memory_space<vmem>>
        %dma_wait3A_400 = arith.constant 0 : i32
        %dma_wait3A_401 = tpu.memref_slice %arg2[%add3A_388, %dma_wait3A_400] : memref<1024x200xi32, #tpu.memory_space<hbm>> -> memref<1x104xi32, #tpu.memory_space<hbm>>
        %dma_wait3A_402 = tpu.memref_squeeze %dma_wait3A_401 : memref<1x104xi32, #tpu.memory_space<hbm>> -> memref<104xi32, #tpu.memory_space<hbm>>
        tpu.wait_dma2 semaphore(%arg23 : memref<!tpu.dma_semaphore, #tpu.memory_space<semaphore_mem>>) src(%dma_wait3A_402 : memref<104xi32, #tpu.memory_space<hbm>>) dst(%dma_wait3A_399 : memref<104xi32, #tpu.memory_space<vmem>>)
        %dma_wait3A_403 = arith.constant 1 : i32
        %dma_wait3A_404 = arith.constant 0 : i32
        %dma_wait3A_405 = tpu.memref_slice %arg11[%dma_wait3A_403, %dma_wait3A_404] : memref<2x104xi32, #tpu.memory_space<vmem>> -> memref<1x104xi32, #tpu.memory_space<vmem>>
        %dma_wait3A_406 = tpu.memref_squeeze %dma_wait3A_405 : memref<1x104xi32, #tpu.memory_space<vmem>> -> memref<104xi32, #tpu.memory_space<vmem>>
        %dma_wait3A_407 = arith.constant 96 : i32
        %dma_wait3A_408 = tpu.memref_slice %arg2[%add3A_388, %dma_wait3A_407] : memref<1024x200xi32, #tpu.memory_space<hbm>> -> memref<1x104xi32, #tpu.memory_space<hbm>>
        %dma_wait3A_409 = tpu.memref_squeeze %dma_wait3A_408 : memref<1x104xi32, #tpu.memory_space<hbm>> -> memref<104xi32, #tpu.memory_space<hbm>>
        %dma_wait3A_410 = arith.constant 0 : i32
        %dma_wait3A_411 = tpu.memref_slice %arg11[%dma_wait3A_403, %dma_wait3A_410] : memref<2x104xi32, #tpu.memory_space<vmem>> -> memref<1x104xi32, #tpu.memory_space<vmem>>
        %dma_wait3A_412 = tpu.memref_squeeze %dma_wait3A_411 : memref<1x104xi32, #tpu.memory_space<vmem>> -> memref<104xi32, #tpu.memory_space<vmem>>
        %dma_wait3A_413 = arith.constant 96 : i32
        %dma_wait3A_414 = tpu.memref_slice %arg2[%add3A_388, %dma_wait3A_413] : memref<1024x200xi32, #tpu.memory_space<hbm>> -> memref<1x104xi32, #tpu.memory_space<hbm>>
        %dma_wait3A_415 = tpu.memref_squeeze %dma_wait3A_414 : memref<1x104xi32, #tpu.memory_space<hbm>> -> memref<104xi32, #tpu.memory_space<hbm>>
        tpu.wait_dma2 semaphore(%arg23 : memref<!tpu.dma_semaphore, #tpu.memory_space<semaphore_mem>>) src(%dma_wait3A_415 : memref<104xi32, #tpu.memory_space<hbm>>) dst(%dma_wait3A_412 : memref<104xi32, #tpu.memory_space<vmem>>)
        %dma_wait3A_416 = arith.constant 0 : i32
        %dma_wait3A_417 = tpu.memref_slice %arg13[%dma_wait3A_416] : memref<208xi32, #tpu.memory_space<vmem>> -> memref<200xi32, #tpu.memory_space<vmem>>
        %dma_wait3A_418 = arith.constant 0 : i32
        %dma_wait3A_419 = tpu.memref_slice %arg3[%add3A_389, %dma_wait3A_418] : memref<1024x200xi32, #tpu.memory_space<hbm>> -> memref<1x200xi32, #tpu.memory_space<hbm>>
        %dma_wait3A_420 = tpu.memref_squeeze %dma_wait3A_419 : memref<1x200xi32, #tpu.memory_space<hbm>> -> memref<200xi32, #tpu.memory_space<hbm>>
        %dma_wait3A_421 = arith.constant 0 : i32
        %dma_wait3A_422 = tpu.memref_slice %arg13[%dma_wait3A_421] : memref<208xi32, #tpu.memory_space<vmem>> -> memref<200xi32, #tpu.memory_space<vmem>>
        %dma_wait3A_423 = arith.constant 0 : i32
        %dma_wait3A_424 = tpu.memref_slice %arg3[%add3A_389, %dma_wait3A_423] : memref<1024x200xi32, #tpu.memory_space<hbm>> -> memref<1x200xi32, #tpu.memory_space<hbm>>
        %dma_wait3A_425 = tpu.memref_squeeze %dma_wait3A_424 : memref<1x200xi32, #tpu.memory_space<hbm>> -> memref<200xi32, #tpu.memory_space<hbm>>
        tpu.wait_dma2 semaphore(%arg23 : memref<!tpu.dma_semaphore, #tpu.memory_space<semaphore_mem>>) src(%dma_wait3A_425 : memref<200xi32, #tpu.memory_space<hbm>>) dst(%dma_wait3A_422 : memref<200xi32, #tpu.memory_space<vmem>>)
        %dma_start3A_426 = arith.constant 0 : i32
        %dma_start3A_427 = arith.constant 0 : i32
        %dma_start3A_428 = arith.constant 0 : i32
        %dma_start3A_429 = tpu.memref_slice %arg15[%dma_start3A_427, %dma_start3A_428] : memref<200x128xf32, #tpu.memory_space<vmem>> -> memref<104x128xf32, #tpu.memory_space<vmem>>
        %dma_start3A_430 = arith.constant 0 : i32
        %dma_start3A_431 = tpu.memref_slice %arg11[%dma_start3A_426, %dma_start3A_430] : memref<2x104xi32, #tpu.memory_space<vmem>> -> memref<1x104xi32, #tpu.memory_space<vmem>>
        %dma_start3A_432 = tpu.memref_squeeze %dma_start3A_431 : memref<1x104xi32, #tpu.memory_space<vmem>> -> memref<104xi32, #tpu.memory_space<vmem>>
        %dma_start3A_433 = arith.constant 0 : i32
        %dma_start3A_434 = arith.constant 0 : i32
        %dma_start3A_435 = tpu.memref_slice %arg4[%dma_start3A_433, %dma_start3A_434] : memref<1000000x128xf32, #tpu.memory_space<hbm>> -> memref<1000000x128xf32, #tpu.memory_space<hbm>>
        tpu.enqueue_indirect_dma source(%dma_start3A_435 : memref<1000000x128xf32, #tpu.memory_space<hbm>>) target(%dma_start3A_429 : memref<104x128xf32, #tpu.memory_space<vmem>>) offsets(%dma_start3A_432 : memref<104xi32, #tpu.memory_space<vmem>>) semaphore(%arg25 : memref<!tpu.dma_semaphore, #tpu.memory_space<semaphore_mem>>)
        %dma_start3A_436 = arith.constant 1 : i32
        %dma_start3A_437 = arith.constant 96 : i32
        %dma_start3A_438 = arith.constant 0 : i32
        %dma_start3A_439 = tpu.memref_slice %arg15[%dma_start3A_437, %dma_start3A_438] : memref<200x128xf32, #tpu.memory_space<vmem>> -> memref<104x128xf32, #tpu.memory_space<vmem>>
        %dma_start3A_440 = arith.constant 0 : i32
        %dma_start3A_441 = tpu.memref_slice %arg11[%dma_start3A_436, %dma_start3A_440] : memref<2x104xi32, #tpu.memory_space<vmem>> -> memref<1x104xi32, #tpu.memory_space<vmem>>
        %dma_start3A_442 = tpu.memref_squeeze %dma_start3A_441 : memref<1x104xi32, #tpu.memory_space<vmem>> -> memref<104xi32, #tpu.memory_space<vmem>>
        %dma_start3A_443 = arith.constant 0 : i32
        %dma_start3A_444 = arith.constant 0 : i32
        %dma_start3A_445 = tpu.memref_slice %arg4[%dma_start3A_443, %dma_start3A_444] : memref<1000000x128xf32, #tpu.memory_space<hbm>> -> memref<1000000x128xf32, #tpu.memory_space<hbm>>
        tpu.enqueue_indirect_dma source(%dma_start3A_445 : memref<1000000x128xf32, #tpu.memory_space<hbm>>) target(%dma_start3A_439 : memref<104x128xf32, #tpu.memory_space<vmem>>) offsets(%dma_start3A_442 : memref<104xi32, #tpu.memory_space<vmem>>) semaphore(%arg25 : memref<!tpu.dma_semaphore, #tpu.memory_space<semaphore_mem>>)
      } else {
      }
    }
    %scan3A_256 = arith.constant 16 : i32
    %add3A_257 = arith.constant 30 : i32
    %add3A_258 = arith.addi %mul3A_2, %add3A_257 : i32
    %mul3A_259 = arith.constant 12800 : i32
    %mul3A_260 = arith.muli %add3A_258, %mul3A_259 : i32
    %dma_wait3A_261 = tpu.memref_slice %arg9[%mul3A_260] : memref<13107200xf32, #tpu.memory_space<hbm>> -> memref<12800xf32, #tpu.memory_space<hbm>>
    %dma_wait3A_262 = tpu.memref_slice %arg9[%mul3A_260] : memref<13107200xf32, #tpu.memory_space<hbm>> -> memref<12800xf32, #tpu.memory_space<hbm>>
    tpu.wait_dma2 semaphore(%arg26 : memref<!tpu.dma_semaphore, #tpu.memory_space<semaphore_mem>>) src(%arg16 : memref<12800xf32, #tpu.memory_space<vmem>>) dst(%dma_wait3A_262 : memref<12800xf32, #tpu.memory_space<hbm>>)
    %add3A_263 = arith.constant 31 : i32
    %add3A_264 = arith.addi %mul3A_2, %add3A_263 : i32
    %mul3A_265 = arith.constant 12800 : i32
    %mul3A_266 = arith.muli %add3A_264, %mul3A_265 : i32
    %dma_wait3A_267 = tpu.memref_slice %arg9[%mul3A_266] : memref<13107200xf32, #tpu.memory_space<hbm>> -> memref<12800xf32, #tpu.memory_space<hbm>>
    %dma_wait3A_268 = tpu.memref_slice %arg9[%mul3A_266] : memref<13107200xf32, #tpu.memory_space<hbm>> -> memref<12800xf32, #tpu.memory_space<hbm>>
    tpu.wait_dma2 semaphore(%arg27 : memref<!tpu.dma_semaphore, #tpu.memory_space<semaphore_mem>>) src(%arg17 : memref<12800xf32, #tpu.memory_space<vmem>>) dst(%dma_wait3A_268 : memref<12800xf32, #tpu.memory_space<hbm>>)
    return
  }
}

</mosaic_0001>

<sc_bundles>
// kernel: kernel.3.cloned.1.call-start
scs
__scs_entry_jumppad:
0x0: {  	(pc) =	sbr.rel $0x88, $3  }
0x1: {  	(tag) =	ssettag $0x0;
	lr =	simm.s32 $0x1  }
0x2: {  	[smem:$0x3F9A] =	sst lr;
	_ =	strace $0xD0000000  }
0x3: {  	_ = 	snop  }
0x4: {  	_ = 	snop  }
0x5: {  	_ = 	snop  }
0x6: {  	_ = 	snop  }
0x7: {  	_ = 	snop  }
__scs_overlays_trampoline_lowered:
0x8: {  	[smem:$0x3FA9] =	sst s0  }
0x9: {  	[smem:$0x3FAA] =	sst s1  }
0xa: {  	[smem:$0x3FAB] =	sst s2  }
0xb: {  	[smem:$0x3FAC] =	sst s3  }
0xc: {  	[smem:$0x3FAD] =	sst s4  }
0xd: {  	[smem:$0x3FAE] =	sst s5  }
0xe: {  	[smem:$0x3FAF] =	sst s6  }
0xf: {  	[smem:$0x3FB0] =	sst s7  }
0x10: {  	[smem:$0x3FB1] =	sst s8  }
0x11: {  	[smem:$0x3FB2] =	sst s9;
	s0 =	simm.s32 @!p0 $0x0  }
0x12: {  	s1 =	sld [smem:$0x3F98];
	s0 =	simm.s32 @p0 $0x1  }
0x13: {  	[smem:$0x3FB3] =	sst s0;
	s0 =	simm.s32 @!p1 $0x0  }
0x14: {  	s2 =	sld [smem:$0x3F97];
	s0 =	simm.s32 @p1 $0x1  }
0x15: {  	[smem:$0x3FB4] =	sst s0;
	s0 =	simm.s32 @!p2 $0x0  }
0x16: {  	s3 =	sld [smem:$0x3FDB];
	s0 =	simm.s32 @p2 $0x1  }
0x17: {  	s4 =	simm.s32 $0x1BF5;
	[smem:$0x3FB6] =	sst s0  }
0x18: {  	s0 =	sld [smem:$0x3F99];
	_ =	swait.ge [sflag:s4], $0x0  }
0x19: {  	s7 =	sld [smem:$0x3F9A]  }
0x1a: {  	s8 =	sadd.s32 $0xFFFFE003, lr  }
0x1b: {  	s9 =	sadd.s32 $0xFFFFFEF7, lr;
	s5 =	simm.s32 $0xFFFFFFFF;
	p2 =	slt.u32 s8, $0xFFFFF086  }
0x1c: {  	p1 =	slt.u32 s9, $0xF7A;
	s5 =	simm.s32 @!p2 $0x0  }
0x1d: {  	s5 =	simm.s32 @p1 $0x1;
	p0 =	seq.s32 s7, s2  }
0x1e: {  	s7 =	smul.u32 @!p0 $0xF7A, s2;
	p2 =	seq.s32 @!p0 s5, $0x0  }
0x1f: {  	s9 =	smul.u32 $0xF7A, s1;
	s8 =	simm.s32 @!p0 $0x1BF5;
	p2 =	por !p2, p0  }
0x20: {  	[sflag:s8] =	ssyncset.s32 @!p0 $0xFFFFF086;
	s6 =	sadd.s32 @!p0 s3, s7;
	s7 =	simm.s32 @!p0 $0x108  }
0x21: {  	s3 =	sadd.s32 s3, s9;
	s6 =	sadd.s32 @!p0 $0x88, s6;
	s7 =	simm.s32 @p2 $0x1082  }
0x22: {  	[simem:s7], [sflag:s8] =	dma.local @!p0 [hbm:s6], $0xF7A  }
0x23: {  	s9 =	sor.u32 $0xD0000000, s2;
	s6 =	simm.s32 $0x108;
	_ =	swait.ge @!p0 [sflag:s8], $0x0  }
0x24: {  	s3 =	sadd.s32 $0x88, s3;
	s6 =	simm.s32 @!p1 $0x1082;
	[sflag:s4] =	ssyncset.s32 $0xFFFFF086  }
0x25: {  	[simem:s6], [sflag:s4] =	dma.local [hbm:s3], $0xF7A  }
0x26: {  	[smem:$0x3F9A] =	sst s1;
	(tag) =	ssettag s2;
	_ =	strace s9  }
0x27: {  	s1 =	sld [smem:$0x3FAA]  }
0x28: {  	s2 =	sld [smem:$0x3FAB]  }
0x29: {  	s4 =	sld [smem:$0x3FAD]  }
0x2a: {  	p0 =	seq.s32 s5, $0x0;
	s5 =	sld [smem:$0x3FAE]  }
0x2b: {  	s6 =	sld [smem:$0x3FAF]  }
0x2c: {  	s7 =	sld [smem:$0x3FB0]  }
0x2d: {  	s3 =	simm.s32 $0x108;
	s8 =	sld [smem:$0x3FB1]  }
0x2e: {  	s3 =	simm.s32 @!p0 $0x1082;
	s9 =	sld [smem:$0x3FB2]  }
0x2f: {  	lr =	sadd.s32 s0, s3;
	s0 =	sld [smem:$0x3FA9]  }
0x30: {  	s3 =	sld [smem:$0x3FAC]  }
0x31: {  	[smem:$0x3FB5] =	sst s10  }
0x32: {  	s10 =	sld [smem:$0x3FB3];
	_ =	sdelay $0x3  }
0x33: {  	p0 =	seq.s32 s10, $0x1;
	s10 =	sld [smem:$0x3FB5];
	_ =	sdelay $0x3  }
0x34: {  	[smem:$0x3FB5] =	sst s10  }
0x35: {  	s10 =	sld [smem:$0x3FB4];
	_ =	sdelay $0x3  }
0x36: {  	p1 =	seq.s32 s10, $0x1;
	s10 =	sld [smem:$0x3FB5];
	_ =	sdelay $0x3  }
0x37: {  	[smem:$0x3FB5] =	sst s10  }
0x38: {  	s10 =	sld [smem:$0x3FB6]  }
0x39: {  	_ = 	snop;
	(pc) =	sbr.ind lr, $3  }
0x3a: {  	_ = 	snop  }
0x3b: {  	_ = 	snop  }
0x3c: {  	p2 =	seq.s32 s10, $0x1;
	s10 =	sld [smem:$0x3FB5]  }
0x3d: {  	_ =	shalt  }
0x3e: {  	_ =	shalt  }
0x3f: {  	_ =	shalt  }
0x40: {  	_ =	shalt  }
0x41: {  	_ =	shalt  }
0x42: {  	_ =	shalt  }
0x43: {  	_ =	shalt  }
0x44: {  	_ =	shalt  }
0x45: {  	_ =	shalt  }
0x46: {  	_ =	shalt  }
0x47: {  	_ =	shalt  }
0x48: {  	_ =	shalt  }
0x49: {  	_ =	shalt  }
0x4a: {  	_ =	shalt  }
0x4b: {  	_ =	shalt  }
0x4c: {  	_ =	shalt  }
0x4d: {  	_ =	shalt  }
0x4e: {  	_ =	shalt  }
0x4f: {  	_ =	shalt  }
0x50: {  	_ =	shalt  }
0x51: {  	_ =	shalt  }
0x52: {  	_ =	shalt  }
0x53: {  	_ =	shalt  }
0x54: {  	_ =	shalt  }
0x55: {  	_ =	shalt  }
0x56: {  	_ =	shalt  }
0x57: {  	_ =	shalt  }
0x58: {  	_ =	shalt  }
0x59: {  	_ =	shalt  }
0x5a: {  	_ =	shalt  }
0x5b: {  	_ =	shalt  }
0x5c: {  	_ =	shalt  }
0x5d: {  	_ =	shalt  }
0x5e: {  	_ =	shalt  }
0x5f: {  	_ =	shalt  }
0x60: {  	_ =	shalt  }
0x61: {  	_ =	shalt  }
0x62: {  	_ =	shalt  }
0x63: {  	_ =	shalt  }
0x64: {  	_ =	shalt  }
0x65: {  	_ =	shalt  }
0x66: {  	_ =	shalt  }
0x67: {  	_ =	shalt  }
0x68: {  	_ =	shalt  }
0x69: {  	_ =	shalt  }
0x6a: {  	_ =	shalt  }
0x6b: {  	_ =	shalt  }
0x6c: {  	_ =	shalt  }
0x6d: {  	_ =	shalt  }
0x6e: {  	_ =	shalt  }
0x6f: {  	_ =	shalt  }
0x70: {  	_ =	shalt  }
0x71: {  	_ =	shalt  }
0x72: {  	_ =	shalt  }
0x73: {  	_ =	shalt  }
0x74: {  	_ =	shalt  }
0x75: {  	_ =	shalt  }
0x76: {  	_ =	shalt  }
0x77: {  	_ =	shalt  }
0x78: {  	_ =	shalt  }
0x79: {  	_ =	shalt  }
0x7a: {  	_ =	shalt  }
0x7b: {  	_ =	shalt  }
0x7c: {  	_ =	shalt  }
0x7d: {  	_ =	shalt  }
0x7e: {  	_ =	shalt  }
0x7f: {  	_ =	shalt  }
0x80: {  	_ =	shalt  }
0x81: {  	_ =	shalt  }
0x82: {  	_ =	shalt  }
0x83: {  	_ =	shalt  }
0x84: {  	_ =	shalt  }
0x85: {  	_ =	shalt  }
0x86: {  	_ =	shalt  }
0x87: {  	_ =	shalt  }
.Lfunc_end0:
.L_simem_size_0:
called_computation.1_lowered:
.L_overlay_start_0:
0x88: {  	s2 =	sld [smem:$0x3FD9]  }
0x89: {  	s3 =	sld [smem:$0x3FFE];
	_ =	sdelay $0x1  }
0x8a: {  	s1 =	srdreg.scid  }
0x8b: {  	s0 =	sand.u32 $0x1, s1  }
0x8c: {  	s17 =	sshll.u32 s0, $0xA;
	s2 =	sadd.s32 s3, s2  }
0x8d: {  	s2 =	sadd.s32 s2, s17  }
0x8e: {  	[smem:$0x3FC1] =	sst s2  }
0x8f: {  	_ = 	snop  }
0x90: {  	s2 =	sld [smem:$0x3FC4]  }
0x91: {  	s18 =	sld [smem:$0x3FC3]  }
0x92: {  	s4 =	sld [smem:$0x3FD0];
	(tm) =	ssettm $0x1  }
0x93: {  	s5 =	sld [smem:$0x3FFB];
	_ =	sdelay $0x3  }
0x94: {  	_ =	strace s5  }
0x95: {  	s5 =	sld [smem:$0x3FFC];
	_ =	sdelay $0x3  }
0x96: {  	_ =	strace s5  }
0x97: {  	s5 =	sld [smem:$0x3FFD];
	_ =	sdelay $0x3  }
0x98: {  	_ =	strace s5  }
0x99: {  	_ =	strace $0x8FFFFFFF  }
0x9a: {  	s19 =	sld [smem:$0x3FDB];
	_ =	sdelay $0x1  }
0x9b: {  	s6 =	simm.s32 $_scs_section_size  }
0x9c: {  	s7 =	simm.s32 $_size__tile_overlayer_lowered;
	s8 =	simm.s32 $_tile_overlayer_lowered  }
0x9d: {  	s22 =	simm.s32 $0x1BFF;
	s21 =	sshll.u32 s8, $0x1;
	s5 =	sadd.s32 s6, s19  }
0x9e: {  	s9 =	simm.s32 $0x0;
	s20 =	sshll.u32 s7, $0x1;
	s7 =	sadd.s32 s21, s5  }
0x9f: {  	[timem:s9], [sflag:s22] =	dma.local [hbm:s7], s20  }
0xa0: {  	_ =	swait.ge [sflag:s22], s20  }
0xa1: {  	s6 =	ssub.s32 $0x0, s20;
	[sflag:s22] =	ssyncset.done $0x0  }
0xa2: {  	[sflag:s22] =	ssyncadd.s32 s6;
	_ =	sdelay $0x1  }
0xa3: {  	s23 =	simm.s32 $0x1B8B  }
0xa4: {  	_ =	swait.ge [sflag:s23], $0x1  }
0xa5: {  	[sflag:s23] =	ssyncset.done $0x0  }
0xa6: {  	s25 =	simm.s32 $0x1B8E;
	s24 =	sld [smem:$0x3FFE];
	[sflag:s23] =	ssyncadd.s32 $0xFFFFFFFF  }
0xa7: {  	s26 =	simm.s32 $execute0_lowered;
	[smem:$0x3FD2] =	sst s25  }
0xa8: {  	s7 =	sshll.u32 s26, $0x1;
	_ =	strace $0x80000046;
	[dreg:$0x1] =	wrdreg $0xFFFFFFFF  }
0xa9: {  	s28 =	simm.s32 $_size_execute0_lowered;
	s5 =	sadd.s32 s5, s7;
	[dreg:$0x0] =	wrdreg $0x0  }
0xaa: {  	s7 =	sshll.u32 s28, $0x1;
	[dreg:$0x2] =	wrdreg s5  }
0xab: {  	[dreg:$0x3] =	wrdreg s7  }
0xac: {  	[dreg:$0x4] =	wrdreg $0xC0  }
0xad: {  	_ =	task [dreg:s9], $0x5FFFF  }
0xae: {  	[dreg:$0x1] =	wrdreg $0xFFFFFFFF  }
0xaf: {  	[dreg:$0x0] =	wrdreg $0x60  }
0xb0: {  	[dreg:$0x2] =	wrdreg s24  }
0xb1: {  	[dreg:$0x3] =	wrdreg s2  }
0xb2: {  	[dreg:$0x4] =	wrdreg s18  }
0xb3: {  	[dreg:$0x5] =	wrdreg s4  }
0xb4: {  	[dreg:$0x6] =	wrdreg $0x9  }
0xb5: {  	_ =	task.clear_ibuf [dreg:s9], $0x7FFFF;
	_ =	strace $0x90000046  }
0xb6: {  	s29 =	simm.s32 $0x9;
	_ =	strace $0x80000048  }
0xb7: {  	_ =	swait.ge [sflag:s29], $0x1  }
0xb8: {  	[sflag:s29] =	ssyncadd.s32 $0xFFFFFFFF  }
0xb9: {  	_ =	strace $0x90000048  }
0xba: {  	_ =	sfence  }
0xbb: {  	s30 =	sld [smem:$0x0];
	_ =	sdelay $0x2  }
0xbc: {  	s31 =	sshll.u32 s1, $0xD;
	s1 =	sshrl.u32 s1, $0x2  }
0xbd: {  	s3 =	sand.u32 $0x4000, s31;
	s1 =	sadd.s32 s1, s30  }
0xbe: {  	s0 =	sor.u32 s3, s0;
	s1 =	sshll.u32 s1, $0x11  }
0xbf: {  	s0 =	sor.u32 s1, s0  }
0xc0: {  	s0 =	sadd.s32 $0x8F2B, s0  }
0xc1: {  	[sflag:s0] =	ssyncadd.remote.s32 $0x1  }
0xc2: {  	_ =	sfence.sel $0xFFFF  }
0xc3: {  	[dreg:$0x0] =	wrdreg $0xFFFFFFFF;
	(pc) =	sbr.abs _section_cstart, $3  }
0xc4: {  	[dreg:$0x1] =	wrdreg $0xFFFFFFFF  }
0xc5: {  	_ =	task.clear_ibuf [dreg:s9], $0x2FFFF;
	_ =	strace $0x9FFFFFFF  }
0xc6: {  	(tm) =	ssettm $0x7FFFFFFF  }
0xc7: {  	_ =	shalt  }
tec
execute0_lowered:
.L_overlay_start_1:
0x0: {  	(tag) =	ssettag $0x1  }
0x1: {  	s0 =	rddreg [dreg:$0x0]  }
0x2: {  	s4 =	rddreg [dreg:$0x3]  }
0x3: {  	s1 =	srdreg.scid;
	s5 =	simm.s32 $0x0;
	s2 =	stileid.u32  }
0x4: {  	s31 =	simm.s32 $0xD0;
	s19 =	simm.s32 $0x9740;
	s21 =	simm.s32 $0x3  }
0x5: {  	s22 =	simm.s32 $0xCB40;
	s11 =	simm.s32 $0x0;
	[smem:$0x7FF] =	sst s5  }
0x6: {  	s1 =	sand.u32 $0x1, s1;
	s7 =	sadd.s32 $0xF49800, s0;
	s8 =	sadd.s32 $0xF43400, s0  }
0x7: {  	s2 =	sshll.u32 s2, $0x6;
	s9 =	sadd.s32 $0xF50E00, s0;
	s23 =	sadd.s32 $0xF4FC00, s0  }
0x8: {  	s0 =	sadd.s32 $0xF50C00, s0;
	s3 =	sshll.u32 s1, $0x5;
	_ =	strace $0x80000047  }
0x9: {  	s1 =	ssub.s32 $0x2, s1;
	[dreg:$0x5] =	wrdreg s23;
	s6 =	sor.u32 s3, s2  }
0xa: {  	[dreg:$0x6] =	wrdreg s0;
	s24 =	sshrl.u32 s1, $0x1;
	s2 =	smul.u32 $0xC8, s6  }
0xb: {  	s23 =	simm.s32 $0x4;
	s25 =	ssub.s32 s1, s24;
	s24 =	simm.s32 $0xFD40  }
0xc: {  	s0 =	smax.u32 s25, $0x1;
	s25 =	simm.s32 $0x68;
	s10 =	sshrl.u32 s2, $0x3  }
0xd: {  	s2 =	sadd.s32 $0x128, s2;
	[dreg:$0xd] =	wrdreg s0;
	s26 =	sadd.s32 s7, s10  }
0xe: {  	s28 =	sor.u32 $0x19, s10;
	s29 =	sadd.s32 s8, s10;
	[dreg:$0x7] =	wrdreg s26  }
.Ltmp0:
0xf: {  	s1 =	sadd.s32 $0xC, s26;
	[dreg:$0x9] =	wrdreg s29;
	(pc) =	sbr.rel .LBB2_1-.Ltmp0, $4  }
0x10: {  	s2 =	sshrl.u32 s2, $0x3;
	s30 =	sadd.s32 s7, s28;
	[dreg:$0x8] =	wrdreg s1  }
0x11: {  	s0 =	simm.s32 $0x138;
	s2 =	sadd.s32 s7, s2;
	[dreg:$0xa] =	wrdreg s30  }
0x12: {  	s26 =	simm.s32 $0x5;
	[dreg:$0xb] =	wrdreg s2;
	s1 =	sadd.s32 s8, s28  }
0x13: {  	s2 =	simm.s32 $0x6740;
	[dreg:$0xc] =	wrdreg s1;
	s1 =	simm.s32 $0x2  }
.LBB2_13:
0x14: {  	_ =	swait.ge [sflag:s26], $0x3200  }
0x15: {  	[sflag:s26] =	ssyncset.done $0x0  }
0x16: {  	s10 =	simm.s32 $0x6;
	[sflag:s26] =	ssyncadd.s32 $0xFFFFCE00  }
0x17: {  	_ =	swait.ge [sflag:s10], $0x3200  }
0x18: {  	s11 =	rddreg [dreg:$0xe]  }
0x19: {  	s3 =	rddreg [dreg:$0xd];
	s11 =	sadd.s32 $0x1, s11  }
0x1a: {  	p0 =	sne.s32 s11, s3  }
.Ltmp1:
0x1b: {  	_ = 	snop;
	(pc) =	sbr.rel @!p0 .LBB2_14-.Ltmp1, $3  }
0x1c: {  	_ =	sdelay $0x1  }
0x1d: {  	[sflag:s10] =	ssyncset.done $0x0  }
0x1e: {  	[sflag:s10] =	ssyncadd.s32 $0xFFFFCE00  }
.LBB2_1:
0x1f: {  	[dreg:$0xe] =	wrdreg s11  }
0x20: {  	s3 =	rddreg [dreg:$0x5];
	s10 =	simm.s32 $0x12F40;
	s15 =	simm.s32 $0x7  }
0x21: {  	[tilespmem:s10], [sflag:$0x7] =	stream.linear.gather [hbm4b:s3+s5], $0x3200, $0x38;
	[tilespmem:$0x19440] =	vst v63  }
0x22: {  	_ =	swait.ge [sflag:s15], $0x3200  }
0x23: {  	[sflag:s15] =	ssyncset.done $0x0  }
0x24: {  	s16 =	simm.s32 $0x16140;
	[sflag:s15] =	ssyncadd.s32 $0xFFFFCE00  }
0x25: {  	[tilespmem:s16], [sflag:$0x7] =	stream.linear.gather [hbm4b:s3+s5], $0x3200, $0x38;
	[tilespmem:$0x19440] =	vst v63  }
0x26: {  	_ =	swait.ge [sflag:s15], $0x3200  }
0x27: {  	[sflag:s15] =	ssyncset.done $0x0  }
0x28: {  	s18 =	simm.s32 $0x19340;
	s17 =	rddreg [dreg:$0x6];
	[sflag:s15] =	ssyncadd.s32 $0xFFFFCE00  }
0x29: {  	[tilespmem:s18], [sflag:$0x7] =	stream.linear.gather [hbm4b:s17+s5], $0x80, $0x38;
	[tilespmem:$0x19440] =	vst v63  }
0x2a: {  	_ =	swait.ge [sflag:s15], $0x80  }
0x2b: {  	[sflag:s15] =	ssyncset.done $0x0  }
0x2c: {  	[sflag:s15] =	ssyncadd.s32 $0xFFFFFF80  }
0x2d: {  	s28 =	simm.s32 $0x193C0;
	s20 =	rddreg [dreg:$0x1]  }
0x2e: {  	[tilespmem:s28], [sflag:$0x7] =	stream.linear.gather [hbm4b:s20+s5], $0x40, $0x38;
	[tilespmem:$0x19440] =	vst v63  }
0x2f: {  	_ =	swait.ge [sflag:s15], $0x40  }
0x30: {  	[sflag:s15] =	ssyncset.done $0x0  }
0x31: {  	[sflag:s15] =	ssyncadd.s32 $0xFFFFFFC0  }
0x32: {  	s30 =	simm.s32 $0x19400;
	s29 =	rddreg [dreg:$0x2]  }
0x33: {  	[tilespmem:s30], [sflag:$0x7] =	stream.linear.gather [hbm4b:s29+s5], $0x40, $0x38;
	[tilespmem:$0x19440] =	vst v63  }
0x34: {  	_ =	swait.ge [sflag:s15], $0x40  }
0x35: {  	[sflag:s15] =	ssyncset.done $0x0  }
0x36: {  	[sflag:s15] =	ssyncadd.s32 $0xFFFFFFC0  }
0x37: {  	v14 =	vld [tilespmem:$0x19340]  }
0x38: {  	v12 =	vld [tilespmem:$0x19350]  }
0x39: {  	v10 =	vld [tilespmem:$0x19360]  }
0x3a: {  	v8 =	vld [tilespmem:$0x19370]  }
0x3b: {  	v15 =	vld [tilespmem:$0x19380]  }
0x3c: {  	v13 =	vld [tilespmem:$0x19390]  }
0x3d: {  	v11 =	vld [tilespmem:$0x193A0]  }
0x3e: {  	v9 =	vld [tilespmem:$0x193B0]  }
0x3f: {  	v0 =	vld [tilespmem:$0x193C0]  }
0x40: {  	v1 =	vld [tilespmem:$0x193D0]  }
0x41: {  	v2 =	vld [tilespmem:$0x193E0]  }
0x42: {  	v3 =	vld [tilespmem:$0x193F0]  }
0x43: {  	v4 =	vld [tilespmem:$0x19400]  }
0x44: {  	v5 =	vld [tilespmem:$0x19410]  }
0x45: {  	v6 =	vld [tilespmem:$0x19420]  }
0x46: {  	s11 =	simm.s32 $0x20;
	v7 =	vld [tilespmem:$0x19430]  }
0x47: {  	v19 =	vld [tilespmem:s11+$0x12F20]  }
0x48: {  	v21 =	vld [tilespmem:s11+$0x16120]  }
0x49: {  	v20 =	vld [tilespmem:s11+$0x12F30]  }
0x4a: {  	v18 =	vld [tilespmem:s11+$0x16130]  }
0x4b: {  	v16 =	vld [tilespmem:s11+$0x12F40]  }
0x4c: {  	v17 =	vld [tilespmem:s11+$0x16140];
	v22 =	vadd.f32 v19, v14  }
0x4d: {  	s10 =	simm.s32 $0x180;
	v21 =	vadd.f32 v21, v15;
	v19 =	vld [tilespmem:s11+$0x12F50]  }
.LBB2_2:
0x4e: {  	s12 =	sshra.s32 s10, $0x2;
	p0 =	sne.s32 s10, $0xC780;
	[tilespmem:s11+$0x12F20] =	vst v22;
	v20 =	vadd.f32 v20, v12;
	v22 =	vld [tilespmem:s11+$0x16150]  }
0x4f: {  	v23 =	vld [tilespmem:s12+$0x12F20];
	[tilespmem:s11+$0x16120] =	vst v21;
	v18 =	vadd.f32 v18, v13  }
0x50: {  	v21 =	vld [tilespmem:s12+$0x16120];
	[tilespmem:s11+$0x12F30] =	vst v20;
	v16 =	vadd.f32 v16, v10  }
.Ltmp2:
0x51: {  	v20 =	vld [tilespmem:s12+$0x12F30];
	[tilespmem:s11+$0x16130] =	vst v18;
	v17 =	vadd.f32 v17, v11;
	(pc) =	sbr.rel @p0 .LBB2_2-.Ltmp2, $4  }
0x52: {  	v18 =	vld [tilespmem:s12+$0x16130];
	[tilespmem:s11+$0x12F40] =	vst v16;
	v19 =	vadd.f32 v19, v8  }
0x53: {  	v16 =	vld [tilespmem:s12+$0x12F40];
	[tilespmem:s11+$0x16140] =	vst v17;
	v24 =	vadd.f32 v22, v9  }
0x54: {  	v22 =	vadd.f32 v23, v14;
	v17 =	vld [tilespmem:s12+$0x16140];
	[tilespmem:s11+$0x12F50] =	vst v19  }
0x55: {  	s10 =	sadd.s32 $0x100, s10;
	v21 =	vadd.f32 v21, v15;
	v19 =	vld [tilespmem:s12+$0x12F50];
	[tilespmem:s11+$0x16150] =	vst v24;
	s11 =	smov.u32 s12  }
0x56: {  	[tilespmem:s11+$0x12F20] =	vst v22;
	v12 =	vadd.f32 v20, v12;
	v14 =	vld [tilespmem:s11+$0x16150]  }
0x57: {  	[tilespmem:s11+$0x16120] =	vst v21;
	v13 =	vadd.f32 v18, v13  }
0x58: {  	[tilespmem:s11+$0x12F30] =	vst v12;
	v10 =	vadd.f32 v16, v10  }
0x59: {  	[tilespmem:s11+$0x16130] =	vst v13;
	v11 =	vadd.f32 v17, v11  }
0x5a: {  	[tilespmem:s11+$0x12F40] =	vst v10;
	v8 =	vadd.f32 v19, v8  }
0x5b: {  	[tilespmem:s11+$0x16140] =	vst v11;
	v9 =	vadd.f32 v14, v9  }
0x5c: {  	[tilespmem:s11+$0x12F50] =	vst v8  }
0x5d: {  	s3 =	rddreg [dreg:$0x7];
	[tilespmem:s11+$0x16150] =	vst v9;
	s11 =	simm.s32 $0x0  }
0x5e: {  	[tilespmem:s11], [sflag:$0x1] =	stream.linear.gather [hbm4b:s3+s11], $0x68, $0x38;
	[tilespmem:$0x19440] =	vst v63  }
0x5f: {  	s14 =	rddreg [dreg:$0x8]  }
0x60: {  	[tilespmem:s25], [sflag:$0x1] =	stream.linear.gather [hbm4b:s14+s11], $0x68, $0x38;
	[tilespmem:$0x19440] =	vst v63  }
0x61: {  	s15 =	rddreg [dreg:$0x9];
	s10 =	simm.s32 $0x1A0;
	s16 =	simm.s32 $0x1  }
0x62: {  	[tilespmem:s10], [sflag:$0x1] =	stream.linear.gather [hbm4b:s15+s11], $0xC8, $0x38;
	[tilespmem:$0x19440] =	vst v63  }
0x63: {  	_ =	swait.ge [sflag:s16], $0x68  }
0x64: {  	[sflag:s16] =	ssyncset.done $0x0  }
0x65: {  	[sflag:s16] =	ssyncadd.s32 $0xFFFFFF98  }
0x66: {  	_ =	swait.ge [sflag:s16], $0x68  }
0x67: {  	[sflag:s16] =	ssyncset.done $0x0  }
0x68: {  	[sflag:s16] =	ssyncadd.s32 $0xFFFFFF98  }
0x69: {  	_ =	swait.ge [sflag:s16], $0xC8  }
0x6a: {  	[sflag:s16] =	ssyncset.done $0x0  }
0x6b: {  	s17 =	simm.s32 $0x340;
	[sflag:s16] =	ssyncadd.s32 $0xFFFFFF38  }
0x6c: {  	[tilespmem:s17], [sflag:$0x3] =	stream.indirect.gather [hbm4b:s9+s25], $0x80, s11, s25, $0xb8;
	[tilespmem:$0x19440] =	vst v63  }
0x6d: {  	s18 =	simm.s32 $0x3340  }
0x6e: {  	[tilespmem:s18], [sflag:$0x3] =	stream.indirect.gather [hbm4b:s9+s25], $0x80, s25, s25, $0xb8;
	[tilespmem:$0x19440] =	vst v63  }
0x6f: {  	s20 =	rddreg [dreg:$0xa]  }
0x70: {  	[tilespmem:s31], [sflag:$0x2] =	stream.linear.gather [hbm4b:s20+s11], $0x68, $0x38;
	[tilespmem:$0x19440] =	vst v63  }
0x71: {  	s28 =	rddreg [dreg:$0xb]  }
0x72: {  	[tilespmem:s0], [sflag:$0x2] =	stream.linear.gather [hbm4b:s28+s11], $0x68, $0x38;
	[tilespmem:$0x19440] =	vst v63  }
0x73: {  	s30 =	simm.s32 $0x270;
	s29 =	rddreg [dreg:$0xc]  }
0x74: {  	[tilespmem:s30], [sflag:$0x2] =	stream.linear.gather [hbm4b:s29+s11], $0xC8, $0x38;
	[tilespmem:$0x19440] =	vst v63  }
0x75: {  	_ =	swait.ge [sflag:s1], $0x68  }
0x76: {  	[sflag:s1] =	ssyncset.done $0x0  }
0x77: {  	[sflag:s1] =	ssyncadd.s32 $0xFFFFFF98  }
0x78: {  	_ =	swait.ge [sflag:s1], $0x68  }
0x79: {  	[sflag:s1] =	ssyncset.done $0x0  }
0x7a: {  	[sflag:s1] =	ssyncadd.s32 $0xFFFFFF98  }
0x7b: {  	_ =	swait.ge [sflag:s1], $0xC8  }
0x7c: {  	[sflag:s1] =	ssyncset.done $0x0  }
0x7d: {  	[sflag:s1] =	ssyncadd.s32 $0xFFFFFF38  }
0x7e: {  	[tilespmem:s2], [sflag:$0x4] =	stream.indirect.gather [hbm4b:s9+s25], $0x80, s31, s25, $0xb8;
	[tilespmem:$0x19440] =	vst v63  }
0x7f: {  	_ = 	snop  }
0x80: {  	[tilespmem:s19], [sflag:$0x4] =	stream.indirect.gather [hbm4b:s9+s25], $0x80, s0, s25, $0xb8;
	[tilespmem:$0x19440] =	vst v63  }
.LBB2_4:
0x81: {  	s13 =	sshll.u32 s11, $0x1  }
0x82: {  	_ =	swait.ge [sflag:s21], $0x3400;
	p0 =	seq.s32 s11, $0xF;
	s10 =	sadd.s32 $0x2, s13  }
0x83: {  	[sflag:s21] =	ssyncset.done $0x0;
	s14 =	sadd.s32 @!p0 s6, s10  }
0x84: {  	p1 =	seq.s32 @!p0 s11, $0x0;
	[sflag:s21] =	ssyncadd.s32 $0xFFFFCC00;
	s10 =	smul.u32 @!p0 $0xC8, s14  }
0x85: {  	p1 =	por p0, !p1;
	_ =	swait.ge [sflag:s21], $0x3400  }
.Ltmp3:
0x86: {  	[sflag:s21] =	ssyncset.done $0x0;
	s10 =	sshrl.u32 @!p0 s10, $0x3;
	(pc) =	sbr.rel @!p1 .LBB2_5-.Ltmp3, $4  }
0x87: {  	s12 =	simm.s32 @!p0 $0x0;
	[sflag:s21] =	ssyncadd.s32 $0xFFFFCC00;
	s10 =	sadd.s32 @!p0 s7, s10  }
0x88: {  	[tilespmem:s12], [sflag:$0x1] =	stream.linear.gather @!p0 [hbm4b:s10+s12], $0x68, $0x38;
	[tilespmem:$0x19440] =	vst v63  }
0x89: {  	s15 =	simm.s32 @!p0 $0x68;
	s10 =	sadd.s32 @!p0 $0xC, s10  }
0x8a: {  	[tilespmem:s15], [sflag:$0x1] =	stream.linear.gather @!p0 [hbm4b:s10+s12], $0x68, $0x38;
	[tilespmem:$0x19440] =	vst v63  }
.Ltmp4:
0x8b: {  	(pc) =	sbr.rel .LBB2_7-.Ltmp4, $4  }
0x8c: {  	_ = 	snop  }
0x8d: {  	_ =	swait.ge [sflag:s26], $0x3200  }
0x8e: {  	[sflag:s26] =	ssyncset.done $0x0  }
0x8f: {  	p1 =	por $0x0, $0x0;
	[sflag:s26] =	ssyncadd.s32 $0xFFFFCE00  }
.LBB2_5:
0x90: {  	p1 =	por @!p0 $0x1, $0x1  }
.LBB2_7:
0x91: {  	s15 =	simm.s32 $0x0;
	s16 =	simm.s32 $0x1A0;
	s17 =	simm.s32 $0x540  }
.LBB2_8:
0x92: {  	v8 =	vld [tilespmem:s16+$0x0];
	_ =	sdelay $0x4  }
0x93: {  	v8 =	vmul.u32 $0xC800, v8;
	_ =	sdelay $0x1  }
0x94: {  	s18 =	sshra.s32 s15, $0x2;
	v8 =	vshra.s32 v8, $0x2  }
0x95: {  	v8 =	vadd.s32 s18, v8  }
0x96: {  	v8 =	vadd.s32 $0x12F40, v8  }
0x97: {  	(v2sf) =	vpush v8, $0x1  }
0x98: {  	(v2sf) =	vpush v8, $0x0;
	_ =	sdelay $0x8  }
0x99: {  	v9 =	vld [tilespmem:s17+$0xFFFFFE00]  }
0x9a: {  	v11 =	vld [tilespmem:s17+$0xFFFFFE10]  }
0x9b: {  	v13 =	vld [tilespmem:s17+$0xFFFFFE20]  }
0x9c: {  	v15 =	vld [tilespmem:s17+$0xFFFFFE30]  }
0x9d: {  	v17 =	vld [tilespmem:s17+$0xFFFFFE80]  }
0x9e: {  	v21 =	vld [tilespmem:s17+$0xFFFFFE90];
	s10 =	spop (v2sf)  }
0x9f: {  	v33 =	vld [tilespmem:s17+$0xFFFFFEB0];
	s12 =	spop (v2sf)  }
0xa0: {  	v10 =	vld [tilespmem:s12+$0x0]  }
0xa1: {  	v12 =	vld [tilespmem:s12+$0x10]  }
0xa2: {  	v14 =	vld [tilespmem:s12+$0x20]  }
0xa3: {  	v16 =	vld [tilespmem:s12+$0x30]  }
0xa4: {  	v19 =	vld [tilespmem:s10+$0x40]  }
0xa5: {  	v34 =	vld [tilespmem:s10+$0x70]  }
0xa6: {  	v24 =	vld [tilespmem:s17+$0xFFFFFEA0]  }
0xa7: {  	v22 =	vld [tilespmem:s10+$0x50];
	v23 =	vadd.f32 v10, v9;
	v20 =	vadd.f32 v12, v11  }
0xa8: {  	v32 =	vld [tilespmem:s10+$0x60];
	v18 =	vadd.f32 v14, v13;
	v16 =	vadd.f32 v16, v15  }
0xa9: {  	v12 =	vadd.f32 v19, v17;
	v10 =	vmul.f32 v23, v23;
	v11 =	vmul.f32 v20, v20  }
0xaa: {  	v9 =	vadd.f32 v34, v33;
	v35 =	vmul.f32 v18, v18;
	v15 =	vmul.f32 v16, v16  }
0xab: {  	v25 =	vadd.f32 v20, v23;
	v26 =	vadd.f32 v16, v18  }
0xac: {  	v27 =	vadd.f32 v11, v10;
	v15 =	vadd.f32 v15, v35  }
0xad: {  	v11 =	vadd.f32 v22, v21;
	v10 =	vadd.f32 v32, v24  }
0xae: {  	v37 =	vmul.f32 v12, v12;
	v40 =	vmul.f32 v9, v9;
	v36 =	vadd.f32 v26, v25  }
0xaf: {  	v38 =	vmul.f32 v11, v11;
	v15 =	vadd.f32 v15, v27;
	v39 =	vmul.f32 v10, v10  }
0xb0: {  	v22 =	vadd.f32 v11, v12;
	v24 =	vadd.f32 v9, v10  }
0xb1: {  	v14 =	vadd.f32 v38, v37;
	v41 =	vadd.f32 v40, v39  }
0xb2: {  	(xrf2) =	vadd.scan.msk.f32 $0xffff, v36;
	v42 =	vadd.f32 v24, v22  }
0xb3: {  	(xrf2) =	vadd.scan.msk.f32 $0xffff, v15;
	v14 =	vadd.f32 v41, v14  }
0xb4: {  	(xrf2) =	vadd.scan.msk.f32 $0xffff, v42  }
0xb5: {  	(xrf2) =	vadd.scan.msk.f32 $0xffff, v14;
	_ =	sdelay $0x6  }
0xb6: {  	v43, _, _ =	vpop (xrf2)  }
0xb7: {  	(v2sf) =	vpush v43, $0xF;
	v44, _, _ =	vpop (xrf2)  }
0xb8: {  	(v2sf) =	vpush v44, $0xF;
	v45, _, _ =	vpop (xrf2)  }
0xb9: {  	(v2sf) =	vpush v45, $0xF;
	v46, _, _ =	vpop (xrf2)  }
0xba: {  	(v2sf) =	vpush v46, $0xF  }
0xbb: {  	(v2sf) =	vpush v8, $0x3  }
0xbc: {  	(v2sf) =	vpush v8, $0x2;
	_ =	sdelay $0x9  }
0xbd: {  	s3 =	spop (v2sf)  }
0xbe: {  	s28 =	spop (v2sf)  }
0xbf: {  	v47 =	vld [tilespmem:s17+$0xFFFFFF00];
	s29 =	spop (v2sf)  }
0xc0: {  	v49 =	vld [tilespmem:s17+$0xFFFFFF10];
	s12 =	spop (v2sf)  }
0xc1: {  	v51 =	vld [tilespmem:s17+$0xFFFFFF20];
	s30 =	spop (v2sf)  }
0xc2: {  	v53 =	vld [tilespmem:s17+$0xFFFFFF30];
	s20 =	spop (v2sf)  }
0xc3: {  	v48 =	vld [tilespmem:s20+$0x80]  }
0xc4: {  	v50 =	vld [tilespmem:s20+$0x90]  }
0xc5: {  	v52 =	vld [tilespmem:s20+$0xA0]  }
0xc6: {  	v54 =	vld [tilespmem:s20+$0xB0]  }
0xc7: {  	v55 =	vld [tilespmem:s17+$0xFFFFFF80]  }
0xc8: {  	v56 =	vld [tilespmem:s17+$0xFFFFFF90]  }
0xc9: {  	v60 =	vld [tilespmem:s17+$0xFFFFFFA0];
	v24 =	vadd.f32 v48, v47  }
0xca: {  	v33 =	vld [tilespmem:s17+$0xFFFFFFB0];
	v21 =	vadd.f32 v50, v49;
	v14 =	vadd.f32 v52, v51  }
0xcb: {  	v28 =	vld [tilespmem:s30+$0xC0];
	v13 =	vadd.f32 v54, v53;
	v58 =	vmul.f32 v24, v24  }
0xcc: {  	v57 =	vld [tilespmem:s30+$0xD0];
	v59 =	vmul.f32 v21, v21;
	v61 =	vmul.f32 v14, v14  }
0xcd: {  	v30 =	vld [tilespmem:s30+$0xE0];
	v29 =	vmul.f32 v13, v13;
	v31 =	vadd.f32 v21, v24;
	v32 =	vadd.f32 v13, v14  }
0xce: {  	v63 =	vld [tilespmem:s30+$0xF0];
	v19 =	vadd.f32 v59, v58  }
0xcf: {  	v62 =	vadd.f32 v29, v61;
	v32 =	vadd.f32 v32, v31;
	_ =	sdelay $0x1  }
0xd0: {  	v19 =	vadd.f32 v62, v19;
	(xrf2) =	vadd.scan.msk.f32 $0xffff, v32  }
0xd1: {  	v22 =	vadd.f32 v28, v55;
	v17 =	vadd.f32 v30, v60  }
0xd2: {  	v15 =	vadd.f32 v63, v33;
	(xrf2) =	vadd.scan.msk.f32 $0xffff, v19;
	v19 =	vadd.f32 v57, v56  }
0xd3: {  	v33 =	vmul.f32 v22, v22;
	v35 =	vmul.f32 v17, v17  }
0xd4: {  	v36 =	vmul.f32 v15, v15;
	v34 =	vmul.f32 v19, v19  }
0xd5: {  	v30 =	vadd.f32 v15, v17;
	v37 =	vadd.f32 v19, v22  }
0xd6: {  	v38 =	vadd.f32 v36, v35;
	v25 =	vadd.f32 v34, v33  }
0xd7: {  	v39 =	vadd.f32 v30, v37  }
0xd8: {  	v25 =	vadd.f32 v38, v25  }
0xd9: {  	(xrf2) =	vadd.scan.msk.f32 $0xffff, v39  }
0xda: {  	v40, _, _ =	vpop (xrf2);
	(xrf2) =	vadd.scan.msk.f32 $0xffff, v25;
	_ =	sdelay $0x1  }
0xdb: {  	s20 =	smul.f32 $1.562500000e-02, s3  }
0xdc: {  	s3 =	smul.f32 $1.562500000e-02, s28;
	(v2sf) =	vpush v40, $0xF;
	v41, _, _ =	vpop (xrf2)  }
0xdd: {  	s30 =	smul.f32 s20, s20;
	(v2sf) =	vpush v41, $0xF;
	_ =	sdelay $0x1  }
0xde: {  	s10 =	ssub.f32 s3, s30;
	_ =	sdelay $0x1  }
0xdf: {  	s10 =	sadd.f32 $9.999999740e-06, s10  }
0xe0: {  	v27, _, _ =	vpop (xrf2)  }
0xe1: {  	v42 =	vmov s10;
	s10 =	smul.f32 $1.562500000e-02, s29;
	(v2sf) =	vpush v27, $0xF;
	v44, _, _ =	vpop (xrf2)  }
0xe2: {  	s12 =	smul.f32 $1.562500000e-02, s12;
	v43 =	vshrl.u32 v42, $0x1;
	v25 =	vmul.f32 $5.000000000e-01, v42;
	(v2sf) =	vpush v44, $0xF  }
0xe3: {  	v26 =	vsub.s32 $0x5F3759DF, v43;
	s3 =	smul.f32 s10, s10  }
0xe4: {  	v45 =	vmul.f32 v26, v25  }
0xe5: {  	s12 =	ssub.f32 s12, s3  }
0xe6: {  	v46 =	vmul.f32 v26, v45  }
0xe7: {  	s12 =	sadd.f32 $9.999999740e-06, s12  }
0xe8: {  	v27 =	vsub.f32 $1.500000000e+00, v46  }
0xe9: {  	v47 =	vmov s12;
	s29 =	spop (v2sf)  }
0xea: {  	v48 =	vshrl.u32 v47, $0x1;
	v26 =	vmul.f32 v26, v27;
	v27 =	vmul.f32 $5.000000000e-01, v47;
	s29 =	smul.f32 $1.562500000e-02, s29;
	s30 =	spop (v2sf)  }
0xeb: {  	v28 =	vsub.s32 $0x5F3759DF, v48;
	s12 =	smul.f32 $1.562500000e-02, s30  }
0xec: {  	v49 =	vmul.f32 v28, v27;
	s28 =	smul.f32 s29, s29;
	_ =	sdelay $0x1  }
0xed: {  	v50 =	vmov s20;
	v29 =	vmul.f32 v28, v49;
	s12 =	ssub.f32 s12, s28  }
0xee: {  	v23 =	vsub.f32 v23, v50;
	v25 =	vmul.f32 v26, v25  }
0xef: {  	v20 =	vsub.f32 v20, v50;
	v29 =	vsub.f32 $1.500000000e+00, v29;
	s12 =	sadd.f32 $9.999999740e-06, s12;
	s3 =	spop (v2sf)  }
0xf0: {  	v18 =	vsub.f32 v18, v50;
	v16 =	vsub.f32 v16, v50;
	v25 =	vmul.f32 v25, v26;
	s3 =	smul.f32 $1.562500000e-02, s3;
	s30 =	spop (v2sf)  }
0xf1: {  	v58 =	vmov s10;
	v28 =	vmul.f32 v28, v29;
	v51 =	vmov s12;
	s20 =	smul.f32 $1.562500000e-02, s30  }
0xf2: {  	v25 =	vsub.f32 $1.500000000e+00, v25;
	v52 =	vshrl.u32 v51, $0x1;
	v29 =	vmul.f32 $5.000000000e-01, v51;
	s28 =	smul.f32 s3, s3  }
0xf3: {  	v12 =	vsub.f32 v12, v58;
	v27 =	vmul.f32 v28, v27;
	v30 =	vsub.s32 $0x5F3759DF, v52  }
0xf4: {  	v11 =	vsub.f32 v11, v58;
	v25 =	vmul.f32 v25, v26;
	v53 =	vmul.f32 v30, v29;
	s20 =	ssub.f32 s20, s28  }
0xf5: {  	v10 =	vsub.f32 v10, v58;
	v9 =	vsub.f32 v9, v58;
	v54 =	vmul.f32 v27, v28  }
0xf6: {  	v62 =	vmov s29;
	v23 =	vmul.f32 v25, v23;
	v55 =	vmul.f32 v30, v53;
	s20 =	sadd.f32 $9.999999740e-06, s20  }
0xf7: {  	v20 =	vmul.f32 v25, v20;
	v18 =	vmul.f32 v25, v18;
	v56 =	vsub.f32 $1.500000000e+00, v54  }
0xf8: {  	v16 =	vmul.f32 v25, v16;
	v57 =	vsub.f32 $1.500000000e+00, v55;
	v59 =	vmov s20  }
0xf9: {  	v25 =	vmul.f32 v56, v28;
	v60 =	vshrl.u32 v59, $0x1;
	v28 =	vmul.f32 $5.000000000e-01, v59  }
0xfa: {  	v24 =	vsub.f32 v24, v62;
	v26 =	vmul.f32 v30, v57;
	v30 =	vsub.s32 $0x5F3759DF, v60  }
0xfb: {  	v21 =	vsub.f32 v21, v62;
	v14 =	vsub.f32 v14, v62;
	v61 =	vmul.f32 v30, v28  }
0xfc: {  	v13 =	vsub.f32 v13, v62;
	v23 =	vmul.f32 v23, v0;
	v20 =	vmul.f32 v20, v1  }
0xfd: {  	v18 =	vmul.f32 v18, v2;
	(v2sf) =	vpush v8, $0x5;
	v31 =	vmul.f32 v30, v61  }
0xfe: {  	v16 =	vmul.f32 v16, v3;
	v23 =	vadd.f32 v23, v4;
	v20 =	vadd.f32 v20, v5  }
0xff: {  	v18 =	vadd.f32 v18, v6;
	v29 =	vmul.f32 v26, v29;
	v31 =	vsub.f32 $1.500000000e+00, v31  }
0x100: {  	v16 =	vadd.f32 v16, v7;
	(v2sf) =	vpush v8, $0x4;
	v12 =	vmul.f32 v25, v12  }
0x101: {  	v36 =	vmov s3;
	v29 =	vmul.f32 v29, v26;
	v63 =	vmul.f32 v30, v31  }
0x102: {  	v39 =	vsub.f32 v22, v36;
	v11 =	vmul.f32 v25, v11;
	v10 =	vmul.f32 v25, v10  }
0x103: {  	v9 =	vmul.f32 v25, v9;
	v29 =	vsub.f32 $1.500000000e+00, v29;
	v28 =	vmul.f32 v63, v28  }
0x104: {  	v41 =	vsub.f32 v19, v36;
	v12 =	vmul.f32 v12, v0;
	v11 =	vmul.f32 v11, v1  }
0x105: {  	[tilespmem:s18+$0xCB40] =	vst v23;
	v17 =	vsub.f32 v17, v36;
	v26 =	vmul.f32 v29, v26;
	v32 =	vmul.f32 v28, v63  }
0x106: {  	[tilespmem:s18+$0xCB50] =	vst v20;
	v15 =	vsub.f32 v15, v36;
	v10 =	vmul.f32 v10, v2;
	v9 =	vmul.f32 v9, v3  }
0x107: {  	[tilespmem:s18+$0xCB60] =	vst v18;
	v12 =	vadd.f32 v12, v4;
	v24 =	vmul.f32 v26, v24;
	v34 =	vsub.f32 $1.500000000e+00, v32  }
0x108: {  	[tilespmem:s18+$0xCB70] =	vst v16;
	v11 =	vadd.f32 v11, v5;
	v21 =	vmul.f32 v26, v21;
	v37 =	vmul.f32 v26, v14  }
0x109: {  	v10 =	vadd.f32 v10, v6;
	[tilespmem:s18+$0xCB80] =	vst v12;
	v24 =	vmul.f32 v24, v0;
	v38 =	vmul.f32 v34, v63  }
0x10a: {  	v9 =	vadd.f32 v9, v7;
	[tilespmem:s18+$0xCB90] =	vst v11;
	v13 =	vmul.f32 v26, v13;
	v35 =	vmul.f32 v21, v1  }
0x10b: {  	[tilespmem:s18+$0xCBA0] =	vst v10;
	v42 =	vmul.f32 v37, v2;
	v33 =	vadd.f32 v24, v4;
	v43 =	vmul.f32 v38, v39  }
0x10c: {  	[tilespmem:s18+$0xCBB0] =	vst v9;
	v44 =	vmul.f32 v13, v3;
	v40 =	vadd.f32 v35, v5;
	v45 =	vmul.f32 v38, v41  }
0x10d: {  	v10 =	vadd.f32 v42, v6;
	[tilespmem:s18+$0xCBC0] =	vst v33;
	v46 =	vmul.f32 v38, v17;
	v12 =	vmul.f32 v43, v0  }
0x10e: {  	v9 =	vadd.f32 v44, v7;
	[tilespmem:s18+$0xCBD0] =	vst v40;
	v48 =	vmul.f32 v38, v15;
	v47 =	vmul.f32 v45, v1  }
0x10f: {  	[tilespmem:s18+$0xCBE0] =	vst v10;
	v50 =	vmul.f32 v46, v2;
	v49 =	vadd.f32 v12, v4  }
0x110: {  	[tilespmem:s18+$0xCBF0] =	vst v9;
	v52 =	vmul.f32 v48, v3;
	v51 =	vadd.f32 v47, v5  }
0x111: {  	v53 =	vadd.f32 v50, v6;
	[tilespmem:s18+$0xCC00] =	vst v49  }
0x112: {  	v54 =	vadd.f32 v52, v7;
	[tilespmem:s18+$0xCC10] =	vst v51  }
0x113: {  	[tilespmem:s18+$0xCC20] =	vst v53  }
0x114: {  	s29 =	spop (v2sf);
	[tilespmem:s18+$0xCC30] =	vst v54  }
0x115: {  	s30 =	spop (v2sf);
	v9 =	vld [tilespmem:s17+$0x0]  }
0x116: {  	v10 =	vld [tilespmem:s30+$0x100]  }
0x117: {  	v55 =	vld [tilespmem:s17+$0x10]  }
0x118: {  	v56 =	vld [tilespmem:s30+$0x110]  }
0x119: {  	v57 =	vld [tilespmem:s17+$0x20]  }
0x11a: {  	v58 =	vld [tilespmem:s30+$0x120]  }
0x11b: {  	v59 =	vld [tilespmem:s17+$0x30]  }
0x11c: {  	v60 =	vld [tilespmem:s30+$0x130]  }
0x11d: {  	v20 =	vld [tilespmem:s17+$0x80]  }
0x11e: {  	v61 =	vld [tilespmem:s29+$0x140]  }
0x11f: {  	v30 =	vld [tilespmem:s17+$0xA0]  }
0x120: {  	v31 =	vld [tilespmem:s29+$0x160]  }
0x121: {  	v32 =	vld [tilespmem:s17+$0xB0]  }
0x122: {  	v34 =	vld [tilespmem:s29+$0x170]  }
0x123: {  	v62 =	vld [tilespmem:s17+$0x90]  }
0x124: {  	v63 =	vld [tilespmem:s29+$0x150];
	v18 =	vadd.f32 v10, v9;
	v17 =	vadd.f32 v56, v55  }
0x125: {  	v15 =	vadd.f32 v58, v57;
	v13 =	vadd.f32 v60, v59  }
0x126: {  	v11 =	vadd.f32 v61, v20;
	v9 =	vadd.f32 v31, v30;
	v33 =	vmul.f32 v18, v18  }
0x127: {  	v10 =	vadd.f32 v34, v32;
	v12 =	vmul.f32 v17, v17;
	v35 =	vmul.f32 v15, v15  }
0x128: {  	v19 =	vmul.f32 v13, v13;
	v36 =	vadd.f32 v17, v18;
	v37 =	vadd.f32 v13, v15  }
0x129: {  	v40 =	vmul.f32 v11, v11;
	v38 =	vadd.f32 v12, v33;
	v12 =	vadd.f32 v63, v62  }
0x12a: {  	v42 =	vmul.f32 v9, v9;
	v43 =	vmul.f32 v10, v10;
	v24 =	vadd.f32 v10, v9  }
0x12b: {  	v16 =	vadd.f32 v19, v35;
	v39 =	vadd.f32 v37, v36;
	v41 =	vmul.f32 v12, v12  }
0x12c: {  	v44 =	vadd.f32 v43, v42;
	v23 =	vadd.f32 v12, v11  }
0x12d: {  	v16 =	vadd.f32 v16, v38;
	v19 =	vadd.f32 v41, v40  }
0x12e: {  	(xrf2) =	vadd.scan.msk.f32 $0xffff, v39;
	v45 =	vadd.f32 v24, v23  }
0x12f: {  	(xrf2) =	vadd.scan.msk.f32 $0xffff, v16;
	v46 =	vadd.f32 v44, v19  }
0x130: {  	(xrf2) =	vadd.scan.msk.f32 $0xffff, v45  }
0x131: {  	(xrf2) =	vadd.scan.msk.f32 $0xffff, v46;
	_ =	sdelay $0x6  }
0x132: {  	v47, _, _ =	vpop (xrf2)  }
0x133: {  	(v2sf) =	vpush v47, $0xF;
	v48, _, _ =	vpop (xrf2)  }
0x134: {  	(v2sf) =	vpush v48, $0xF;
	v49, _, _ =	vpop (xrf2)  }
0x135: {  	(v2sf) =	vpush v49, $0xF;
	v50, _, _ =	vpop (xrf2)  }
0x136: {  	(v2sf) =	vpush v50, $0xF  }
0x137: {  	(v2sf) =	vpush v8, $0x7  }
0x138: {  	(v2sf) =	vpush v8, $0x6;
	_ =	sdelay $0x9  }
0x139: {  	s10 =	spop (v2sf)  }
0x13a: {  	s20 =	spop (v2sf)  }
0x13b: {  	v52 =	vld [tilespmem:s17+$0x110];
	s29 =	spop (v2sf)  }
0x13c: {  	v54 =	vld [tilespmem:s17+$0x120];
	s12 =	spop (v2sf)  }
0x13d: {  	v56 =	vld [tilespmem:s17+$0x130];
	s28 =	spop (v2sf)  }
0x13e: {  	v8 =	vld [tilespmem:s17+$0x100];
	s3 =	spop (v2sf)  }
0x13f: {  	v51 =	vld [tilespmem:s3+$0x180]  }
0x140: {  	v53 =	vld [tilespmem:s3+$0x190]  }
0x141: {  	v55 =	vld [tilespmem:s3+$0x1A0]  }
0x142: {  	v57 =	vld [tilespmem:s3+$0x1B0];
	_ =	sdelay $0x2  }
0x143: {  	v58 =	vld [tilespmem:s17+$0x180]  }
0x144: {  	v60 =	vld [tilespmem:s17+$0x190];
	v23 =	vadd.f32 v51, v8;
	v20 =	vadd.f32 v53, v52  }
0x145: {  	v35 =	vld [tilespmem:s17+$0x1A0];
	v14 =	vadd.f32 v55, v54;
	v8 =	vadd.f32 v57, v56  }
0x146: {  	v40 =	vld [tilespmem:s17+$0x1B0];
	v61 =	vmul.f32 v23, v23;
	v62 =	vmul.f32 v20, v20  }
0x147: {  	v59 =	vld [tilespmem:s28+$0x1C0];
	v33 =	vmul.f32 v14, v14;
	v34 =	vmul.f32 v8, v8  }
0x148: {  	v63 =	vld [tilespmem:s28+$0x1D0];
	v36 =	vadd.f32 v20, v23;
	v37 =	vadd.f32 v8, v14  }
0x149: {  	v38 =	vld [tilespmem:s28+$0x1E0];
	v21 =	vadd.f32 v62, v61;
	v39 =	vadd.f32 v34, v33  }
0x14a: {  	v42 =	vld [tilespmem:s28+$0x1F0];
	v41 =	vadd.f32 v37, v36  }
0x14b: {  	v21 =	vadd.f32 v39, v21  }
0x14c: {  	(xrf2) =	vadd.scan.msk.f32 $0xffff, v41  }
0x14d: {  	(xrf2) =	vadd.scan.msk.f32 $0xffff, v21  }
0x14e: {  	v22 =	vadd.f32 v59, v58;
	v19 =	vadd.f32 v38, v35  }
0x14f: {  	v16 =	vadd.f32 v42, v40;
	v21 =	vadd.f32 v63, v60  }
0x150: {  	v43 =	vmul.f32 v22, v22;
	v45 =	vmul.f32 v19, v19  }
0x151: {  	v46 =	vmul.f32 v16, v16;
	v44 =	vmul.f32 v21, v21  }
0x152: {  	v29 =	vadd.f32 v16, v19;
	v47 =	vadd.f32 v21, v22  }
0x153: {  	v48 =	vadd.f32 v46, v45;
	v24 =	vadd.f32 v44, v43  }
0x154: {  	v49 =	vadd.f32 v29, v47  }
0x155: {  	v24 =	vadd.f32 v48, v24  }
0x156: {  	v50, _, _ =	vpop (xrf2);
	(xrf2) =	vadd.scan.msk.f32 $0xffff, v49  }
0x157: {  	v51, _, _ =	vpop (xrf2);
	(xrf2) =	vadd.scan.msk.f32 $0xffff, v24;
	_ =	sdelay $0x2  }
0x158: {  	s10 =	smul.f32 $1.562500000e-02, s10  }
0x159: {  	s20 =	smul.f32 $1.562500000e-02, s20  }
0x15a: {  	s3 =	smul.f32 s10, s10;
	(v2sf) =	vpush v50, $0xF  }
0x15b: {  	(v2sf) =	vpush v51, $0xF  }
0x15c: {  	s20 =	ssub.f32 s20, s3;
	_ =	sdelay $0x1  }
0x15d: {  	s20 =	sadd.f32 $9.999999740e-06, s20;
	v52, _, _ =	vpop (xrf2)  }
0x15e: {  	(v2sf) =	vpush v52, $0xF;
	v53, _, _ =	vpop (xrf2)  }
0x15f: {  	v54 =	vmov s20;
	(v2sf) =	vpush v53, $0xF  }
0x160: {  	v55 =	vshrl.u32 v54, $0x1;
	v24 =	vmul.f32 $5.000000000e-01, v54  }
0x161: {  	s20 =	smul.f32 $1.562500000e-02, s29;
	v25 =	vsub.s32 $0x5F3759DF, v55  }
0x162: {  	s12 =	smul.f32 $1.562500000e-02, s12;
	v56 =	vmul.f32 v25, v24  }
0x163: {  	s30 =	smul.f32 s20, s20  }
0x164: {  	v26 =	vmul.f32 v25, v56  }
0x165: {  	s12 =	ssub.f32 s12, s30  }
0x166: {  	v26 =	vsub.f32 $1.500000000e+00, v26  }
0x167: {  	s12 =	sadd.f32 $9.999999740e-06, s12  }
0x168: {  	v25 =	vmul.f32 v25, v26;
	s29 =	spop (v2sf)  }
0x169: {  	v57 =	vmov s12;
	s29 =	smul.f32 $1.562500000e-02, s29;
	s3 =	spop (v2sf)  }
0x16a: {  	v58 =	vshrl.u32 v57, $0x1;
	v26 =	vmul.f32 $5.000000000e-01, v57;
	v24 =	vmul.f32 v25, v24;
	s3 =	smul.f32 $1.562500000e-02, s3  }
0x16b: {  	v37 =	vmov s20;
	v27 =	vsub.s32 $0x5F3759DF, v58;
	s28 =	smul.f32 s29, s29  }
0x16c: {  	v11 =	vsub.f32 v11, v37;
	v59 =	vmul.f32 v27, v26;
	v24 =	vmul.f32 v24, v25  }
0x16d: {  	v12 =	vsub.f32 v12, v37;
	v9 =	vsub.f32 v9, v37;
	s3 =	ssub.f32 s3, s28;
	s12 =	spop (v2sf)  }
0x16e: {  	v63 =	vmov s10;
	v28 =	vmul.f32 v27, v59;
	v24 =	vsub.f32 $1.500000000e+00, v24;
	s12 =	smul.f32 $1.562500000e-02, s12;
	s30 =	spop (v2sf)  }
0x16f: {  	v10 =	vsub.f32 v10, v37;
	v18 =	vsub.f32 v18, v63;
	s28 =	smul.f32 $1.562500000e-02, s30  }
0x170: {  	v17 =	vsub.f32 v17, v63;
	v28 =	vsub.f32 $1.500000000e+00, v28;
	v24 =	vmul.f32 v24, v25;
	s3 =	sadd.f32 $9.999999740e-06, s3;
	s30 =	smul.f32 s12, s12  }
0x171: {  	v15 =	vsub.f32 v15, v63;
	v13 =	vsub.f32 v13, v63  }
0x172: {  	v27 =	vmul.f32 v27, v28;
	v18 =	vmul.f32 v24, v18;
	v60 =	vmov s3;
	s3 =	ssub.f32 s28, s30  }
0x173: {  	v17 =	vmul.f32 v24, v17;
	v61 =	vshrl.u32 v60, $0x1;
	v29 =	vmul.f32 $5.000000000e-01, v60  }
0x174: {  	v26 =	vmul.f32 v27, v26;
	v15 =	vmul.f32 v24, v15;
	v30 =	vsub.s32 $0x5F3759DF, v61;
	s3 =	sadd.f32 $9.999999740e-06, s3  }
0x175: {  	v42 =	vmov s29;
	v13 =	vmul.f32 v24, v13;
	v62 =	vmul.f32 v30, v29  }
0x176: {  	v23 =	vsub.f32 v23, v42;
	v20 =	vsub.f32 v20, v42;
	v33 =	vmov s3  }
0x177: {  	v31 =	vmul.f32 v30, v62;
	v34 =	vshrl.u32 v33, $0x1;
	v28 =	vmul.f32 $5.000000000e-01, v33  }
0x178: {  	v14 =	vsub.f32 v14, v42;
	v26 =	vmul.f32 v26, v27;
	v36 =	vsub.s32 $0x5F3759DF, v34  }
0x179: {  	v18 =	vmul.f32 v18, v0;
	v25 =	vsub.f32 $1.500000000e+00, v31;
	v38 =	vmul.f32 v36, v28  }
0x17a: {  	v17 =	vmul.f32 v17, v1;
	v15 =	vmul.f32 v15, v2;
	v35 =	vsub.f32 $1.500000000e+00, v26  }
0x17b: {  	v8 =	vsub.f32 v8, v42;
	v25 =	vmul.f32 v30, v25;
	v40 =	vmul.f32 v36, v38  }
0x17c: {  	v13 =	vmul.f32 v13, v3;
	v18 =	vadd.f32 v18, v4;
	v24 =	vmul.f32 v35, v27  }
0x17d: {  	v17 =	vadd.f32 v17, v5;
	v29 =	vmul.f32 v25, v29;
	v41 =	vsub.f32 $1.500000000e+00, v40  }
0x17e: {  	v15 =	vadd.f32 v15, v6;
	v11 =	vmul.f32 v24, v11;
	v12 =	vmul.f32 v24, v12  }
0x17f: {  	v13 =	vadd.f32 v13, v7;
	v29 =	vmul.f32 v29, v25;
	v26 =	vmul.f32 v36, v41  }
0x180: {  	v9 =	vmul.f32 v24, v9;
	v10 =	vmul.f32 v24, v10;
	v48 =	vmov s12  }
0x181: {  	v11 =	vmul.f32 v11, v0;
	v39 =	vsub.f32 $1.500000000e+00, v29;
	v43 =	vmul.f32 v26, v28  }
0x182: {  	v12 =	vmul.f32 v12, v1;
	v9 =	vmul.f32 v9, v2;
	v51 =	vsub.f32 v22, v48  }
0x183: {  	[tilespmem:s18+$0xCC40] =	vst v18;
	v53 =	vsub.f32 v21, v48;
	v25 =	vmul.f32 v39, v25;
	v44 =	vmul.f32 v43, v26  }
0x184: {  	[tilespmem:s18+$0xCC50] =	vst v17;
	v10 =	vmul.f32 v10, v3;
	v56 =	vsub.f32 v19, v48;
	v58 =	vsub.f32 v16, v48  }
0x185: {  	[tilespmem:s18+$0xCC60] =	vst v15;
	v11 =	vadd.f32 v11, v4;
	v23 =	vmul.f32 v25, v23;
	v46 =	vsub.f32 $1.500000000e+00, v44  }
0x186: {  	[tilespmem:s18+$0xCC70] =	vst v13;
	v12 =	vadd.f32 v12, v5;
	v20 =	vmul.f32 v25, v20;
	v49 =	vmul.f32 v25, v14  }
0x187: {  	v9 =	vadd.f32 v9, v6;
	[tilespmem:s18+$0xCC80] =	vst v11;
	v23 =	vmul.f32 v23, v0;
	v50 =	vmul.f32 v46, v26  }
0x188: {  	v10 =	vadd.f32 v10, v7;
	[tilespmem:s18+$0xCC90] =	vst v12;
	v8 =	vmul.f32 v25, v8;
	v47 =	vmul.f32 v20, v1  }
0x189: {  	[tilespmem:s18+$0xCCA0] =	vst v9;
	v54 =	vmul.f32 v49, v2;
	v45 =	vadd.f32 v23, v4;
	v55 =	vmul.f32 v50, v51  }
0x18a: {  	[tilespmem:s18+$0xCCB0] =	vst v10;
	v8 =	vmul.f32 v8, v3;
	v52 =	vadd.f32 v47, v5;
	v57 =	vmul.f32 v50, v53  }
0x18b: {  	v9 =	vadd.f32 v54, v6;
	[tilespmem:s18+$0xCCC0] =	vst v45;
	v15 =	vmul.f32 v50, v56;
	v11 =	vmul.f32 v55, v0  }
0x18c: {  	v8 =	vadd.f32 v8, v7;
	[tilespmem:s18+$0xCCD0] =	vst v52;
	v59 =	vmul.f32 v50, v58;
	v10 =	vmul.f32 v57, v1  }
0x18d: {  	p2 =	sne.s32 s15, $0xC000;
	[tilespmem:s18+$0xCCE0] =	vst v9;
	v61 =	vmul.f32 v15, v2;
	v60 =	vadd.f32 v11, v4  }
.Ltmp5:
0x18e: {  	[tilespmem:s18+$0xCCF0] =	vst v8;
	v62 =	vmul.f32 v59, v3;
	v8 =	vadd.f32 v10, v5;
	(pc) =	sbr.rel @p2 .LBB2_8-.Ltmp5, $4  }
0x18f: {  	v63 =	vadd.f32 v61, v6;
	[tilespmem:s18+$0xCD00] =	vst v60  }
0x190: {  	[tilespmem:s18+$0xCD10] =	vst v8;
	v8 =	vadd.f32 v62, v7  }
0x191: {  	[tilespmem:s18+$0xCD20] =	vst v63  }
0x192: {  	s16 =	sadd.s32 $0x8, s16;
	s15 =	sadd.s32 $0x800, s15;
	s17 =	sadd.s32 $0x400, s17;
	[tilespmem:s18+$0xCD30] =	vst v8  }
0x193: {  	s3 =	sadd.s32 s6, s13  }
0x194: {  	s3 =	smul.u32 $0x640, s3;
	_ =	sdelay $0x1  }
0x195: {  	s10 =	smul.u32 @!p0 $0x19, s14;
	s3 =	sadd.s32 s4, s3  }
0x196: {  	[hbm4b:s3+s5] =	stream.linear.scatter [tilespmem:s22], [sflag:$0x5], $0x3200, $0x38;
	[tilespmem:$0x19440] =	vst v63  }
0x197: {  	s12 =	simm.s32 @!p0 $0x1A0;
	s3 =	sadd.s32 @!p0 s8, s10;
	s10 =	simm.s32 @!p0 $0x0  }
0x198: {  	[tilespmem:s12], [sflag:$0x1] =	stream.linear.gather @!p0 [hbm4b:s3+s10], $0xC8, $0x38;
	[tilespmem:$0x19440] =	vst v63  }
0x199: {  	s3 =	simm.s32 @!p0 $0x1  }
0x19a: {  	_ =	swait.ge @!p0 [sflag:s3], $0x68  }
0x19b: {  	[sflag:s3] =	ssyncset.done @!p0 $0x0  }
0x19c: {  	[sflag:s3] =	ssyncadd.s32 @!p0 $0xFFFFFF98  }
0x19d: {  	_ =	swait.ge @!p0 [sflag:s3], $0x68  }
0x19e: {  	[sflag:s3] =	ssyncset.done @!p0 $0x0  }
0x19f: {  	[sflag:s3] =	ssyncadd.s32 @!p0 $0xFFFFFF98  }
0x1a0: {  	_ =	swait.ge @!p0 [sflag:s3], $0xC8  }
0x1a1: {  	[sflag:s3] =	ssyncset.done @!p0 $0x0  }
0x1a2: {  	s12 =	simm.s32 @!p0 $0x340;
	[sflag:s3] =	ssyncadd.s32 @!p0 $0xFFFFFF38;
	s3 =	simm.s32 @!p0 $0x68  }
0x1a3: {  	[tilespmem:s12], [sflag:$0x3] =	stream.indirect.gather @!p0 [hbm4b:s9+s3], $0x80, s10, s3, $0xb8;
	[tilespmem:$0x19440] =	vst v63  }
0x1a4: {  	s12 =	simm.s32 @!p0 $0x3340  }
0x1a5: {  	[tilespmem:s12], [sflag:$0x3] =	stream.indirect.gather @!p0 [hbm4b:s9+s3], $0x80, s3, s3, $0xb8;
	[tilespmem:$0x19440] =	vst v63  }
0x1a6: {  	s14 =	sadd.s32 $0x3, s13;
	_ =	swait.ge [sflag:s23], $0x3400  }
0x1a7: {  	s3 =	sadd.s32 @!p0 s6, s14;
	[sflag:s23] =	ssyncset.done $0x0  }
0x1a8: {  	s3 =	smul.u32 @!p0 $0xC8, s3;
	[sflag:s23] =	ssyncadd.s32 $0xFFFFCC00  }
0x1a9: {  	_ =	swait.ge [sflag:s23], $0x3400  }
0x1aa: {  	s3 =	sshrl.u32 @!p0 s3, $0x3;
	[sflag:s23] =	ssyncset.done $0x0  }
0x1ab: {  	s12 =	simm.s32 @!p0 $0xD0;
	s3 =	sadd.s32 @!p0 s7, s3;
	[sflag:s23] =	ssyncadd.s32 $0xFFFFCC00  }
0x1ac: {  	[tilespmem:s12], [sflag:$0x2] =	stream.linear.gather @!p0 [hbm4b:s3+s10], $0x68, $0x38;
	[tilespmem:$0x19440] =	vst v63  }
0x1ad: {  	s3 =	sadd.s32 @!p0 $0xC, s3;
	s12 =	simm.s32 @!p0 $0x138  }
0x1ae: {  	[tilespmem:s12], [sflag:$0x2] =	stream.linear.gather @!p0 [hbm4b:s3+s10], $0x68, $0x38;
	[tilespmem:$0x19440] =	vst v63  }
0x1af: {  	s3 =	simm.s32 @!p1 $0x6  }
0x1b0: {  	_ =	swait.ge @!p1 [sflag:s3], $0x3200  }
0x1b1: {  	s13 =	sor.u32 $0x1, s13;
	s15 =	simm.s32 $0x0;
	[sflag:s3] =	ssyncset.done @!p1 $0x0  }
0x1b2: {  	s16 =	simm.s32 $0x270;
	s17 =	simm.s32 $0x6940;
	[sflag:s3] =	ssyncadd.s32 @!p1 $0xFFFFCE00  }
.LBB2_10:
0x1b3: {  	v8 =	vld [tilespmem:s16+$0x0];
	_ =	sdelay $0x4  }
0x1b4: {  	v8 =	vmul.u32 $0xC800, v8;
	_ =	sdelay $0x1  }
0x1b5: {  	s18 =	sshra.s32 s15, $0x2;
	v8 =	vshra.s32 v8, $0x2  }
0x1b6: {  	v8 =	vadd.s32 s18, v8  }
0x1b7: {  	v8 =	vadd.s32 $0x12F40, v8  }
0x1b8: {  	(v2sf) =	vpush v8, $0x1  }
0x1b9: {  	(v2sf) =	vpush v8, $0x0;
	_ =	sdelay $0x8  }
0x1ba: {  	v9 =	vld [tilespmem:s17+$0xFFFFFE00]  }
0x1bb: {  	v11 =	vld [tilespmem:s17+$0xFFFFFE10]  }
0x1bc: {  	v13 =	vld [tilespmem:s17+$0xFFFFFE20]  }
0x1bd: {  	v15 =	vld [tilespmem:s17+$0xFFFFFE30]  }
0x1be: {  	v17 =	vld [tilespmem:s17+$0xFFFFFE80]  }
0x1bf: {  	v21 =	vld [tilespmem:s17+$0xFFFFFE90];
	s3 =	spop (v2sf)  }
0x1c0: {  	v33 =	vld [tilespmem:s17+$0xFFFFFEB0];
	s10 =	spop (v2sf)  }
0x1c1: {  	v10 =	vld [tilespmem:s10+$0x0]  }
0x1c2: {  	v12 =	vld [tilespmem:s10+$0x10]  }
0x1c3: {  	v14 =	vld [tilespmem:s10+$0x20]  }
0x1c4: {  	v16 =	vld [tilespmem:s10+$0x30]  }
0x1c5: {  	v19 =	vld [tilespmem:s3+$0x40]  }
0x1c6: {  	v34 =	vld [tilespmem:s3+$0x70]  }
0x1c7: {  	v24 =	vld [tilespmem:s17+$0xFFFFFEA0]  }
0x1c8: {  	v22 =	vld [tilespmem:s3+$0x50];
	v23 =	vadd.f32 v10, v9;
	v20 =	vadd.f32 v12, v11  }
0x1c9: {  	v32 =	vld [tilespmem:s3+$0x60];
	v18 =	vadd.f32 v14, v13;
	v16 =	vadd.f32 v16, v15  }
0x1ca: {  	v12 =	vadd.f32 v19, v17;
	v10 =	vmul.f32 v23, v23;
	v11 =	vmul.f32 v20, v20  }
0x1cb: {  	v9 =	vadd.f32 v34, v33;
	v35 =	vmul.f32 v18, v18;
	v15 =	vmul.f32 v16, v16  }
0x1cc: {  	v25 =	vadd.f32 v20, v23;
	v26 =	vadd.f32 v16, v18  }
0x1cd: {  	v27 =	vadd.f32 v11, v10;
	v15 =	vadd.f32 v15, v35  }
0x1ce: {  	v11 =	vadd.f32 v22, v21;
	v10 =	vadd.f32 v32, v24  }
0x1cf: {  	v37 =	vmul.f32 v12, v12;
	v40 =	vmul.f32 v9, v9;
	v36 =	vadd.f32 v26, v25  }
0x1d0: {  	v38 =	vmul.f32 v11, v11;
	v15 =	vadd.f32 v15, v27;
	v39 =	vmul.f32 v10, v10  }
0x1d1: {  	v22 =	vadd.f32 v11, v12;
	v24 =	vadd.f32 v9, v10  }
0x1d2: {  	v14 =	vadd.f32 v38, v37;
	v41 =	vadd.f32 v40, v39  }
0x1d3: {  	(xrf2) =	vadd.scan.msk.f32 $0xffff, v36;
	v42 =	vadd.f32 v24, v22  }
0x1d4: {  	(xrf2) =	vadd.scan.msk.f32 $0xffff, v15;
	v14 =	vadd.f32 v41, v14  }
0x1d5: {  	(xrf2) =	vadd.scan.msk.f32 $0xffff, v42  }
0x1d6: {  	(xrf2) =	vadd.scan.msk.f32 $0xffff, v14;
	_ =	sdelay $0x6  }
0x1d7: {  	v43, _, _ =	vpop (xrf2)  }
0x1d8: {  	(v2sf) =	vpush v43, $0xF;
	v44, _, _ =	vpop (xrf2)  }
0x1d9: {  	(v2sf) =	vpush v44, $0xF;
	v45, _, _ =	vpop (xrf2)  }
0x1da: {  	(v2sf) =	vpush v45, $0xF;
	v46, _, _ =	vpop (xrf2)  }
0x1db: {  	(v2sf) =	vpush v46, $0xF  }
0x1dc: {  	(v2sf) =	vpush v8, $0x3  }
0x1dd: {  	(v2sf) =	vpush v8, $0x2;
	_ =	sdelay $0x9  }
0x1de: {  	s30 =	spop (v2sf)  }
0x1df: {  	s20 =	spop (v2sf)  }
0x1e0: {  	v47 =	vld [tilespmem:s17+$0xFFFFFF00];
	s10 =	spop (v2sf)  }
0x1e1: {  	v49 =	vld [tilespmem:s17+$0xFFFFFF10];
	s12 =	spop (v2sf)  }
0x1e2: {  	v51 =	vld [tilespmem:s17+$0xFFFFFF20];
	s28 =	spop (v2sf)  }
0x1e3: {  	v53 =	vld [tilespmem:s17+$0xFFFFFF30];
	s29 =	spop (v2sf)  }
0x1e4: {  	v48 =	vld [tilespmem:s29+$0x80]  }
0x1e5: {  	v50 =	vld [tilespmem:s29+$0x90]  }
0x1e6: {  	v52 =	vld [tilespmem:s29+$0xA0]  }
0x1e7: {  	v54 =	vld [tilespmem:s29+$0xB0]  }
0x1e8: {  	v55 =	vld [tilespmem:s17+$0xFFFFFF80]  }
0x1e9: {  	v56 =	vld [tilespmem:s17+$0xFFFFFF90]  }
0x1ea: {  	v60 =	vld [tilespmem:s17+$0xFFFFFFA0];
	v24 =	vadd.f32 v48, v47  }
0x1eb: {  	v33 =	vld [tilespmem:s17+$0xFFFFFFB0];
	v21 =	vadd.f32 v50, v49;
	v14 =	vadd.f32 v52, v51  }
0x1ec: {  	v28 =	vld [tilespmem:s28+$0xC0];
	v13 =	vadd.f32 v54, v53;
	v58 =	vmul.f32 v24, v24  }
0x1ed: {  	v57 =	vld [tilespmem:s28+$0xD0];
	v59 =	vmul.f32 v21, v21;
	v61 =	vmul.f32 v14, v14  }
0x1ee: {  	v30 =	vld [tilespmem:s28+$0xE0];
	v29 =	vmul.f32 v13, v13;
	v31 =	vadd.f32 v21, v24;
	v32 =	vadd.f32 v13, v14  }
0x1ef: {  	v63 =	vld [tilespmem:s28+$0xF0];
	v19 =	vadd.f32 v59, v58  }
0x1f0: {  	v62 =	vadd.f32 v29, v61;
	v32 =	vadd.f32 v32, v31;
	_ =	sdelay $0x1  }
0x1f1: {  	v19 =	vadd.f32 v62, v19;
	(xrf2) =	vadd.scan.msk.f32 $0xffff, v32  }
0x1f2: {  	v22 =	vadd.f32 v28, v55;
	v17 =	vadd.f32 v30, v60  }
0x1f3: {  	v15 =	vadd.f32 v63, v33;
	(xrf2) =	vadd.scan.msk.f32 $0xffff, v19;
	v19 =	vadd.f32 v57, v56  }
0x1f4: {  	v33 =	vmul.f32 v22, v22;
	v35 =	vmul.f32 v17, v17  }
0x1f5: {  	v36 =	vmul.f32 v15, v15;
	v34 =	vmul.f32 v19, v19  }
0x1f6: {  	v30 =	vadd.f32 v15, v17;
	v37 =	vadd.f32 v19, v22  }
0x1f7: {  	v38 =	vadd.f32 v36, v35;
	v25 =	vadd.f32 v34, v33  }
0x1f8: {  	v39 =	vadd.f32 v30, v37  }
0x1f9: {  	v25 =	vadd.f32 v38, v25  }
0x1fa: {  	(xrf2) =	vadd.scan.msk.f32 $0xffff, v39  }
0x1fb: {  	v40, _, _ =	vpop (xrf2);
	(xrf2) =	vadd.scan.msk.f32 $0xffff, v25;
	_ =	sdelay $0x1  }
0x1fc: {  	s3 =	smul.f32 $1.562500000e-02, s30  }
0x1fd: {  	s20 =	smul.f32 $1.562500000e-02, s20;
	(v2sf) =	vpush v40, $0xF;
	v41, _, _ =	vpop (xrf2)  }
0x1fe: {  	s30 =	smul.f32 s3, s3;
	(v2sf) =	vpush v41, $0xF;
	_ =	sdelay $0x1  }
0x1ff: {  	s20 =	ssub.f32 s20, s30;
	_ =	sdelay $0x1  }
0x200: {  	s20 =	sadd.f32 $9.999999740e-06, s20  }
0x201: {  	v27, _, _ =	vpop (xrf2)  }
0x202: {  	s10 =	smul.f32 $1.562500000e-02, s10;
	v42 =	vmov s20;
	(v2sf) =	vpush v27, $0xF;
	v44, _, _ =	vpop (xrf2)  }
0x203: {  	s12 =	smul.f32 $1.562500000e-02, s12;
	v43 =	vshrl.u32 v42, $0x1;
	v25 =	vmul.f32 $5.000000000e-01, v42;
	(v2sf) =	vpush v44, $0xF  }
0x204: {  	s29 =	smul.f32 s10, s10;
	v26 =	vsub.s32 $0x5F3759DF, v43  }
0x205: {  	v45 =	vmul.f32 v26, v25  }
0x206: {  	s12 =	ssub.f32 s12, s29  }
0x207: {  	v46 =	vmul.f32 v26, v45  }
0x208: {  	s12 =	sadd.f32 $9.999999740e-06, s12  }
0x209: {  	v27 =	vsub.f32 $1.500000000e+00, v46  }
0x20a: {  	v47 =	vmov s12;
	s30 =	spop (v2sf)  }
0x20b: {  	v48 =	vshrl.u32 v47, $0x1;
	v26 =	vmul.f32 v26, v27;
	v27 =	vmul.f32 $5.000000000e-01, v47;
	s29 =	smul.f32 $1.562500000e-02, s30;
	s28 =	spop (v2sf)  }
0x20c: {  	v28 =	vsub.s32 $0x5F3759DF, v48;
	s12 =	smul.f32 $1.562500000e-02, s28  }
0x20d: {  	v49 =	vmul.f32 v28, v27;
	s20 =	smul.f32 s29, s29;
	_ =	sdelay $0x1  }
0x20e: {  	v50 =	vmov s3;
	v29 =	vmul.f32 v28, v49;
	s12 =	ssub.f32 s12, s20  }
0x20f: {  	v23 =	vsub.f32 v23, v50;
	v25 =	vmul.f32 v26, v25  }
0x210: {  	v20 =	vsub.f32 v20, v50;
	v29 =	vsub.f32 $1.500000000e+00, v29;
	s12 =	sadd.f32 $9.999999740e-06, s12;
	s30 =	spop (v2sf)  }
0x211: {  	v18 =	vsub.f32 v18, v50;
	v16 =	vsub.f32 v16, v50;
	v25 =	vmul.f32 v25, v26;
	s30 =	smul.f32 $1.562500000e-02, s30;
	s28 =	spop (v2sf)  }
0x212: {  	v58 =	vmov s10;
	v28 =	vmul.f32 v28, v29;
	v51 =	vmov s12;
	s3 =	smul.f32 $1.562500000e-02, s28  }
0x213: {  	v25 =	vsub.f32 $1.500000000e+00, v25;
	v52 =	vshrl.u32 v51, $0x1;
	v29 =	vmul.f32 $5.000000000e-01, v51;
	s20 =	smul.f32 s30, s30  }
0x214: {  	v12 =	vsub.f32 v12, v58;
	v27 =	vmul.f32 v28, v27;
	v30 =	vsub.s32 $0x5F3759DF, v52  }
0x215: {  	v11 =	vsub.f32 v11, v58;
	v25 =	vmul.f32 v25, v26;
	v53 =	vmul.f32 v30, v29;
	s3 =	ssub.f32 s3, s20  }
0x216: {  	v10 =	vsub.f32 v10, v58;
	v9 =	vsub.f32 v9, v58;
	v54 =	vmul.f32 v27, v28  }
0x217: {  	v62 =	vmov s29;
	v23 =	vmul.f32 v25, v23;
	v55 =	vmul.f32 v30, v53;
	s3 =	sadd.f32 $9.999999740e-06, s3  }
0x218: {  	v20 =	vmul.f32 v25, v20;
	v18 =	vmul.f32 v25, v18;
	v56 =	vsub.f32 $1.500000000e+00, v54  }
0x219: {  	v16 =	vmul.f32 v25, v16;
	v57 =	vsub.f32 $1.500000000e+00, v55;
	v59 =	vmov s3  }
0x21a: {  	v25 =	vmul.f32 v56, v28;
	v60 =	vshrl.u32 v59, $0x1;
	v28 =	vmul.f32 $5.000000000e-01, v59  }
0x21b: {  	v24 =	vsub.f32 v24, v62;
	v26 =	vmul.f32 v30, v57;
	v30 =	vsub.s32 $0x5F3759DF, v60  }
0x21c: {  	v21 =	vsub.f32 v21, v62;
	v14 =	vsub.f32 v14, v62;
	v61 =	vmul.f32 v30, v28  }
0x21d: {  	v13 =	vsub.f32 v13, v62;
	v23 =	vmul.f32 v23, v0;
	v20 =	vmul.f32 v20, v1  }
0x21e: {  	v18 =	vmul.f32 v18, v2;
	(v2sf) =	vpush v8, $0x5;
	v31 =	vmul.f32 v30, v61  }
0x21f: {  	v16 =	vmul.f32 v16, v3;
	v23 =	vadd.f32 v23, v4;
	v20 =	vadd.f32 v20, v5  }
0x220: {  	v18 =	vadd.f32 v18, v6;
	v29 =	vmul.f32 v26, v29;
	v31 =	vsub.f32 $1.500000000e+00, v31  }
0x221: {  	v16 =	vadd.f32 v16, v7;
	(v2sf) =	vpush v8, $0x4;
	v12 =	vmul.f32 v25, v12  }
0x222: {  	v36 =	vmov s30;
	v29 =	vmul.f32 v29, v26;
	v63 =	vmul.f32 v30, v31  }
0x223: {  	v39 =	vsub.f32 v22, v36;
	v11 =	vmul.f32 v25, v11;
	v10 =	vmul.f32 v25, v10  }
0x224: {  	v9 =	vmul.f32 v25, v9;
	v29 =	vsub.f32 $1.500000000e+00, v29;
	v28 =	vmul.f32 v63, v28  }
0x225: {  	v41 =	vsub.f32 v19, v36;
	v12 =	vmul.f32 v12, v0;
	v11 =	vmul.f32 v11, v1  }
0x226: {  	[tilespmem:s18+$0xFD40] =	vst v23;
	v17 =	vsub.f32 v17, v36;
	v26 =	vmul.f32 v29, v26;
	v32 =	vmul.f32 v28, v63  }
0x227: {  	[tilespmem:s18+$0xFD50] =	vst v20;
	v15 =	vsub.f32 v15, v36;
	v10 =	vmul.f32 v10, v2;
	v9 =	vmul.f32 v9, v3  }
0x228: {  	[tilespmem:s18+$0xFD60] =	vst v18;
	v12 =	vadd.f32 v12, v4;
	v24 =	vmul.f32 v26, v24;
	v34 =	vsub.f32 $1.500000000e+00, v32  }
0x229: {  	[tilespmem:s18+$0xFD70] =	vst v16;
	v11 =	vadd.f32 v11, v5;
	v21 =	vmul.f32 v26, v21;
	v37 =	vmul.f32 v26, v14  }
0x22a: {  	v10 =	vadd.f32 v10, v6;
	[tilespmem:s18+$0xFD80] =	vst v12;
	v24 =	vmul.f32 v24, v0;
	v38 =	vmul.f32 v34, v63  }
0x22b: {  	v9 =	vadd.f32 v9, v7;
	[tilespmem:s18+$0xFD90] =	vst v11;
	v13 =	vmul.f32 v26, v13;
	v35 =	vmul.f32 v21, v1  }
0x22c: {  	[tilespmem:s18+$0xFDA0] =	vst v10;
	v42 =	vmul.f32 v37, v2;
	v33 =	vadd.f32 v24, v4;
	v43 =	vmul.f32 v38, v39  }
0x22d: {  	[tilespmem:s18+$0xFDB0] =	vst v9;
	v44 =	vmul.f32 v13, v3;
	v40 =	vadd.f32 v35, v5;
	v45 =	vmul.f32 v38, v41  }
0x22e: {  	v10 =	vadd.f32 v42, v6;
	[tilespmem:s18+$0xFDC0] =	vst v33;
	v46 =	vmul.f32 v38, v17;
	v12 =	vmul.f32 v43, v0  }
0x22f: {  	v9 =	vadd.f32 v44, v7;
	[tilespmem:s18+$0xFDD0] =	vst v40;
	v48 =	vmul.f32 v38, v15;
	v47 =	vmul.f32 v45, v1  }
0x230: {  	[tilespmem:s18+$0xFDE0] =	vst v10;
	v50 =	vmul.f32 v46, v2;
	v49 =	vadd.f32 v12, v4  }
0x231: {  	[tilespmem:s18+$0xFDF0] =	vst v9;
	v52 =	vmul.f32 v48, v3;
	v51 =	vadd.f32 v47, v5  }
0x232: {  	v53 =	vadd.f32 v50, v6;
	[tilespmem:s18+$0xFE00] =	vst v49  }
0x233: {  	v54 =	vadd.f32 v52, v7;
	[tilespmem:s18+$0xFE10] =	vst v51  }
0x234: {  	[tilespmem:s18+$0xFE20] =	vst v53  }
0x235: {  	s28 =	spop (v2sf);
	[tilespmem:s18+$0xFE30] =	vst v54  }
0x236: {  	s29 =	spop (v2sf);
	v9 =	vld [tilespmem:s17+$0x0]  }
0x237: {  	v10 =	vld [tilespmem:s29+$0x100]  }
0x238: {  	v55 =	vld [tilespmem:s17+$0x10]  }
0x239: {  	v56 =	vld [tilespmem:s29+$0x110]  }
0x23a: {  	v57 =	vld [tilespmem:s17+$0x20]  }
0x23b: {  	v58 =	vld [tilespmem:s29+$0x120]  }
0x23c: {  	v59 =	vld [tilespmem:s17+$0x30]  }
0x23d: {  	v60 =	vld [tilespmem:s29+$0x130]  }
0x23e: {  	v20 =	vld [tilespmem:s17+$0x80]  }
0x23f: {  	v61 =	vld [tilespmem:s28+$0x140]  }
0x240: {  	v30 =	vld [tilespmem:s17+$0xA0]  }
0x241: {  	v31 =	vld [tilespmem:s28+$0x160]  }
0x242: {  	v32 =	vld [tilespmem:s17+$0xB0]  }
0x243: {  	v34 =	vld [tilespmem:s28+$0x170]  }
0x244: {  	v62 =	vld [tilespmem:s17+$0x90]  }
0x245: {  	v63 =	vld [tilespmem:s28+$0x150];
	v18 =	vadd.f32 v10, v9;
	v17 =	vadd.f32 v56, v55  }
0x246: {  	v15 =	vadd.f32 v58, v57;
	v13 =	vadd.f32 v60, v59  }
0x247: {  	v11 =	vadd.f32 v61, v20;
	v9 =	vadd.f32 v31, v30;
	v33 =	vmul.f32 v18, v18  }
0x248: {  	v10 =	vadd.f32 v34, v32;
	v12 =	vmul.f32 v17, v17;
	v35 =	vmul.f32 v15, v15  }
0x249: {  	v19 =	vmul.f32 v13, v13;
	v36 =	vadd.f32 v17, v18;
	v37 =	vadd.f32 v13, v15  }
0x24a: {  	v40 =	vmul.f32 v11, v11;
	v38 =	vadd.f32 v12, v33;
	v12 =	vadd.f32 v63, v62  }
0x24b: {  	v42 =	vmul.f32 v9, v9;
	v43 =	vmul.f32 v10, v10;
	v24 =	vadd.f32 v10, v9  }
0x24c: {  	v16 =	vadd.f32 v19, v35;
	v39 =	vadd.f32 v37, v36;
	v41 =	vmul.f32 v12, v12  }
0x24d: {  	v44 =	vadd.f32 v43, v42;
	v23 =	vadd.f32 v12, v11  }
0x24e: {  	v16 =	vadd.f32 v16, v38;
	v19 =	vadd.f32 v41, v40  }
0x24f: {  	(xrf2) =	vadd.scan.msk.f32 $0xffff, v39;
	v45 =	vadd.f32 v24, v23  }
0x250: {  	(xrf2) =	vadd.scan.msk.f32 $0xffff, v16;
	v46 =	vadd.f32 v44, v19  }
0x251: {  	(xrf2) =	vadd.scan.msk.f32 $0xffff, v45  }
0x252: {  	(xrf2) =	vadd.scan.msk.f32 $0xffff, v46;
	_ =	sdelay $0x6  }
0x253: {  	v47, _, _ =	vpop (xrf2)  }
0x254: {  	(v2sf) =	vpush v47, $0xF;
	v48, _, _ =	vpop (xrf2)  }
0x255: {  	(v2sf) =	vpush v48, $0xF;
	v49, _, _ =	vpop (xrf2)  }
0x256: {  	(v2sf) =	vpush v49, $0xF;
	v50, _, _ =	vpop (xrf2)  }
0x257: {  	(v2sf) =	vpush v50, $0xF  }
0x258: {  	(v2sf) =	vpush v8, $0x7  }
0x259: {  	(v2sf) =	vpush v8, $0x6;
	_ =	sdelay $0x9  }
0x25a: {  	s3 =	spop (v2sf)  }
0x25b: {  	s10 =	spop (v2sf)  }
0x25c: {  	v52 =	vld [tilespmem:s17+$0x110];
	s29 =	spop (v2sf)  }
0x25d: {  	v54 =	vld [tilespmem:s17+$0x120];
	s12 =	spop (v2sf)  }
0x25e: {  	v56 =	vld [tilespmem:s17+$0x130];
	s20 =	spop (v2sf)  }
0x25f: {  	v8 =	vld [tilespmem:s17+$0x100];
	s30 =	spop (v2sf)  }
0x260: {  	v51 =	vld [tilespmem:s30+$0x180]  }
0x261: {  	v53 =	vld [tilespmem:s30+$0x190]  }
0x262: {  	v55 =	vld [tilespmem:s30+$0x1A0]  }
0x263: {  	v57 =	vld [tilespmem:s30+$0x1B0];
	_ =	sdelay $0x2  }
0x264: {  	v58 =	vld [tilespmem:s17+$0x180]  }
0x265: {  	v60 =	vld [tilespmem:s17+$0x190];
	v23 =	vadd.f32 v51, v8;
	v20 =	vadd.f32 v53, v52  }
0x266: {  	v35 =	vld [tilespmem:s17+$0x1A0];
	v14 =	vadd.f32 v55, v54;
	v8 =	vadd.f32 v57, v56  }
0x267: {  	v40 =	vld [tilespmem:s17+$0x1B0];
	v61 =	vmul.f32 v23, v23;
	v62 =	vmul.f32 v20, v20  }
0x268: {  	v59 =	vld [tilespmem:s20+$0x1C0];
	v33 =	vmul.f32 v14, v14;
	v34 =	vmul.f32 v8, v8  }
0x269: {  	v63 =	vld [tilespmem:s20+$0x1D0];
	v36 =	vadd.f32 v20, v23;
	v37 =	vadd.f32 v8, v14  }
0x26a: {  	v38 =	vld [tilespmem:s20+$0x1E0];
	v21 =	vadd.f32 v62, v61;
	v39 =	vadd.f32 v34, v33  }
0x26b: {  	v42 =	vld [tilespmem:s20+$0x1F0];
	v41 =	vadd.f32 v37, v36  }
0x26c: {  	v21 =	vadd.f32 v39, v21  }
0x26d: {  	(xrf2) =	vadd.scan.msk.f32 $0xffff, v41  }
0x26e: {  	(xrf2) =	vadd.scan.msk.f32 $0xffff, v21  }
0x26f: {  	v22 =	vadd.f32 v59, v58;
	v19 =	vadd.f32 v38, v35  }
0x270: {  	v16 =	vadd.f32 v42, v40;
	v21 =	vadd.f32 v63, v60  }
0x271: {  	v43 =	vmul.f32 v22, v22;
	v45 =	vmul.f32 v19, v19  }
0x272: {  	v46 =	vmul.f32 v16, v16;
	v44 =	vmul.f32 v21, v21  }
0x273: {  	v29 =	vadd.f32 v16, v19;
	v47 =	vadd.f32 v21, v22  }
0x274: {  	v48 =	vadd.f32 v46, v45;
	v24 =	vadd.f32 v44, v43  }
0x275: {  	v49 =	vadd.f32 v29, v47  }
0x276: {  	v24 =	vadd.f32 v48, v24  }
0x277: {  	v50, _, _ =	vpop (xrf2);
	(xrf2) =	vadd.scan.msk.f32 $0xffff, v49  }
0x278: {  	v51, _, _ =	vpop (xrf2);
	(xrf2) =	vadd.scan.msk.f32 $0xffff, v24;
	_ =	sdelay $0x2  }
0x279: {  	s3 =	smul.f32 $1.562500000e-02, s3;
	(v2sf) =	vpush v50, $0xF  }
0x27a: {  	s10 =	smul.f32 $1.562500000e-02, s10;
	(v2sf) =	vpush v51, $0xF  }
0x27b: {  	s28 =	smul.f32 s3, s3;
	_ =	sdelay $0x1  }
0x27c: {  	s10 =	ssub.f32 s10, s28;
	_ =	sdelay $0x1  }
0x27d: {  	s10 =	sadd.f32 $9.999999740e-06, s10;
	v52, _, _ =	vpop (xrf2)  }
0x27e: {  	(v2sf) =	vpush v52, $0xF;
	v53, _, _ =	vpop (xrf2)  }
0x27f: {  	v54 =	vmov s10;
	(v2sf) =	vpush v53, $0xF  }
0x280: {  	s10 =	smul.f32 $1.562500000e-02, s29;
	v55 =	vshrl.u32 v54, $0x1;
	v24 =	vmul.f32 $5.000000000e-01, v54  }
0x281: {  	s12 =	smul.f32 $1.562500000e-02, s12;
	v25 =	vsub.s32 $0x5F3759DF, v55  }
0x282: {  	s28 =	smul.f32 s10, s10;
	v56 =	vmul.f32 v25, v24;
	_ =	sdelay $0x1  }
0x283: {  	s12 =	ssub.f32 s12, s28;
	v26 =	vmul.f32 v25, v56;
	_ =	sdelay $0x1  }
0x284: {  	s12 =	sadd.f32 $9.999999740e-06, s12;
	v26 =	vsub.f32 $1.500000000e+00, v26;
	s29 =	spop (v2sf)  }
0x285: {  	s29 =	smul.f32 $1.562500000e-02, s29;
	s30 =	spop (v2sf)  }
0x286: {  	v25 =	vmul.f32 v25, v26;
	s20 =	smul.f32 $1.562500000e-02, s30  }
0x287: {  	v57 =	vmov s12;
	s30 =	smul.f32 s29, s29  }
0x288: {  	v58 =	vshrl.u32 v57, $0x1;
	v26 =	vmul.f32 $5.000000000e-01, v57;
	v24 =	vmul.f32 v25, v24  }
0x289: {  	v37 =	vmov s10;
	v27 =	vsub.s32 $0x5F3759DF, v58;
	s20 =	ssub.f32 s20, s30  }
0x28a: {  	v11 =	vsub.f32 v11, v37;
	v59 =	vmul.f32 v27, v26;
	v24 =	vmul.f32 v24, v25  }
0x28b: {  	v12 =	vsub.f32 v12, v37;
	v9 =	vsub.f32 v9, v37;
	s30 =	sadd.f32 $9.999999740e-06, s20;
	s20 =	spop (v2sf)  }
0x28c: {  	v63 =	vmov s3;
	v28 =	vmul.f32 v27, v59;
	v24 =	vsub.f32 $1.500000000e+00, v24;
	s12 =	smul.f32 $1.562500000e-02, s20;
	s28 =	spop (v2sf)  }
0x28d: {  	v10 =	vsub.f32 v10, v37;
	v18 =	vsub.f32 v18, v63;
	s20 =	smul.f32 $1.562500000e-02, s28  }
0x28e: {  	v28 =	vsub.f32 $1.500000000e+00, v28;
	v24 =	vmul.f32 v24, v25;
	v60 =	vmov s30;
	s30 =	smul.f32 s12, s12  }
0x28f: {  	v17 =	vsub.f32 v17, v63;
	v15 =	vsub.f32 v15, v63  }
0x290: {  	v13 =	vsub.f32 v13, v63;
	v27 =	vmul.f32 v27, v28;
	v18 =	vmul.f32 v24, v18;
	s3 =	ssub.f32 s20, s30  }
0x291: {  	v17 =	vmul.f32 v24, v17;
	v61 =	vshrl.u32 v60, $0x1;
	v29 =	vmul.f32 $5.000000000e-01, v60  }
0x292: {  	v26 =	vmul.f32 v27, v26;
	v15 =	vmul.f32 v24, v15;
	v30 =	vsub.s32 $0x5F3759DF, v61;
	s3 =	sadd.f32 $9.999999740e-06, s3  }
0x293: {  	v42 =	vmov s29;
	v13 =	vmul.f32 v24, v13;
	v62 =	vmul.f32 v30, v29  }
0x294: {  	v23 =	vsub.f32 v23, v42;
	v20 =	vsub.f32 v20, v42;
	v33 =	vmov s3  }
0x295: {  	v31 =	vmul.f32 v30, v62;
	v34 =	vshrl.u32 v33, $0x1;
	v28 =	vmul.f32 $5.000000000e-01, v33  }
0x296: {  	v14 =	vsub.f32 v14, v42;
	v26 =	vmul.f32 v26, v27;
	v36 =	vsub.s32 $0x5F3759DF, v34  }
0x297: {  	v18 =	vmul.f32 v18, v0;
	v25 =	vsub.f32 $1.500000000e+00, v31;
	v38 =	vmul.f32 v36, v28  }
0x298: {  	v17 =	vmul.f32 v17, v1;
	v15 =	vmul.f32 v15, v2;
	v35 =	vsub.f32 $1.500000000e+00, v26  }
0x299: {  	v8 =	vsub.f32 v8, v42;
	v25 =	vmul.f32 v30, v25;
	v40 =	vmul.f32 v36, v38  }
0x29a: {  	v13 =	vmul.f32 v13, v3;
	v18 =	vadd.f32 v18, v4;
	v24 =	vmul.f32 v35, v27  }
0x29b: {  	v17 =	vadd.f32 v17, v5;
	v29 =	vmul.f32 v25, v29;
	v41 =	vsub.f32 $1.500000000e+00, v40  }
0x29c: {  	v15 =	vadd.f32 v15, v6;
	v11 =	vmul.f32 v24, v11;
	v12 =	vmul.f32 v24, v12  }
0x29d: {  	v13 =	vadd.f32 v13, v7;
	v29 =	vmul.f32 v29, v25;
	v26 =	vmul.f32 v36, v41  }
0x29e: {  	v9 =	vmul.f32 v24, v9;
	v10 =	vmul.f32 v24, v10;
	v48 =	vmov s12  }
0x29f: {  	v11 =	vmul.f32 v11, v0;
	v39 =	vsub.f32 $1.500000000e+00, v29;
	v43 =	vmul.f32 v26, v28  }
0x2a0: {  	v12 =	vmul.f32 v12, v1;
	v9 =	vmul.f32 v9, v2;
	v51 =	vsub.f32 v22, v48  }
0x2a1: {  	[tilespmem:s18+$0xFE40] =	vst v18;
	v53 =	vsub.f32 v21, v48;
	v25 =	vmul.f32 v39, v25;
	v44 =	vmul.f32 v43, v26  }
0x2a2: {  	[tilespmem:s18+$0xFE50] =	vst v17;
	v10 =	vmul.f32 v10, v3;
	v56 =	vsub.f32 v19, v48;
	v58 =	vsub.f32 v16, v48  }
0x2a3: {  	[tilespmem:s18+$0xFE60] =	vst v15;
	v11 =	vadd.f32 v11, v4;
	v23 =	vmul.f32 v25, v23;
	v46 =	vsub.f32 $1.500000000e+00, v44  }
0x2a4: {  	[tilespmem:s18+$0xFE70] =	vst v13;
	v12 =	vadd.f32 v12, v5;
	v20 =	vmul.f32 v25, v20;
	v49 =	vmul.f32 v25, v14  }
0x2a5: {  	v9 =	vadd.f32 v9, v6;
	[tilespmem:s18+$0xFE80] =	vst v11;
	v23 =	vmul.f32 v23, v0;
	v50 =	vmul.f32 v46, v26  }
0x2a6: {  	v10 =	vadd.f32 v10, v7;
	[tilespmem:s18+$0xFE90] =	vst v12;
	v8 =	vmul.f32 v25, v8;
	v47 =	vmul.f32 v20, v1  }
0x2a7: {  	[tilespmem:s18+$0xFEA0] =	vst v9;
	v54 =	vmul.f32 v49, v2;
	v45 =	vadd.f32 v23, v4;
	v55 =	vmul.f32 v50, v51  }
0x2a8: {  	[tilespmem:s18+$0xFEB0] =	vst v10;
	v8 =	vmul.f32 v8, v3;
	v52 =	vadd.f32 v47, v5;
	v57 =	vmul.f32 v50, v53  }
0x2a9: {  	v9 =	vadd.f32 v54, v6;
	[tilespmem:s18+$0xFEC0] =	vst v45;
	v15 =	vmul.f32 v50, v56;
	v11 =	vmul.f32 v55, v0  }
0x2aa: {  	v8 =	vadd.f32 v8, v7;
	[tilespmem:s18+$0xFED0] =	vst v52;
	v59 =	vmul.f32 v50, v58;
	v10 =	vmul.f32 v57, v1  }
0x2ab: {  	p1 =	sne.s32 s15, $0xC000;
	[tilespmem:s18+$0xFEE0] =	vst v9;
	v61 =	vmul.f32 v15, v2;
	v60 =	vadd.f32 v11, v4  }
.Ltmp6:
0x2ac: {  	[tilespmem:s18+$0xFEF0] =	vst v8;
	v62 =	vmul.f32 v59, v3;
	v8 =	vadd.f32 v10, v5;
	(pc) =	sbr.rel @p1 .LBB2_10-.Ltmp6, $4  }
0x2ad: {  	v63 =	vadd.f32 v61, v6;
	[tilespmem:s18+$0xFF00] =	vst v60  }
0x2ae: {  	[tilespmem:s18+$0xFF10] =	vst v8;
	v8 =	vadd.f32 v62, v7  }
0x2af: {  	[tilespmem:s18+$0xFF20] =	vst v63  }
0x2b0: {  	s16 =	sadd.s32 $0x8, s16;
	s15 =	sadd.s32 $0x800, s15;
	s17 =	sadd.s32 $0x400, s17;
	[tilespmem:s18+$0xFF30] =	vst v8  }
.Ltmp7:
0x2b1: {  	s3 =	sadd.s32 s6, s13;
	(pc) =	sbr.rel @p0 .LBB2_13-.Ltmp7, $3  }
0x2b2: {  	s3 =	smul.u32 $0x640, s3;
	_ =	sdelay $0x1  }
0x2b3: {  	s3 =	sadd.s32 s4, s3  }
0x2b4: {  	[hbm4b:s3+s5] =	stream.linear.scatter [tilespmem:s24], [sflag:$0x6], $0x3200, $0x38;
	[tilespmem:$0x19440] =	vst v63  }
0x2b5: {  	s3 =	sadd.s32 s6, s14  }
0x2b6: {  	s3 =	smul.u32 $0x19, s3;
	_ =	sdelay $0x1  }
0x2b7: {  	s10 =	simm.s32 $0x270;
	s3 =	sadd.s32 s8, s3  }
0x2b8: {  	[tilespmem:s10], [sflag:$0x2] =	stream.linear.gather [hbm4b:s3+s5], $0xC8, $0x38;
	[tilespmem:$0x19440] =	vst v63  }
0x2b9: {  	_ =	swait.ge [sflag:s1], $0x68  }
0x2ba: {  	[sflag:s1] =	ssyncset.done $0x0  }
0x2bb: {  	[sflag:s1] =	ssyncadd.s32 $0xFFFFFF98  }
0x2bc: {  	_ =	swait.ge [sflag:s1], $0x68  }
0x2bd: {  	[sflag:s1] =	ssyncset.done $0x0  }
0x2be: {  	[sflag:s1] =	ssyncadd.s32 $0xFFFFFF98  }
0x2bf: {  	_ =	swait.ge [sflag:s1], $0xC8  }
.Ltmp8:
0x2c0: {  	[sflag:s1] =	ssyncset.done $0x0;
	(pc) =	sbr.rel .LBB2_4-.Ltmp8, $4  }
0x2c1: {  	[sflag:s1] =	ssyncadd.s32 $0xFFFFFF38  }
0x2c2: {  	[tilespmem:s2], [sflag:$0x4] =	stream.indirect.gather [hbm4b:s9+s25], $0x80, s31, s25, $0xb8;
	[tilespmem:$0x19440] =	vst v63  }
0x2c3: {  	s11 =	sadd.s32 $0x1, s11  }
0x2c4: {  	[tilespmem:s19], [sflag:$0x4] =	stream.indirect.gather [hbm4b:s9+s25], $0x80, s0, s25, $0xb8;
	[tilespmem:$0x19440] =	vst v63  }
.LBB2_14:
0x2c5: {  	_ =	sfence.sel $0x180000  }
0x2c6: {  	[bflag:$0x0] =	sbarrier.arrive $0xFFFF  }
0x2c7: {  	_ =	strace $0x90000047  }
0x2c8: {  	s0 =	stileid.u32;
	[bflag:$0x2] =	sbarrier.arrive $0xFFFF  }
0x2c9: {  	p0 =	sne.s32 s0, $0x0;
	s0 =	rddreg [dreg:$0x4]  }
0x2ca: {  	s0 =	sadd.s32 @!p0 $0x100000, s0  }
0x2cb: {  	[sflag:s0] =	ssyncadd.tile.s32 @!p0 $0x1;
	_ =	shalt  }
.Lfunc_end2:
_tile_overlayer_lowered:
.L_overlay_start_2:
0x2cc: {  	(tag) =	ssettag $0x2  }
0x2cd: {  	s0 =	rddreg [dreg:$0x0];
	s2 =	stileid.u32  }
0x2ce: {  	s1 =	rddreg [dreg:$0x1];
	p0 =	sne.s32 s2, $0x0  }
0x2cf: {  	s3 =	rddreg [dreg:$0x2];
	[bflag:$0x3] =	sbarrier.arrive $0xFFFF;
	s2 =	simm.s32 @!p0 $0x1C07  }
0x2d0: {  	[timem:s3], [sflag:s2] =	dma.local @!p0 [hbm:s0], s1  }
0x2d1: {  	s0 =	simm.s32 @!p0 $0x7  }
0x2d2: {  	_ =	swait.ge @!p0 [sflag:s0], s1  }
0x2d3: {  	s1 =	ssub.s32 @!p0 $0x0, s1;
	[sflag:s0] =	ssyncset.done @!p0 $0x0  }
0x2d4: {  	[sflag:s0] =	ssyncadd.s32 @!p0 s1  }
0x2d5: {  	[bflag:$0x3] =	sbarrier.arrive $0xFFFF  }
0x2d6: {  	_ =	shalt  }

// kernel: sparse-core-data-format-call.cloned.1.call-start
scs
called_computation_lowered:
.L_overlay_start_0:
0x0: {  	s2 =	sld [smem:$0x3FD9]  }
0x1: {  	s3 =	sld [smem:$0x3FFE];
	_ =	sdelay $0x1  }
0x2: {  	s1 =	srdreg.scid  }
0x3: {  	s0 =	sand.u32 $0x1, s1  }
0x4: {  	s18 =	sshll.u32 s0, $0xA;
	s2 =	sadd.s32 s3, s2  }
0x5: {  	s2 =	sadd.s32 s2, s18  }
0x6: {  	[smem:$0x3FC1] =	sst s2  }
0x7: {  	_ = 	snop  }
0x8: {  	s2 =	sld [smem:$0x3FD0];
	(tm) =	ssettm $0x1  }
0x9: {  	s19 =	sld [smem:$0x3FFB];
	_ =	sdelay $0x3  }
0xa: {  	_ =	strace s19  }
0xb: {  	s3 =	sld [smem:$0x3FFC];
	_ =	sdelay $0x3  }
0xc: {  	_ =	strace s3  }
0xd: {  	s3 =	sld [smem:$0x3FFD];
	_ =	sdelay $0x3  }
0xe: {  	_ =	strace s3  }
0xf: {  	_ =	strace $0x8FFFFFFF  }
0x10: {  	s20 =	sld [smem:$0x3FDB];
	_ =	sdelay $0x1  }
0x11: {  	s4 =	simm.s32 $_scs_section_size  }
0x12: {  	s5 =	simm.s32 $_size__tile_overlayer_lowered;
	s6 =	simm.s32 $_tile_overlayer_lowered  }
0x13: {  	s23 =	simm.s32 $0x1BFF;
	s22 =	sshll.u32 s6, $0x1;
	s3 =	sadd.s32 s4, s20  }
0x14: {  	s7 =	simm.s32 $0x0;
	s21 =	sshll.u32 s5, $0x1;
	s5 =	sadd.s32 s22, s3  }
0x15: {  	[timem:s7], [sflag:s23] =	dma.local [hbm:s5], s21  }
0x16: {  	_ =	swait.ge [sflag:s23], s21  }
0x17: {  	s4 =	ssub.s32 $0x0, s21;
	[sflag:s23] =	ssyncset.done $0x0  }
0x18: {  	[sflag:s23] =	ssyncadd.s32 s4;
	_ =	sdelay $0x1  }
0x19: {  	s24 =	simm.s32 $0x1B8B  }
0x1a: {  	_ =	swait.ge [sflag:s24], $0x1  }
0x1b: {  	[sflag:s24] =	ssyncset.done $0x0  }
0x1c: {  	s26 =	simm.s32 $0x1B8E;
	s25 =	sld [smem:$0x3FFE];
	[sflag:s24] =	ssyncadd.s32 $0xFFFFFFFF  }
0x1d: {  	s27 =	simm.s32 $execute0_lowered;
	[smem:$0x3FD2] =	sst s26  }
0x1e: {  	s5 =	sshll.u32 s27, $0x1;
	_ =	strace $0x80000049;
	[dreg:$0x1] =	wrdreg $0xFFFFFFFF  }
0x1f: {  	s28 =	simm.s32 $_size_execute0_lowered;
	s3 =	sadd.s32 s3, s5;
	[dreg:$0x0] =	wrdreg $0x0  }
0x20: {  	s5 =	sshll.u32 s28, $0x1;
	[dreg:$0x2] =	wrdreg s3  }
0x21: {  	[dreg:$0x3] =	wrdreg s5  }
0x22: {  	[dreg:$0x4] =	wrdreg $0xC0  }
0x23: {  	_ =	task [dreg:s7], $0x5FFFF  }
0x24: {  	[dreg:$0x1] =	wrdreg $0xFFFFFFFF  }
0x25: {  	[dreg:$0x0] =	wrdreg $0x60  }
0x26: {  	[dreg:$0x2] =	wrdreg s25  }
0x27: {  	[dreg:$0x3] =	wrdreg s2  }
0x28: {  	[dreg:$0x4] =	wrdreg $0x9  }
0x29: {  	_ =	task.clear_ibuf [dreg:s7], $0x5FFFF;
	_ =	strace $0x90000049  }
0x2a: {  	s29 =	simm.s32 $0x9;
	_ =	strace $0x8000004B  }
0x2b: {  	_ =	swait.ge [sflag:s29], $0x1  }
0x2c: {  	[sflag:s29] =	ssyncadd.s32 $0xFFFFFFFF  }
0x2d: {  	_ =	strace $0x9000004B  }
0x2e: {  	_ =	sfence  }
0x2f: {  	s30 =	sld [smem:$0x0];
	_ =	sdelay $0x2  }
0x30: {  	s31 =	sshll.u32 s1, $0xD;
	s1 =	sshrl.u32 s1, $0x2  }
0x31: {  	s3 =	sand.u32 $0x4000, s31;
	s1 =	sadd.s32 s1, s30  }
0x32: {  	s0 =	sor.u32 s3, s0;
	s1 =	sshll.u32 s1, $0x11  }
0x33: {  	s0 =	sor.u32 s1, s0  }
0x34: {  	s0 =	sadd.s32 $0x8F2B, s0  }
0x35: {  	[sflag:s0] =	ssyncadd.remote.s32 $0x1  }
0x36: {  	_ =	sfence.sel $0xFFFF  }
0x37: {  	[dreg:$0x0] =	wrdreg $0xFFFFFFFF;
	(pc) =	sbr.abs _section_cstart, $3  }
0x38: {  	[dreg:$0x1] =	wrdreg $0xFFFFFFFF  }
0x39: {  	_ =	task.clear_ibuf [dreg:s7], $0x2FFFF;
	_ =	strace $0x9FFFFFFF  }
0x3a: {  	(tm) =	ssettm $0x7FFFFFFF  }
0x3b: {  	_ =	shalt  }
tec
execute0_lowered:
.L_overlay_start_1:
0x0: {  	(tag) =	ssettag $0x1  }
0x1: {  	s0 =	stileid.u32;
	s6 =	rddreg [dreg:$0x0]  }
0x2: {  	s2 =	rddreg [dreg:$0x1];
	s5 =	srdreg.scid  }
0x3: {  	s31 =	simm.s32 $0x2;
	s13 =	simm.s32 $0x0;
	s1 =	sshll.u32 s0, $0x7  }
0x4: {  	s14 =	simm.s32 $0x0;
	s12 =	simm.s32 $0x0;
	s3 =	sand.u32 $0x380, s1  }
0x5: {  	s5 =	sshll.u32 s5, $0x4;
	s6 =	sadd.s32 $0x1000, s6;
	s4 =	ssub.s32 $0x400, s3  }
0x6: {  	s1 =	rddreg [dreg:$0x2];
	_ =	strace $0x8000004A;
	s7 =	sand.u32 $0x380, s4  }
0x7: {  	s5 =	sand.u32 $0x10, s5;
	p0 =	sne.s32 s7, $0x0;
	s7 =	simm.s32 $0x1  }
.Ltmp0:
0x8: {  	s8 =	sshrl.u32 s4, $0xA;
	s7 =	simm.s32 @!p0 $0x0;
	(pc) =	sbr.rel .LBB1_1-.Ltmp0, $4  }
0x9: {  	s9 =	sor.u32 s0, s5;
	s4 =	simm.s32 $0x1;
	s30 =	sadd.s32 s7, s8  }
0xa: {  	s11 =	smov.u32 s3;
	[sflag:s4] =	ssyncpa.u1 $0x0;
	s5 =	smul.u32 $0x32, s30  }
0xb: {  	[sflag:s31] =	ssyncpa.u1 $0x0;
	p0 =	por $0x0, $0x0;
	s7 =	sshrl.u32 s9, $0x3  }
0xc: {  	s9 =	simm.s32 $0x2000;
	s10 =	smov.u32 s7;
	s8 =	sor.u32 $0x1, s5  }
.LBB1_4:
0xd: {  	s17 =	sand.u32 $0x1F80, s14;
	s13 =	sshll.u32 s13, $0xD  }
0xe: {  	[tilespmem:s16+$0x810 ss:$0x81] =	vst.msk $0xffff, v2;
	s18 =	sshrl.u32 s14, $0x3;
	s31 =	sand.u32 $0x7, s14;
	s17 =	sadd.s32 s2, s17  }
0xf: {  	[tilespmem:s16+$0x1020 ss:$0x81] =	vst.msk $0xffff, v0;
	s18 =	sand.u32 $0xF, s18;
	s14 =	sshll.u32 s31, $0x12;
	s13 =	sadd.s32 s13, s17  }
0x10: {  	[tilespmem:s16+$0x0 ss:$0x81] =	vst.msk $0xffff, v1;
	s14 =	sor.u32 $0x400, s14;
	s13 =	sadd.s32 s18, s13  }
0x11: {  	[hbm4b:s13+s14] =	stream.strided.scatter [tilespmem:s15], [sflag:$0x2], $0x2000, s9, s14, $0x20;
	[tilespmem:$0x8080] =	vst v63  }
.LBB1_5:
0x12: {  	s15 =	sadd.s32 $0x4, s10  }
0x13: {  	s13 =	sadd.s32 $0x400, s11;
	s17 =	smov.u32 s11;
	p2 =	sgt.s32 s15, $0xC7  }
0x14: {  	s17 =	smov.u32 @p2 s13  }
0x15: {  	s15 =	smov.u32 @p2 s7;
	p2 =	sgt.s32 s17, $0x3FF  }
0x16: {  	s17 =	smov.u32 @p2 s3;
	p2 =	sne.s32 s12, s8  }
.Ltmp1:
0x17: {  	p1 =	slt.u32 s12, $0x2;
	(pc) =	sbr.rel @!p2 .LBB1_6-.Ltmp1, $4  }
0x18: {  	s16 =	simm.s32 @!p1 $0x2  }
0x19: {  	s14 =	smov.u32 s11;
	p0 =	por !p0, !p0;
	_ =	swait.ge @!p1 [sflag:s16], $0x2000  }
0x1a: {  	s13 =	smov.u32 s10;
	[sflag:s16] =	ssyncset.done @!p1 $0x0;
	s10 =	smov.u32 s15  }
0x1b: {  	s12 =	sadd.s32 $0x1, s12;
	[sflag:s16] =	ssyncadd.s32 @!p1 $0xFFFFE000;
	s11 =	smov.u32 s17  }
.LBB1_1:
0x1c: {  	p1 =	sge.u32 s12, s5  }
0x1d: {  	s15 =	sand.u32 @!p1 $0x1FFFFFF, s10  }
0x1e: {  	s16 =	smulhi.u32 @!p1 $0x147AE15, s15;
	_ =	sdelay $0x1  }
0x1f: {  	s16 =	smul.u32 @!p1 $0xC8, s16  }
0x20: {  	s17 =	sxor.u32 @!p1 $0xFFFFFFFF, s12;
	s18 =	smul.u32 @!p1 $0xC80, s11  }
0x21: {  	s31 =	sadd.s32 $0xFFFFFFFF, s12;
	s17 =	sshll.u32 @!p1 s17, $0xD;
	s15 =	ssub.s32 @!p1 s15, s16  }
0x22: {  	s16 =	sand.u32 @!p1 $0x2000, s17;
	s17 =	sadd.s32 @!p1 s6, s18;
	s15 =	sshll.u32 @!p1 s15, $0x4  }
0x23: {  	s18 =	simm.s32 @!p1 $0x6400;
	s15 =	sadd.s32 @!p1 s15, s17;
	s17 =	simm.s32 @!p1 $0x40  }
0x24: {  	[tilespmem:s16], [sflag:$0x1] =	stream.strided.gather @!p1 [hbm4b:s15+s17], $0x2000, s18, s17, $0x38;
	[tilespmem:$0x8080] =	vst v63  }
0x25: {  	p1 =	sge.u32 s31, s5  }
.Ltmp2:
0x26: {  	_ = 	snop;
	(pc) =	sbr.rel @p1 .LBB1_5-.Ltmp2, $1  }
0x27: {  	_ =	sdelay $0x3  }
0x28: {  	s15 =	simm.s32 $0x1  }
0x29: {  	_ =	swait.ge [sflag:s4], $0x2000;
	s15 =	simm.s32 @!p0 $0x0  }
0x2a: {  	[sflag:s4] =	ssyncset.done $0x0;
	s16 =	sshll.u32 s15, $0xD  }
0x2b: {  	[sflag:s4] =	ssyncadd.s32 $0xFFFFE000;
	s19 =	sor.u32 $0x20, s16  }
0x2c: {  	s15 =	smul.u32 $0x8100, s15;
	v3 =	vld [tilespmem:s19+$0x10]  }
0x2d: {  	s30 =	sand.u32 $0x1, s12;
	v2 =	vld [tilespmem:s19+$0xFFFFFFF0]  }
0x2e: {  	s16 =	smul.u32 $0x8100, s30;
	s15 =	sshrl.u32 s15, $0x2;
	v0 =	vld [tilespmem:s19+$0x0]  }
0x2f: {  	v1 =	vld [tilespmem:s19+$0xFFFFFFE0];
	s17 =	sor.u32 $0x4000, s15  }
0x30: {  	s31 =	sshrl.u32 s16, $0x2;
	s16 =	sadd.s32 $0x0, s17  }
0x31: {  	s18 =	simm.s32 $0x4;
	s19 =	sadd.s32 $0x40, s19;
	s15 =	sor.u32 $0x4000, s31;
	[tilespmem:s16+$0x1830 ss:$0x81] =	vst.msk $0xffff, v3  }
.LBB1_3:
0x32: {  	v3 =	vld [tilespmem:s19+$0x10];
	p1 =	sne.s32 s18, $0x1FC;
	[tilespmem:s16+$0x810 ss:$0x81] =	vst.msk $0xffff, v2;
	s20 =	smov.u32 s18;
	s18 =	sadd.s32 $0x4, s18  }
.Ltmp3:
0x33: {  	v2 =	vld [tilespmem:s19+$0xFFFFFFF0];
	[tilespmem:s16+$0x1020 ss:$0x81] =	vst.msk $0xffff, v0;
	(pc) =	sbr.rel @p1 .LBB1_3-.Ltmp3, $4  }
0x34: {  	v0 =	vld [tilespmem:s19+$0x0];
	[tilespmem:s16+$0x0 ss:$0x81] =	vst.msk $0xffff, v1  }
0x35: {  	s16 =	sshra.s32 s20, $0x2;
	v1 =	vld [tilespmem:s19+$0xFFFFFFE0]  }
0x36: {  	s16 =	sadd.s32 s16, s17  }
0x37: {  	s19 =	sadd.s32 $0x40, s19;
	[tilespmem:s16+$0x1830 ss:$0x81] =	vst.msk $0xffff, v3  }
.Ltmp4:
0x38: {  	_ = 	snop;
	(pc) =	sbr.rel .LBB1_4-.Ltmp4, $1  }
0x39: {  	_ =	sdelay $0x3  }
.LBB1_6:
0x3a: {  	_ =	sfence.sel $0x180000  }
0x3b: {  	s2 =	simm.s32 $0x1;
	[bflag:$0x0] =	sbarrier.arrive $0xFFFF  }
0x3c: {  	s31 =	simm.s32 $0x2;
	[sflag:s2] =	ssyncpa.u1 $0x1  }
0x3d: {  	[sflag:s31] =	ssyncpa.u1 $0x1  }
0x3e: {  	p0 =	sne.s32 s0, $0x0;
	_ =	strace $0x9000004A  }
0x3f: {  	s0 =	sadd.s32 @!p0 $0x100000, s1;
	[bflag:$0x2] =	sbarrier.arrive $0xFFFF  }
0x40: {  	[sflag:s0] =	ssyncadd.tile.s32 @!p0 $0x1;
	_ =	shalt  }
.Lfunc_end1:
_tile_overlayer_lowered:
.L_overlay_start_2:
0x41: {  	(tag) =	ssettag $0x2  }
0x42: {  	s0 =	rddreg [dreg:$0x0];
	s2 =	stileid.u32  }
0x43: {  	s1 =	rddreg [dreg:$0x1];
	p0 =	sne.s32 s2, $0x0  }
0x44: {  	s3 =	rddreg [dreg:$0x2];
	[bflag:$0x3] =	sbarrier.arrive $0xFFFF;
	s2 =	simm.s32 @!p0 $0x1C01  }
0x45: {  	[timem:s3], [sflag:s2] =	dma.local @!p0 [hbm:s0], s1  }
0x46: {  	s0 =	simm.s32 @!p0 $0x1  }
0x47: {  	_ =	swait.ge @!p0 [sflag:s0], s1  }
0x48: {  	s1 =	ssub.s32 @!p0 $0x0, s1;
	[sflag:s0] =	ssyncset.done @!p0 $0x0  }
0x49: {  	[sflag:s0] =	ssyncadd.s32 @!p0 s1  }
0x4a: {  	[bflag:$0x3] =	sbarrier.arrive $0xFFFF  }
0x4b: {  	_ =	shalt  }

</sc_bundles>
